<compile_context>
chip_gen: v7x
topology: tpu7x:2x2x1
jax: 0.10.2.dev20260603
libtpu: 0.0.44.dev20260713+nightly
codegen_flags: <defaults>
</compile_context>

<pallas_src>
import functools

import jax
import jax.numpy as jnp
from jax import lax
from jax.experimental import pallas as pl
from jax.experimental.pallas import tpu as pltpu
from jax.experimental.pallas import tpu_sc as plsc

_B, _S, _D = 64, 512, 768
_EPS = 1e-12

_NC, _NS = 2, 16
_NW = _NC * _NS
_TOK = _B * _S
_NSLICE = 2
_SLICE_TOK = _TOK // _NSLICE
_SLICE_B = _B // _NSLICE
_PER_W = _SLICE_TOK // _NW
_CH = 32
_NCH = _PER_W // _CH
_NBUF = 4
_LNB = 4 * _S


def _sc_gather_body(ids_hbm, table_hbm, out_hbm, idx_v, rows_v, *sems):
    wid = lax.axis_index("s") * _NC + lax.axis_index("c")
    base = wid * _PER_W
    pltpu.sync_copy(ids_hbm.at[wid], idx_v)

    gsems = sems[:_NBUF]
    wsems = sems[_NBUF:]

    def fire(c, b):
        return pltpu.async_copy(table_hbm.at[idx_v.at[c]], rows_v.at[b],
                                gsems[b])

    def drain(c, b):
        return pltpu.async_copy(rows_v.at[b],
                                out_hbm.at[pl.ds(base + c * _CH, _CH)],
                                wsems[b])

    gathers = [fire(b, b) for b in range(_NBUF)]
    drains = [None] * _NBUF
    for c in range(_NCH):
        b = c % _NBUF
        gathers[b].wait()
        drains[b] = drain(c, b)
        r = c + 2
        if c >= 2 and r < _NCH:
            rb = r % _NBUF
            drains[rb].wait()
            gathers[rb] = fire(r, rb)
    for b in range(_NBUF):
        drains[b].wait()


_sc_gather = functools.partial(
    pl.kernel,
    out_type=jax.ShapeDtypeStruct((_SLICE_TOK, _D), jnp.float32),
    mesh=plsc.VectorSubcoreMesh(
        core_axis_name="c", subcore_axis_name="s",
        num_cores=_NC, num_subcores=_NS),
    scratch_types=[
        pltpu.VMEM((_NCH, _CH), jnp.int32),
        pltpu.VMEM((_NBUF, _CH, _D), jnp.float32),
    ] + [pltpu.SemaphoreType.DMA] * (2 * _NBUF),
)(_sc_gather_body)


def _tc_ln_body(x_ref, tt_ref, pos_ref, type_ref, g_ref, b_ref, o_ref):
    x = x_ref[...] + pos_ref[...]
    t0 = type_ref[0:1, :]
    t1 = type_ref[1:2, :]
    tt = tt_ref[...]
    x = x + t0 + tt * (t1 - t0)
    mu = jnp.mean(x, axis=1, keepdims=True)
    xc = x - mu
    var = jnp.mean(xc * xc, axis=1, keepdims=True)
    inv = lax.rsqrt(var + _EPS)
    o_ref[...] = xc * inv * g_ref[...] + b_ref[...]


def _tc_ln_alias_body(x_ref, tt_ref, pos_ref, type_ref, g_ref, b_ref,
                      acc_ref, o_ref):
    del acc_ref
    _tc_ln_body(x_ref, tt_ref, pos_ref, type_ref, g_ref, b_ref, o_ref)


def _tc_ln_slice(k, gathered, tt, pos_emb, type_emb, gamma2d, beta2d, acc):
    nb = _LNB // _S
    base_specs = [
        pl.BlockSpec((_LNB, _D), lambda b: (b, 0)),
        pl.BlockSpec((_LNB, 1), lambda b: (b, 0)),
        pl.BlockSpec((_LNB, _D), lambda b: (0, 0)),
        pl.BlockSpec((2, _D), lambda b: (0, 0)),
        pl.BlockSpec((1, _D), lambda b: (0, 0)),
        pl.BlockSpec((1, _D), lambda b: (0, 0)),
    ]
    out_spec = pl.BlockSpec(
        (_LNB, _D), lambda b, k=k: (k * _SLICE_B // nb + b, 0))
    grid = (_SLICE_B // nb,)
    args = (gathered, tt, pos_emb, type_emb, gamma2d, beta2d)
    if k == 0:
        return pl.pallas_call(
            _tc_ln_body,
            grid=grid,
            in_specs=base_specs,
            out_specs=out_spec,
            out_shape=jax.ShapeDtypeStruct((_TOK, _D), jnp.float32),
        )(*args)
    return pl.pallas_call(
        _tc_ln_alias_body,
        grid=grid,
        in_specs=base_specs + [pl.BlockSpec((8, 128), lambda b: (0, 0))],
        out_specs=out_spec,
        out_shape=jax.ShapeDtypeStruct((_TOK, _D), jnp.float32),
        input_output_aliases={6: 0},
    )(*args, acc)


def kernel(input_ids, token_type_ids, word_emb, pos_emb, type_emb, gamma, beta):
    ids = input_ids.astype(jnp.int32).reshape(_NSLICE, _NW, _NCH, _CH)
    tt = token_type_ids.reshape(_NSLICE, _SLICE_TOK, 1).astype(jnp.float32)
    pos_emb = jnp.concatenate([pos_emb] * (_LNB // _S), axis=0)
    gamma2d = gamma.reshape(1, _D)
    beta2d = beta.reshape(1, _D)
    out = None
    for k in range(_NSLICE):
        gathered = _sc_gather(ids[k], word_emb)
        out = _tc_ln_slice(k, gathered, tt[k], pos_emb, type_emb,
                           gamma2d, beta2d, out)
    return out.reshape(_B, _S, _D)

# --- scband reference (transcript-rebuilt; emitter-appended) ---
"""Pipeline reference for scband-bert-embeddings-377957122479 (READ-ONLY COPY).

The authoritative reference and input builder live on the scoring server;
editing this copy changes nothing except your own understanding.
"""

import jax, jax.numpy as jnp
import numpy as np

B, S, D = 64, 512, 768
VOCAB, MAXPOS, TYPES = 30522, 512, 2
EPS = 1e-12


def setup_inputs(seed: int = 0) -> dict:
    key = jax.random.key(seed)
    ks = jax.random.split(key, 7)
    input_ids = jax.random.randint(ks[0], (B, S), 0, VOCAB)
    token_type_ids = jax.random.randint(ks[1], (B, S), 0, TYPES)
    word_emb = jax.random.normal(ks[2], (VOCAB, D), dtype=jnp.float32) * 0.02
    # padding_idx=0 row zeroed, matching nn.Embedding(padding_idx=0)
    word_emb = word_emb.at[0].set(0.0)
    pos_emb = jax.random.normal(ks[3], (MAXPOS, D), dtype=jnp.float32) * 0.02
    type_emb = jax.random.normal(ks[4], (TYPES, D), dtype=jnp.float32) * 0.02
    gamma = jnp.ones((D,), dtype=jnp.float32)
    beta = jnp.zeros((D,), dtype=jnp.float32)
    return {
        "input_ids": input_ids,
        "token_type_ids": token_type_ids,
        "word_emb": word_emb,
        "pos_emb": pos_emb,
        "type_emb": type_emb,
        "gamma": gamma,
        "beta": beta,
    }


def reference(input_ids, token_type_ids, word_emb, pos_emb, type_emb, gamma, beta):
    # word embedding gather
    inputs_embeds = jnp.take(word_emb, input_ids, axis=0)
    # position ids: arange(S) broadcast over batch
    position_ids = jnp.broadcast_to(jnp.arange(input_ids.shape[1])[None, :], input_ids.shape)
    position_embeddings = jnp.take(pos_emb, position_ids, axis=0)
    token_type_embeddings = jnp.take(type_emb, token_type_ids, axis=0)
    embeddings = inputs_embeds + position_embeddings + token_type_embeddings
    # LayerNorm over last dim, eps=1e-12
    mu = jnp.mean(embeddings, axis=-1, keepdims=True)
    var = jnp.mean((embeddings - mu) ** 2, axis=-1, keepdims=True)
    normed = (embeddings - mu) / jnp.sqrt(var + EPS)
    out = normed * gamma + beta
    # dropout is identity in eval mode
    return out

if __name__ == "__main__":
    import jax
    _d = setup_inputs()
    print(jax.jit(kernel)(*tuple(_d.values())))

</pallas_src>

<mosaic_0001>
#map = affine_map<(d0, d1) -> (0, 0, 0)>
#map1 = affine_map<(d0, d1) -> (0, 0)>
module attributes {stable_mosaic.version = 14 : i64} {
  func.func @_sc_gather_body(%arg0: i32, %arg1: i32, %arg2: memref<32x16x32xi32, #tpu.memory_space<hbm>>, %arg3: memref<30522x768xf32, #tpu.memory_space<hbm>>, %arg4: memref<16384x768xf32, #tpu.memory_space<hbm>>, %arg5: memref<16x32xi32, #tpu.memory_space<vmem>>, %arg6: memref<4x32x768xf32, #tpu.memory_space<vmem>>, %arg7: memref<!tpu.dma_semaphore, #tpu.memory_space<semaphore_mem>>, %arg8: memref<!tpu.dma_semaphore, #tpu.memory_space<semaphore_mem>>, %arg9: memref<!tpu.dma_semaphore, #tpu.memory_space<semaphore_mem>>, %arg10: memref<!tpu.dma_semaphore, #tpu.memory_space<semaphore_mem>>, %arg11: memref<!tpu.dma_semaphore, #tpu.memory_space<semaphore_mem>>, %arg12: memref<!tpu.dma_semaphore, #tpu.memory_space<semaphore_mem>>, %arg13: memref<!tpu.dma_semaphore, #tpu.memory_space<semaphore_mem>>, %arg14: memref<!tpu.dma_semaphore, #tpu.memory_space<semaphore_mem>>) attributes {dimension_semantics = [#tpu.dimension_semantics<core_parallel>, #tpu.dimension_semantics<subcore_parallel>], iteration_bounds = array<i64: 2, 16>, scalar_prefetch = 0 : i64, scratch_operands = 10 : i64, tpu.core_type = #tpu.core_type<sc_vector_subcore>, window_params = [{transform_indices = #map}, {transform_indices = #map1}, {transform_indices = #map1}]} {
    %mul3A = arith.constant 2 : i32
    %mul3A_0 = arith.muli %arg1, %mul3A : i32
    %add3A = arith.addi %mul3A_0, %arg0 : i32
    %mul3A_1 = arith.constant 512 : i32
    %mul3A_2 = arith.muli %add3A, %mul3A_1 : i32
    "tpu.region"() ({
      %run_scoped3A = tpu.sem_alloc : memref<!tpu.dma_semaphore, #tpu.memory_space<semaphore_mem>>
      %dma_start3A_833 = arith.constant 0 : i32
      %dma_start3A_834 = arith.constant 0 : i32
      %dma_start3A_835 = tpu.memref_slice %arg2[%add3A, %dma_start3A_833, %dma_start3A_834] : memref<32x16x32xi32, #tpu.memory_space<hbm>> -> memref<1x16x32xi32, #tpu.memory_space<hbm>>
      %dma_start3A_836 = tpu.memref_squeeze %dma_start3A_835 : memref<1x16x32xi32, #tpu.memory_space<hbm>> -> memref<16x32xi32, #tpu.memory_space<hbm>>
      %dma_start3A_837 = arith.constant 0 : i32
      %dma_start3A_838 = arith.constant 0 : i32
      %dma_start3A_839 = tpu.memref_slice %arg2[%add3A, %dma_start3A_837, %dma_start3A_838] : memref<32x16x32xi32, #tpu.memory_space<hbm>> -> memref<1x16x32xi32, #tpu.memory_space<hbm>>
      %dma_start3A_840 = tpu.memref_squeeze %dma_start3A_839 : memref<1x16x32xi32, #tpu.memory_space<hbm>> -> memref<16x32xi32, #tpu.memory_space<hbm>>
      tpu.enqueue_dma source(%dma_start3A_840 : memref<16x32xi32, #tpu.memory_space<hbm>>) target(%arg5 : memref<16x32xi32, #tpu.memory_space<vmem>>) target_semaphore(%run_scoped3A : memref<!tpu.dma_semaphore, #tpu.memory_space<semaphore_mem>>)
      %dma_wait3A_841 = arith.constant 0 : i32
      %dma_wait3A_842 = arith.constant 0 : i32
      %dma_wait3A_843 = tpu.memref_slice %arg2[%add3A, %dma_wait3A_841, %dma_wait3A_842] : memref<32x16x32xi32, #tpu.memory_space<hbm>> -> memref<1x16x32xi32, #tpu.memory_space<hbm>>
      %dma_wait3A_844 = tpu.memref_squeeze %dma_wait3A_843 : memref<1x16x32xi32, #tpu.memory_space<hbm>> -> memref<16x32xi32, #tpu.memory_space<hbm>>
      %dma_wait3A_845 = arith.constant 0 : i32
      %dma_wait3A_846 = arith.constant 0 : i32
      %dma_wait3A_847 = tpu.memref_slice %arg2[%add3A, %dma_wait3A_845, %dma_wait3A_846] : memref<32x16x32xi32, #tpu.memory_space<hbm>> -> memref<1x16x32xi32, #tpu.memory_space<hbm>>
      %dma_wait3A_848 = tpu.memref_squeeze %dma_wait3A_847 : memref<1x16x32xi32, #tpu.memory_space<hbm>> -> memref<16x32xi32, #tpu.memory_space<hbm>>
      tpu.wait_dma2 semaphore(%run_scoped3A : memref<!tpu.dma_semaphore, #tpu.memory_space<semaphore_mem>>) src(%dma_wait3A_848 : memref<16x32xi32, #tpu.memory_space<hbm>>) dst(%arg5 : memref<16x32xi32, #tpu.memory_space<vmem>>)
      tpu.yield
    }) : () -> ()
    %dma_start3A = arith.constant 0 : i32
    %dma_start3A_3 = arith.constant 0 : i32
    %dma_start3A_4 = arith.constant 0 : i32
    %dma_start3A_5 = arith.constant 0 : i32
    %dma_start3A_6 = tpu.memref_slice %arg6[%dma_start3A_3, %dma_start3A_4, %dma_start3A_5] : memref<4x32x768xf32, #tpu.memory_space<vmem>> -> memref<1x32x768xf32, #tpu.memory_space<vmem>>
    %dma_start3A_7 = tpu.memref_squeeze %dma_start3A_6 : memref<1x32x768xf32, #tpu.memory_space<vmem>> -> memref<32x768xf32, #tpu.memory_space<vmem>>
    %dma_start3A_8 = arith.constant 0 : i32
    %dma_start3A_9 = tpu.memref_slice %arg5[%dma_start3A, %dma_start3A_8] : memref<16x32xi32, #tpu.memory_space<vmem>> -> memref<1x32xi32, #tpu.memory_space<vmem>>
    %dma_start3A_10 = tpu.memref_squeeze %dma_start3A_9 : memref<1x32xi32, #tpu.memory_space<vmem>> -> memref<32xi32, #tpu.memory_space<vmem>>
    %dma_start3A_11 = arith.constant 0 : i32
    %dma_start3A_12 = arith.constant 0 : i32
    %dma_start3A_13 = tpu.memref_slice %arg3[%dma_start3A_11, %dma_start3A_12] : memref<30522x768xf32, #tpu.memory_space<hbm>> -> memref<30522x768xf32, #tpu.memory_space<hbm>>
    tpu.enqueue_indirect_dma source(%dma_start3A_13 : memref<30522x768xf32, #tpu.memory_space<hbm>>) target(%dma_start3A_7 : memref<32x768xf32, #tpu.memory_space<vmem>>) offsets(%dma_start3A_10 : memref<32xi32, #tpu.memory_space<vmem>>) semaphore(%arg7 : memref<!tpu.dma_semaphore, #tpu.memory_space<semaphore_mem>>)
    %dma_start3A_14 = arith.constant 1 : i32
    %dma_start3A_15 = arith.constant 1 : i32
    %dma_start3A_16 = arith.constant 0 : i32
    %dma_start3A_17 = arith.constant 0 : i32
    %dma_start3A_18 = tpu.memref_slice %arg6[%dma_start3A_15, %dma_start3A_16, %dma_start3A_17] : memref<4x32x768xf32, #tpu.memory_space<vmem>> -> memref<1x32x768xf32, #tpu.memory_space<vmem>>
    %dma_start3A_19 = tpu.memref_squeeze %dma_start3A_18 : memref<1x32x768xf32, #tpu.memory_space<vmem>> -> memref<32x768xf32, #tpu.memory_space<vmem>>
    %dma_start3A_20 = arith.constant 0 : i32
    %dma_start3A_21 = tpu.memref_slice %arg5[%dma_start3A_14, %dma_start3A_20] : memref<16x32xi32, #tpu.memory_space<vmem>> -> memref<1x32xi32, #tpu.memory_space<vmem>>
    %dma_start3A_22 = tpu.memref_squeeze %dma_start3A_21 : memref<1x32xi32, #tpu.memory_space<vmem>> -> memref<32xi32, #tpu.memory_space<vmem>>
    %dma_start3A_23 = arith.constant 0 : i32
    %dma_start3A_24 = arith.constant 0 : i32
    %dma_start3A_25 = tpu.memref_slice %arg3[%dma_start3A_23, %dma_start3A_24] : memref<30522x768xf32, #tpu.memory_space<hbm>> -> memref<30522x768xf32, #tpu.memory_space<hbm>>
    tpu.enqueue_indirect_dma source(%dma_start3A_25 : memref<30522x768xf32, #tpu.memory_space<hbm>>) target(%dma_start3A_19 : memref<32x768xf32, #tpu.memory_space<vmem>>) offsets(%dma_start3A_22 : memref<32xi32, #tpu.memory_space<vmem>>) semaphore(%arg8 : memref<!tpu.dma_semaphore, #tpu.memory_space<semaphore_mem>>)
    %dma_start3A_26 = arith.constant 2 : i32
    %dma_start3A_27 = arith.constant 2 : i32
    %dma_start3A_28 = arith.constant 0 : i32
    %dma_start3A_29 = arith.constant 0 : i32
    %dma_start3A_30 = tpu.memref_slice %arg6[%dma_start3A_27, %dma_start3A_28, %dma_start3A_29] : memref<4x32x768xf32, #tpu.memory_space<vmem>> -> memref<1x32x768xf32, #tpu.memory_space<vmem>>
    %dma_start3A_31 = tpu.memref_squeeze %dma_start3A_30 : memref<1x32x768xf32, #tpu.memory_space<vmem>> -> memref<32x768xf32, #tpu.memory_space<vmem>>
    %dma_start3A_32 = arith.constant 0 : i32
    %dma_start3A_33 = tpu.memref_slice %arg5[%dma_start3A_26, %dma_start3A_32] : memref<16x32xi32, #tpu.memory_space<vmem>> -> memref<1x32xi32, #tpu.memory_space<vmem>>
    %dma_start3A_34 = tpu.memref_squeeze %dma_start3A_33 : memref<1x32xi32, #tpu.memory_space<vmem>> -> memref<32xi32, #tpu.memory_space<vmem>>
    %dma_start3A_35 = arith.constant 0 : i32
    %dma_start3A_36 = arith.constant 0 : i32
    %dma_start3A_37 = tpu.memref_slice %arg3[%dma_start3A_35, %dma_start3A_36] : memref<30522x768xf32, #tpu.memory_space<hbm>> -> memref<30522x768xf32, #tpu.memory_space<hbm>>
    tpu.enqueue_indirect_dma source(%dma_start3A_37 : memref<30522x768xf32, #tpu.memory_space<hbm>>) target(%dma_start3A_31 : memref<32x768xf32, #tpu.memory_space<vmem>>) offsets(%dma_start3A_34 : memref<32xi32, #tpu.memory_space<vmem>>) semaphore(%arg9 : memref<!tpu.dma_semaphore, #tpu.memory_space<semaphore_mem>>)
    %dma_start3A_38 = arith.constant 3 : i32
    %dma_start3A_39 = arith.constant 3 : i32
    %dma_start3A_40 = arith.constant 0 : i32
    %dma_start3A_41 = arith.constant 0 : i32
    %dma_start3A_42 = tpu.memref_slice %arg6[%dma_start3A_39, %dma_start3A_40, %dma_start3A_41] : memref<4x32x768xf32, #tpu.memory_space<vmem>> -> memref<1x32x768xf32, #tpu.memory_space<vmem>>
    %dma_start3A_43 = tpu.memref_squeeze %dma_start3A_42 : memref<1x32x768xf32, #tpu.memory_space<vmem>> -> memref<32x768xf32, #tpu.memory_space<vmem>>
    %dma_start3A_44 = arith.constant 0 : i32
    %dma_start3A_45 = tpu.memref_slice %arg5[%dma_start3A_38, %dma_start3A_44] : memref<16x32xi32, #tpu.memory_space<vmem>> -> memref<1x32xi32, #tpu.memory_space<vmem>>
    %dma_start3A_46 = tpu.memref_squeeze %dma_start3A_45 : memref<1x32xi32, #tpu.memory_space<vmem>> -> memref<32xi32, #tpu.memory_space<vmem>>
    %dma_start3A_47 = arith.constant 0 : i32
    %dma_start3A_48 = arith.constant 0 : i32
    %dma_start3A_49 = tpu.memref_slice %arg3[%dma_start3A_47, %dma_start3A_48] : memref<30522x768xf32, #tpu.memory_space<hbm>> -> memref<30522x768xf32, #tpu.memory_space<hbm>>
    tpu.enqueue_indirect_dma source(%dma_start3A_49 : memref<30522x768xf32, #tpu.memory_space<hbm>>) target(%dma_start3A_43 : memref<32x768xf32, #tpu.memory_space<vmem>>) offsets(%dma_start3A_46 : memref<32xi32, #tpu.memory_space<vmem>>) semaphore(%arg10 : memref<!tpu.dma_semaphore, #tpu.memory_space<semaphore_mem>>)
    %dma_wait3A = arith.constant 0 : i32
    %dma_wait3A_50 = arith.constant 0 : i32
    %dma_wait3A_51 = arith.constant 0 : i32
    %dma_wait3A_52 = arith.constant 0 : i32
    %dma_wait3A_53 = tpu.memref_slice %arg6[%dma_wait3A_50, %dma_wait3A_51, %dma_wait3A_52] : memref<4x32x768xf32, #tpu.memory_space<vmem>> -> memref<1x32x768xf32, #tpu.memory_space<vmem>>
    %dma_wait3A_54 = tpu.memref_squeeze %dma_wait3A_53 : memref<1x32x768xf32, #tpu.memory_space<vmem>> -> memref<32x768xf32, #tpu.memory_space<vmem>>
    %dma_wait3A_55 = arith.constant 0 : i32
    %dma_wait3A_56 = tpu.memref_slice %arg5[%dma_wait3A, %dma_wait3A_55] : memref<16x32xi32, #tpu.memory_space<vmem>> -> memref<1x32xi32, #tpu.memory_space<vmem>>
    %dma_wait3A_57 = tpu.memref_squeeze %dma_wait3A_56 : memref<1x32xi32, #tpu.memory_space<vmem>> -> memref<32xi32, #tpu.memory_space<vmem>>
    %dma_wait3A_58 = arith.constant 0 : i32
    %dma_wait3A_59 = arith.constant 0 : i32
    %dma_wait3A_60 = tpu.memref_slice %arg3[%dma_wait3A_58, %dma_wait3A_59] : memref<30522x768xf32, #tpu.memory_space<hbm>> -> memref<30522x768xf32, #tpu.memory_space<hbm>>
    tpu.wait_indirect_dma semaphore(%arg7 : memref<!tpu.dma_semaphore, #tpu.memory_space<semaphore_mem>>) src(%dma_wait3A_60 : memref<30522x768xf32, #tpu.memory_space<hbm>>) dst(%dma_wait3A_54 : memref<32x768xf32, #tpu.memory_space<vmem>>)
    %add3A_61 = arith.constant 0 : i32
    %add3A_62 = arith.addi %mul3A_2, %add3A_61 : i32
    %dma_start3A_63 = arith.constant 0 : i32
    %dma_start3A_64 = arith.constant 0 : i32
    %dma_start3A_65 = arith.constant 0 : i32
    %dma_start3A_66 = tpu.memref_slice %arg6[%dma_start3A_63, %dma_start3A_64, %dma_start3A_65] : memref<4x32x768xf32, #tpu.memory_space<vmem>> -> memref<1x32x768xf32, #tpu.memory_space<vmem>>
    %dma_start3A_67 = tpu.memref_squeeze %dma_start3A_66 : memref<1x32x768xf32, #tpu.memory_space<vmem>> -> memref<32x768xf32, #tpu.memory_space<vmem>>
    %dma_start3A_68 = arith.constant 0 : i32
    %dma_start3A_69 = tpu.memref_slice %arg4[%add3A_62, %dma_start3A_68] : memref<16384x768xf32, #tpu.memory_space<hbm>> -> memref<32x768xf32, #tpu.memory_space<hbm>>
    %dma_start3A_70 = arith.constant 0 : i32
    %dma_start3A_71 = tpu.memref_slice %arg4[%add3A_62, %dma_start3A_70] : memref<16384x768xf32, #tpu.memory_space<hbm>> -> memref<32x768xf32, #tpu.memory_space<hbm>>
    %dma_start3A_72 = arith.constant 0 : i32
    %dma_start3A_73 = arith.constant 0 : i32
    %dma_start3A_74 = tpu.memref_slice %arg6[%dma_start3A_63, %dma_start3A_72, %dma_start3A_73] : memref<4x32x768xf32, #tpu.memory_space<vmem>> -> memref<1x32x768xf32, #tpu.memory_space<vmem>>
    %dma_start3A_75 = tpu.memref_squeeze %dma_start3A_74 : memref<1x32x768xf32, #tpu.memory_space<vmem>> -> memref<32x768xf32, #tpu.memory_space<vmem>>
    tpu.enqueue_dma source(%dma_start3A_75 : memref<32x768xf32, #tpu.memory_space<vmem>>) target(%dma_start3A_71 : memref<32x768xf32, #tpu.memory_space<hbm>>) target_semaphore(%arg11 : memref<!tpu.dma_semaphore, #tpu.memory_space<semaphore_mem>>)
    %dma_wait3A_76 = arith.constant 1 : i32
    %dma_wait3A_77 = arith.constant 1 : i32
    %dma_wait3A_78 = arith.constant 0 : i32
    %dma_wait3A_79 = arith.constant 0 : i32
    %dma_wait3A_80 = tpu.memref_slice %arg6[%dma_wait3A_77, %dma_wait3A_78, %dma_wait3A_79] : memref<4x32x768xf32, #tpu.memory_space<vmem>> -> memref<1x32x768xf32, #tpu.memory_space<vmem>>
    %dma_wait3A_81 = tpu.memref_squeeze %dma_wait3A_80 : memref<1x32x768xf32, #tpu.memory_space<vmem>> -> memref<32x768xf32, #tpu.memory_space<vmem>>
    %dma_wait3A_82 = arith.constant 0 : i32
    %dma_wait3A_83 = tpu.memref_slice %arg5[%dma_wait3A_76, %dma_wait3A_82] : memref<16x32xi32, #tpu.memory_space<vmem>> -> memref<1x32xi32, #tpu.memory_space<vmem>>
    %dma_wait3A_84 = tpu.memref_squeeze %dma_wait3A_83 : memref<1x32xi32, #tpu.memory_space<vmem>> -> memref<32xi32, #tpu.memory_space<vmem>>
    %dma_wait3A_85 = arith.constant 0 : i32
    %dma_wait3A_86 = arith.constant 0 : i32
    %dma_wait3A_87 = tpu.memref_slice %arg3[%dma_wait3A_85, %dma_wait3A_86] : memref<30522x768xf32, #tpu.memory_space<hbm>> -> memref<30522x768xf32, #tpu.memory_space<hbm>>
    tpu.wait_indirect_dma semaphore(%arg8 : memref<!tpu.dma_semaphore, #tpu.memory_space<semaphore_mem>>) src(%dma_wait3A_87 : memref<30522x768xf32, #tpu.memory_space<hbm>>) dst(%dma_wait3A_81 : memref<32x768xf32, #tpu.memory_space<vmem>>)
    %add3A_88 = arith.constant 32 : i32
    %add3A_89 = arith.addi %mul3A_2, %add3A_88 : i32
    %dma_start3A_90 = arith.constant 1 : i32
    %dma_start3A_91 = arith.constant 0 : i32
    %dma_start3A_92 = arith.constant 0 : i32
    %dma_start3A_93 = tpu.memref_slice %arg6[%dma_start3A_90, %dma_start3A_91, %dma_start3A_92] : memref<4x32x768xf32, #tpu.memory_space<vmem>> -> memref<1x32x768xf32, #tpu.memory_space<vmem>>
    %dma_start3A_94 = tpu.memref_squeeze %dma_start3A_93 : memref<1x32x768xf32, #tpu.memory_space<vmem>> -> memref<32x768xf32, #tpu.memory_space<vmem>>
    %dma_start3A_95 = arith.constant 0 : i32
    %dma_start3A_96 = tpu.memref_slice %arg4[%add3A_89, %dma_start3A_95] : memref<16384x768xf32, #tpu.memory_space<hbm>> -> memref<32x768xf32, #tpu.memory_space<hbm>>
    %dma_start3A_97 = arith.constant 0 : i32
    %dma_start3A_98 = tpu.memref_slice %arg4[%add3A_89, %dma_start3A_97] : memref<16384x768xf32, #tpu.memory_space<hbm>> -> memref<32x768xf32, #tpu.memory_space<hbm>>
    %dma_start3A_99 = arith.constant 0 : i32
    %dma_start3A_100 = arith.constant 0 : i32
    %dma_start3A_101 = tpu.memref_slice %arg6[%dma_start3A_90, %dma_start3A_99, %dma_start3A_100] : memref<4x32x768xf32, #tpu.memory_space<vmem>> -> memref<1x32x768xf32, #tpu.memory_space<vmem>>
    %dma_start3A_102 = tpu.memref_squeeze %dma_start3A_101 : memref<1x32x768xf32, #tpu.memory_space<vmem>> -> memref<32x768xf32, #tpu.memory_space<vmem>>
    tpu.enqueue_dma source(%dma_start3A_102 : memref<32x768xf32, #tpu.memory_space<vmem>>) target(%dma_start3A_98 : memref<32x768xf32, #tpu.memory_space<hbm>>) target_semaphore(%arg12 : memref<!tpu.dma_semaphore, #tpu.memory_space<semaphore_mem>>)
    %dma_wait3A_103 = arith.constant 2 : i32
    %dma_wait3A_104 = arith.constant 2 : i32
    %dma_wait3A_105 = arith.constant 0 : i32
    %dma_wait3A_106 = arith.constant 0 : i32
    %dma_wait3A_107 = tpu.memref_slice %arg6[%dma_wait3A_104, %dma_wait3A_105, %dma_wait3A_106] : memref<4x32x768xf32, #tpu.memory_space<vmem>> -> memref<1x32x768xf32, #tpu.memory_space<vmem>>
    %dma_wait3A_108 = tpu.memref_squeeze %dma_wait3A_107 : memref<1x32x768xf32, #tpu.memory_space<vmem>> -> memref<32x768xf32, #tpu.memory_space<vmem>>
    %dma_wait3A_109 = arith.constant 0 : i32
    %dma_wait3A_110 = tpu.memref_slice %arg5[%dma_wait3A_103, %dma_wait3A_109] : memref<16x32xi32, #tpu.memory_space<vmem>> -> memref<1x32xi32, #tpu.memory_space<vmem>>
    %dma_wait3A_111 = tpu.memref_squeeze %dma_wait3A_110 : memref<1x32xi32, #tpu.memory_space<vmem>> -> memref<32xi32, #tpu.memory_space<vmem>>
    %dma_wait3A_112 = arith.constant 0 : i32
    %dma_wait3A_113 = arith.constant 0 : i32
    %dma_wait3A_114 = tpu.memref_slice %arg3[%dma_wait3A_112, %dma_wait3A_113] : memref<30522x768xf32, #tpu.memory_space<hbm>> -> memref<30522x768xf32, #tpu.memory_space<hbm>>
    tpu.wait_indirect_dma semaphore(%arg9 : memref<!tpu.dma_semaphore, #tpu.memory_space<semaphore_mem>>) src(%dma_wait3A_114 : memref<30522x768xf32, #tpu.memory_space<hbm>>) dst(%dma_wait3A_108 : memref<32x768xf32, #tpu.memory_space<vmem>>)
    %add3A_115 = arith.constant 64 : i32
    %add3A_116 = arith.addi %mul3A_2, %add3A_115 : i32
    %dma_start3A_117 = arith.constant 2 : i32
    %dma_start3A_118 = arith.constant 0 : i32
    %dma_start3A_119 = arith.constant 0 : i32
    %dma_start3A_120 = tpu.memref_slice %arg6[%dma_start3A_117, %dma_start3A_118, %dma_start3A_119] : memref<4x32x768xf32, #tpu.memory_space<vmem>> -> memref<1x32x768xf32, #tpu.memory_space<vmem>>
    %dma_start3A_121 = tpu.memref_squeeze %dma_start3A_120 : memref<1x32x768xf32, #tpu.memory_space<vmem>> -> memref<32x768xf32, #tpu.memory_space<vmem>>
    %dma_start3A_122 = arith.constant 0 : i32
    %dma_start3A_123 = tpu.memref_slice %arg4[%add3A_116, %dma_start3A_122] : memref<16384x768xf32, #tpu.memory_space<hbm>> -> memref<32x768xf32, #tpu.memory_space<hbm>>
    %dma_start3A_124 = arith.constant 0 : i32
    %dma_start3A_125 = tpu.memref_slice %arg4[%add3A_116, %dma_start3A_124] : memref<16384x768xf32, #tpu.memory_space<hbm>> -> memref<32x768xf32, #tpu.memory_space<hbm>>
    %dma_start3A_126 = arith.constant 0 : i32
    %dma_start3A_127 = arith.constant 0 : i32
    %dma_start3A_128 = tpu.memref_slice %arg6[%dma_start3A_117, %dma_start3A_126, %dma_start3A_127] : memref<4x32x768xf32, #tpu.memory_space<vmem>> -> memref<1x32x768xf32, #tpu.memory_space<vmem>>
    %dma_start3A_129 = tpu.memref_squeeze %dma_start3A_128 : memref<1x32x768xf32, #tpu.memory_space<vmem>> -> memref<32x768xf32, #tpu.memory_space<vmem>>
    tpu.enqueue_dma source(%dma_start3A_129 : memref<32x768xf32, #tpu.memory_space<vmem>>) target(%dma_start3A_125 : memref<32x768xf32, #tpu.memory_space<hbm>>) target_semaphore(%arg13 : memref<!tpu.dma_semaphore, #tpu.memory_space<semaphore_mem>>)
    %dma_wait3A_130 = arith.constant 0 : i32
    %dma_wait3A_131 = arith.constant 0 : i32
    %dma_wait3A_132 = arith.constant 0 : i32
    %dma_wait3A_133 = tpu.memref_slice %arg6[%dma_wait3A_130, %dma_wait3A_131, %dma_wait3A_132] : memref<4x32x768xf32, #tpu.memory_space<vmem>> -> memref<1x32x768xf32, #tpu.memory_space<vmem>>
    %dma_wait3A_134 = tpu.memref_squeeze %dma_wait3A_133 : memref<1x32x768xf32, #tpu.memory_space<vmem>> -> memref<32x768xf32, #tpu.memory_space<vmem>>
    %dma_wait3A_135 = arith.constant 0 : i32
    %dma_wait3A_136 = tpu.memref_slice %arg4[%add3A_62, %dma_wait3A_135] : memref<16384x768xf32, #tpu.memory_space<hbm>> -> memref<32x768xf32, #tpu.memory_space<hbm>>
    %dma_wait3A_137 = arith.constant 0 : i32
    %dma_wait3A_138 = tpu.memref_slice %arg4[%add3A_62, %dma_wait3A_137] : memref<16384x768xf32, #tpu.memory_space<hbm>> -> memref<32x768xf32, #tpu.memory_space<hbm>>
    %dma_wait3A_139 = arith.constant 0 : i32
    %dma_wait3A_140 = arith.constant 0 : i32
    %dma_wait3A_141 = tpu.memref_slice %arg6[%dma_wait3A_130, %dma_wait3A_139, %dma_wait3A_140] : memref<4x32x768xf32, #tpu.memory_space<vmem>> -> memref<1x32x768xf32, #tpu.memory_space<vmem>>
    %dma_wait3A_142 = tpu.memref_squeeze %dma_wait3A_141 : memref<1x32x768xf32, #tpu.memory_space<vmem>> -> memref<32x768xf32, #tpu.memory_space<vmem>>
    tpu.wait_dma2 semaphore(%arg11 : memref<!tpu.dma_semaphore, #tpu.memory_space<semaphore_mem>>) src(%dma_wait3A_142 : memref<32x768xf32, #tpu.memory_space<vmem>>) dst(%dma_wait3A_138 : memref<32x768xf32, #tpu.memory_space<hbm>>)
    %dma_start3A_143 = arith.constant 4 : i32
    %dma_start3A_144 = arith.constant 0 : i32
    %dma_start3A_145 = arith.constant 0 : i32
    %dma_start3A_146 = arith.constant 0 : i32
    %dma_start3A_147 = tpu.memref_slice %arg6[%dma_start3A_144, %dma_start3A_145, %dma_start3A_146] : memref<4x32x768xf32, #tpu.memory_space<vmem>> -> memref<1x32x768xf32, #tpu.memory_space<vmem>>
    %dma_start3A_148 = tpu.memref_squeeze %dma_start3A_147 : memref<1x32x768xf32, #tpu.memory_space<vmem>> -> memref<32x768xf32, #tpu.memory_space<vmem>>
    %dma_start3A_149 = arith.constant 0 : i32
    %dma_start3A_150 = tpu.memref_slice %arg5[%dma_start3A_143, %dma_start3A_149] : memref<16x32xi32, #tpu.memory_space<vmem>> -> memref<1x32xi32, #tpu.memory_space<vmem>>
    %dma_start3A_151 = tpu.memref_squeeze %dma_start3A_150 : memref<1x32xi32, #tpu.memory_space<vmem>> -> memref<32xi32, #tpu.memory_space<vmem>>
    %dma_start3A_152 = arith.constant 0 : i32
    %dma_start3A_153 = arith.constant 0 : i32
    %dma_start3A_154 = tpu.memref_slice %arg3[%dma_start3A_152, %dma_start3A_153] : memref<30522x768xf32, #tpu.memory_space<hbm>> -> memref<30522x768xf32, #tpu.memory_space<hbm>>
    tpu.enqueue_indirect_dma source(%dma_start3A_154 : memref<30522x768xf32, #tpu.memory_space<hbm>>) target(%dma_start3A_148 : memref<32x768xf32, #tpu.memory_space<vmem>>) offsets(%dma_start3A_151 : memref<32xi32, #tpu.memory_space<vmem>>) semaphore(%arg7 : memref<!tpu.dma_semaphore, #tpu.memory_space<semaphore_mem>>)
    %dma_wait3A_155 = arith.constant 3 : i32
    %dma_wait3A_156 = arith.constant 3 : i32
    %dma_wait3A_157 = arith.constant 0 : i32
    %dma_wait3A_158 = arith.constant 0 : i32
    %dma_wait3A_159 = tpu.memref_slice %arg6[%dma_wait3A_156, %dma_wait3A_157, %dma_wait3A_158] : memref<4x32x768xf32, #tpu.memory_space<vmem>> -> memref<1x32x768xf32, #tpu.memory_space<vmem>>
    %dma_wait3A_160 = tpu.memref_squeeze %dma_wait3A_159 : memref<1x32x768xf32, #tpu.memory_space<vmem>> -> memref<32x768xf32, #tpu.memory_space<vmem>>
    %dma_wait3A_161 = arith.constant 0 : i32
    %dma_wait3A_162 = tpu.memref_slice %arg5[%dma_wait3A_155, %dma_wait3A_161] : memref<16x32xi32, #tpu.memory_space<vmem>> -> memref<1x32xi32, #tpu.memory_space<vmem>>
    %dma_wait3A_163 = tpu.memref_squeeze %dma_wait3A_162 : memref<1x32xi32, #tpu.memory_space<vmem>> -> memref<32xi32, #tpu.memory_space<vmem>>
    %dma_wait3A_164 = arith.constant 0 : i32
    %dma_wait3A_165 = arith.constant 0 : i32
    %dma_wait3A_166 = tpu.memref_slice %arg3[%dma_wait3A_164, %dma_wait3A_165] : memref<30522x768xf32, #tpu.memory_space<hbm>> -> memref<30522x768xf32, #tpu.memory_space<hbm>>
    tpu.wait_indirect_dma semaphore(%arg10 : memref<!tpu.dma_semaphore, #tpu.memory_space<semaphore_mem>>) src(%dma_wait3A_166 : memref<30522x768xf32, #tpu.memory_space<hbm>>) dst(%dma_wait3A_160 : memref<32x768xf32, #tpu.memory_space<vmem>>)
    %add3A_167 = arith.constant 96 : i32
    %add3A_168 = arith.addi %mul3A_2, %add3A_167 : i32
    %dma_start3A_169 = arith.constant 3 : i32
    %dma_start3A_170 = arith.constant 0 : i32
    %dma_start3A_171 = arith.constant 0 : i32
    %dma_start3A_172 = tpu.memref_slice %arg6[%dma_start3A_169, %dma_start3A_170, %dma_start3A_171] : memref<4x32x768xf32, #tpu.memory_space<vmem>> -> memref<1x32x768xf32, #tpu.memory_space<vmem>>
    %dma_start3A_173 = tpu.memref_squeeze %dma_start3A_172 : memref<1x32x768xf32, #tpu.memory_space<vmem>> -> memref<32x768xf32, #tpu.memory_space<vmem>>
    %dma_start3A_174 = arith.constant 0 : i32
    %dma_start3A_175 = tpu.memref_slice %arg4[%add3A_168, %dma_start3A_174] : memref<16384x768xf32, #tpu.memory_space<hbm>> -> memref<32x768xf32, #tpu.memory_space<hbm>>
    %dma_start3A_176 = arith.constant 0 : i32
    %dma_start3A_177 = tpu.memref_slice %arg4[%add3A_168, %dma_start3A_176] : memref<16384x768xf32, #tpu.memory_space<hbm>> -> memref<32x768xf32, #tpu.memory_space<hbm>>
    %dma_start3A_178 = arith.constant 0 : i32
    %dma_start3A_179 = arith.constant 0 : i32
    %dma_start3A_180 = tpu.memref_slice %arg6[%dma_start3A_169, %dma_start3A_178, %dma_start3A_179] : memref<4x32x768xf32, #tpu.memory_space<vmem>> -> memref<1x32x768xf32, #tpu.memory_space<vmem>>
    %dma_start3A_181 = tpu.memref_squeeze %dma_start3A_180 : memref<1x32x768xf32, #tpu.memory_space<vmem>> -> memref<32x768xf32, #tpu.memory_space<vmem>>
    tpu.enqueue_dma source(%dma_start3A_181 : memref<32x768xf32, #tpu.memory_space<vmem>>) target(%dma_start3A_177 : memref<32x768xf32, #tpu.memory_space<hbm>>) target_semaphore(%arg14 : memref<!tpu.dma_semaphore, #tpu.memory_space<semaphore_mem>>)
    %dma_wait3A_182 = arith.constant 1 : i32
    %dma_wait3A_183 = arith.constant 0 : i32
    %dma_wait3A_184 = arith.constant 0 : i32
    %dma_wait3A_185 = tpu.memref_slice %arg6[%dma_wait3A_182, %dma_wait3A_183, %dma_wait3A_184] : memref<4x32x768xf32, #tpu.memory_space<vmem>> -> memref<1x32x768xf32, #tpu.memory_space<vmem>>
    %dma_wait3A_186 = tpu.memref_squeeze %dma_wait3A_185 : memref<1x32x768xf32, #tpu.memory_space<vmem>> -> memref<32x768xf32, #tpu.memory_space<vmem>>
    %dma_wait3A_187 = arith.constant 0 : i32
    %dma_wait3A_188 = tpu.memref_slice %arg4[%add3A_89, %dma_wait3A_187] : memref<16384x768xf32, #tpu.memory_space<hbm>> -> memref<32x768xf32, #tpu.memory_space<hbm>>
    %dma_wait3A_189 = arith.constant 0 : i32
    %dma_wait3A_190 = tpu.memref_slice %arg4[%add3A_89, %dma_wait3A_189] : memref<16384x768xf32, #tpu.memory_space<hbm>> -> memref<32x768xf32, #tpu.memory_space<hbm>>
    %dma_wait3A_191 = arith.constant 0 : i32
    %dma_wait3A_192 = arith.constant 0 : i32
    %dma_wait3A_193 = tpu.memref_slice %arg6[%dma_wait3A_182, %dma_wait3A_191, %dma_wait3A_192] : memref<4x32x768xf32, #tpu.memory_space<vmem>> -> memref<1x32x768xf32, #tpu.memory_space<vmem>>
    %dma_wait3A_194 = tpu.memref_squeeze %dma_wait3A_193 : memref<1x32x768xf32, #tpu.memory_space<vmem>> -> memref<32x768xf32, #tpu.memory_space<vmem>>
    tpu.wait_dma2 semaphore(%arg12 : memref<!tpu.dma_semaphore, #tpu.memory_space<semaphore_mem>>) src(%dma_wait3A_194 : memref<32x768xf32, #tpu.memory_space<vmem>>) dst(%dma_wait3A_190 : memref<32x768xf32, #tpu.memory_space<hbm>>)
    %dma_start3A_195 = arith.constant 5 : i32
    %dma_start3A_196 = arith.constant 1 : i32
    %dma_start3A_197 = arith.constant 0 : i32
    %dma_start3A_198 = arith.constant 0 : i32
    %dma_start3A_199 = tpu.memref_slice %arg6[%dma_start3A_196, %dma_start3A_197, %dma_start3A_198] : memref<4x32x768xf32, #tpu.memory_space<vmem>> -> memref<1x32x768xf32, #tpu.memory_space<vmem>>
    %dma_start3A_200 = tpu.memref_squeeze %dma_start3A_199 : memref<1x32x768xf32, #tpu.memory_space<vmem>> -> memref<32x768xf32, #tpu.memory_space<vmem>>
    %dma_start3A_201 = arith.constant 0 : i32
    %dma_start3A_202 = tpu.memref_slice %arg5[%dma_start3A_195, %dma_start3A_201] : memref<16x32xi32, #tpu.memory_space<vmem>> -> memref<1x32xi32, #tpu.memory_space<vmem>>
    %dma_start3A_203 = tpu.memref_squeeze %dma_start3A_202 : memref<1x32xi32, #tpu.memory_space<vmem>> -> memref<32xi32, #tpu.memory_space<vmem>>
    %dma_start3A_204 = arith.constant 0 : i32
    %dma_start3A_205 = arith.constant 0 : i32
    %dma_start3A_206 = tpu.memref_slice %arg3[%dma_start3A_204, %dma_start3A_205] : memref<30522x768xf32, #tpu.memory_space<hbm>> -> memref<30522x768xf32, #tpu.memory_space<hbm>>
    tpu.enqueue_indirect_dma source(%dma_start3A_206 : memref<30522x768xf32, #tpu.memory_space<hbm>>) target(%dma_start3A_200 : memref<32x768xf32, #tpu.memory_space<vmem>>) offsets(%dma_start3A_203 : memref<32xi32, #tpu.memory_space<vmem>>) semaphore(%arg8 : memref<!tpu.dma_semaphore, #tpu.memory_space<semaphore_mem>>)
    %dma_wait3A_207 = arith.constant 4 : i32
    %dma_wait3A_208 = arith.constant 0 : i32
    %dma_wait3A_209 = arith.constant 0 : i32
    %dma_wait3A_210 = arith.constant 0 : i32
    %dma_wait3A_211 = tpu.memref_slice %arg6[%dma_wait3A_208, %dma_wait3A_209, %dma_wait3A_210] : memref<4x32x768xf32, #tpu.memory_space<vmem>> -> memref<1x32x768xf32, #tpu.memory_space<vmem>>
    %dma_wait3A_212 = tpu.memref_squeeze %dma_wait3A_211 : memref<1x32x768xf32, #tpu.memory_space<vmem>> -> memref<32x768xf32, #tpu.memory_space<vmem>>
    %dma_wait3A_213 = arith.constant 0 : i32
    %dma_wait3A_214 = tpu.memref_slice %arg5[%dma_wait3A_207, %dma_wait3A_213] : memref<16x32xi32, #tpu.memory_space<vmem>> -> memref<1x32xi32, #tpu.memory_space<vmem>>
    %dma_wait3A_215 = tpu.memref_squeeze %dma_wait3A_214 : memref<1x32xi32, #tpu.memory_space<vmem>> -> memref<32xi32, #tpu.memory_space<vmem>>
    %dma_wait3A_216 = arith.constant 0 : i32
    %dma_wait3A_217 = arith.constant 0 : i32
    %dma_wait3A_218 = tpu.memref_slice %arg3[%dma_wait3A_216, %dma_wait3A_217] : memref<30522x768xf32, #tpu.memory_space<hbm>> -> memref<30522x768xf32, #tpu.memory_space<hbm>>
    tpu.wait_indirect_dma semaphore(%arg7 : memref<!tpu.dma_semaphore, #tpu.memory_space<semaphore_mem>>) src(%dma_wait3A_218 : memref<30522x768xf32, #tpu.memory_space<hbm>>) dst(%dma_wait3A_212 : memref<32x768xf32, #tpu.memory_space<vmem>>)
    %add3A_219 = arith.constant 128 : i32
    %add3A_220 = arith.addi %mul3A_2, %add3A_219 : i32
    %dma_start3A_221 = arith.constant 0 : i32
    %dma_start3A_222 = arith.constant 0 : i32
    %dma_start3A_223 = arith.constant 0 : i32
    %dma_start3A_224 = tpu.memref_slice %arg6[%dma_start3A_221, %dma_start3A_222, %dma_start3A_223] : memref<4x32x768xf32, #tpu.memory_space<vmem>> -> memref<1x32x768xf32, #tpu.memory_space<vmem>>
    %dma_start3A_225 = tpu.memref_squeeze %dma_start3A_224 : memref<1x32x768xf32, #tpu.memory_space<vmem>> -> memref<32x768xf32, #tpu.memory_space<vmem>>
    %dma_start3A_226 = arith.constant 0 : i32
    %dma_start3A_227 = tpu.memref_slice %arg4[%add3A_220, %dma_start3A_226] : memref<16384x768xf32, #tpu.memory_space<hbm>> -> memref<32x768xf32, #tpu.memory_space<hbm>>
    %dma_start3A_228 = arith.constant 0 : i32
    %dma_start3A_229 = tpu.memref_slice %arg4[%add3A_220, %dma_start3A_228] : memref<16384x768xf32, #tpu.memory_space<hbm>> -> memref<32x768xf32, #tpu.memory_space<hbm>>
    %dma_start3A_230 = arith.constant 0 : i32
    %dma_start3A_231 = arith.constant 0 : i32
    %dma_start3A_232 = tpu.memref_slice %arg6[%dma_start3A_221, %dma_start3A_230, %dma_start3A_231] : memref<4x32x768xf32, #tpu.memory_space<vmem>> -> memref<1x32x768xf32, #tpu.memory_space<vmem>>
    %dma_start3A_233 = tpu.memref_squeeze %dma_start3A_232 : memref<1x32x768xf32, #tpu.memory_space<vmem>> -> memref<32x768xf32, #tpu.memory_space<vmem>>
    tpu.enqueue_dma source(%dma_start3A_233 : memref<32x768xf32, #tpu.memory_space<vmem>>) target(%dma_start3A_229 : memref<32x768xf32, #tpu.memory_space<hbm>>) target_semaphore(%arg11 : memref<!tpu.dma_semaphore, #tpu.memory_space<semaphore_mem>>)
    %dma_wait3A_234 = arith.constant 2 : i32
    %dma_wait3A_235 = arith.constant 0 : i32
    %dma_wait3A_236 = arith.constant 0 : i32
    %dma_wait3A_237 = tpu.memref_slice %arg6[%dma_wait3A_234, %dma_wait3A_235, %dma_wait3A_236] : memref<4x32x768xf32, #tpu.memory_space<vmem>> -> memref<1x32x768xf32, #tpu.memory_space<vmem>>
    %dma_wait3A_238 = tpu.memref_squeeze %dma_wait3A_237 : memref<1x32x768xf32, #tpu.memory_space<vmem>> -> memref<32x768xf32, #tpu.memory_space<vmem>>
    %dma_wait3A_239 = arith.constant 0 : i32
    %dma_wait3A_240 = tpu.memref_slice %arg4[%add3A_116, %dma_wait3A_239] : memref<16384x768xf32, #tpu.memory_space<hbm>> -> memref<32x768xf32, #tpu.memory_space<hbm>>
    %dma_wait3A_241 = arith.constant 0 : i32
    %dma_wait3A_242 = tpu.memref_slice %arg4[%add3A_116, %dma_wait3A_241] : memref<16384x768xf32, #tpu.memory_space<hbm>> -> memref<32x768xf32, #tpu.memory_space<hbm>>
    %dma_wait3A_243 = arith.constant 0 : i32
    %dma_wait3A_244 = arith.constant 0 : i32
    %dma_wait3A_245 = tpu.memref_slice %arg6[%dma_wait3A_234, %dma_wait3A_243, %dma_wait3A_244] : memref<4x32x768xf32, #tpu.memory_space<vmem>> -> memref<1x32x768xf32, #tpu.memory_space<vmem>>
    %dma_wait3A_246 = tpu.memref_squeeze %dma_wait3A_245 : memref<1x32x768xf32, #tpu.memory_space<vmem>> -> memref<32x768xf32, #tpu.memory_space<vmem>>
    tpu.wait_dma2 semaphore(%arg13 : memref<!tpu.dma_semaphore, #tpu.memory_space<semaphore_mem>>) src(%dma_wait3A_246 : memref<32x768xf32, #tpu.memory_space<vmem>>) dst(%dma_wait3A_242 : memref<32x768xf32, #tpu.memory_space<hbm>>)
    %dma_start3A_247 = arith.constant 6 : i32
    %dma_start3A_248 = arith.constant 2 : i32
    %dma_start3A_249 = arith.constant 0 : i32
    %dma_start3A_250 = arith.constant 0 : i32
    %dma_start3A_251 = tpu.memref_slice %arg6[%dma_start3A_248, %dma_start3A_249, %dma_start3A_250] : memref<4x32x768xf32, #tpu.memory_space<vmem>> -> memref<1x32x768xf32, #tpu.memory_space<vmem>>
    %dma_start3A_252 = tpu.memref_squeeze %dma_start3A_251 : memref<1x32x768xf32, #tpu.memory_space<vmem>> -> memref<32x768xf32, #tpu.memory_space<vmem>>
    %dma_start3A_253 = arith.constant 0 : i32
    %dma_start3A_254 = tpu.memref_slice %arg5[%dma_start3A_247, %dma_start3A_253] : memref<16x32xi32, #tpu.memory_space<vmem>> -> memref<1x32xi32, #tpu.memory_space<vmem>>
    %dma_start3A_255 = tpu.memref_squeeze %dma_start3A_254 : memref<1x32xi32, #tpu.memory_space<vmem>> -> memref<32xi32, #tpu.memory_space<vmem>>
    %dma_start3A_256 = arith.constant 0 : i32
    %dma_start3A_257 = arith.constant 0 : i32
    %dma_start3A_258 = tpu.memref_slice %arg3[%dma_start3A_256, %dma_start3A_257] : memref<30522x768xf32, #tpu.memory_space<hbm>> -> memref<30522x768xf32, #tpu.memory_space<hbm>>
    tpu.enqueue_indirect_dma source(%dma_start3A_258 : memref<30522x768xf32, #tpu.memory_space<hbm>>) target(%dma_start3A_252 : memref<32x768xf32, #tpu.memory_space<vmem>>) offsets(%dma_start3A_255 : memref<32xi32, #tpu.memory_space<vmem>>) semaphore(%arg9 : memref<!tpu.dma_semaphore, #tpu.memory_space<semaphore_mem>>)
    %dma_wait3A_259 = arith.constant 5 : i32
    %dma_wait3A_260 = arith.constant 1 : i32
    %dma_wait3A_261 = arith.constant 0 : i32
    %dma_wait3A_262 = arith.constant 0 : i32
    %dma_wait3A_263 = tpu.memref_slice %arg6[%dma_wait3A_260, %dma_wait3A_261, %dma_wait3A_262] : memref<4x32x768xf32, #tpu.memory_space<vmem>> -> memref<1x32x768xf32, #tpu.memory_space<vmem>>
    %dma_wait3A_264 = tpu.memref_squeeze %dma_wait3A_263 : memref<1x32x768xf32, #tpu.memory_space<vmem>> -> memref<32x768xf32, #tpu.memory_space<vmem>>
    %dma_wait3A_265 = arith.constant 0 : i32
    %dma_wait3A_266 = tpu.memref_slice %arg5[%dma_wait3A_259, %dma_wait3A_265] : memref<16x32xi32, #tpu.memory_space<vmem>> -> memref<1x32xi32, #tpu.memory_space<vmem>>
    %dma_wait3A_267 = tpu.memref_squeeze %dma_wait3A_266 : memref<1x32xi32, #tpu.memory_space<vmem>> -> memref<32xi32, #tpu.memory_space<vmem>>
    %dma_wait3A_268 = arith.constant 0 : i32
    %dma_wait3A_269 = arith.constant 0 : i32
    %dma_wait3A_270 = tpu.memref_slice %arg3[%dma_wait3A_268, %dma_wait3A_269] : memref<30522x768xf32, #tpu.memory_space<hbm>> -> memref<30522x768xf32, #tpu.memory_space<hbm>>
    tpu.wait_indirect_dma semaphore(%arg8 : memref<!tpu.dma_semaphore, #tpu.memory_space<semaphore_mem>>) src(%dma_wait3A_270 : memref<30522x768xf32, #tpu.memory_space<hbm>>) dst(%dma_wait3A_264 : memref<32x768xf32, #tpu.memory_space<vmem>>)
    %add3A_271 = arith.constant 160 : i32
    %add3A_272 = arith.addi %mul3A_2, %add3A_271 : i32
    %dma_start3A_273 = arith.constant 1 : i32
    %dma_start3A_274 = arith.constant 0 : i32
    %dma_start3A_275 = arith.constant 0 : i32
    %dma_start3A_276 = tpu.memref_slice %arg6[%dma_start3A_273, %dma_start3A_274, %dma_start3A_275] : memref<4x32x768xf32, #tpu.memory_space<vmem>> -> memref<1x32x768xf32, #tpu.memory_space<vmem>>
    %dma_start3A_277 = tpu.memref_squeeze %dma_start3A_276 : memref<1x32x768xf32, #tpu.memory_space<vmem>> -> memref<32x768xf32, #tpu.memory_space<vmem>>
    %dma_start3A_278 = arith.constant 0 : i32
    %dma_start3A_279 = tpu.memref_slice %arg4[%add3A_272, %dma_start3A_278] : memref<16384x768xf32, #tpu.memory_space<hbm>> -> memref<32x768xf32, #tpu.memory_space<hbm>>
    %dma_start3A_280 = arith.constant 0 : i32
    %dma_start3A_281 = tpu.memref_slice %arg4[%add3A_272, %dma_start3A_280] : memref<16384x768xf32, #tpu.memory_space<hbm>> -> memref<32x768xf32, #tpu.memory_space<hbm>>
    %dma_start3A_282 = arith.constant 0 : i32
    %dma_start3A_283 = arith.constant 0 : i32
    %dma_start3A_284 = tpu.memref_slice %arg6[%dma_start3A_273, %dma_start3A_282, %dma_start3A_283] : memref<4x32x768xf32, #tpu.memory_space<vmem>> -> memref<1x32x768xf32, #tpu.memory_space<vmem>>
    %dma_start3A_285 = tpu.memref_squeeze %dma_start3A_284 : memref<1x32x768xf32, #tpu.memory_space<vmem>> -> memref<32x768xf32, #tpu.memory_space<vmem>>
    tpu.enqueue_dma source(%dma_start3A_285 : memref<32x768xf32, #tpu.memory_space<vmem>>) target(%dma_start3A_281 : memref<32x768xf32, #tpu.memory_space<hbm>>) target_semaphore(%arg12 : memref<!tpu.dma_semaphore, #tpu.memory_space<semaphore_mem>>)
    %dma_wait3A_286 = arith.constant 3 : i32
    %dma_wait3A_287 = arith.constant 0 : i32
    %dma_wait3A_288 = arith.constant 0 : i32
    %dma_wait3A_289 = tpu.memref_slice %arg6[%dma_wait3A_286, %dma_wait3A_287, %dma_wait3A_288] : memref<4x32x768xf32, #tpu.memory_space<vmem>> -> memref<1x32x768xf32, #tpu.memory_space<vmem>>
    %dma_wait3A_290 = tpu.memref_squeeze %dma_wait3A_289 : memref<1x32x768xf32, #tpu.memory_space<vmem>> -> memref<32x768xf32, #tpu.memory_space<vmem>>
    %dma_wait3A_291 = arith.constant 0 : i32
    %dma_wait3A_292 = tpu.memref_slice %arg4[%add3A_168, %dma_wait3A_291] : memref<16384x768xf32, #tpu.memory_space<hbm>> -> memref<32x768xf32, #tpu.memory_space<hbm>>
    %dma_wait3A_293 = arith.constant 0 : i32
    %dma_wait3A_294 = tpu.memref_slice %arg4[%add3A_168, %dma_wait3A_293] : memref<16384x768xf32, #tpu.memory_space<hbm>> -> memref<32x768xf32, #tpu.memory_space<hbm>>
    %dma_wait3A_295 = arith.constant 0 : i32
    %dma_wait3A_296 = arith.constant 0 : i32
    %dma_wait3A_297 = tpu.memref_slice %arg6[%dma_wait3A_286, %dma_wait3A_295, %dma_wait3A_296] : memref<4x32x768xf32, #tpu.memory_space<vmem>> -> memref<1x32x768xf32, #tpu.memory_space<vmem>>
    %dma_wait3A_298 = tpu.memref_squeeze %dma_wait3A_297 : memref<1x32x768xf32, #tpu.memory_space<vmem>> -> memref<32x768xf32, #tpu.memory_space<vmem>>
    tpu.wait_dma2 semaphore(%arg14 : memref<!tpu.dma_semaphore, #tpu.memory_space<semaphore_mem>>) src(%dma_wait3A_298 : memref<32x768xf32, #tpu.memory_space<vmem>>) dst(%dma_wait3A_294 : memref<32x768xf32, #tpu.memory_space<hbm>>)
    %dma_start3A_299 = arith.constant 7 : i32
    %dma_start3A_300 = arith.constant 3 : i32
    %dma_start3A_301 = arith.constant 0 : i32
    %dma_start3A_302 = arith.constant 0 : i32
    %dma_start3A_303 = tpu.memref_slice %arg6[%dma_start3A_300, %dma_start3A_301, %dma_start3A_302] : memref<4x32x768xf32, #tpu.memory_space<vmem>> -> memref<1x32x768xf32, #tpu.memory_space<vmem>>
    %dma_start3A_304 = tpu.memref_squeeze %dma_start3A_303 : memref<1x32x768xf32, #tpu.memory_space<vmem>> -> memref<32x768xf32, #tpu.memory_space<vmem>>
    %dma_start3A_305 = arith.constant 0 : i32
    %dma_start3A_306 = tpu.memref_slice %arg5[%dma_start3A_299, %dma_start3A_305] : memref<16x32xi32, #tpu.memory_space<vmem>> -> memref<1x32xi32, #tpu.memory_space<vmem>>
    %dma_start3A_307 = tpu.memref_squeeze %dma_start3A_306 : memref<1x32xi32, #tpu.memory_space<vmem>> -> memref<32xi32, #tpu.memory_space<vmem>>
    %dma_start3A_308 = arith.constant 0 : i32
    %dma_start3A_309 = arith.constant 0 : i32
    %dma_start3A_310 = tpu.memref_slice %arg3[%dma_start3A_308, %dma_start3A_309] : memref<30522x768xf32, #tpu.memory_space<hbm>> -> memref<30522x768xf32, #tpu.memory_space<hbm>>
    tpu.enqueue_indirect_dma source(%dma_start3A_310 : memref<30522x768xf32, #tpu.memory_space<hbm>>) target(%dma_start3A_304 : memref<32x768xf32, #tpu.memory_space<vmem>>) offsets(%dma_start3A_307 : memref<32xi32, #tpu.memory_space<vmem>>) semaphore(%arg10 : memref<!tpu.dma_semaphore, #tpu.memory_space<semaphore_mem>>)
    %dma_wait3A_311 = arith.constant 6 : i32
    %dma_wait3A_312 = arith.constant 2 : i32
    %dma_wait3A_313 = arith.constant 0 : i32
    %dma_wait3A_314 = arith.constant 0 : i32
    %dma_wait3A_315 = tpu.memref_slice %arg6[%dma_wait3A_312, %dma_wait3A_313, %dma_wait3A_314] : memref<4x32x768xf32, #tpu.memory_space<vmem>> -> memref<1x32x768xf32, #tpu.memory_space<vmem>>
    %dma_wait3A_316 = tpu.memref_squeeze %dma_wait3A_315 : memref<1x32x768xf32, #tpu.memory_space<vmem>> -> memref<32x768xf32, #tpu.memory_space<vmem>>
    %dma_wait3A_317 = arith.constant 0 : i32
    %dma_wait3A_318 = tpu.memref_slice %arg5[%dma_wait3A_311, %dma_wait3A_317] : memref<16x32xi32, #tpu.memory_space<vmem>> -> memref<1x32xi32, #tpu.memory_space<vmem>>
    %dma_wait3A_319 = tpu.memref_squeeze %dma_wait3A_318 : memref<1x32xi32, #tpu.memory_space<vmem>> -> memref<32xi32, #tpu.memory_space<vmem>>
    %dma_wait3A_320 = arith.constant 0 : i32
    %dma_wait3A_321 = arith.constant 0 : i32
    %dma_wait3A_322 = tpu.memref_slice %arg3[%dma_wait3A_320, %dma_wait3A_321] : memref<30522x768xf32, #tpu.memory_space<hbm>> -> memref<30522x768xf32, #tpu.memory_space<hbm>>
    tpu.wait_indirect_dma semaphore(%arg9 : memref<!tpu.dma_semaphore, #tpu.memory_space<semaphore_mem>>) src(%dma_wait3A_322 : memref<30522x768xf32, #tpu.memory_space<hbm>>) dst(%dma_wait3A_316 : memref<32x768xf32, #tpu.memory_space<vmem>>)
    %add3A_323 = arith.constant 192 : i32
    %add3A_324 = arith.addi %mul3A_2, %add3A_323 : i32
    %dma_start3A_325 = arith.constant 2 : i32
    %dma_start3A_326 = arith.constant 0 : i32
    %dma_start3A_327 = arith.constant 0 : i32
    %dma_start3A_328 = tpu.memref_slice %arg6[%dma_start3A_325, %dma_start3A_326, %dma_start3A_327] : memref<4x32x768xf32, #tpu.memory_space<vmem>> -> memref<1x32x768xf32, #tpu.memory_space<vmem>>
    %dma_start3A_329 = tpu.memref_squeeze %dma_start3A_328 : memref<1x32x768xf32, #tpu.memory_space<vmem>> -> memref<32x768xf32, #tpu.memory_space<vmem>>
    %dma_start3A_330 = arith.constant 0 : i32
    %dma_start3A_331 = tpu.memref_slice %arg4[%add3A_324, %dma_start3A_330] : memref<16384x768xf32, #tpu.memory_space<hbm>> -> memref<32x768xf32, #tpu.memory_space<hbm>>
    %dma_start3A_332 = arith.constant 0 : i32
    %dma_start3A_333 = tpu.memref_slice %arg4[%add3A_324, %dma_start3A_332] : memref<16384x768xf32, #tpu.memory_space<hbm>> -> memref<32x768xf32, #tpu.memory_space<hbm>>
    %dma_start3A_334 = arith.constant 0 : i32
    %dma_start3A_335 = arith.constant 0 : i32
    %dma_start3A_336 = tpu.memref_slice %arg6[%dma_start3A_325, %dma_start3A_334, %dma_start3A_335] : memref<4x32x768xf32, #tpu.memory_space<vmem>> -> memref<1x32x768xf32, #tpu.memory_space<vmem>>
    %dma_start3A_337 = tpu.memref_squeeze %dma_start3A_336 : memref<1x32x768xf32, #tpu.memory_space<vmem>> -> memref<32x768xf32, #tpu.memory_space<vmem>>
    tpu.enqueue_dma source(%dma_start3A_337 : memref<32x768xf32, #tpu.memory_space<vmem>>) target(%dma_start3A_333 : memref<32x768xf32, #tpu.memory_space<hbm>>) target_semaphore(%arg13 : memref<!tpu.dma_semaphore, #tpu.memory_space<semaphore_mem>>)
    %dma_wait3A_338 = arith.constant 0 : i32
    %dma_wait3A_339 = arith.constant 0 : i32
    %dma_wait3A_340 = arith.constant 0 : i32
    %dma_wait3A_341 = tpu.memref_slice %arg6[%dma_wait3A_338, %dma_wait3A_339, %dma_wait3A_340] : memref<4x32x768xf32, #tpu.memory_space<vmem>> -> memref<1x32x768xf32, #tpu.memory_space<vmem>>
    %dma_wait3A_342 = tpu.memref_squeeze %dma_wait3A_341 : memref<1x32x768xf32, #tpu.memory_space<vmem>> -> memref<32x768xf32, #tpu.memory_space<vmem>>
    %dma_wait3A_343 = arith.constant 0 : i32
    %dma_wait3A_344 = tpu.memref_slice %arg4[%add3A_220, %dma_wait3A_343] : memref<16384x768xf32, #tpu.memory_space<hbm>> -> memref<32x768xf32, #tpu.memory_space<hbm>>
    %dma_wait3A_345 = arith.constant 0 : i32
    %dma_wait3A_346 = tpu.memref_slice %arg4[%add3A_220, %dma_wait3A_345] : memref<16384x768xf32, #tpu.memory_space<hbm>> -> memref<32x768xf32, #tpu.memory_space<hbm>>
    %dma_wait3A_347 = arith.constant 0 : i32
    %dma_wait3A_348 = arith.constant 0 : i32
    %dma_wait3A_349 = tpu.memref_slice %arg6[%dma_wait3A_338, %dma_wait3A_347, %dma_wait3A_348] : memref<4x32x768xf32, #tpu.memory_space<vmem>> -> memref<1x32x768xf32, #tpu.memory_space<vmem>>
    %dma_wait3A_350 = tpu.memref_squeeze %dma_wait3A_349 : memref<1x32x768xf32, #tpu.memory_space<vmem>> -> memref<32x768xf32, #tpu.memory_space<vmem>>
    tpu.wait_dma2 semaphore(%arg11 : memref<!tpu.dma_semaphore, #tpu.memory_space<semaphore_mem>>) src(%dma_wait3A_350 : memref<32x768xf32, #tpu.memory_space<vmem>>) dst(%dma_wait3A_346 : memref<32x768xf32, #tpu.memory_space<hbm>>)
    %dma_start3A_351 = arith.constant 8 : i32
    %dma_start3A_352 = arith.constant 0 : i32
    %dma_start3A_353 = arith.constant 0 : i32
    %dma_start3A_354 = arith.constant 0 : i32
    %dma_start3A_355 = tpu.memref_slice %arg6[%dma_start3A_352, %dma_start3A_353, %dma_start3A_354] : memref<4x32x768xf32, #tpu.memory_space<vmem>> -> memref<1x32x768xf32, #tpu.memory_space<vmem>>
    %dma_start3A_356 = tpu.memref_squeeze %dma_start3A_355 : memref<1x32x768xf32, #tpu.memory_space<vmem>> -> memref<32x768xf32, #tpu.memory_space<vmem>>
    %dma_start3A_357 = arith.constant 0 : i32
    %dma_start3A_358 = tpu.memref_slice %arg5[%dma_start3A_351, %dma_start3A_357] : memref<16x32xi32, #tpu.memory_space<vmem>> -> memref<1x32xi32, #tpu.memory_space<vmem>>
    %dma_start3A_359 = tpu.memref_squeeze %dma_start3A_358 : memref<1x32xi32, #tpu.memory_space<vmem>> -> memref<32xi32, #tpu.memory_space<vmem>>
    %dma_start3A_360 = arith.constant 0 : i32
    %dma_start3A_361 = arith.constant 0 : i32
    %dma_start3A_362 = tpu.memref_slice %arg3[%dma_start3A_360, %dma_start3A_361] : memref<30522x768xf32, #tpu.memory_space<hbm>> -> memref<30522x768xf32, #tpu.memory_space<hbm>>
    tpu.enqueue_indirect_dma source(%dma_start3A_362 : memref<30522x768xf32, #tpu.memory_space<hbm>>) target(%dma_start3A_356 : memref<32x768xf32, #tpu.memory_space<vmem>>) offsets(%dma_start3A_359 : memref<32xi32, #tpu.memory_space<vmem>>) semaphore(%arg7 : memref<!tpu.dma_semaphore, #tpu.memory_space<semaphore_mem>>)
    %dma_wait3A_363 = arith.constant 7 : i32
    %dma_wait3A_364 = arith.constant 3 : i32
    %dma_wait3A_365 = arith.constant 0 : i32
    %dma_wait3A_366 = arith.constant 0 : i32
    %dma_wait3A_367 = tpu.memref_slice %arg6[%dma_wait3A_364, %dma_wait3A_365, %dma_wait3A_366] : memref<4x32x768xf32, #tpu.memory_space<vmem>> -> memref<1x32x768xf32, #tpu.memory_space<vmem>>
    %dma_wait3A_368 = tpu.memref_squeeze %dma_wait3A_367 : memref<1x32x768xf32, #tpu.memory_space<vmem>> -> memref<32x768xf32, #tpu.memory_space<vmem>>
    %dma_wait3A_369 = arith.constant 0 : i32
    %dma_wait3A_370 = tpu.memref_slice %arg5[%dma_wait3A_363, %dma_wait3A_369] : memref<16x32xi32, #tpu.memory_space<vmem>> -> memref<1x32xi32, #tpu.memory_space<vmem>>
    %dma_wait3A_371 = tpu.memref_squeeze %dma_wait3A_370 : memref<1x32xi32, #tpu.memory_space<vmem>> -> memref<32xi32, #tpu.memory_space<vmem>>
    %dma_wait3A_372 = arith.constant 0 : i32
    %dma_wait3A_373 = arith.constant 0 : i32
    %dma_wait3A_374 = tpu.memref_slice %arg3[%dma_wait3A_372, %dma_wait3A_373] : memref<30522x768xf32, #tpu.memory_space<hbm>> -> memref<30522x768xf32, #tpu.memory_space<hbm>>
    tpu.wait_indirect_dma semaphore(%arg10 : memref<!tpu.dma_semaphore, #tpu.memory_space<semaphore_mem>>) src(%dma_wait3A_374 : memref<30522x768xf32, #tpu.memory_space<hbm>>) dst(%dma_wait3A_368 : memref<32x768xf32, #tpu.memory_space<vmem>>)
    %add3A_375 = arith.constant 224 : i32
    %add3A_376 = arith.addi %mul3A_2, %add3A_375 : i32
    %dma_start3A_377 = arith.constant 3 : i32
    %dma_start3A_378 = arith.constant 0 : i32
    %dma_start3A_379 = arith.constant 0 : i32
    %dma_start3A_380 = tpu.memref_slice %arg6[%dma_start3A_377, %dma_start3A_378, %dma_start3A_379] : memref<4x32x768xf32, #tpu.memory_space<vmem>> -> memref<1x32x768xf32, #tpu.memory_space<vmem>>
    %dma_start3A_381 = tpu.memref_squeeze %dma_start3A_380 : memref<1x32x768xf32, #tpu.memory_space<vmem>> -> memref<32x768xf32, #tpu.memory_space<vmem>>
    %dma_start3A_382 = arith.constant 0 : i32
    %dma_start3A_383 = tpu.memref_slice %arg4[%add3A_376, %dma_start3A_382] : memref<16384x768xf32, #tpu.memory_space<hbm>> -> memref<32x768xf32, #tpu.memory_space<hbm>>
    %dma_start3A_384 = arith.constant 0 : i32
    %dma_start3A_385 = tpu.memref_slice %arg4[%add3A_376, %dma_start3A_384] : memref<16384x768xf32, #tpu.memory_space<hbm>> -> memref<32x768xf32, #tpu.memory_space<hbm>>
    %dma_start3A_386 = arith.constant 0 : i32
    %dma_start3A_387 = arith.constant 0 : i32
    %dma_start3A_388 = tpu.memref_slice %arg6[%dma_start3A_377, %dma_start3A_386, %dma_start3A_387] : memref<4x32x768xf32, #tpu.memory_space<vmem>> -> memref<1x32x768xf32, #tpu.memory_space<vmem>>
    %dma_start3A_389 = tpu.memref_squeeze %dma_start3A_388 : memref<1x32x768xf32, #tpu.memory_space<vmem>> -> memref<32x768xf32, #tpu.memory_space<vmem>>
    tpu.enqueue_dma source(%dma_start3A_389 : memref<32x768xf32, #tpu.memory_space<vmem>>) target(%dma_start3A_385 : memref<32x768xf32, #tpu.memory_space<hbm>>) target_semaphore(%arg14 : memref<!tpu.dma_semaphore, #tpu.memory_space<semaphore_mem>>)
    %dma_wait3A_390 = arith.constant 1 : i32
    %dma_wait3A_391 = arith.constant 0 : i32
    %dma_wait3A_392 = arith.constant 0 : i32
    %dma_wait3A_393 = tpu.memref_slice %arg6[%dma_wait3A_390, %dma_wait3A_391, %dma_wait3A_392] : memref<4x32x768xf32, #tpu.memory_space<vmem>> -> memref<1x32x768xf32, #tpu.memory_space<vmem>>
    %dma_wait3A_394 = tpu.memref_squeeze %dma_wait3A_393 : memref<1x32x768xf32, #tpu.memory_space<vmem>> -> memref<32x768xf32, #tpu.memory_space<vmem>>
    %dma_wait3A_395 = arith.constant 0 : i32
    %dma_wait3A_396 = tpu.memref_slice %arg4[%add3A_272, %dma_wait3A_395] : memref<16384x768xf32, #tpu.memory_space<hbm>> -> memref<32x768xf32, #tpu.memory_space<hbm>>
    %dma_wait3A_397 = arith.constant 0 : i32
    %dma_wait3A_398 = tpu.memref_slice %arg4[%add3A_272, %dma_wait3A_397] : memref<16384x768xf32, #tpu.memory_space<hbm>> -> memref<32x768xf32, #tpu.memory_space<hbm>>
    %dma_wait3A_399 = arith.constant 0 : i32
    %dma_wait3A_400 = arith.constant 0 : i32
    %dma_wait3A_401 = tpu.memref_slice %arg6[%dma_wait3A_390, %dma_wait3A_399, %dma_wait3A_400] : memref<4x32x768xf32, #tpu.memory_space<vmem>> -> memref<1x32x768xf32, #tpu.memory_space<vmem>>
    %dma_wait3A_402 = tpu.memref_squeeze %dma_wait3A_401 : memref<1x32x768xf32, #tpu.memory_space<vmem>> -> memref<32x768xf32, #tpu.memory_space<vmem>>
    tpu.wait_dma2 semaphore(%arg12 : memref<!tpu.dma_semaphore, #tpu.memory_space<semaphore_mem>>) src(%dma_wait3A_402 : memref<32x768xf32, #tpu.memory_space<vmem>>) dst(%dma_wait3A_398 : memref<32x768xf32, #tpu.memory_space<hbm>>)
    %dma_start3A_403 = arith.constant 9 : i32
    %dma_start3A_404 = arith.constant 1 : i32
    %dma_start3A_405 = arith.constant 0 : i32
    %dma_start3A_406 = arith.constant 0 : i32
    %dma_start3A_407 = tpu.memref_slice %arg6[%dma_start3A_404, %dma_start3A_405, %dma_start3A_406] : memref<4x32x768xf32, #tpu.memory_space<vmem>> -> memref<1x32x768xf32, #tpu.memory_space<vmem>>
    %dma_start3A_408 = tpu.memref_squeeze %dma_start3A_407 : memref<1x32x768xf32, #tpu.memory_space<vmem>> -> memref<32x768xf32, #tpu.memory_space<vmem>>
    %dma_start3A_409 = arith.constant 0 : i32
    %dma_start3A_410 = tpu.memref_slice %arg5[%dma_start3A_403, %dma_start3A_409] : memref<16x32xi32, #tpu.memory_space<vmem>> -> memref<1x32xi32, #tpu.memory_space<vmem>>
    %dma_start3A_411 = tpu.memref_squeeze %dma_start3A_410 : memref<1x32xi32, #tpu.memory_space<vmem>> -> memref<32xi32, #tpu.memory_space<vmem>>
    %dma_start3A_412 = arith.constant 0 : i32
    %dma_start3A_413 = arith.constant 0 : i32
    %dma_start3A_414 = tpu.memref_slice %arg3[%dma_start3A_412, %dma_start3A_413] : memref<30522x768xf32, #tpu.memory_space<hbm>> -> memref<30522x768xf32, #tpu.memory_space<hbm>>
    tpu.enqueue_indirect_dma source(%dma_start3A_414 : memref<30522x768xf32, #tpu.memory_space<hbm>>) target(%dma_start3A_408 : memref<32x768xf32, #tpu.memory_space<vmem>>) offsets(%dma_start3A_411 : memref<32xi32, #tpu.memory_space<vmem>>) semaphore(%arg8 : memref<!tpu.dma_semaphore, #tpu.memory_space<semaphore_mem>>)
    %dma_wait3A_415 = arith.constant 8 : i32
    %dma_wait3A_416 = arith.constant 0 : i32
    %dma_wait3A_417 = arith.constant 0 : i32
    %dma_wait3A_418 = arith.constant 0 : i32
    %dma_wait3A_419 = tpu.memref_slice %arg6[%dma_wait3A_416, %dma_wait3A_417, %dma_wait3A_418] : memref<4x32x768xf32, #tpu.memory_space<vmem>> -> memref<1x32x768xf32, #tpu.memory_space<vmem>>
    %dma_wait3A_420 = tpu.memref_squeeze %dma_wait3A_419 : memref<1x32x768xf32, #tpu.memory_space<vmem>> -> memref<32x768xf32, #tpu.memory_space<vmem>>
    %dma_wait3A_421 = arith.constant 0 : i32
    %dma_wait3A_422 = tpu.memref_slice %arg5[%dma_wait3A_415, %dma_wait3A_421] : memref<16x32xi32, #tpu.memory_space<vmem>> -> memref<1x32xi32, #tpu.memory_space<vmem>>
    %dma_wait3A_423 = tpu.memref_squeeze %dma_wait3A_422 : memref<1x32xi32, #tpu.memory_space<vmem>> -> memref<32xi32, #tpu.memory_space<vmem>>
    %dma_wait3A_424 = arith.constant 0 : i32
    %dma_wait3A_425 = arith.constant 0 : i32
    %dma_wait3A_426 = tpu.memref_slice %arg3[%dma_wait3A_424, %dma_wait3A_425] : memref<30522x768xf32, #tpu.memory_space<hbm>> -> memref<30522x768xf32, #tpu.memory_space<hbm>>
    tpu.wait_indirect_dma semaphore(%arg7 : memref<!tpu.dma_semaphore, #tpu.memory_space<semaphore_mem>>) src(%dma_wait3A_426 : memref<30522x768xf32, #tpu.memory_space<hbm>>) dst(%dma_wait3A_420 : memref<32x768xf32, #tpu.memory_space<vmem>>)
    %add3A_427 = arith.constant 256 : i32
    %add3A_428 = arith.addi %mul3A_2, %add3A_427 : i32
    %dma_start3A_429 = arith.constant 0 : i32
    %dma_start3A_430 = arith.constant 0 : i32
    %dma_start3A_431 = arith.constant 0 : i32
    %dma_start3A_432 = tpu.memref_slice %arg6[%dma_start3A_429, %dma_start3A_430, %dma_start3A_431] : memref<4x32x768xf32, #tpu.memory_space<vmem>> -> memref<1x32x768xf32, #tpu.memory_space<vmem>>
    %dma_start3A_433 = tpu.memref_squeeze %dma_start3A_432 : memref<1x32x768xf32, #tpu.memory_space<vmem>> -> memref<32x768xf32, #tpu.memory_space<vmem>>
    %dma_start3A_434 = arith.constant 0 : i32
    %dma_start3A_435 = tpu.memref_slice %arg4[%add3A_428, %dma_start3A_434] : memref<16384x768xf32, #tpu.memory_space<hbm>> -> memref<32x768xf32, #tpu.memory_space<hbm>>
    %dma_start3A_436 = arith.constant 0 : i32
    %dma_start3A_437 = tpu.memref_slice %arg4[%add3A_428, %dma_start3A_436] : memref<16384x768xf32, #tpu.memory_space<hbm>> -> memref<32x768xf32, #tpu.memory_space<hbm>>
    %dma_start3A_438 = arith.constant 0 : i32
    %dma_start3A_439 = arith.constant 0 : i32
    %dma_start3A_440 = tpu.memref_slice %arg6[%dma_start3A_429, %dma_start3A_438, %dma_start3A_439] : memref<4x32x768xf32, #tpu.memory_space<vmem>> -> memref<1x32x768xf32, #tpu.memory_space<vmem>>
    %dma_start3A_441 = tpu.memref_squeeze %dma_start3A_440 : memref<1x32x768xf32, #tpu.memory_space<vmem>> -> memref<32x768xf32, #tpu.memory_space<vmem>>
    tpu.enqueue_dma source(%dma_start3A_441 : memref<32x768xf32, #tpu.memory_space<vmem>>) target(%dma_start3A_437 : memref<32x768xf32, #tpu.memory_space<hbm>>) target_semaphore(%arg11 : memref<!tpu.dma_semaphore, #tpu.memory_space<semaphore_mem>>)
    %dma_wait3A_442 = arith.constant 2 : i32
    %dma_wait3A_443 = arith.constant 0 : i32
    %dma_wait3A_444 = arith.constant 0 : i32
    %dma_wait3A_445 = tpu.memref_slice %arg6[%dma_wait3A_442, %dma_wait3A_443, %dma_wait3A_444] : memref<4x32x768xf32, #tpu.memory_space<vmem>> -> memref<1x32x768xf32, #tpu.memory_space<vmem>>
    %dma_wait3A_446 = tpu.memref_squeeze %dma_wait3A_445 : memref<1x32x768xf32, #tpu.memory_space<vmem>> -> memref<32x768xf32, #tpu.memory_space<vmem>>
    %dma_wait3A_447 = arith.constant 0 : i32
    %dma_wait3A_448 = tpu.memref_slice %arg4[%add3A_324, %dma_wait3A_447] : memref<16384x768xf32, #tpu.memory_space<hbm>> -> memref<32x768xf32, #tpu.memory_space<hbm>>
    %dma_wait3A_449 = arith.constant 0 : i32
    %dma_wait3A_450 = tpu.memref_slice %arg4[%add3A_324, %dma_wait3A_449] : memref<16384x768xf32, #tpu.memory_space<hbm>> -> memref<32x768xf32, #tpu.memory_space<hbm>>
    %dma_wait3A_451 = arith.constant 0 : i32
    %dma_wait3A_452 = arith.constant 0 : i32
    %dma_wait3A_453 = tpu.memref_slice %arg6[%dma_wait3A_442, %dma_wait3A_451, %dma_wait3A_452] : memref<4x32x768xf32, #tpu.memory_space<vmem>> -> memref<1x32x768xf32, #tpu.memory_space<vmem>>
    %dma_wait3A_454 = tpu.memref_squeeze %dma_wait3A_453 : memref<1x32x768xf32, #tpu.memory_space<vmem>> -> memref<32x768xf32, #tpu.memory_space<vmem>>
    tpu.wait_dma2 semaphore(%arg13 : memref<!tpu.dma_semaphore, #tpu.memory_space<semaphore_mem>>) src(%dma_wait3A_454 : memref<32x768xf32, #tpu.memory_space<vmem>>) dst(%dma_wait3A_450 : memref<32x768xf32, #tpu.memory_space<hbm>>)
    %dma_start3A_455 = arith.constant 10 : i32
    %dma_start3A_456 = arith.constant 2 : i32
    %dma_start3A_457 = arith.constant 0 : i32
    %dma_start3A_458 = arith.constant 0 : i32
    %dma_start3A_459 = tpu.memref_slice %arg6[%dma_start3A_456, %dma_start3A_457, %dma_start3A_458] : memref<4x32x768xf32, #tpu.memory_space<vmem>> -> memref<1x32x768xf32, #tpu.memory_space<vmem>>
    %dma_start3A_460 = tpu.memref_squeeze %dma_start3A_459 : memref<1x32x768xf32, #tpu.memory_space<vmem>> -> memref<32x768xf32, #tpu.memory_space<vmem>>
    %dma_start3A_461 = arith.constant 0 : i32
    %dma_start3A_462 = tpu.memref_slice %arg5[%dma_start3A_455, %dma_start3A_461] : memref<16x32xi32, #tpu.memory_space<vmem>> -> memref<1x32xi32, #tpu.memory_space<vmem>>
    %dma_start3A_463 = tpu.memref_squeeze %dma_start3A_462 : memref<1x32xi32, #tpu.memory_space<vmem>> -> memref<32xi32, #tpu.memory_space<vmem>>
    %dma_start3A_464 = arith.constant 0 : i32
    %dma_start3A_465 = arith.constant 0 : i32
    %dma_start3A_466 = tpu.memref_slice %arg3[%dma_start3A_464, %dma_start3A_465] : memref<30522x768xf32, #tpu.memory_space<hbm>> -> memref<30522x768xf32, #tpu.memory_space<hbm>>
    tpu.enqueue_indirect_dma source(%dma_start3A_466 : memref<30522x768xf32, #tpu.memory_space<hbm>>) target(%dma_start3A_460 : memref<32x768xf32, #tpu.memory_space<vmem>>) offsets(%dma_start3A_463 : memref<32xi32, #tpu.memory_space<vmem>>) semaphore(%arg9 : memref<!tpu.dma_semaphore, #tpu.memory_space<semaphore_mem>>)
    %dma_wait3A_467 = arith.constant 9 : i32
    %dma_wait3A_468 = arith.constant 1 : i32
    %dma_wait3A_469 = arith.constant 0 : i32
    %dma_wait3A_470 = arith.constant 0 : i32
    %dma_wait3A_471 = tpu.memref_slice %arg6[%dma_wait3A_468, %dma_wait3A_469, %dma_wait3A_470] : memref<4x32x768xf32, #tpu.memory_space<vmem>> -> memref<1x32x768xf32, #tpu.memory_space<vmem>>
    %dma_wait3A_472 = tpu.memref_squeeze %dma_wait3A_471 : memref<1x32x768xf32, #tpu.memory_space<vmem>> -> memref<32x768xf32, #tpu.memory_space<vmem>>
    %dma_wait3A_473 = arith.constant 0 : i32
    %dma_wait3A_474 = tpu.memref_slice %arg5[%dma_wait3A_467, %dma_wait3A_473] : memref<16x32xi32, #tpu.memory_space<vmem>> -> memref<1x32xi32, #tpu.memory_space<vmem>>
    %dma_wait3A_475 = tpu.memref_squeeze %dma_wait3A_474 : memref<1x32xi32, #tpu.memory_space<vmem>> -> memref<32xi32, #tpu.memory_space<vmem>>
    %dma_wait3A_476 = arith.constant 0 : i32
    %dma_wait3A_477 = arith.constant 0 : i32
    %dma_wait3A_478 = tpu.memref_slice %arg3[%dma_wait3A_476, %dma_wait3A_477] : memref<30522x768xf32, #tpu.memory_space<hbm>> -> memref<30522x768xf32, #tpu.memory_space<hbm>>
    tpu.wait_indirect_dma semaphore(%arg8 : memref<!tpu.dma_semaphore, #tpu.memory_space<semaphore_mem>>) src(%dma_wait3A_478 : memref<30522x768xf32, #tpu.memory_space<hbm>>) dst(%dma_wait3A_472 : memref<32x768xf32, #tpu.memory_space<vmem>>)
    %add3A_479 = arith.constant 288 : i32
    %add3A_480 = arith.addi %mul3A_2, %add3A_479 : i32
    %dma_start3A_481 = arith.constant 1 : i32
    %dma_start3A_482 = arith.constant 0 : i32
    %dma_start3A_483 = arith.constant 0 : i32
    %dma_start3A_484 = tpu.memref_slice %arg6[%dma_start3A_481, %dma_start3A_482, %dma_start3A_483] : memref<4x32x768xf32, #tpu.memory_space<vmem>> -> memref<1x32x768xf32, #tpu.memory_space<vmem>>
    %dma_start3A_485 = tpu.memref_squeeze %dma_start3A_484 : memref<1x32x768xf32, #tpu.memory_space<vmem>> -> memref<32x768xf32, #tpu.memory_space<vmem>>
    %dma_start3A_486 = arith.constant 0 : i32
    %dma_start3A_487 = tpu.memref_slice %arg4[%add3A_480, %dma_start3A_486] : memref<16384x768xf32, #tpu.memory_space<hbm>> -> memref<32x768xf32, #tpu.memory_space<hbm>>
    %dma_start3A_488 = arith.constant 0 : i32
    %dma_start3A_489 = tpu.memref_slice %arg4[%add3A_480, %dma_start3A_488] : memref<16384x768xf32, #tpu.memory_space<hbm>> -> memref<32x768xf32, #tpu.memory_space<hbm>>
    %dma_start3A_490 = arith.constant 0 : i32
    %dma_start3A_491 = arith.constant 0 : i32
    %dma_start3A_492 = tpu.memref_slice %arg6[%dma_start3A_481, %dma_start3A_490, %dma_start3A_491] : memref<4x32x768xf32, #tpu.memory_space<vmem>> -> memref<1x32x768xf32, #tpu.memory_space<vmem>>
    %dma_start3A_493 = tpu.memref_squeeze %dma_start3A_492 : memref<1x32x768xf32, #tpu.memory_space<vmem>> -> memref<32x768xf32, #tpu.memory_space<vmem>>
    tpu.enqueue_dma source(%dma_start3A_493 : memref<32x768xf32, #tpu.memory_space<vmem>>) target(%dma_start3A_489 : memref<32x768xf32, #tpu.memory_space<hbm>>) target_semaphore(%arg12 : memref<!tpu.dma_semaphore, #tpu.memory_space<semaphore_mem>>)
    %dma_wait3A_494 = arith.constant 3 : i32
    %dma_wait3A_495 = arith.constant 0 : i32
    %dma_wait3A_496 = arith.constant 0 : i32
    %dma_wait3A_497 = tpu.memref_slice %arg6[%dma_wait3A_494, %dma_wait3A_495, %dma_wait3A_496] : memref<4x32x768xf32, #tpu.memory_space<vmem>> -> memref<1x32x768xf32, #tpu.memory_space<vmem>>
    %dma_wait3A_498 = tpu.memref_squeeze %dma_wait3A_497 : memref<1x32x768xf32, #tpu.memory_space<vmem>> -> memref<32x768xf32, #tpu.memory_space<vmem>>
    %dma_wait3A_499 = arith.constant 0 : i32
    %dma_wait3A_500 = tpu.memref_slice %arg4[%add3A_376, %dma_wait3A_499] : memref<16384x768xf32, #tpu.memory_space<hbm>> -> memref<32x768xf32, #tpu.memory_space<hbm>>
    %dma_wait3A_501 = arith.constant 0 : i32
    %dma_wait3A_502 = tpu.memref_slice %arg4[%add3A_376, %dma_wait3A_501] : memref<16384x768xf32, #tpu.memory_space<hbm>> -> memref<32x768xf32, #tpu.memory_space<hbm>>
    %dma_wait3A_503 = arith.constant 0 : i32
    %dma_wait3A_504 = arith.constant 0 : i32
    %dma_wait3A_505 = tpu.memref_slice %arg6[%dma_wait3A_494, %dma_wait3A_503, %dma_wait3A_504] : memref<4x32x768xf32, #tpu.memory_space<vmem>> -> memref<1x32x768xf32, #tpu.memory_space<vmem>>
    %dma_wait3A_506 = tpu.memref_squeeze %dma_wait3A_505 : memref<1x32x768xf32, #tpu.memory_space<vmem>> -> memref<32x768xf32, #tpu.memory_space<vmem>>
    tpu.wait_dma2 semaphore(%arg14 : memref<!tpu.dma_semaphore, #tpu.memory_space<semaphore_mem>>) src(%dma_wait3A_506 : memref<32x768xf32, #tpu.memory_space<vmem>>) dst(%dma_wait3A_502 : memref<32x768xf32, #tpu.memory_space<hbm>>)
    %dma_start3A_507 = arith.constant 11 : i32
    %dma_start3A_508 = arith.constant 3 : i32
    %dma_start3A_509 = arith.constant 0 : i32
    %dma_start3A_510 = arith.constant 0 : i32
    %dma_start3A_511 = tpu.memref_slice %arg6[%dma_start3A_508, %dma_start3A_509, %dma_start3A_510] : memref<4x32x768xf32, #tpu.memory_space<vmem>> -> memref<1x32x768xf32, #tpu.memory_space<vmem>>
    %dma_start3A_512 = tpu.memref_squeeze %dma_start3A_511 : memref<1x32x768xf32, #tpu.memory_space<vmem>> -> memref<32x768xf32, #tpu.memory_space<vmem>>
    %dma_start3A_513 = arith.constant 0 : i32
    %dma_start3A_514 = tpu.memref_slice %arg5[%dma_start3A_507, %dma_start3A_513] : memref<16x32xi32, #tpu.memory_space<vmem>> -> memref<1x32xi32, #tpu.memory_space<vmem>>
    %dma_start3A_515 = tpu.memref_squeeze %dma_start3A_514 : memref<1x32xi32, #tpu.memory_space<vmem>> -> memref<32xi32, #tpu.memory_space<vmem>>
    %dma_start3A_516 = arith.constant 0 : i32
    %dma_start3A_517 = arith.constant 0 : i32
    %dma_start3A_518 = tpu.memref_slice %arg3[%dma_start3A_516, %dma_start3A_517] : memref<30522x768xf32, #tpu.memory_space<hbm>> -> memref<30522x768xf32, #tpu.memory_space<hbm>>
    tpu.enqueue_indirect_dma source(%dma_start3A_518 : memref<30522x768xf32, #tpu.memory_space<hbm>>) target(%dma_start3A_512 : memref<32x768xf32, #tpu.memory_space<vmem>>) offsets(%dma_start3A_515 : memref<32xi32, #tpu.memory_space<vmem>>) semaphore(%arg10 : memref<!tpu.dma_semaphore, #tpu.memory_space<semaphore_mem>>)
    %dma_wait3A_519 = arith.constant 10 : i32
    %dma_wait3A_520 = arith.constant 2 : i32
    %dma_wait3A_521 = arith.constant 0 : i32
    %dma_wait3A_522 = arith.constant 0 : i32
    %dma_wait3A_523 = tpu.memref_slice %arg6[%dma_wait3A_520, %dma_wait3A_521, %dma_wait3A_522] : memref<4x32x768xf32, #tpu.memory_space<vmem>> -> memref<1x32x768xf32, #tpu.memory_space<vmem>>
    %dma_wait3A_524 = tpu.memref_squeeze %dma_wait3A_523 : memref<1x32x768xf32, #tpu.memory_space<vmem>> -> memref<32x768xf32, #tpu.memory_space<vmem>>
    %dma_wait3A_525 = arith.constant 0 : i32
    %dma_wait3A_526 = tpu.memref_slice %arg5[%dma_wait3A_519, %dma_wait3A_525] : memref<16x32xi32, #tpu.memory_space<vmem>> -> memref<1x32xi32, #tpu.memory_space<vmem>>
    %dma_wait3A_527 = tpu.memref_squeeze %dma_wait3A_526 : memref<1x32xi32, #tpu.memory_space<vmem>> -> memref<32xi32, #tpu.memory_space<vmem>>
    %dma_wait3A_528 = arith.constant 0 : i32
    %dma_wait3A_529 = arith.constant 0 : i32
    %dma_wait3A_530 = tpu.memref_slice %arg3[%dma_wait3A_528, %dma_wait3A_529] : memref<30522x768xf32, #tpu.memory_space<hbm>> -> memref<30522x768xf32, #tpu.memory_space<hbm>>
    tpu.wait_indirect_dma semaphore(%arg9 : memref<!tpu.dma_semaphore, #tpu.memory_space<semaphore_mem>>) src(%dma_wait3A_530 : memref<30522x768xf32, #tpu.memory_space<hbm>>) dst(%dma_wait3A_524 : memref<32x768xf32, #tpu.memory_space<vmem>>)
    %add3A_531 = arith.constant 320 : i32
    %add3A_532 = arith.addi %mul3A_2, %add3A_531 : i32
    %dma_start3A_533 = arith.constant 2 : i32
    %dma_start3A_534 = arith.constant 0 : i32
    %dma_start3A_535 = arith.constant 0 : i32
    %dma_start3A_536 = tpu.memref_slice %arg6[%dma_start3A_533, %dma_start3A_534, %dma_start3A_535] : memref<4x32x768xf32, #tpu.memory_space<vmem>> -> memref<1x32x768xf32, #tpu.memory_space<vmem>>
    %dma_start3A_537 = tpu.memref_squeeze %dma_start3A_536 : memref<1x32x768xf32, #tpu.memory_space<vmem>> -> memref<32x768xf32, #tpu.memory_space<vmem>>
    %dma_start3A_538 = arith.constant 0 : i32
    %dma_start3A_539 = tpu.memref_slice %arg4[%add3A_532, %dma_start3A_538] : memref<16384x768xf32, #tpu.memory_space<hbm>> -> memref<32x768xf32, #tpu.memory_space<hbm>>
    %dma_start3A_540 = arith.constant 0 : i32
    %dma_start3A_541 = tpu.memref_slice %arg4[%add3A_532, %dma_start3A_540] : memref<16384x768xf32, #tpu.memory_space<hbm>> -> memref<32x768xf32, #tpu.memory_space<hbm>>
    %dma_start3A_542 = arith.constant 0 : i32
    %dma_start3A_543 = arith.constant 0 : i32
    %dma_start3A_544 = tpu.memref_slice %arg6[%dma_start3A_533, %dma_start3A_542, %dma_start3A_543] : memref<4x32x768xf32, #tpu.memory_space<vmem>> -> memref<1x32x768xf32, #tpu.memory_space<vmem>>
    %dma_start3A_545 = tpu.memref_squeeze %dma_start3A_544 : memref<1x32x768xf32, #tpu.memory_space<vmem>> -> memref<32x768xf32, #tpu.memory_space<vmem>>
    tpu.enqueue_dma source(%dma_start3A_545 : memref<32x768xf32, #tpu.memory_space<vmem>>) target(%dma_start3A_541 : memref<32x768xf32, #tpu.memory_space<hbm>>) target_semaphore(%arg13 : memref<!tpu.dma_semaphore, #tpu.memory_space<semaphore_mem>>)
    %dma_wait3A_546 = arith.constant 0 : i32
    %dma_wait3A_547 = arith.constant 0 : i32
    %dma_wait3A_548 = arith.constant 0 : i32
    %dma_wait3A_549 = tpu.memref_slice %arg6[%dma_wait3A_546, %dma_wait3A_547, %dma_wait3A_548] : memref<4x32x768xf32, #tpu.memory_space<vmem>> -> memref<1x32x768xf32, #tpu.memory_space<vmem>>
    %dma_wait3A_550 = tpu.memref_squeeze %dma_wait3A_549 : memref<1x32x768xf32, #tpu.memory_space<vmem>> -> memref<32x768xf32, #tpu.memory_space<vmem>>
    %dma_wait3A_551 = arith.constant 0 : i32
    %dma_wait3A_552 = tpu.memref_slice %arg4[%add3A_428, %dma_wait3A_551] : memref<16384x768xf32, #tpu.memory_space<hbm>> -> memref<32x768xf32, #tpu.memory_space<hbm>>
    %dma_wait3A_553 = arith.constant 0 : i32
    %dma_wait3A_554 = tpu.memref_slice %arg4[%add3A_428, %dma_wait3A_553] : memref<16384x768xf32, #tpu.memory_space<hbm>> -> memref<32x768xf32, #tpu.memory_space<hbm>>
    %dma_wait3A_555 = arith.constant 0 : i32
    %dma_wait3A_556 = arith.constant 0 : i32
    %dma_wait3A_557 = tpu.memref_slice %arg6[%dma_wait3A_546, %dma_wait3A_555, %dma_wait3A_556] : memref<4x32x768xf32, #tpu.memory_space<vmem>> -> memref<1x32x768xf32, #tpu.memory_space<vmem>>
    %dma_wait3A_558 = tpu.memref_squeeze %dma_wait3A_557 : memref<1x32x768xf32, #tpu.memory_space<vmem>> -> memref<32x768xf32, #tpu.memory_space<vmem>>
    tpu.wait_dma2 semaphore(%arg11 : memref<!tpu.dma_semaphore, #tpu.memory_space<semaphore_mem>>) src(%dma_wait3A_558 : memref<32x768xf32, #tpu.memory_space<vmem>>) dst(%dma_wait3A_554 : memref<32x768xf32, #tpu.memory_space<hbm>>)
    %dma_start3A_559 = arith.constant 12 : i32
    %dma_start3A_560 = arith.constant 0 : i32
    %dma_start3A_561 = arith.constant 0 : i32
    %dma_start3A_562 = arith.constant 0 : i32
    %dma_start3A_563 = tpu.memref_slice %arg6[%dma_start3A_560, %dma_start3A_561, %dma_start3A_562] : memref<4x32x768xf32, #tpu.memory_space<vmem>> -> memref<1x32x768xf32, #tpu.memory_space<vmem>>
    %dma_start3A_564 = tpu.memref_squeeze %dma_start3A_563 : memref<1x32x768xf32, #tpu.memory_space<vmem>> -> memref<32x768xf32, #tpu.memory_space<vmem>>
    %dma_start3A_565 = arith.constant 0 : i32
    %dma_start3A_566 = tpu.memref_slice %arg5[%dma_start3A_559, %dma_start3A_565] : memref<16x32xi32, #tpu.memory_space<vmem>> -> memref<1x32xi32, #tpu.memory_space<vmem>>
    %dma_start3A_567 = tpu.memref_squeeze %dma_start3A_566 : memref<1x32xi32, #tpu.memory_space<vmem>> -> memref<32xi32, #tpu.memory_space<vmem>>
    %dma_start3A_568 = arith.constant 0 : i32
    %dma_start3A_569 = arith.constant 0 : i32
    %dma_start3A_570 = tpu.memref_slice %arg3[%dma_start3A_568, %dma_start3A_569] : memref<30522x768xf32, #tpu.memory_space<hbm>> -> memref<30522x768xf32, #tpu.memory_space<hbm>>
    tpu.enqueue_indirect_dma source(%dma_start3A_570 : memref<30522x768xf32, #tpu.memory_space<hbm>>) target(%dma_start3A_564 : memref<32x768xf32, #tpu.memory_space<vmem>>) offsets(%dma_start3A_567 : memref<32xi32, #tpu.memory_space<vmem>>) semaphore(%arg7 : memref<!tpu.dma_semaphore, #tpu.memory_space<semaphore_mem>>)
    %dma_wait3A_571 = arith.constant 11 : i32
    %dma_wait3A_572 = arith.constant 3 : i32
    %dma_wait3A_573 = arith.constant 0 : i32
    %dma_wait3A_574 = arith.constant 0 : i32
    %dma_wait3A_575 = tpu.memref_slice %arg6[%dma_wait3A_572, %dma_wait3A_573, %dma_wait3A_574] : memref<4x32x768xf32, #tpu.memory_space<vmem>> -> memref<1x32x768xf32, #tpu.memory_space<vmem>>
    %dma_wait3A_576 = tpu.memref_squeeze %dma_wait3A_575 : memref<1x32x768xf32, #tpu.memory_space<vmem>> -> memref<32x768xf32, #tpu.memory_space<vmem>>
    %dma_wait3A_577 = arith.constant 0 : i32
    %dma_wait3A_578 = tpu.memref_slice %arg5[%dma_wait3A_571, %dma_wait3A_577] : memref<16x32xi32, #tpu.memory_space<vmem>> -> memref<1x32xi32, #tpu.memory_space<vmem>>
    %dma_wait3A_579 = tpu.memref_squeeze %dma_wait3A_578 : memref<1x32xi32, #tpu.memory_space<vmem>> -> memref<32xi32, #tpu.memory_space<vmem>>
    %dma_wait3A_580 = arith.constant 0 : i32
    %dma_wait3A_581 = arith.constant 0 : i32
    %dma_wait3A_582 = tpu.memref_slice %arg3[%dma_wait3A_580, %dma_wait3A_581] : memref<30522x768xf32, #tpu.memory_space<hbm>> -> memref<30522x768xf32, #tpu.memory_space<hbm>>
    tpu.wait_indirect_dma semaphore(%arg10 : memref<!tpu.dma_semaphore, #tpu.memory_space<semaphore_mem>>) src(%dma_wait3A_582 : memref<30522x768xf32, #tpu.memory_space<hbm>>) dst(%dma_wait3A_576 : memref<32x768xf32, #tpu.memory_space<vmem>>)
    %add3A_583 = arith.constant 352 : i32
    %add3A_584 = arith.addi %mul3A_2, %add3A_583 : i32
    %dma_start3A_585 = arith.constant 3 : i32
    %dma_start3A_586 = arith.constant 0 : i32
    %dma_start3A_587 = arith.constant 0 : i32
    %dma_start3A_588 = tpu.memref_slice %arg6[%dma_start3A_585, %dma_start3A_586, %dma_start3A_587] : memref<4x32x768xf32, #tpu.memory_space<vmem>> -> memref<1x32x768xf32, #tpu.memory_space<vmem>>
    %dma_start3A_589 = tpu.memref_squeeze %dma_start3A_588 : memref<1x32x768xf32, #tpu.memory_space<vmem>> -> memref<32x768xf32, #tpu.memory_space<vmem>>
    %dma_start3A_590 = arith.constant 0 : i32
    %dma_start3A_591 = tpu.memref_slice %arg4[%add3A_584, %dma_start3A_590] : memref<16384x768xf32, #tpu.memory_space<hbm>> -> memref<32x768xf32, #tpu.memory_space<hbm>>
    %dma_start3A_592 = arith.constant 0 : i32
    %dma_start3A_593 = tpu.memref_slice %arg4[%add3A_584, %dma_start3A_592] : memref<16384x768xf32, #tpu.memory_space<hbm>> -> memref<32x768xf32, #tpu.memory_space<hbm>>
    %dma_start3A_594 = arith.constant 0 : i32
    %dma_start3A_595 = arith.constant 0 : i32
    %dma_start3A_596 = tpu.memref_slice %arg6[%dma_start3A_585, %dma_start3A_594, %dma_start3A_595] : memref<4x32x768xf32, #tpu.memory_space<vmem>> -> memref<1x32x768xf32, #tpu.memory_space<vmem>>
    %dma_start3A_597 = tpu.memref_squeeze %dma_start3A_596 : memref<1x32x768xf32, #tpu.memory_space<vmem>> -> memref<32x768xf32, #tpu.memory_space<vmem>>
    tpu.enqueue_dma source(%dma_start3A_597 : memref<32x768xf32, #tpu.memory_space<vmem>>) target(%dma_start3A_593 : memref<32x768xf32, #tpu.memory_space<hbm>>) target_semaphore(%arg14 : memref<!tpu.dma_semaphore, #tpu.memory_space<semaphore_mem>>)
    %dma_wait3A_598 = arith.constant 1 : i32
    %dma_wait3A_599 = arith.constant 0 : i32
    %dma_wait3A_600 = arith.constant 0 : i32
    %dma_wait3A_601 = tpu.memref_slice %arg6[%dma_wait3A_598, %dma_wait3A_599, %dma_wait3A_600] : memref<4x32x768xf32, #tpu.memory_space<vmem>> -> memref<1x32x768xf32, #tpu.memory_space<vmem>>
    %dma_wait3A_602 = tpu.memref_squeeze %dma_wait3A_601 : memref<1x32x768xf32, #tpu.memory_space<vmem>> -> memref<32x768xf32, #tpu.memory_space<vmem>>
    %dma_wait3A_603 = arith.constant 0 : i32
    %dma_wait3A_604 = tpu.memref_slice %arg4[%add3A_480, %dma_wait3A_603] : memref<16384x768xf32, #tpu.memory_space<hbm>> -> memref<32x768xf32, #tpu.memory_space<hbm>>
    %dma_wait3A_605 = arith.constant 0 : i32
    %dma_wait3A_606 = tpu.memref_slice %arg4[%add3A_480, %dma_wait3A_605] : memref<16384x768xf32, #tpu.memory_space<hbm>> -> memref<32x768xf32, #tpu.memory_space<hbm>>
    %dma_wait3A_607 = arith.constant 0 : i32
    %dma_wait3A_608 = arith.constant 0 : i32
    %dma_wait3A_609 = tpu.memref_slice %arg6[%dma_wait3A_598, %dma_wait3A_607, %dma_wait3A_608] : memref<4x32x768xf32, #tpu.memory_space<vmem>> -> memref<1x32x768xf32, #tpu.memory_space<vmem>>
    %dma_wait3A_610 = tpu.memref_squeeze %dma_wait3A_609 : memref<1x32x768xf32, #tpu.memory_space<vmem>> -> memref<32x768xf32, #tpu.memory_space<vmem>>
    tpu.wait_dma2 semaphore(%arg12 : memref<!tpu.dma_semaphore, #tpu.memory_space<semaphore_mem>>) src(%dma_wait3A_610 : memref<32x768xf32, #tpu.memory_space<vmem>>) dst(%dma_wait3A_606 : memref<32x768xf32, #tpu.memory_space<hbm>>)
    %dma_start3A_611 = arith.constant 13 : i32
    %dma_start3A_612 = arith.constant 1 : i32
    %dma_start3A_613 = arith.constant 0 : i32
    %dma_start3A_614 = arith.constant 0 : i32
    %dma_start3A_615 = tpu.memref_slice %arg6[%dma_start3A_612, %dma_start3A_613, %dma_start3A_614] : memref<4x32x768xf32, #tpu.memory_space<vmem>> -> memref<1x32x768xf32, #tpu.memory_space<vmem>>
    %dma_start3A_616 = tpu.memref_squeeze %dma_start3A_615 : memref<1x32x768xf32, #tpu.memory_space<vmem>> -> memref<32x768xf32, #tpu.memory_space<vmem>>
    %dma_start3A_617 = arith.constant 0 : i32
    %dma_start3A_618 = tpu.memref_slice %arg5[%dma_start3A_611, %dma_start3A_617] : memref<16x32xi32, #tpu.memory_space<vmem>> -> memref<1x32xi32, #tpu.memory_space<vmem>>
    %dma_start3A_619 = tpu.memref_squeeze %dma_start3A_618 : memref<1x32xi32, #tpu.memory_space<vmem>> -> memref<32xi32, #tpu.memory_space<vmem>>
    %dma_start3A_620 = arith.constant 0 : i32
    %dma_start3A_621 = arith.constant 0 : i32
    %dma_start3A_622 = tpu.memref_slice %arg3[%dma_start3A_620, %dma_start3A_621] : memref<30522x768xf32, #tpu.memory_space<hbm>> -> memref<30522x768xf32, #tpu.memory_space<hbm>>
    tpu.enqueue_indirect_dma source(%dma_start3A_622 : memref<30522x768xf32, #tpu.memory_space<hbm>>) target(%dma_start3A_616 : memref<32x768xf32, #tpu.memory_space<vmem>>) offsets(%dma_start3A_619 : memref<32xi32, #tpu.memory_space<vmem>>) semaphore(%arg8 : memref<!tpu.dma_semaphore, #tpu.memory_space<semaphore_mem>>)
    %dma_wait3A_623 = arith.constant 12 : i32
    %dma_wait3A_624 = arith.constant 0 : i32
    %dma_wait3A_625 = arith.constant 0 : i32
    %dma_wait3A_626 = arith.constant 0 : i32
    %dma_wait3A_627 = tpu.memref_slice %arg6[%dma_wait3A_624, %dma_wait3A_625, %dma_wait3A_626] : memref<4x32x768xf32, #tpu.memory_space<vmem>> -> memref<1x32x768xf32, #tpu.memory_space<vmem>>
    %dma_wait3A_628 = tpu.memref_squeeze %dma_wait3A_627 : memref<1x32x768xf32, #tpu.memory_space<vmem>> -> memref<32x768xf32, #tpu.memory_space<vmem>>
    %dma_wait3A_629 = arith.constant 0 : i32
    %dma_wait3A_630 = tpu.memref_slice %arg5[%dma_wait3A_623, %dma_wait3A_629] : memref<16x32xi32, #tpu.memory_space<vmem>> -> memref<1x32xi32, #tpu.memory_space<vmem>>
    %dma_wait3A_631 = tpu.memref_squeeze %dma_wait3A_630 : memref<1x32xi32, #tpu.memory_space<vmem>> -> memref<32xi32, #tpu.memory_space<vmem>>
    %dma_wait3A_632 = arith.constant 0 : i32
    %dma_wait3A_633 = arith.constant 0 : i32
    %dma_wait3A_634 = tpu.memref_slice %arg3[%dma_wait3A_632, %dma_wait3A_633] : memref<30522x768xf32, #tpu.memory_space<hbm>> -> memref<30522x768xf32, #tpu.memory_space<hbm>>
    tpu.wait_indirect_dma semaphore(%arg7 : memref<!tpu.dma_semaphore, #tpu.memory_space<semaphore_mem>>) src(%dma_wait3A_634 : memref<30522x768xf32, #tpu.memory_space<hbm>>) dst(%dma_wait3A_628 : memref<32x768xf32, #tpu.memory_space<vmem>>)
    %add3A_635 = arith.constant 384 : i32
    %add3A_636 = arith.addi %mul3A_2, %add3A_635 : i32
    %dma_start3A_637 = arith.constant 0 : i32
    %dma_start3A_638 = arith.constant 0 : i32
    %dma_start3A_639 = arith.constant 0 : i32
    %dma_start3A_640 = tpu.memref_slice %arg6[%dma_start3A_637, %dma_start3A_638, %dma_start3A_639] : memref<4x32x768xf32, #tpu.memory_space<vmem>> -> memref<1x32x768xf32, #tpu.memory_space<vmem>>
    %dma_start3A_641 = tpu.memref_squeeze %dma_start3A_640 : memref<1x32x768xf32, #tpu.memory_space<vmem>> -> memref<32x768xf32, #tpu.memory_space<vmem>>
    %dma_start3A_642 = arith.constant 0 : i32
    %dma_start3A_643 = tpu.memref_slice %arg4[%add3A_636, %dma_start3A_642] : memref<16384x768xf32, #tpu.memory_space<hbm>> -> memref<32x768xf32, #tpu.memory_space<hbm>>
    %dma_start3A_644 = arith.constant 0 : i32
    %dma_start3A_645 = tpu.memref_slice %arg4[%add3A_636, %dma_start3A_644] : memref<16384x768xf32, #tpu.memory_space<hbm>> -> memref<32x768xf32, #tpu.memory_space<hbm>>
    %dma_start3A_646 = arith.constant 0 : i32
    %dma_start3A_647 = arith.constant 0 : i32
    %dma_start3A_648 = tpu.memref_slice %arg6[%dma_start3A_637, %dma_start3A_646, %dma_start3A_647] : memref<4x32x768xf32, #tpu.memory_space<vmem>> -> memref<1x32x768xf32, #tpu.memory_space<vmem>>
    %dma_start3A_649 = tpu.memref_squeeze %dma_start3A_648 : memref<1x32x768xf32, #tpu.memory_space<vmem>> -> memref<32x768xf32, #tpu.memory_space<vmem>>
    tpu.enqueue_dma source(%dma_start3A_649 : memref<32x768xf32, #tpu.memory_space<vmem>>) target(%dma_start3A_645 : memref<32x768xf32, #tpu.memory_space<hbm>>) target_semaphore(%arg11 : memref<!tpu.dma_semaphore, #tpu.memory_space<semaphore_mem>>)
    %dma_wait3A_650 = arith.constant 2 : i32
    %dma_wait3A_651 = arith.constant 0 : i32
    %dma_wait3A_652 = arith.constant 0 : i32
    %dma_wait3A_653 = tpu.memref_slice %arg6[%dma_wait3A_650, %dma_wait3A_651, %dma_wait3A_652] : memref<4x32x768xf32, #tpu.memory_space<vmem>> -> memref<1x32x768xf32, #tpu.memory_space<vmem>>
    %dma_wait3A_654 = tpu.memref_squeeze %dma_wait3A_653 : memref<1x32x768xf32, #tpu.memory_space<vmem>> -> memref<32x768xf32, #tpu.memory_space<vmem>>
    %dma_wait3A_655 = arith.constant 0 : i32
    %dma_wait3A_656 = tpu.memref_slice %arg4[%add3A_532, %dma_wait3A_655] : memref<16384x768xf32, #tpu.memory_space<hbm>> -> memref<32x768xf32, #tpu.memory_space<hbm>>
    %dma_wait3A_657 = arith.constant 0 : i32
    %dma_wait3A_658 = tpu.memref_slice %arg4[%add3A_532, %dma_wait3A_657] : memref<16384x768xf32, #tpu.memory_space<hbm>> -> memref<32x768xf32, #tpu.memory_space<hbm>>
    %dma_wait3A_659 = arith.constant 0 : i32
    %dma_wait3A_660 = arith.constant 0 : i32
    %dma_wait3A_661 = tpu.memref_slice %arg6[%dma_wait3A_650, %dma_wait3A_659, %dma_wait3A_660] : memref<4x32x768xf32, #tpu.memory_space<vmem>> -> memref<1x32x768xf32, #tpu.memory_space<vmem>>
    %dma_wait3A_662 = tpu.memref_squeeze %dma_wait3A_661 : memref<1x32x768xf32, #tpu.memory_space<vmem>> -> memref<32x768xf32, #tpu.memory_space<vmem>>
    tpu.wait_dma2 semaphore(%arg13 : memref<!tpu.dma_semaphore, #tpu.memory_space<semaphore_mem>>) src(%dma_wait3A_662 : memref<32x768xf32, #tpu.memory_space<vmem>>) dst(%dma_wait3A_658 : memref<32x768xf32, #tpu.memory_space<hbm>>)
    %dma_start3A_663 = arith.constant 14 : i32
    %dma_start3A_664 = arith.constant 2 : i32
    %dma_start3A_665 = arith.constant 0 : i32
    %dma_start3A_666 = arith.constant 0 : i32
    %dma_start3A_667 = tpu.memref_slice %arg6[%dma_start3A_664, %dma_start3A_665, %dma_start3A_666] : memref<4x32x768xf32, #tpu.memory_space<vmem>> -> memref<1x32x768xf32, #tpu.memory_space<vmem>>
    %dma_start3A_668 = tpu.memref_squeeze %dma_start3A_667 : memref<1x32x768xf32, #tpu.memory_space<vmem>> -> memref<32x768xf32, #tpu.memory_space<vmem>>
    %dma_start3A_669 = arith.constant 0 : i32
    %dma_start3A_670 = tpu.memref_slice %arg5[%dma_start3A_663, %dma_start3A_669] : memref<16x32xi32, #tpu.memory_space<vmem>> -> memref<1x32xi32, #tpu.memory_space<vmem>>
    %dma_start3A_671 = tpu.memref_squeeze %dma_start3A_670 : memref<1x32xi32, #tpu.memory_space<vmem>> -> memref<32xi32, #tpu.memory_space<vmem>>
    %dma_start3A_672 = arith.constant 0 : i32
    %dma_start3A_673 = arith.constant 0 : i32
    %dma_start3A_674 = tpu.memref_slice %arg3[%dma_start3A_672, %dma_start3A_673] : memref<30522x768xf32, #tpu.memory_space<hbm>> -> memref<30522x768xf32, #tpu.memory_space<hbm>>
    tpu.enqueue_indirect_dma source(%dma_start3A_674 : memref<30522x768xf32, #tpu.memory_space<hbm>>) target(%dma_start3A_668 : memref<32x768xf32, #tpu.memory_space<vmem>>) offsets(%dma_start3A_671 : memref<32xi32, #tpu.memory_space<vmem>>) semaphore(%arg9 : memref<!tpu.dma_semaphore, #tpu.memory_space<semaphore_mem>>)
    %dma_wait3A_675 = arith.constant 13 : i32
    %dma_wait3A_676 = arith.constant 1 : i32
    %dma_wait3A_677 = arith.constant 0 : i32
    %dma_wait3A_678 = arith.constant 0 : i32
    %dma_wait3A_679 = tpu.memref_slice %arg6[%dma_wait3A_676, %dma_wait3A_677, %dma_wait3A_678] : memref<4x32x768xf32, #tpu.memory_space<vmem>> -> memref<1x32x768xf32, #tpu.memory_space<vmem>>
    %dma_wait3A_680 = tpu.memref_squeeze %dma_wait3A_679 : memref<1x32x768xf32, #tpu.memory_space<vmem>> -> memref<32x768xf32, #tpu.memory_space<vmem>>
    %dma_wait3A_681 = arith.constant 0 : i32
    %dma_wait3A_682 = tpu.memref_slice %arg5[%dma_wait3A_675, %dma_wait3A_681] : memref<16x32xi32, #tpu.memory_space<vmem>> -> memref<1x32xi32, #tpu.memory_space<vmem>>
    %dma_wait3A_683 = tpu.memref_squeeze %dma_wait3A_682 : memref<1x32xi32, #tpu.memory_space<vmem>> -> memref<32xi32, #tpu.memory_space<vmem>>
    %dma_wait3A_684 = arith.constant 0 : i32
    %dma_wait3A_685 = arith.constant 0 : i32
    %dma_wait3A_686 = tpu.memref_slice %arg3[%dma_wait3A_684, %dma_wait3A_685] : memref<30522x768xf32, #tpu.memory_space<hbm>> -> memref<30522x768xf32, #tpu.memory_space<hbm>>
    tpu.wait_indirect_dma semaphore(%arg8 : memref<!tpu.dma_semaphore, #tpu.memory_space<semaphore_mem>>) src(%dma_wait3A_686 : memref<30522x768xf32, #tpu.memory_space<hbm>>) dst(%dma_wait3A_680 : memref<32x768xf32, #tpu.memory_space<vmem>>)
    %add3A_687 = arith.constant 416 : i32
    %add3A_688 = arith.addi %mul3A_2, %add3A_687 : i32
    %dma_start3A_689 = arith.constant 1 : i32
    %dma_start3A_690 = arith.constant 0 : i32
    %dma_start3A_691 = arith.constant 0 : i32
    %dma_start3A_692 = tpu.memref_slice %arg6[%dma_start3A_689, %dma_start3A_690, %dma_start3A_691] : memref<4x32x768xf32, #tpu.memory_space<vmem>> -> memref<1x32x768xf32, #tpu.memory_space<vmem>>
    %dma_start3A_693 = tpu.memref_squeeze %dma_start3A_692 : memref<1x32x768xf32, #tpu.memory_space<vmem>> -> memref<32x768xf32, #tpu.memory_space<vmem>>
    %dma_start3A_694 = arith.constant 0 : i32
    %dma_start3A_695 = tpu.memref_slice %arg4[%add3A_688, %dma_start3A_694] : memref<16384x768xf32, #tpu.memory_space<hbm>> -> memref<32x768xf32, #tpu.memory_space<hbm>>
    %dma_start3A_696 = arith.constant 0 : i32
    %dma_start3A_697 = tpu.memref_slice %arg4[%add3A_688, %dma_start3A_696] : memref<16384x768xf32, #tpu.memory_space<hbm>> -> memref<32x768xf32, #tpu.memory_space<hbm>>
    %dma_start3A_698 = arith.constant 0 : i32
    %dma_start3A_699 = arith.constant 0 : i32
    %dma_start3A_700 = tpu.memref_slice %arg6[%dma_start3A_689, %dma_start3A_698, %dma_start3A_699] : memref<4x32x768xf32, #tpu.memory_space<vmem>> -> memref<1x32x768xf32, #tpu.memory_space<vmem>>
    %dma_start3A_701 = tpu.memref_squeeze %dma_start3A_700 : memref<1x32x768xf32, #tpu.memory_space<vmem>> -> memref<32x768xf32, #tpu.memory_space<vmem>>
    tpu.enqueue_dma source(%dma_start3A_701 : memref<32x768xf32, #tpu.memory_space<vmem>>) target(%dma_start3A_697 : memref<32x768xf32, #tpu.memory_space<hbm>>) target_semaphore(%arg12 : memref<!tpu.dma_semaphore, #tpu.memory_space<semaphore_mem>>)
    %dma_wait3A_702 = arith.constant 3 : i32
    %dma_wait3A_703 = arith.constant 0 : i32
    %dma_wait3A_704 = arith.constant 0 : i32
    %dma_wait3A_705 = tpu.memref_slice %arg6[%dma_wait3A_702, %dma_wait3A_703, %dma_wait3A_704] : memref<4x32x768xf32, #tpu.memory_space<vmem>> -> memref<1x32x768xf32, #tpu.memory_space<vmem>>
    %dma_wait3A_706 = tpu.memref_squeeze %dma_wait3A_705 : memref<1x32x768xf32, #tpu.memory_space<vmem>> -> memref<32x768xf32, #tpu.memory_space<vmem>>
    %dma_wait3A_707 = arith.constant 0 : i32
    %dma_wait3A_708 = tpu.memref_slice %arg4[%add3A_584, %dma_wait3A_707] : memref<16384x768xf32, #tpu.memory_space<hbm>> -> memref<32x768xf32, #tpu.memory_space<hbm>>
    %dma_wait3A_709 = arith.constant 0 : i32
    %dma_wait3A_710 = tpu.memref_slice %arg4[%add3A_584, %dma_wait3A_709] : memref<16384x768xf32, #tpu.memory_space<hbm>> -> memref<32x768xf32, #tpu.memory_space<hbm>>
    %dma_wait3A_711 = arith.constant 0 : i32
    %dma_wait3A_712 = arith.constant 0 : i32
    %dma_wait3A_713 = tpu.memref_slice %arg6[%dma_wait3A_702, %dma_wait3A_711, %dma_wait3A_712] : memref<4x32x768xf32, #tpu.memory_space<vmem>> -> memref<1x32x768xf32, #tpu.memory_space<vmem>>
    %dma_wait3A_714 = tpu.memref_squeeze %dma_wait3A_713 : memref<1x32x768xf32, #tpu.memory_space<vmem>> -> memref<32x768xf32, #tpu.memory_space<vmem>>
    tpu.wait_dma2 semaphore(%arg14 : memref<!tpu.dma_semaphore, #tpu.memory_space<semaphore_mem>>) src(%dma_wait3A_714 : memref<32x768xf32, #tpu.memory_space<vmem>>) dst(%dma_wait3A_710 : memref<32x768xf32, #tpu.memory_space<hbm>>)
    %dma_start3A_715 = arith.constant 15 : i32
    %dma_start3A_716 = arith.constant 3 : i32
    %dma_start3A_717 = arith.constant 0 : i32
    %dma_start3A_718 = arith.constant 0 : i32
    %dma_start3A_719 = tpu.memref_slice %arg6[%dma_start3A_716, %dma_start3A_717, %dma_start3A_718] : memref<4x32x768xf32, #tpu.memory_space<vmem>> -> memref<1x32x768xf32, #tpu.memory_space<vmem>>
    %dma_start3A_720 = tpu.memref_squeeze %dma_start3A_719 : memref<1x32x768xf32, #tpu.memory_space<vmem>> -> memref<32x768xf32, #tpu.memory_space<vmem>>
    %dma_start3A_721 = arith.constant 0 : i32
    %dma_start3A_722 = tpu.memref_slice %arg5[%dma_start3A_715, %dma_start3A_721] : memref<16x32xi32, #tpu.memory_space<vmem>> -> memref<1x32xi32, #tpu.memory_space<vmem>>
    %dma_start3A_723 = tpu.memref_squeeze %dma_start3A_722 : memref<1x32xi32, #tpu.memory_space<vmem>> -> memref<32xi32, #tpu.memory_space<vmem>>
    %dma_start3A_724 = arith.constant 0 : i32
    %dma_start3A_725 = arith.constant 0 : i32
    %dma_start3A_726 = tpu.memref_slice %arg3[%dma_start3A_724, %dma_start3A_725] : memref<30522x768xf32, #tpu.memory_space<hbm>> -> memref<30522x768xf32, #tpu.memory_space<hbm>>
    tpu.enqueue_indirect_dma source(%dma_start3A_726 : memref<30522x768xf32, #tpu.memory_space<hbm>>) target(%dma_start3A_720 : memref<32x768xf32, #tpu.memory_space<vmem>>) offsets(%dma_start3A_723 : memref<32xi32, #tpu.memory_space<vmem>>) semaphore(%arg10 : memref<!tpu.dma_semaphore, #tpu.memory_space<semaphore_mem>>)
    %dma_wait3A_727 = arith.constant 14 : i32
    %dma_wait3A_728 = arith.constant 2 : i32
    %dma_wait3A_729 = arith.constant 0 : i32
    %dma_wait3A_730 = arith.constant 0 : i32
    %dma_wait3A_731 = tpu.memref_slice %arg6[%dma_wait3A_728, %dma_wait3A_729, %dma_wait3A_730] : memref<4x32x768xf32, #tpu.memory_space<vmem>> -> memref<1x32x768xf32, #tpu.memory_space<vmem>>
    %dma_wait3A_732 = tpu.memref_squeeze %dma_wait3A_731 : memref<1x32x768xf32, #tpu.memory_space<vmem>> -> memref<32x768xf32, #tpu.memory_space<vmem>>
    %dma_wait3A_733 = arith.constant 0 : i32
    %dma_wait3A_734 = tpu.memref_slice %arg5[%dma_wait3A_727, %dma_wait3A_733] : memref<16x32xi32, #tpu.memory_space<vmem>> -> memref<1x32xi32, #tpu.memory_space<vmem>>
    %dma_wait3A_735 = tpu.memref_squeeze %dma_wait3A_734 : memref<1x32xi32, #tpu.memory_space<vmem>> -> memref<32xi32, #tpu.memory_space<vmem>>
    %dma_wait3A_736 = arith.constant 0 : i32
    %dma_wait3A_737 = arith.constant 0 : i32
    %dma_wait3A_738 = tpu.memref_slice %arg3[%dma_wait3A_736, %dma_wait3A_737] : memref<30522x768xf32, #tpu.memory_space<hbm>> -> memref<30522x768xf32, #tpu.memory_space<hbm>>
    tpu.wait_indirect_dma semaphore(%arg9 : memref<!tpu.dma_semaphore, #tpu.memory_space<semaphore_mem>>) src(%dma_wait3A_738 : memref<30522x768xf32, #tpu.memory_space<hbm>>) dst(%dma_wait3A_732 : memref<32x768xf32, #tpu.memory_space<vmem>>)
    %add3A_739 = arith.constant 448 : i32
    %add3A_740 = arith.addi %mul3A_2, %add3A_739 : i32
    %dma_start3A_741 = arith.constant 2 : i32
    %dma_start3A_742 = arith.constant 0 : i32
    %dma_start3A_743 = arith.constant 0 : i32
    %dma_start3A_744 = tpu.memref_slice %arg6[%dma_start3A_741, %dma_start3A_742, %dma_start3A_743] : memref<4x32x768xf32, #tpu.memory_space<vmem>> -> memref<1x32x768xf32, #tpu.memory_space<vmem>>
    %dma_start3A_745 = tpu.memref_squeeze %dma_start3A_744 : memref<1x32x768xf32, #tpu.memory_space<vmem>> -> memref<32x768xf32, #tpu.memory_space<vmem>>
    %dma_start3A_746 = arith.constant 0 : i32
    %dma_start3A_747 = tpu.memref_slice %arg4[%add3A_740, %dma_start3A_746] : memref<16384x768xf32, #tpu.memory_space<hbm>> -> memref<32x768xf32, #tpu.memory_space<hbm>>
    %dma_start3A_748 = arith.constant 0 : i32
    %dma_start3A_749 = tpu.memref_slice %arg4[%add3A_740, %dma_start3A_748] : memref<16384x768xf32, #tpu.memory_space<hbm>> -> memref<32x768xf32, #tpu.memory_space<hbm>>
    %dma_start3A_750 = arith.constant 0 : i32
    %dma_start3A_751 = arith.constant 0 : i32
    %dma_start3A_752 = tpu.memref_slice %arg6[%dma_start3A_741, %dma_start3A_750, %dma_start3A_751] : memref<4x32x768xf32, #tpu.memory_space<vmem>> -> memref<1x32x768xf32, #tpu.memory_space<vmem>>
    %dma_start3A_753 = tpu.memref_squeeze %dma_start3A_752 : memref<1x32x768xf32, #tpu.memory_space<vmem>> -> memref<32x768xf32, #tpu.memory_space<vmem>>
    tpu.enqueue_dma source(%dma_start3A_753 : memref<32x768xf32, #tpu.memory_space<vmem>>) target(%dma_start3A_749 : memref<32x768xf32, #tpu.memory_space<hbm>>) target_semaphore(%arg13 : memref<!tpu.dma_semaphore, #tpu.memory_space<semaphore_mem>>)
    %dma_wait3A_754 = arith.constant 15 : i32
    %dma_wait3A_755 = arith.constant 3 : i32
    %dma_wait3A_756 = arith.constant 0 : i32
    %dma_wait3A_757 = arith.constant 0 : i32
    %dma_wait3A_758 = tpu.memref_slice %arg6[%dma_wait3A_755, %dma_wait3A_756, %dma_wait3A_757] : memref<4x32x768xf32, #tpu.memory_space<vmem>> -> memref<1x32x768xf32, #tpu.memory_space<vmem>>
    %dma_wait3A_759 = tpu.memref_squeeze %dma_wait3A_758 : memref<1x32x768xf32, #tpu.memory_space<vmem>> -> memref<32x768xf32, #tpu.memory_space<vmem>>
    %dma_wait3A_760 = arith.constant 0 : i32
    %dma_wait3A_761 = tpu.memref_slice %arg5[%dma_wait3A_754, %dma_wait3A_760] : memref<16x32xi32, #tpu.memory_space<vmem>> -> memref<1x32xi32, #tpu.memory_space<vmem>>
    %dma_wait3A_762 = tpu.memref_squeeze %dma_wait3A_761 : memref<1x32xi32, #tpu.memory_space<vmem>> -> memref<32xi32, #tpu.memory_space<vmem>>
    %dma_wait3A_763 = arith.constant 0 : i32
    %dma_wait3A_764 = arith.constant 0 : i32
    %dma_wait3A_765 = tpu.memref_slice %arg3[%dma_wait3A_763, %dma_wait3A_764] : memref<30522x768xf32, #tpu.memory_space<hbm>> -> memref<30522x768xf32, #tpu.memory_space<hbm>>
    tpu.wait_indirect_dma semaphore(%arg10 : memref<!tpu.dma_semaphore, #tpu.memory_space<semaphore_mem>>) src(%dma_wait3A_765 : memref<30522x768xf32, #tpu.memory_space<hbm>>) dst(%dma_wait3A_759 : memref<32x768xf32, #tpu.memory_space<vmem>>)
    %add3A_766 = arith.constant 480 : i32
    %add3A_767 = arith.addi %mul3A_2, %add3A_766 : i32
    %dma_start3A_768 = arith.constant 3 : i32
    %dma_start3A_769 = arith.constant 0 : i32
    %dma_start3A_770 = arith.constant 0 : i32
    %dma_start3A_771 = tpu.memref_slice %arg6[%dma_start3A_768, %dma_start3A_769, %dma_start3A_770] : memref<4x32x768xf32, #tpu.memory_space<vmem>> -> memref<1x32x768xf32, #tpu.memory_space<vmem>>
    %dma_start3A_772 = tpu.memref_squeeze %dma_start3A_771 : memref<1x32x768xf32, #tpu.memory_space<vmem>> -> memref<32x768xf32, #tpu.memory_space<vmem>>
    %dma_start3A_773 = arith.constant 0 : i32
    %dma_start3A_774 = tpu.memref_slice %arg4[%add3A_767, %dma_start3A_773] : memref<16384x768xf32, #tpu.memory_space<hbm>> -> memref<32x768xf32, #tpu.memory_space<hbm>>
    %dma_start3A_775 = arith.constant 0 : i32
    %dma_start3A_776 = tpu.memref_slice %arg4[%add3A_767, %dma_start3A_775] : memref<16384x768xf32, #tpu.memory_space<hbm>> -> memref<32x768xf32, #tpu.memory_space<hbm>>
    %dma_start3A_777 = arith.constant 0 : i32
    %dma_start3A_778 = arith.constant 0 : i32
    %dma_start3A_779 = tpu.memref_slice %arg6[%dma_start3A_768, %dma_start3A_777, %dma_start3A_778] : memref<4x32x768xf32, #tpu.memory_space<vmem>> -> memref<1x32x768xf32, #tpu.memory_space<vmem>>
    %dma_start3A_780 = tpu.memref_squeeze %dma_start3A_779 : memref<1x32x768xf32, #tpu.memory_space<vmem>> -> memref<32x768xf32, #tpu.memory_space<vmem>>
    tpu.enqueue_dma source(%dma_start3A_780 : memref<32x768xf32, #tpu.memory_space<vmem>>) target(%dma_start3A_776 : memref<32x768xf32, #tpu.memory_space<hbm>>) target_semaphore(%arg14 : memref<!tpu.dma_semaphore, #tpu.memory_space<semaphore_mem>>)
    %dma_wait3A_781 = arith.constant 0 : i32
    %dma_wait3A_782 = arith.constant 0 : i32
    %dma_wait3A_783 = arith.constant 0 : i32
    %dma_wait3A_784 = tpu.memref_slice %arg6[%dma_wait3A_781, %dma_wait3A_782, %dma_wait3A_783] : memref<4x32x768xf32, #tpu.memory_space<vmem>> -> memref<1x32x768xf32, #tpu.memory_space<vmem>>
    %dma_wait3A_785 = tpu.memref_squeeze %dma_wait3A_784 : memref<1x32x768xf32, #tpu.memory_space<vmem>> -> memref<32x768xf32, #tpu.memory_space<vmem>>
    %dma_wait3A_786 = arith.constant 0 : i32
    %dma_wait3A_787 = tpu.memref_slice %arg4[%add3A_636, %dma_wait3A_786] : memref<16384x768xf32, #tpu.memory_space<hbm>> -> memref<32x768xf32, #tpu.memory_space<hbm>>
    %dma_wait3A_788 = arith.constant 0 : i32
    %dma_wait3A_789 = tpu.memref_slice %arg4[%add3A_636, %dma_wait3A_788] : memref<16384x768xf32, #tpu.memory_space<hbm>> -> memref<32x768xf32, #tpu.memory_space<hbm>>
    %dma_wait3A_790 = arith.constant 0 : i32
    %dma_wait3A_791 = arith.constant 0 : i32
    %dma_wait3A_792 = tpu.memref_slice %arg6[%dma_wait3A_781, %dma_wait3A_790, %dma_wait3A_791] : memref<4x32x768xf32, #tpu.memory_space<vmem>> -> memref<1x32x768xf32, #tpu.memory_space<vmem>>
    %dma_wait3A_793 = tpu.memref_squeeze %dma_wait3A_792 : memref<1x32x768xf32, #tpu.memory_space<vmem>> -> memref<32x768xf32, #tpu.memory_space<vmem>>
    tpu.wait_dma2 semaphore(%arg11 : memref<!tpu.dma_semaphore, #tpu.memory_space<semaphore_mem>>) src(%dma_wait3A_793 : memref<32x768xf32, #tpu.memory_space<vmem>>) dst(%dma_wait3A_789 : memref<32x768xf32, #tpu.memory_space<hbm>>)
    %dma_wait3A_794 = arith.constant 1 : i32
    %dma_wait3A_795 = arith.constant 0 : i32
    %dma_wait3A_796 = arith.constant 0 : i32
    %dma_wait3A_797 = tpu.memref_slice %arg6[%dma_wait3A_794, %dma_wait3A_795, %dma_wait3A_796] : memref<4x32x768xf32, #tpu.memory_space<vmem>> -> memref<1x32x768xf32, #tpu.memory_space<vmem>>
    %dma_wait3A_798 = tpu.memref_squeeze %dma_wait3A_797 : memref<1x32x768xf32, #tpu.memory_space<vmem>> -> memref<32x768xf32, #tpu.memory_space<vmem>>
    %dma_wait3A_799 = arith.constant 0 : i32
    %dma_wait3A_800 = tpu.memref_slice %arg4[%add3A_688, %dma_wait3A_799] : memref<16384x768xf32, #tpu.memory_space<hbm>> -> memref<32x768xf32, #tpu.memory_space<hbm>>
    %dma_wait3A_801 = arith.constant 0 : i32
    %dma_wait3A_802 = tpu.memref_slice %arg4[%add3A_688, %dma_wait3A_801] : memref<16384x768xf32, #tpu.memory_space<hbm>> -> memref<32x768xf32, #tpu.memory_space<hbm>>
    %dma_wait3A_803 = arith.constant 0 : i32
    %dma_wait3A_804 = arith.constant 0 : i32
    %dma_wait3A_805 = tpu.memref_slice %arg6[%dma_wait3A_794, %dma_wait3A_803, %dma_wait3A_804] : memref<4x32x768xf32, #tpu.memory_space<vmem>> -> memref<1x32x768xf32, #tpu.memory_space<vmem>>
    %dma_wait3A_806 = tpu.memref_squeeze %dma_wait3A_805 : memref<1x32x768xf32, #tpu.memory_space<vmem>> -> memref<32x768xf32, #tpu.memory_space<vmem>>
    tpu.wait_dma2 semaphore(%arg12 : memref<!tpu.dma_semaphore, #tpu.memory_space<semaphore_mem>>) src(%dma_wait3A_806 : memref<32x768xf32, #tpu.memory_space<vmem>>) dst(%dma_wait3A_802 : memref<32x768xf32, #tpu.memory_space<hbm>>)
    %dma_wait3A_807 = arith.constant 2 : i32
    %dma_wait3A_808 = arith.constant 0 : i32
    %dma_wait3A_809 = arith.constant 0 : i32
    %dma_wait3A_810 = tpu.memref_slice %arg6[%dma_wait3A_807, %dma_wait3A_808, %dma_wait3A_809] : memref<4x32x768xf32, #tpu.memory_space<vmem>> -> memref<1x32x768xf32, #tpu.memory_space<vmem>>
    %dma_wait3A_811 = tpu.memref_squeeze %dma_wait3A_810 : memref<1x32x768xf32, #tpu.memory_space<vmem>> -> memref<32x768xf32, #tpu.memory_space<vmem>>
    %dma_wait3A_812 = arith.constant 0 : i32
    %dma_wait3A_813 = tpu.memref_slice %arg4[%add3A_740, %dma_wait3A_812] : memref<16384x768xf32, #tpu.memory_space<hbm>> -> memref<32x768xf32, #tpu.memory_space<hbm>>
    %dma_wait3A_814 = arith.constant 0 : i32
    %dma_wait3A_815 = tpu.memref_slice %arg4[%add3A_740, %dma_wait3A_814] : memref<16384x768xf32, #tpu.memory_space<hbm>> -> memref<32x768xf32, #tpu.memory_space<hbm>>
    %dma_wait3A_816 = arith.constant 0 : i32
    %dma_wait3A_817 = arith.constant 0 : i32
    %dma_wait3A_818 = tpu.memref_slice %arg6[%dma_wait3A_807, %dma_wait3A_816, %dma_wait3A_817] : memref<4x32x768xf32, #tpu.memory_space<vmem>> -> memref<1x32x768xf32, #tpu.memory_space<vmem>>
    %dma_wait3A_819 = tpu.memref_squeeze %dma_wait3A_818 : memref<1x32x768xf32, #tpu.memory_space<vmem>> -> memref<32x768xf32, #tpu.memory_space<vmem>>
    tpu.wait_dma2 semaphore(%arg13 : memref<!tpu.dma_semaphore, #tpu.memory_space<semaphore_mem>>) src(%dma_wait3A_819 : memref<32x768xf32, #tpu.memory_space<vmem>>) dst(%dma_wait3A_815 : memref<32x768xf32, #tpu.memory_space<hbm>>)
    %dma_wait3A_820 = arith.constant 3 : i32
    %dma_wait3A_821 = arith.constant 0 : i32
    %dma_wait3A_822 = arith.constant 0 : i32
    %dma_wait3A_823 = tpu.memref_slice %arg6[%dma_wait3A_820, %dma_wait3A_821, %dma_wait3A_822] : memref<4x32x768xf32, #tpu.memory_space<vmem>> -> memref<1x32x768xf32, #tpu.memory_space<vmem>>
    %dma_wait3A_824 = tpu.memref_squeeze %dma_wait3A_823 : memref<1x32x768xf32, #tpu.memory_space<vmem>> -> memref<32x768xf32, #tpu.memory_space<vmem>>
    %dma_wait3A_825 = arith.constant 0 : i32
    %dma_wait3A_826 = tpu.memref_slice %arg4[%add3A_767, %dma_wait3A_825] : memref<16384x768xf32, #tpu.memory_space<hbm>> -> memref<32x768xf32, #tpu.memory_space<hbm>>
    %dma_wait3A_827 = arith.constant 0 : i32
    %dma_wait3A_828 = tpu.memref_slice %arg4[%add3A_767, %dma_wait3A_827] : memref<16384x768xf32, #tpu.memory_space<hbm>> -> memref<32x768xf32, #tpu.memory_space<hbm>>
    %dma_wait3A_829 = arith.constant 0 : i32
    %dma_wait3A_830 = arith.constant 0 : i32
    %dma_wait3A_831 = tpu.memref_slice %arg6[%dma_wait3A_820, %dma_wait3A_829, %dma_wait3A_830] : memref<4x32x768xf32, #tpu.memory_space<vmem>> -> memref<1x32x768xf32, #tpu.memory_space<vmem>>
    %dma_wait3A_832 = tpu.memref_squeeze %dma_wait3A_831 : memref<1x32x768xf32, #tpu.memory_space<vmem>> -> memref<32x768xf32, #tpu.memory_space<vmem>>
    tpu.wait_dma2 semaphore(%arg14 : memref<!tpu.dma_semaphore, #tpu.memory_space<semaphore_mem>>) src(%dma_wait3A_832 : memref<32x768xf32, #tpu.memory_space<vmem>>) dst(%dma_wait3A_828 : memref<32x768xf32, #tpu.memory_space<hbm>>)
    return
  }
}

#map = affine_map<(d0, d1) -> (0, 0, 0)>
#map1 = affine_map<(d0, d1) -> (0, 0)>
module attributes {stable_mosaic.version = 14 : i64} {
  func.func @_sc_gather_body(%arg0: i32, %arg1: i32, %arg2: memref<32x16x32xi32, #tpu.memory_space<hbm>>, %arg3: memref<30522x768xf32, #tpu.memory_space<hbm>>, %arg4: memref<16384x768xf32, #tpu.memory_space<hbm>>, %arg5: memref<16x32xi32, #tpu.memory_space<vmem>>, %arg6: memref<4x32x768xf32, #tpu.memory_space<vmem>>, %arg7: memref<!tpu.dma_semaphore, #tpu.memory_space<semaphore_mem>>, %arg8: memref<!tpu.dma_semaphore, #tpu.memory_space<semaphore_mem>>, %arg9: memref<!tpu.dma_semaphore, #tpu.memory_space<semaphore_mem>>, %arg10: memref<!tpu.dma_semaphore, #tpu.memory_space<semaphore_mem>>, %arg11: memref<!tpu.dma_semaphore, #tpu.memory_space<semaphore_mem>>, %arg12: memref<!tpu.dma_semaphore, #tpu.memory_space<semaphore_mem>>, %arg13: memref<!tpu.dma_semaphore, #tpu.memory_space<semaphore_mem>>, %arg14: memref<!tpu.dma_semaphore, #tpu.memory_space<semaphore_mem>>) attributes {dimension_semantics = [#tpu.dimension_semantics<core_parallel>, #tpu.dimension_semantics<subcore_parallel>], iteration_bounds = array<i64: 2, 16>, scalar_prefetch = 0 : i64, scratch_operands = 10 : i64, tpu.core_type = #tpu.core_type<sc_vector_subcore>, window_params = [{transform_indices = #map}, {transform_indices = #map1}, {transform_indices = #map1}]} {
    %mul3A = arith.constant 2 : i32
    %mul3A_0 = arith.muli %arg1, %mul3A : i32
    %add3A = arith.addi %mul3A_0, %arg0 : i32
    %mul3A_1 = arith.constant 512 : i32
    %mul3A_2 = arith.muli %add3A, %mul3A_1 : i32
    "tpu.region"() ({
      %run_scoped3A = tpu.sem_alloc : memref<!tpu.dma_semaphore, #tpu.memory_space<semaphore_mem>>
      %dma_start3A_833 = arith.constant 0 : i32
      %dma_start3A_834 = arith.constant 0 : i32
      %dma_start3A_835 = tpu.memref_slice %arg2[%add3A, %dma_start3A_833, %dma_start3A_834] : memref<32x16x32xi32, #tpu.memory_space<hbm>> -> memref<1x16x32xi32, #tpu.memory_space<hbm>>
      %dma_start3A_836 = tpu.memref_squeeze %dma_start3A_835 : memref<1x16x32xi32, #tpu.memory_space<hbm>> -> memref<16x32xi32, #tpu.memory_space<hbm>>
      %dma_start3A_837 = arith.constant 0 : i32
      %dma_start3A_838 = arith.constant 0 : i32
      %dma_start3A_839 = tpu.memref_slice %arg2[%add3A, %dma_start3A_837, %dma_start3A_838] : memref<32x16x32xi32, #tpu.memory_space<hbm>> -> memref<1x16x32xi32, #tpu.memory_space<hbm>>
      %dma_start3A_840 = tpu.memref_squeeze %dma_start3A_839 : memref<1x16x32xi32, #tpu.memory_space<hbm>> -> memref<16x32xi32, #tpu.memory_space<hbm>>
      tpu.enqueue_dma source(%dma_start3A_840 : memref<16x32xi32, #tpu.memory_space<hbm>>) target(%arg5 : memref<16x32xi32, #tpu.memory_space<vmem>>) target_semaphore(%run_scoped3A : memref<!tpu.dma_semaphore, #tpu.memory_space<semaphore_mem>>)
      %dma_wait3A_841 = arith.constant 0 : i32
      %dma_wait3A_842 = arith.constant 0 : i32
      %dma_wait3A_843 = tpu.memref_slice %arg2[%add3A, %dma_wait3A_841, %dma_wait3A_842] : memref<32x16x32xi32, #tpu.memory_space<hbm>> -> memref<1x16x32xi32, #tpu.memory_space<hbm>>
      %dma_wait3A_844 = tpu.memref_squeeze %dma_wait3A_843 : memref<1x16x32xi32, #tpu.memory_space<hbm>> -> memref<16x32xi32, #tpu.memory_space<hbm>>
      %dma_wait3A_845 = arith.constant 0 : i32
      %dma_wait3A_846 = arith.constant 0 : i32
      %dma_wait3A_847 = tpu.memref_slice %arg2[%add3A, %dma_wait3A_845, %dma_wait3A_846] : memref<32x16x32xi32, #tpu.memory_space<hbm>> -> memref<1x16x32xi32, #tpu.memory_space<hbm>>
      %dma_wait3A_848 = tpu.memref_squeeze %dma_wait3A_847 : memref<1x16x32xi32, #tpu.memory_space<hbm>> -> memref<16x32xi32, #tpu.memory_space<hbm>>
      tpu.wait_dma2 semaphore(%run_scoped3A : memref<!tpu.dma_semaphore, #tpu.memory_space<semaphore_mem>>) src(%dma_wait3A_848 : memref<16x32xi32, #tpu.memory_space<hbm>>) dst(%arg5 : memref<16x32xi32, #tpu.memory_space<vmem>>)
      tpu.yield
    }) : () -> ()
    %dma_start3A = arith.constant 0 : i32
    %dma_start3A_3 = arith.constant 0 : i32
    %dma_start3A_4 = arith.constant 0 : i32
    %dma_start3A_5 = arith.constant 0 : i32
    %dma_start3A_6 = tpu.memref_slice %arg6[%dma_start3A_3, %dma_start3A_4, %dma_start3A_5] : memref<4x32x768xf32, #tpu.memory_space<vmem>> -> memref<1x32x768xf32, #tpu.memory_space<vmem>>
    %dma_start3A_7 = tpu.memref_squeeze %dma_start3A_6 : memref<1x32x768xf32, #tpu.memory_space<vmem>> -> memref<32x768xf32, #tpu.memory_space<vmem>>
    %dma_start3A_8 = arith.constant 0 : i32
    %dma_start3A_9 = tpu.memref_slice %arg5[%dma_start3A, %dma_start3A_8] : memref<16x32xi32, #tpu.memory_space<vmem>> -> memref<1x32xi32, #tpu.memory_space<vmem>>
    %dma_start3A_10 = tpu.memref_squeeze %dma_start3A_9 : memref<1x32xi32, #tpu.memory_space<vmem>> -> memref<32xi32, #tpu.memory_space<vmem>>
    %dma_start3A_11 = arith.constant 0 : i32
    %dma_start3A_12 = arith.constant 0 : i32
    %dma_start3A_13 = tpu.memref_slice %arg3[%dma_start3A_11, %dma_start3A_12] : memref<30522x768xf32, #tpu.memory_space<hbm>> -> memref<30522x768xf32, #tpu.memory_space<hbm>>
    tpu.enqueue_indirect_dma source(%dma_start3A_13 : memref<30522x768xf32, #tpu.memory_space<hbm>>) target(%dma_start3A_7 : memref<32x768xf32, #tpu.memory_space<vmem>>) offsets(%dma_start3A_10 : memref<32xi32, #tpu.memory_space<vmem>>) semaphore(%arg7 : memref<!tpu.dma_semaphore, #tpu.memory_space<semaphore_mem>>)
    %dma_start3A_14 = arith.constant 1 : i32
    %dma_start3A_15 = arith.constant 1 : i32
    %dma_start3A_16 = arith.constant 0 : i32
    %dma_start3A_17 = arith.constant 0 : i32
    %dma_start3A_18 = tpu.memref_slice %arg6[%dma_start3A_15, %dma_start3A_16, %dma_start3A_17] : memref<4x32x768xf32, #tpu.memory_space<vmem>> -> memref<1x32x768xf32, #tpu.memory_space<vmem>>
    %dma_start3A_19 = tpu.memref_squeeze %dma_start3A_18 : memref<1x32x768xf32, #tpu.memory_space<vmem>> -> memref<32x768xf32, #tpu.memory_space<vmem>>
    %dma_start3A_20 = arith.constant 0 : i32
    %dma_start3A_21 = tpu.memref_slice %arg5[%dma_start3A_14, %dma_start3A_20] : memref<16x32xi32, #tpu.memory_space<vmem>> -> memref<1x32xi32, #tpu.memory_space<vmem>>
    %dma_start3A_22 = tpu.memref_squeeze %dma_start3A_21 : memref<1x32xi32, #tpu.memory_space<vmem>> -> memref<32xi32, #tpu.memory_space<vmem>>
    %dma_start3A_23 = arith.constant 0 : i32
    %dma_start3A_24 = arith.constant 0 : i32
    %dma_start3A_25 = tpu.memref_slice %arg3[%dma_start3A_23, %dma_start3A_24] : memref<30522x768xf32, #tpu.memory_space<hbm>> -> memref<30522x768xf32, #tpu.memory_space<hbm>>
    tpu.enqueue_indirect_dma source(%dma_start3A_25 : memref<30522x768xf32, #tpu.memory_space<hbm>>) target(%dma_start3A_19 : memref<32x768xf32, #tpu.memory_space<vmem>>) offsets(%dma_start3A_22 : memref<32xi32, #tpu.memory_space<vmem>>) semaphore(%arg8 : memref<!tpu.dma_semaphore, #tpu.memory_space<semaphore_mem>>)
    %dma_start3A_26 = arith.constant 2 : i32
    %dma_start3A_27 = arith.constant 2 : i32
    %dma_start3A_28 = arith.constant 0 : i32
    %dma_start3A_29 = arith.constant 0 : i32
    %dma_start3A_30 = tpu.memref_slice %arg6[%dma_start3A_27, %dma_start3A_28, %dma_start3A_29] : memref<4x32x768xf32, #tpu.memory_space<vmem>> -> memref<1x32x768xf32, #tpu.memory_space<vmem>>
    %dma_start3A_31 = tpu.memref_squeeze %dma_start3A_30 : memref<1x32x768xf32, #tpu.memory_space<vmem>> -> memref<32x768xf32, #tpu.memory_space<vmem>>
    %dma_start3A_32 = arith.constant 0 : i32
    %dma_start3A_33 = tpu.memref_slice %arg5[%dma_start3A_26, %dma_start3A_32] : memref<16x32xi32, #tpu.memory_space<vmem>> -> memref<1x32xi32, #tpu.memory_space<vmem>>
    %dma_start3A_34 = tpu.memref_squeeze %dma_start3A_33 : memref<1x32xi32, #tpu.memory_space<vmem>> -> memref<32xi32, #tpu.memory_space<vmem>>
    %dma_start3A_35 = arith.constant 0 : i32
    %dma_start3A_36 = arith.constant 0 : i32
    %dma_start3A_37 = tpu.memref_slice %arg3[%dma_start3A_35, %dma_start3A_36] : memref<30522x768xf32, #tpu.memory_space<hbm>> -> memref<30522x768xf32, #tpu.memory_space<hbm>>
    tpu.enqueue_indirect_dma source(%dma_start3A_37 : memref<30522x768xf32, #tpu.memory_space<hbm>>) target(%dma_start3A_31 : memref<32x768xf32, #tpu.memory_space<vmem>>) offsets(%dma_start3A_34 : memref<32xi32, #tpu.memory_space<vmem>>) semaphore(%arg9 : memref<!tpu.dma_semaphore, #tpu.memory_space<semaphore_mem>>)
    %dma_start3A_38 = arith.constant 3 : i32
    %dma_start3A_39 = arith.constant 3 : i32
    %dma_start3A_40 = arith.constant 0 : i32
    %dma_start3A_41 = arith.constant 0 : i32
    %dma_start3A_42 = tpu.memref_slice %arg6[%dma_start3A_39, %dma_start3A_40, %dma_start3A_41] : memref<4x32x768xf32, #tpu.memory_space<vmem>> -> memref<1x32x768xf32, #tpu.memory_space<vmem>>
    %dma_start3A_43 = tpu.memref_squeeze %dma_start3A_42 : memref<1x32x768xf32, #tpu.memory_space<vmem>> -> memref<32x768xf32, #tpu.memory_space<vmem>>
    %dma_start3A_44 = arith.constant 0 : i32
    %dma_start3A_45 = tpu.memref_slice %arg5[%dma_start3A_38, %dma_start3A_44] : memref<16x32xi32, #tpu.memory_space<vmem>> -> memref<1x32xi32, #tpu.memory_space<vmem>>
    %dma_start3A_46 = tpu.memref_squeeze %dma_start3A_45 : memref<1x32xi32, #tpu.memory_space<vmem>> -> memref<32xi32, #tpu.memory_space<vmem>>
    %dma_start3A_47 = arith.constant 0 : i32
    %dma_start3A_48 = arith.constant 0 : i32
    %dma_start3A_49 = tpu.memref_slice %arg3[%dma_start3A_47, %dma_start3A_48] : memref<30522x768xf32, #tpu.memory_space<hbm>> -> memref<30522x768xf32, #tpu.memory_space<hbm>>
    tpu.enqueue_indirect_dma source(%dma_start3A_49 : memref<30522x768xf32, #tpu.memory_space<hbm>>) target(%dma_start3A_43 : memref<32x768xf32, #tpu.memory_space<vmem>>) offsets(%dma_start3A_46 : memref<32xi32, #tpu.memory_space<vmem>>) semaphore(%arg10 : memref<!tpu.dma_semaphore, #tpu.memory_space<semaphore_mem>>)
    %dma_wait3A = arith.constant 0 : i32
    %dma_wait3A_50 = arith.constant 0 : i32
    %dma_wait3A_51 = arith.constant 0 : i32
    %dma_wait3A_52 = arith.constant 0 : i32
    %dma_wait3A_53 = tpu.memref_slice %arg6[%dma_wait3A_50, %dma_wait3A_51, %dma_wait3A_52] : memref<4x32x768xf32, #tpu.memory_space<vmem>> -> memref<1x32x768xf32, #tpu.memory_space<vmem>>
    %dma_wait3A_54 = tpu.memref_squeeze %dma_wait3A_53 : memref<1x32x768xf32, #tpu.memory_space<vmem>> -> memref<32x768xf32, #tpu.memory_space<vmem>>
    %dma_wait3A_55 = arith.constant 0 : i32
    %dma_wait3A_56 = tpu.memref_slice %arg5[%dma_wait3A, %dma_wait3A_55] : memref<16x32xi32, #tpu.memory_space<vmem>> -> memref<1x32xi32, #tpu.memory_space<vmem>>
    %dma_wait3A_57 = tpu.memref_squeeze %dma_wait3A_56 : memref<1x32xi32, #tpu.memory_space<vmem>> -> memref<32xi32, #tpu.memory_space<vmem>>
    %dma_wait3A_58 = arith.constant 0 : i32
    %dma_wait3A_59 = arith.constant 0 : i32
    %dma_wait3A_60 = tpu.memref_slice %arg3[%dma_wait3A_58, %dma_wait3A_59] : memref<30522x768xf32, #tpu.memory_space<hbm>> -> memref<30522x768xf32, #tpu.memory_space<hbm>>
    tpu.wait_indirect_dma semaphore(%arg7 : memref<!tpu.dma_semaphore, #tpu.memory_space<semaphore_mem>>) src(%dma_wait3A_60 : memref<30522x768xf32, #tpu.memory_space<hbm>>) dst(%dma_wait3A_54 : memref<32x768xf32, #tpu.memory_space<vmem>>)
    %add3A_61 = arith.constant 0 : i32
    %add3A_62 = arith.addi %mul3A_2, %add3A_61 : i32
    %dma_start3A_63 = arith.constant 0 : i32
    %dma_start3A_64 = arith.constant 0 : i32
    %dma_start3A_65 = arith.constant 0 : i32
    %dma_start3A_66 = tpu.memref_slice %arg6[%dma_start3A_63, %dma_start3A_64, %dma_start3A_65] : memref<4x32x768xf32, #tpu.memory_space<vmem>> -> memref<1x32x768xf32, #tpu.memory_space<vmem>>
    %dma_start3A_67 = tpu.memref_squeeze %dma_start3A_66 : memref<1x32x768xf32, #tpu.memory_space<vmem>> -> memref<32x768xf32, #tpu.memory_space<vmem>>
    %dma_start3A_68 = arith.constant 0 : i32
    %dma_start3A_69 = tpu.memref_slice %arg4[%add3A_62, %dma_start3A_68] : memref<16384x768xf32, #tpu.memory_space<hbm>> -> memref<32x768xf32, #tpu.memory_space<hbm>>
    %dma_start3A_70 = arith.constant 0 : i32
    %dma_start3A_71 = tpu.memref_slice %arg4[%add3A_62, %dma_start3A_70] : memref<16384x768xf32, #tpu.memory_space<hbm>> -> memref<32x768xf32, #tpu.memory_space<hbm>>
    %dma_start3A_72 = arith.constant 0 : i32
    %dma_start3A_73 = arith.constant 0 : i32
    %dma_start3A_74 = tpu.memref_slice %arg6[%dma_start3A_63, %dma_start3A_72, %dma_start3A_73] : memref<4x32x768xf32, #tpu.memory_space<vmem>> -> memref<1x32x768xf32, #tpu.memory_space<vmem>>
    %dma_start3A_75 = tpu.memref_squeeze %dma_start3A_74 : memref<1x32x768xf32, #tpu.memory_space<vmem>> -> memref<32x768xf32, #tpu.memory_space<vmem>>
    tpu.enqueue_dma source(%dma_start3A_75 : memref<32x768xf32, #tpu.memory_space<vmem>>) target(%dma_start3A_71 : memref<32x768xf32, #tpu.memory_space<hbm>>) target_semaphore(%arg11 : memref<!tpu.dma_semaphore, #tpu.memory_space<semaphore_mem>>)
    %dma_wait3A_76 = arith.constant 1 : i32
    %dma_wait3A_77 = arith.constant 1 : i32
    %dma_wait3A_78 = arith.constant 0 : i32
    %dma_wait3A_79 = arith.constant 0 : i32
    %dma_wait3A_80 = tpu.memref_slice %arg6[%dma_wait3A_77, %dma_wait3A_78, %dma_wait3A_79] : memref<4x32x768xf32, #tpu.memory_space<vmem>> -> memref<1x32x768xf32, #tpu.memory_space<vmem>>
    %dma_wait3A_81 = tpu.memref_squeeze %dma_wait3A_80 : memref<1x32x768xf32, #tpu.memory_space<vmem>> -> memref<32x768xf32, #tpu.memory_space<vmem>>
    %dma_wait3A_82 = arith.constant 0 : i32
    %dma_wait3A_83 = tpu.memref_slice %arg5[%dma_wait3A_76, %dma_wait3A_82] : memref<16x32xi32, #tpu.memory_space<vmem>> -> memref<1x32xi32, #tpu.memory_space<vmem>>
    %dma_wait3A_84 = tpu.memref_squeeze %dma_wait3A_83 : memref<1x32xi32, #tpu.memory_space<vmem>> -> memref<32xi32, #tpu.memory_space<vmem>>
    %dma_wait3A_85 = arith.constant 0 : i32
    %dma_wait3A_86 = arith.constant 0 : i32
    %dma_wait3A_87 = tpu.memref_slice %arg3[%dma_wait3A_85, %dma_wait3A_86] : memref<30522x768xf32, #tpu.memory_space<hbm>> -> memref<30522x768xf32, #tpu.memory_space<hbm>>
    tpu.wait_indirect_dma semaphore(%arg8 : memref<!tpu.dma_semaphore, #tpu.memory_space<semaphore_mem>>) src(%dma_wait3A_87 : memref<30522x768xf32, #tpu.memory_space<hbm>>) dst(%dma_wait3A_81 : memref<32x768xf32, #tpu.memory_space<vmem>>)
    %add3A_88 = arith.constant 32 : i32
    %add3A_89 = arith.addi %mul3A_2, %add3A_88 : i32
    %dma_start3A_90 = arith.constant 1 : i32
    %dma_start3A_91 = arith.constant 0 : i32
    %dma_start3A_92 = arith.constant 0 : i32
    %dma_start3A_93 = tpu.memref_slice %arg6[%dma_start3A_90, %dma_start3A_91, %dma_start3A_92] : memref<4x32x768xf32, #tpu.memory_space<vmem>> -> memref<1x32x768xf32, #tpu.memory_space<vmem>>
    %dma_start3A_94 = tpu.memref_squeeze %dma_start3A_93 : memref<1x32x768xf32, #tpu.memory_space<vmem>> -> memref<32x768xf32, #tpu.memory_space<vmem>>
    %dma_start3A_95 = arith.constant 0 : i32
    %dma_start3A_96 = tpu.memref_slice %arg4[%add3A_89, %dma_start3A_95] : memref<16384x768xf32, #tpu.memory_space<hbm>> -> memref<32x768xf32, #tpu.memory_space<hbm>>
    %dma_start3A_97 = arith.constant 0 : i32
    %dma_start3A_98 = tpu.memref_slice %arg4[%add3A_89, %dma_start3A_97] : memref<16384x768xf32, #tpu.memory_space<hbm>> -> memref<32x768xf32, #tpu.memory_space<hbm>>
    %dma_start3A_99 = arith.constant 0 : i32
    %dma_start3A_100 = arith.constant 0 : i32
    %dma_start3A_101 = tpu.memref_slice %arg6[%dma_start3A_90, %dma_start3A_99, %dma_start3A_100] : memref<4x32x768xf32, #tpu.memory_space<vmem>> -> memref<1x32x768xf32, #tpu.memory_space<vmem>>
    %dma_start3A_102 = tpu.memref_squeeze %dma_start3A_101 : memref<1x32x768xf32, #tpu.memory_space<vmem>> -> memref<32x768xf32, #tpu.memory_space<vmem>>
    tpu.enqueue_dma source(%dma_start3A_102 : memref<32x768xf32, #tpu.memory_space<vmem>>) target(%dma_start3A_98 : memref<32x768xf32, #tpu.memory_space<hbm>>) target_semaphore(%arg12 : memref<!tpu.dma_semaphore, #tpu.memory_space<semaphore_mem>>)
    %dma_wait3A_103 = arith.constant 2 : i32
    %dma_wait3A_104 = arith.constant 2 : i32
    %dma_wait3A_105 = arith.constant 0 : i32
    %dma_wait3A_106 = arith.constant 0 : i32
    %dma_wait3A_107 = tpu.memref_slice %arg6[%dma_wait3A_104, %dma_wait3A_105, %dma_wait3A_106] : memref<4x32x768xf32, #tpu.memory_space<vmem>> -> memref<1x32x768xf32, #tpu.memory_space<vmem>>
    %dma_wait3A_108 = tpu.memref_squeeze %dma_wait3A_107 : memref<1x32x768xf32, #tpu.memory_space<vmem>> -> memref<32x768xf32, #tpu.memory_space<vmem>>
    %dma_wait3A_109 = arith.constant 0 : i32
    %dma_wait3A_110 = tpu.memref_slice %arg5[%dma_wait3A_103, %dma_wait3A_109] : memref<16x32xi32, #tpu.memory_space<vmem>> -> memref<1x32xi32, #tpu.memory_space<vmem>>
    %dma_wait3A_111 = tpu.memref_squeeze %dma_wait3A_110 : memref<1x32xi32, #tpu.memory_space<vmem>> -> memref<32xi32, #tpu.memory_space<vmem>>
    %dma_wait3A_112 = arith.constant 0 : i32
    %dma_wait3A_113 = arith.constant 0 : i32
    %dma_wait3A_114 = tpu.memref_slice %arg3[%dma_wait3A_112, %dma_wait3A_113] : memref<30522x768xf32, #tpu.memory_space<hbm>> -> memref<30522x768xf32, #tpu.memory_space<hbm>>
    tpu.wait_indirect_dma semaphore(%arg9 : memref<!tpu.dma_semaphore, #tpu.memory_space<semaphore_mem>>) src(%dma_wait3A_114 : memref<30522x768xf32, #tpu.memory_space<hbm>>) dst(%dma_wait3A_108 : memref<32x768xf32, #tpu.memory_space<vmem>>)
    %add3A_115 = arith.constant 64 : i32
    %add3A_116 = arith.addi %mul3A_2, %add3A_115 : i32
    %dma_start3A_117 = arith.constant 2 : i32
    %dma_start3A_118 = arith.constant 0 : i32
    %dma_start3A_119 = arith.constant 0 : i32
    %dma_start3A_120 = tpu.memref_slice %arg6[%dma_start3A_117, %dma_start3A_118, %dma_start3A_119] : memref<4x32x768xf32, #tpu.memory_space<vmem>> -> memref<1x32x768xf32, #tpu.memory_space<vmem>>
    %dma_start3A_121 = tpu.memref_squeeze %dma_start3A_120 : memref<1x32x768xf32, #tpu.memory_space<vmem>> -> memref<32x768xf32, #tpu.memory_space<vmem>>
    %dma_start3A_122 = arith.constant 0 : i32
    %dma_start3A_123 = tpu.memref_slice %arg4[%add3A_116, %dma_start3A_122] : memref<16384x768xf32, #tpu.memory_space<hbm>> -> memref<32x768xf32, #tpu.memory_space<hbm>>
    %dma_start3A_124 = arith.constant 0 : i32
    %dma_start3A_125 = tpu.memref_slice %arg4[%add3A_116, %dma_start3A_124] : memref<16384x768xf32, #tpu.memory_space<hbm>> -> memref<32x768xf32, #tpu.memory_space<hbm>>
    %dma_start3A_126 = arith.constant 0 : i32
    %dma_start3A_127 = arith.constant 0 : i32
    %dma_start3A_128 = tpu.memref_slice %arg6[%dma_start3A_117, %dma_start3A_126, %dma_start3A_127] : memref<4x32x768xf32, #tpu.memory_space<vmem>> -> memref<1x32x768xf32, #tpu.memory_space<vmem>>
    %dma_start3A_129 = tpu.memref_squeeze %dma_start3A_128 : memref<1x32x768xf32, #tpu.memory_space<vmem>> -> memref<32x768xf32, #tpu.memory_space<vmem>>
    tpu.enqueue_dma source(%dma_start3A_129 : memref<32x768xf32, #tpu.memory_space<vmem>>) target(%dma_start3A_125 : memref<32x768xf32, #tpu.memory_space<hbm>>) target_semaphore(%arg13 : memref<!tpu.dma_semaphore, #tpu.memory_space<semaphore_mem>>)
    %dma_wait3A_130 = arith.constant 0 : i32
    %dma_wait3A_131 = arith.constant 0 : i32
    %dma_wait3A_132 = arith.constant 0 : i32
    %dma_wait3A_133 = tpu.memref_slice %arg6[%dma_wait3A_130, %dma_wait3A_131, %dma_wait3A_132] : memref<4x32x768xf32, #tpu.memory_space<vmem>> -> memref<1x32x768xf32, #tpu.memory_space<vmem>>
    %dma_wait3A_134 = tpu.memref_squeeze %dma_wait3A_133 : memref<1x32x768xf32, #tpu.memory_space<vmem>> -> memref<32x768xf32, #tpu.memory_space<vmem>>
    %dma_wait3A_135 = arith.constant 0 : i32
    %dma_wait3A_136 = tpu.memref_slice %arg4[%add3A_62, %dma_wait3A_135] : memref<16384x768xf32, #tpu.memory_space<hbm>> -> memref<32x768xf32, #tpu.memory_space<hbm>>
    %dma_wait3A_137 = arith.constant 0 : i32
    %dma_wait3A_138 = tpu.memref_slice %arg4[%add3A_62, %dma_wait3A_137] : memref<16384x768xf32, #tpu.memory_space<hbm>> -> memref<32x768xf32, #tpu.memory_space<hbm>>
    %dma_wait3A_139 = arith.constant 0 : i32
    %dma_wait3A_140 = arith.constant 0 : i32
    %dma_wait3A_141 = tpu.memref_slice %arg6[%dma_wait3A_130, %dma_wait3A_139, %dma_wait3A_140] : memref<4x32x768xf32, #tpu.memory_space<vmem>> -> memref<1x32x768xf32, #tpu.memory_space<vmem>>
    %dma_wait3A_142 = tpu.memref_squeeze %dma_wait3A_141 : memref<1x32x768xf32, #tpu.memory_space<vmem>> -> memref<32x768xf32, #tpu.memory_space<vmem>>
    tpu.wait_dma2 semaphore(%arg11 : memref<!tpu.dma_semaphore, #tpu.memory_space<semaphore_mem>>) src(%dma_wait3A_142 : memref<32x768xf32, #tpu.memory_space<vmem>>) dst(%dma_wait3A_138 : memref<32x768xf32, #tpu.memory_space<hbm>>)
    %dma_start3A_143 = arith.constant 4 : i32
    %dma_start3A_144 = arith.constant 0 : i32
    %dma_start3A_145 = arith.constant 0 : i32
    %dma_start3A_146 = arith.constant 0 : i32
    %dma_start3A_147 = tpu.memref_slice %arg6[%dma_start3A_144, %dma_start3A_145, %dma_start3A_146] : memref<4x32x768xf32, #tpu.memory_space<vmem>> -> memref<1x32x768xf32, #tpu.memory_space<vmem>>
    %dma_start3A_148 = tpu.memref_squeeze %dma_start3A_147 : memref<1x32x768xf32, #tpu.memory_space<vmem>> -> memref<32x768xf32, #tpu.memory_space<vmem>>
    %dma_start3A_149 = arith.constant 0 : i32
    %dma_start3A_150 = tpu.memref_slice %arg5[%dma_start3A_143, %dma_start3A_149] : memref<16x32xi32, #tpu.memory_space<vmem>> -> memref<1x32xi32, #tpu.memory_space<vmem>>
    %dma_start3A_151 = tpu.memref_squeeze %dma_start3A_150 : memref<1x32xi32, #tpu.memory_space<vmem>> -> memref<32xi32, #tpu.memory_space<vmem>>
    %dma_start3A_152 = arith.constant 0 : i32
    %dma_start3A_153 = arith.constant 0 : i32
    %dma_start3A_154 = tpu.memref_slice %arg3[%dma_start3A_152, %dma_start3A_153] : memref<30522x768xf32, #tpu.memory_space<hbm>> -> memref<30522x768xf32, #tpu.memory_space<hbm>>
    tpu.enqueue_indirect_dma source(%dma_start3A_154 : memref<30522x768xf32, #tpu.memory_space<hbm>>) target(%dma_start3A_148 : memref<32x768xf32, #tpu.memory_space<vmem>>) offsets(%dma_start3A_151 : memref<32xi32, #tpu.memory_space<vmem>>) semaphore(%arg7 : memref<!tpu.dma_semaphore, #tpu.memory_space<semaphore_mem>>)
    %dma_wait3A_155 = arith.constant 3 : i32
    %dma_wait3A_156 = arith.constant 3 : i32
    %dma_wait3A_157 = arith.constant 0 : i32
    %dma_wait3A_158 = arith.constant 0 : i32
    %dma_wait3A_159 = tpu.memref_slice %arg6[%dma_wait3A_156, %dma_wait3A_157, %dma_wait3A_158] : memref<4x32x768xf32, #tpu.memory_space<vmem>> -> memref<1x32x768xf32, #tpu.memory_space<vmem>>
    %dma_wait3A_160 = tpu.memref_squeeze %dma_wait3A_159 : memref<1x32x768xf32, #tpu.memory_space<vmem>> -> memref<32x768xf32, #tpu.memory_space<vmem>>
    %dma_wait3A_161 = arith.constant 0 : i32
    %dma_wait3A_162 = tpu.memref_slice %arg5[%dma_wait3A_155, %dma_wait3A_161] : memref<16x32xi32, #tpu.memory_space<vmem>> -> memref<1x32xi32, #tpu.memory_space<vmem>>
    %dma_wait3A_163 = tpu.memref_squeeze %dma_wait3A_162 : memref<1x32xi32, #tpu.memory_space<vmem>> -> memref<32xi32, #tpu.memory_space<vmem>>
    %dma_wait3A_164 = arith.constant 0 : i32
    %dma_wait3A_165 = arith.constant 0 : i32
    %dma_wait3A_166 = tpu.memref_slice %arg3[%dma_wait3A_164, %dma_wait3A_165] : memref<30522x768xf32, #tpu.memory_space<hbm>> -> memref<30522x768xf32, #tpu.memory_space<hbm>>
    tpu.wait_indirect_dma semaphore(%arg10 : memref<!tpu.dma_semaphore, #tpu.memory_space<semaphore_mem>>) src(%dma_wait3A_166 : memref<30522x768xf32, #tpu.memory_space<hbm>>) dst(%dma_wait3A_160 : memref<32x768xf32, #tpu.memory_space<vmem>>)
    %add3A_167 = arith.constant 96 : i32
    %add3A_168 = arith.addi %mul3A_2, %add3A_167 : i32
    %dma_start3A_169 = arith.constant 3 : i32
    %dma_start3A_170 = arith.constant 0 : i32
    %dma_start3A_171 = arith.constant 0 : i32
    %dma_start3A_172 = tpu.memref_slice %arg6[%dma_start3A_169, %dma_start3A_170, %dma_start3A_171] : memref<4x32x768xf32, #tpu.memory_space<vmem>> -> memref<1x32x768xf32, #tpu.memory_space<vmem>>
    %dma_start3A_173 = tpu.memref_squeeze %dma_start3A_172 : memref<1x32x768xf32, #tpu.memory_space<vmem>> -> memref<32x768xf32, #tpu.memory_space<vmem>>
    %dma_start3A_174 = arith.constant 0 : i32
    %dma_start3A_175 = tpu.memref_slice %arg4[%add3A_168, %dma_start3A_174] : memref<16384x768xf32, #tpu.memory_space<hbm>> -> memref<32x768xf32, #tpu.memory_space<hbm>>
    %dma_start3A_176 = arith.constant 0 : i32
    %dma_start3A_177 = tpu.memref_slice %arg4[%add3A_168, %dma_start3A_176] : memref<16384x768xf32, #tpu.memory_space<hbm>> -> memref<32x768xf32, #tpu.memory_space<hbm>>
    %dma_start3A_178 = arith.constant 0 : i32
    %dma_start3A_179 = arith.constant 0 : i32
    %dma_start3A_180 = tpu.memref_slice %arg6[%dma_start3A_169, %dma_start3A_178, %dma_start3A_179] : memref<4x32x768xf32, #tpu.memory_space<vmem>> -> memref<1x32x768xf32, #tpu.memory_space<vmem>>
    %dma_start3A_181 = tpu.memref_squeeze %dma_start3A_180 : memref<1x32x768xf32, #tpu.memory_space<vmem>> -> memref<32x768xf32, #tpu.memory_space<vmem>>
    tpu.enqueue_dma source(%dma_start3A_181 : memref<32x768xf32, #tpu.memory_space<vmem>>) target(%dma_start3A_177 : memref<32x768xf32, #tpu.memory_space<hbm>>) target_semaphore(%arg14 : memref<!tpu.dma_semaphore, #tpu.memory_space<semaphore_mem>>)
    %dma_wait3A_182 = arith.constant 1 : i32
    %dma_wait3A_183 = arith.constant 0 : i32
    %dma_wait3A_184 = arith.constant 0 : i32
    %dma_wait3A_185 = tpu.memref_slice %arg6[%dma_wait3A_182, %dma_wait3A_183, %dma_wait3A_184] : memref<4x32x768xf32, #tpu.memory_space<vmem>> -> memref<1x32x768xf32, #tpu.memory_space<vmem>>
    %dma_wait3A_186 = tpu.memref_squeeze %dma_wait3A_185 : memref<1x32x768xf32, #tpu.memory_space<vmem>> -> memref<32x768xf32, #tpu.memory_space<vmem>>
    %dma_wait3A_187 = arith.constant 0 : i32
    %dma_wait3A_188 = tpu.memref_slice %arg4[%add3A_89, %dma_wait3A_187] : memref<16384x768xf32, #tpu.memory_space<hbm>> -> memref<32x768xf32, #tpu.memory_space<hbm>>
    %dma_wait3A_189 = arith.constant 0 : i32
    %dma_wait3A_190 = tpu.memref_slice %arg4[%add3A_89, %dma_wait3A_189] : memref<16384x768xf32, #tpu.memory_space<hbm>> -> memref<32x768xf32, #tpu.memory_space<hbm>>
    %dma_wait3A_191 = arith.constant 0 : i32
    %dma_wait3A_192 = arith.constant 0 : i32
    %dma_wait3A_193 = tpu.memref_slice %arg6[%dma_wait3A_182, %dma_wait3A_191, %dma_wait3A_192] : memref<4x32x768xf32, #tpu.memory_space<vmem>> -> memref<1x32x768xf32, #tpu.memory_space<vmem>>
    %dma_wait3A_194 = tpu.memref_squeeze %dma_wait3A_193 : memref<1x32x768xf32, #tpu.memory_space<vmem>> -> memref<32x768xf32, #tpu.memory_space<vmem>>
    tpu.wait_dma2 semaphore(%arg12 : memref<!tpu.dma_semaphore, #tpu.memory_space<semaphore_mem>>) src(%dma_wait3A_194 : memref<32x768xf32, #tpu.memory_space<vmem>>) dst(%dma_wait3A_190 : memref<32x768xf32, #tpu.memory_space<hbm>>)
    %dma_start3A_195 = arith.constant 5 : i32
    %dma_start3A_196 = arith.constant 1 : i32
    %dma_start3A_197 = arith.constant 0 : i32
    %dma_start3A_198 = arith.constant 0 : i32
    %dma_start3A_199 = tpu.memref_slice %arg6[%dma_start3A_196, %dma_start3A_197, %dma_start3A_198] : memref<4x32x768xf32, #tpu.memory_space<vmem>> -> memref<1x32x768xf32, #tpu.memory_space<vmem>>
    %dma_start3A_200 = tpu.memref_squeeze %dma_start3A_199 : memref<1x32x768xf32, #tpu.memory_space<vmem>> -> memref<32x768xf32, #tpu.memory_space<vmem>>
    %dma_start3A_201 = arith.constant 0 : i32
    %dma_start3A_202 = tpu.memref_slice %arg5[%dma_start3A_195, %dma_start3A_201] : memref<16x32xi32, #tpu.memory_space<vmem>> -> memref<1x32xi32, #tpu.memory_space<vmem>>
    %dma_start3A_203 = tpu.memref_squeeze %dma_start3A_202 : memref<1x32xi32, #tpu.memory_space<vmem>> -> memref<32xi32, #tpu.memory_space<vmem>>
    %dma_start3A_204 = arith.constant 0 : i32
    %dma_start3A_205 = arith.constant 0 : i32
    %dma_start3A_206 = tpu.memref_slice %arg3[%dma_start3A_204, %dma_start3A_205] : memref<30522x768xf32, #tpu.memory_space<hbm>> -> memref<30522x768xf32, #tpu.memory_space<hbm>>
    tpu.enqueue_indirect_dma source(%dma_start3A_206 : memref<30522x768xf32, #tpu.memory_space<hbm>>) target(%dma_start3A_200 : memref<32x768xf32, #tpu.memory_space<vmem>>) offsets(%dma_start3A_203 : memref<32xi32, #tpu.memory_space<vmem>>) semaphore(%arg8 : memref<!tpu.dma_semaphore, #tpu.memory_space<semaphore_mem>>)
    %dma_wait3A_207 = arith.constant 4 : i32
    %dma_wait3A_208 = arith.constant 0 : i32
    %dma_wait3A_209 = arith.constant 0 : i32
    %dma_wait3A_210 = arith.constant 0 : i32
    %dma_wait3A_211 = tpu.memref_slice %arg6[%dma_wait3A_208, %dma_wait3A_209, %dma_wait3A_210] : memref<4x32x768xf32, #tpu.memory_space<vmem>> -> memref<1x32x768xf32, #tpu.memory_space<vmem>>
    %dma_wait3A_212 = tpu.memref_squeeze %dma_wait3A_211 : memref<1x32x768xf32, #tpu.memory_space<vmem>> -> memref<32x768xf32, #tpu.memory_space<vmem>>
    %dma_wait3A_213 = arith.constant 0 : i32
    %dma_wait3A_214 = tpu.memref_slice %arg5[%dma_wait3A_207, %dma_wait3A_213] : memref<16x32xi32, #tpu.memory_space<vmem>> -> memref<1x32xi32, #tpu.memory_space<vmem>>
    %dma_wait3A_215 = tpu.memref_squeeze %dma_wait3A_214 : memref<1x32xi32, #tpu.memory_space<vmem>> -> memref<32xi32, #tpu.memory_space<vmem>>
    %dma_wait3A_216 = arith.constant 0 : i32
    %dma_wait3A_217 = arith.constant 0 : i32
    %dma_wait3A_218 = tpu.memref_slice %arg3[%dma_wait3A_216, %dma_wait3A_217] : memref<30522x768xf32, #tpu.memory_space<hbm>> -> memref<30522x768xf32, #tpu.memory_space<hbm>>
    tpu.wait_indirect_dma semaphore(%arg7 : memref<!tpu.dma_semaphore, #tpu.memory_space<semaphore_mem>>) src(%dma_wait3A_218 : memref<30522x768xf32, #tpu.memory_space<hbm>>) dst(%dma_wait3A_212 : memref<32x768xf32, #tpu.memory_space<vmem>>)
    %add3A_219 = arith.constant 128 : i32
    %add3A_220 = arith.addi %mul3A_2, %add3A_219 : i32
    %dma_start3A_221 = arith.constant 0 : i32
    %dma_start3A_222 = arith.constant 0 : i32
    %dma_start3A_223 = arith.constant 0 : i32
    %dma_start3A_224 = tpu.memref_slice %arg6[%dma_start3A_221, %dma_start3A_222, %dma_start3A_223] : memref<4x32x768xf32, #tpu.memory_space<vmem>> -> memref<1x32x768xf32, #tpu.memory_space<vmem>>
    %dma_start3A_225 = tpu.memref_squeeze %dma_start3A_224 : memref<1x32x768xf32, #tpu.memory_space<vmem>> -> memref<32x768xf32, #tpu.memory_space<vmem>>
    %dma_start3A_226 = arith.constant 0 : i32
    %dma_start3A_227 = tpu.memref_slice %arg4[%add3A_220, %dma_start3A_226] : memref<16384x768xf32, #tpu.memory_space<hbm>> -> memref<32x768xf32, #tpu.memory_space<hbm>>
    %dma_start3A_228 = arith.constant 0 : i32
    %dma_start3A_229 = tpu.memref_slice %arg4[%add3A_220, %dma_start3A_228] : memref<16384x768xf32, #tpu.memory_space<hbm>> -> memref<32x768xf32, #tpu.memory_space<hbm>>
    %dma_start3A_230 = arith.constant 0 : i32
    %dma_start3A_231 = arith.constant 0 : i32
    %dma_start3A_232 = tpu.memref_slice %arg6[%dma_start3A_221, %dma_start3A_230, %dma_start3A_231] : memref<4x32x768xf32, #tpu.memory_space<vmem>> -> memref<1x32x768xf32, #tpu.memory_space<vmem>>
    %dma_start3A_233 = tpu.memref_squeeze %dma_start3A_232 : memref<1x32x768xf32, #tpu.memory_space<vmem>> -> memref<32x768xf32, #tpu.memory_space<vmem>>
    tpu.enqueue_dma source(%dma_start3A_233 : memref<32x768xf32, #tpu.memory_space<vmem>>) target(%dma_start3A_229 : memref<32x768xf32, #tpu.memory_space<hbm>>) target_semaphore(%arg11 : memref<!tpu.dma_semaphore, #tpu.memory_space<semaphore_mem>>)
    %dma_wait3A_234 = arith.constant 2 : i32
    %dma_wait3A_235 = arith.constant 0 : i32
    %dma_wait3A_236 = arith.constant 0 : i32
    %dma_wait3A_237 = tpu.memref_slice %arg6[%dma_wait3A_234, %dma_wait3A_235, %dma_wait3A_236] : memref<4x32x768xf32, #tpu.memory_space<vmem>> -> memref<1x32x768xf32, #tpu.memory_space<vmem>>
    %dma_wait3A_238 = tpu.memref_squeeze %dma_wait3A_237 : memref<1x32x768xf32, #tpu.memory_space<vmem>> -> memref<32x768xf32, #tpu.memory_space<vmem>>
    %dma_wait3A_239 = arith.constant 0 : i32
    %dma_wait3A_240 = tpu.memref_slice %arg4[%add3A_116, %dma_wait3A_239] : memref<16384x768xf32, #tpu.memory_space<hbm>> -> memref<32x768xf32, #tpu.memory_space<hbm>>
    %dma_wait3A_241 = arith.constant 0 : i32
    %dma_wait3A_242 = tpu.memref_slice %arg4[%add3A_116, %dma_wait3A_241] : memref<16384x768xf32, #tpu.memory_space<hbm>> -> memref<32x768xf32, #tpu.memory_space<hbm>>
    %dma_wait3A_243 = arith.constant 0 : i32
    %dma_wait3A_244 = arith.constant 0 : i32
    %dma_wait3A_245 = tpu.memref_slice %arg6[%dma_wait3A_234, %dma_wait3A_243, %dma_wait3A_244] : memref<4x32x768xf32, #tpu.memory_space<vmem>> -> memref<1x32x768xf32, #tpu.memory_space<vmem>>
    %dma_wait3A_246 = tpu.memref_squeeze %dma_wait3A_245 : memref<1x32x768xf32, #tpu.memory_space<vmem>> -> memref<32x768xf32, #tpu.memory_space<vmem>>
    tpu.wait_dma2 semaphore(%arg13 : memref<!tpu.dma_semaphore, #tpu.memory_space<semaphore_mem>>) src(%dma_wait3A_246 : memref<32x768xf32, #tpu.memory_space<vmem>>) dst(%dma_wait3A_242 : memref<32x768xf32, #tpu.memory_space<hbm>>)
    %dma_start3A_247 = arith.constant 6 : i32
    %dma_start3A_248 = arith.constant 2 : i32
    %dma_start3A_249 = arith.constant 0 : i32
    %dma_start3A_250 = arith.constant 0 : i32
    %dma_start3A_251 = tpu.memref_slice %arg6[%dma_start3A_248, %dma_start3A_249, %dma_start3A_250] : memref<4x32x768xf32, #tpu.memory_space<vmem>> -> memref<1x32x768xf32, #tpu.memory_space<vmem>>
    %dma_start3A_252 = tpu.memref_squeeze %dma_start3A_251 : memref<1x32x768xf32, #tpu.memory_space<vmem>> -> memref<32x768xf32, #tpu.memory_space<vmem>>
    %dma_start3A_253 = arith.constant 0 : i32
    %dma_start3A_254 = tpu.memref_slice %arg5[%dma_start3A_247, %dma_start3A_253] : memref<16x32xi32, #tpu.memory_space<vmem>> -> memref<1x32xi32, #tpu.memory_space<vmem>>
    %dma_start3A_255 = tpu.memref_squeeze %dma_start3A_254 : memref<1x32xi32, #tpu.memory_space<vmem>> -> memref<32xi32, #tpu.memory_space<vmem>>
    %dma_start3A_256 = arith.constant 0 : i32
    %dma_start3A_257 = arith.constant 0 : i32
    %dma_start3A_258 = tpu.memref_slice %arg3[%dma_start3A_256, %dma_start3A_257] : memref<30522x768xf32, #tpu.memory_space<hbm>> -> memref<30522x768xf32, #tpu.memory_space<hbm>>
    tpu.enqueue_indirect_dma source(%dma_start3A_258 : memref<30522x768xf32, #tpu.memory_space<hbm>>) target(%dma_start3A_252 : memref<32x768xf32, #tpu.memory_space<vmem>>) offsets(%dma_start3A_255 : memref<32xi32, #tpu.memory_space<vmem>>) semaphore(%arg9 : memref<!tpu.dma_semaphore, #tpu.memory_space<semaphore_mem>>)
    %dma_wait3A_259 = arith.constant 5 : i32
    %dma_wait3A_260 = arith.constant 1 : i32
    %dma_wait3A_261 = arith.constant 0 : i32
    %dma_wait3A_262 = arith.constant 0 : i32
    %dma_wait3A_263 = tpu.memref_slice %arg6[%dma_wait3A_260, %dma_wait3A_261, %dma_wait3A_262] : memref<4x32x768xf32, #tpu.memory_space<vmem>> -> memref<1x32x768xf32, #tpu.memory_space<vmem>>
    %dma_wait3A_264 = tpu.memref_squeeze %dma_wait3A_263 : memref<1x32x768xf32, #tpu.memory_space<vmem>> -> memref<32x768xf32, #tpu.memory_space<vmem>>
    %dma_wait3A_265 = arith.constant 0 : i32
    %dma_wait3A_266 = tpu.memref_slice %arg5[%dma_wait3A_259, %dma_wait3A_265] : memref<16x32xi32, #tpu.memory_space<vmem>> -> memref<1x32xi32, #tpu.memory_space<vmem>>
    %dma_wait3A_267 = tpu.memref_squeeze %dma_wait3A_266 : memref<1x32xi32, #tpu.memory_space<vmem>> -> memref<32xi32, #tpu.memory_space<vmem>>
    %dma_wait3A_268 = arith.constant 0 : i32
    %dma_wait3A_269 = arith.constant 0 : i32
    %dma_wait3A_270 = tpu.memref_slice %arg3[%dma_wait3A_268, %dma_wait3A_269] : memref<30522x768xf32, #tpu.memory_space<hbm>> -> memref<30522x768xf32, #tpu.memory_space<hbm>>
    tpu.wait_indirect_dma semaphore(%arg8 : memref<!tpu.dma_semaphore, #tpu.memory_space<semaphore_mem>>) src(%dma_wait3A_270 : memref<30522x768xf32, #tpu.memory_space<hbm>>) dst(%dma_wait3A_264 : memref<32x768xf32, #tpu.memory_space<vmem>>)
    %add3A_271 = arith.constant 160 : i32
    %add3A_272 = arith.addi %mul3A_2, %add3A_271 : i32
    %dma_start3A_273 = arith.constant 1 : i32
    %dma_start3A_274 = arith.constant 0 : i32
    %dma_start3A_275 = arith.constant 0 : i32
    %dma_start3A_276 = tpu.memref_slice %arg6[%dma_start3A_273, %dma_start3A_274, %dma_start3A_275] : memref<4x32x768xf32, #tpu.memory_space<vmem>> -> memref<1x32x768xf32, #tpu.memory_space<vmem>>
    %dma_start3A_277 = tpu.memref_squeeze %dma_start3A_276 : memref<1x32x768xf32, #tpu.memory_space<vmem>> -> memref<32x768xf32, #tpu.memory_space<vmem>>
    %dma_start3A_278 = arith.constant 0 : i32
    %dma_start3A_279 = tpu.memref_slice %arg4[%add3A_272, %dma_start3A_278] : memref<16384x768xf32, #tpu.memory_space<hbm>> -> memref<32x768xf32, #tpu.memory_space<hbm>>
    %dma_start3A_280 = arith.constant 0 : i32
    %dma_start3A_281 = tpu.memref_slice %arg4[%add3A_272, %dma_start3A_280] : memref<16384x768xf32, #tpu.memory_space<hbm>> -> memref<32x768xf32, #tpu.memory_space<hbm>>
    %dma_start3A_282 = arith.constant 0 : i32
    %dma_start3A_283 = arith.constant 0 : i32
    %dma_start3A_284 = tpu.memref_slice %arg6[%dma_start3A_273, %dma_start3A_282, %dma_start3A_283] : memref<4x32x768xf32, #tpu.memory_space<vmem>> -> memref<1x32x768xf32, #tpu.memory_space<vmem>>
    %dma_start3A_285 = tpu.memref_squeeze %dma_start3A_284 : memref<1x32x768xf32, #tpu.memory_space<vmem>> -> memref<32x768xf32, #tpu.memory_space<vmem>>
    tpu.enqueue_dma source(%dma_start3A_285 : memref<32x768xf32, #tpu.memory_space<vmem>>) target(%dma_start3A_281 : memref<32x768xf32, #tpu.memory_space<hbm>>) target_semaphore(%arg12 : memref<!tpu.dma_semaphore, #tpu.memory_space<semaphore_mem>>)
    %dma_wait3A_286 = arith.constant 3 : i32
    %dma_wait3A_287 = arith.constant 0 : i32
    %dma_wait3A_288 = arith.constant 0 : i32
    %dma_wait3A_289 = tpu.memref_slice %arg6[%dma_wait3A_286, %dma_wait3A_287, %dma_wait3A_288] : memref<4x32x768xf32, #tpu.memory_space<vmem>> -> memref<1x32x768xf32, #tpu.memory_space<vmem>>
    %dma_wait3A_290 = tpu.memref_squeeze %dma_wait3A_289 : memref<1x32x768xf32, #tpu.memory_space<vmem>> -> memref<32x768xf32, #tpu.memory_space<vmem>>
    %dma_wait3A_291 = arith.constant 0 : i32
    %dma_wait3A_292 = tpu.memref_slice %arg4[%add3A_168, %dma_wait3A_291] : memref<16384x768xf32, #tpu.memory_space<hbm>> -> memref<32x768xf32, #tpu.memory_space<hbm>>
    %dma_wait3A_293 = arith.constant 0 : i32
    %dma_wait3A_294 = tpu.memref_slice %arg4[%add3A_168, %dma_wait3A_293] : memref<16384x768xf32, #tpu.memory_space<hbm>> -> memref<32x768xf32, #tpu.memory_space<hbm>>
    %dma_wait3A_295 = arith.constant 0 : i32
    %dma_wait3A_296 = arith.constant 0 : i32
    %dma_wait3A_297 = tpu.memref_slice %arg6[%dma_wait3A_286, %dma_wait3A_295, %dma_wait3A_296] : memref<4x32x768xf32, #tpu.memory_space<vmem>> -> memref<1x32x768xf32, #tpu.memory_space<vmem>>
    %dma_wait3A_298 = tpu.memref_squeeze %dma_wait3A_297 : memref<1x32x768xf32, #tpu.memory_space<vmem>> -> memref<32x768xf32, #tpu.memory_space<vmem>>
    tpu.wait_dma2 semaphore(%arg14 : memref<!tpu.dma_semaphore, #tpu.memory_space<semaphore_mem>>) src(%dma_wait3A_298 : memref<32x768xf32, #tpu.memory_space<vmem>>) dst(%dma_wait3A_294 : memref<32x768xf32, #tpu.memory_space<hbm>>)
    %dma_start3A_299 = arith.constant 7 : i32
    %dma_start3A_300 = arith.constant 3 : i32
    %dma_start3A_301 = arith.constant 0 : i32
    %dma_start3A_302 = arith.constant 0 : i32
    %dma_start3A_303 = tpu.memref_slice %arg6[%dma_start3A_300, %dma_start3A_301, %dma_start3A_302] : memref<4x32x768xf32, #tpu.memory_space<vmem>> -> memref<1x32x768xf32, #tpu.memory_space<vmem>>
    %dma_start3A_304 = tpu.memref_squeeze %dma_start3A_303 : memref<1x32x768xf32, #tpu.memory_space<vmem>> -> memref<32x768xf32, #tpu.memory_space<vmem>>
    %dma_start3A_305 = arith.constant 0 : i32
    %dma_start3A_306 = tpu.memref_slice %arg5[%dma_start3A_299, %dma_start3A_305] : memref<16x32xi32, #tpu.memory_space<vmem>> -> memref<1x32xi32, #tpu.memory_space<vmem>>
    %dma_start3A_307 = tpu.memref_squeeze %dma_start3A_306 : memref<1x32xi32, #tpu.memory_space<vmem>> -> memref<32xi32, #tpu.memory_space<vmem>>
    %dma_start3A_308 = arith.constant 0 : i32
    %dma_start3A_309 = arith.constant 0 : i32
    %dma_start3A_310 = tpu.memref_slice %arg3[%dma_start3A_308, %dma_start3A_309] : memref<30522x768xf32, #tpu.memory_space<hbm>> -> memref<30522x768xf32, #tpu.memory_space<hbm>>
    tpu.enqueue_indirect_dma source(%dma_start3A_310 : memref<30522x768xf32, #tpu.memory_space<hbm>>) target(%dma_start3A_304 : memref<32x768xf32, #tpu.memory_space<vmem>>) offsets(%dma_start3A_307 : memref<32xi32, #tpu.memory_space<vmem>>) semaphore(%arg10 : memref<!tpu.dma_semaphore, #tpu.memory_space<semaphore_mem>>)
    %dma_wait3A_311 = arith.constant 6 : i32
    %dma_wait3A_312 = arith.constant 2 : i32
    %dma_wait3A_313 = arith.constant 0 : i32
    %dma_wait3A_314 = arith.constant 0 : i32
    %dma_wait3A_315 = tpu.memref_slice %arg6[%dma_wait3A_312, %dma_wait3A_313, %dma_wait3A_314] : memref<4x32x768xf32, #tpu.memory_space<vmem>> -> memref<1x32x768xf32, #tpu.memory_space<vmem>>
    %dma_wait3A_316 = tpu.memref_squeeze %dma_wait3A_315 : memref<1x32x768xf32, #tpu.memory_space<vmem>> -> memref<32x768xf32, #tpu.memory_space<vmem>>
    %dma_wait3A_317 = arith.constant 0 : i32
    %dma_wait3A_318 = tpu.memref_slice %arg5[%dma_wait3A_311, %dma_wait3A_317] : memref<16x32xi32, #tpu.memory_space<vmem>> -> memref<1x32xi32, #tpu.memory_space<vmem>>
    %dma_wait3A_319 = tpu.memref_squeeze %dma_wait3A_318 : memref<1x32xi32, #tpu.memory_space<vmem>> -> memref<32xi32, #tpu.memory_space<vmem>>
    %dma_wait3A_320 = arith.constant 0 : i32
    %dma_wait3A_321 = arith.constant 0 : i32
    %dma_wait3A_322 = tpu.memref_slice %arg3[%dma_wait3A_320, %dma_wait3A_321] : memref<30522x768xf32, #tpu.memory_space<hbm>> -> memref<30522x768xf32, #tpu.memory_space<hbm>>
    tpu.wait_indirect_dma semaphore(%arg9 : memref<!tpu.dma_semaphore, #tpu.memory_space<semaphore_mem>>) src(%dma_wait3A_322 : memref<30522x768xf32, #tpu.memory_space<hbm>>) dst(%dma_wait3A_316 : memref<32x768xf32, #tpu.memory_space<vmem>>)
    %add3A_323 = arith.constant 192 : i32
    %add3A_324 = arith.addi %mul3A_2, %add3A_323 : i32
    %dma_start3A_325 = arith.constant 2 : i32
    %dma_start3A_326 = arith.constant 0 : i32
    %dma_start3A_327 = arith.constant 0 : i32
    %dma_start3A_328 = tpu.memref_slice %arg6[%dma_start3A_325, %dma_start3A_326, %dma_start3A_327] : memref<4x32x768xf32, #tpu.memory_space<vmem>> -> memref<1x32x768xf32, #tpu.memory_space<vmem>>
    %dma_start3A_329 = tpu.memref_squeeze %dma_start3A_328 : memref<1x32x768xf32, #tpu.memory_space<vmem>> -> memref<32x768xf32, #tpu.memory_space<vmem>>
    %dma_start3A_330 = arith.constant 0 : i32
    %dma_start3A_331 = tpu.memref_slice %arg4[%add3A_324, %dma_start3A_330] : memref<16384x768xf32, #tpu.memory_space<hbm>> -> memref<32x768xf32, #tpu.memory_space<hbm>>
    %dma_start3A_332 = arith.constant 0 : i32
    %dma_start3A_333 = tpu.memref_slice %arg4[%add3A_324, %dma_start3A_332] : memref<16384x768xf32, #tpu.memory_space<hbm>> -> memref<32x768xf32, #tpu.memory_space<hbm>>
    %dma_start3A_334 = arith.constant 0 : i32
    %dma_start3A_335 = arith.constant 0 : i32
    %dma_start3A_336 = tpu.memref_slice %arg6[%dma_start3A_325, %dma_start3A_334, %dma_start3A_335] : memref<4x32x768xf32, #tpu.memory_space<vmem>> -> memref<1x32x768xf32, #tpu.memory_space<vmem>>
    %dma_start3A_337 = tpu.memref_squeeze %dma_start3A_336 : memref<1x32x768xf32, #tpu.memory_space<vmem>> -> memref<32x768xf32, #tpu.memory_space<vmem>>
    tpu.enqueue_dma source(%dma_start3A_337 : memref<32x768xf32, #tpu.memory_space<vmem>>) target(%dma_start3A_333 : memref<32x768xf32, #tpu.memory_space<hbm>>) target_semaphore(%arg13 : memref<!tpu.dma_semaphore, #tpu.memory_space<semaphore_mem>>)
    %dma_wait3A_338 = arith.constant 0 : i32
    %dma_wait3A_339 = arith.constant 0 : i32
    %dma_wait3A_340 = arith.constant 0 : i32
    %dma_wait3A_341 = tpu.memref_slice %arg6[%dma_wait3A_338, %dma_wait3A_339, %dma_wait3A_340] : memref<4x32x768xf32, #tpu.memory_space<vmem>> -> memref<1x32x768xf32, #tpu.memory_space<vmem>>
    %dma_wait3A_342 = tpu.memref_squeeze %dma_wait3A_341 : memref<1x32x768xf32, #tpu.memory_space<vmem>> -> memref<32x768xf32, #tpu.memory_space<vmem>>
    %dma_wait3A_343 = arith.constant 0 : i32
    %dma_wait3A_344 = tpu.memref_slice %arg4[%add3A_220, %dma_wait3A_343] : memref<16384x768xf32, #tpu.memory_space<hbm>> -> memref<32x768xf32, #tpu.memory_space<hbm>>
    %dma_wait3A_345 = arith.constant 0 : i32
    %dma_wait3A_346 = tpu.memref_slice %arg4[%add3A_220, %dma_wait3A_345] : memref<16384x768xf32, #tpu.memory_space<hbm>> -> memref<32x768xf32, #tpu.memory_space<hbm>>
    %dma_wait3A_347 = arith.constant 0 : i32
    %dma_wait3A_348 = arith.constant 0 : i32
    %dma_wait3A_349 = tpu.memref_slice %arg6[%dma_wait3A_338, %dma_wait3A_347, %dma_wait3A_348] : memref<4x32x768xf32, #tpu.memory_space<vmem>> -> memref<1x32x768xf32, #tpu.memory_space<vmem>>
    %dma_wait3A_350 = tpu.memref_squeeze %dma_wait3A_349 : memref<1x32x768xf32, #tpu.memory_space<vmem>> -> memref<32x768xf32, #tpu.memory_space<vmem>>
    tpu.wait_dma2 semaphore(%arg11 : memref<!tpu.dma_semaphore, #tpu.memory_space<semaphore_mem>>) src(%dma_wait3A_350 : memref<32x768xf32, #tpu.memory_space<vmem>>) dst(%dma_wait3A_346 : memref<32x768xf32, #tpu.memory_space<hbm>>)
    %dma_start3A_351 = arith.constant 8 : i32
    %dma_start3A_352 = arith.constant 0 : i32
    %dma_start3A_353 = arith.constant 0 : i32
    %dma_start3A_354 = arith.constant 0 : i32
    %dma_start3A_355 = tpu.memref_slice %arg6[%dma_start3A_352, %dma_start3A_353, %dma_start3A_354] : memref<4x32x768xf32, #tpu.memory_space<vmem>> -> memref<1x32x768xf32, #tpu.memory_space<vmem>>
    %dma_start3A_356 = tpu.memref_squeeze %dma_start3A_355 : memref<1x32x768xf32, #tpu.memory_space<vmem>> -> memref<32x768xf32, #tpu.memory_space<vmem>>
    %dma_start3A_357 = arith.constant 0 : i32
    %dma_start3A_358 = tpu.memref_slice %arg5[%dma_start3A_351, %dma_start3A_357] : memref<16x32xi32, #tpu.memory_space<vmem>> -> memref<1x32xi32, #tpu.memory_space<vmem>>
    %dma_start3A_359 = tpu.memref_squeeze %dma_start3A_358 : memref<1x32xi32, #tpu.memory_space<vmem>> -> memref<32xi32, #tpu.memory_space<vmem>>
    %dma_start3A_360 = arith.constant 0 : i32
    %dma_start3A_361 = arith.constant 0 : i32
    %dma_start3A_362 = tpu.memref_slice %arg3[%dma_start3A_360, %dma_start3A_361] : memref<30522x768xf32, #tpu.memory_space<hbm>> -> memref<30522x768xf32, #tpu.memory_space<hbm>>
    tpu.enqueue_indirect_dma source(%dma_start3A_362 : memref<30522x768xf32, #tpu.memory_space<hbm>>) target(%dma_start3A_356 : memref<32x768xf32, #tpu.memory_space<vmem>>) offsets(%dma_start3A_359 : memref<32xi32, #tpu.memory_space<vmem>>) semaphore(%arg7 : memref<!tpu.dma_semaphore, #tpu.memory_space<semaphore_mem>>)
    %dma_wait3A_363 = arith.constant 7 : i32
    %dma_wait3A_364 = arith.constant 3 : i32
    %dma_wait3A_365 = arith.constant 0 : i32
    %dma_wait3A_366 = arith.constant 0 : i32
    %dma_wait3A_367 = tpu.memref_slice %arg6[%dma_wait3A_364, %dma_wait3A_365, %dma_wait3A_366] : memref<4x32x768xf32, #tpu.memory_space<vmem>> -> memref<1x32x768xf32, #tpu.memory_space<vmem>>
    %dma_wait3A_368 = tpu.memref_squeeze %dma_wait3A_367 : memref<1x32x768xf32, #tpu.memory_space<vmem>> -> memref<32x768xf32, #tpu.memory_space<vmem>>
    %dma_wait3A_369 = arith.constant 0 : i32
    %dma_wait3A_370 = tpu.memref_slice %arg5[%dma_wait3A_363, %dma_wait3A_369] : memref<16x32xi32, #tpu.memory_space<vmem>> -> memref<1x32xi32, #tpu.memory_space<vmem>>
    %dma_wait3A_371 = tpu.memref_squeeze %dma_wait3A_370 : memref<1x32xi32, #tpu.memory_space<vmem>> -> memref<32xi32, #tpu.memory_space<vmem>>
    %dma_wait3A_372 = arith.constant 0 : i32
    %dma_wait3A_373 = arith.constant 0 : i32
    %dma_wait3A_374 = tpu.memref_slice %arg3[%dma_wait3A_372, %dma_wait3A_373] : memref<30522x768xf32, #tpu.memory_space<hbm>> -> memref<30522x768xf32, #tpu.memory_space<hbm>>
    tpu.wait_indirect_dma semaphore(%arg10 : memref<!tpu.dma_semaphore, #tpu.memory_space<semaphore_mem>>) src(%dma_wait3A_374 : memref<30522x768xf32, #tpu.memory_space<hbm>>) dst(%dma_wait3A_368 : memref<32x768xf32, #tpu.memory_space<vmem>>)
    %add3A_375 = arith.constant 224 : i32
    %add3A_376 = arith.addi %mul3A_2, %add3A_375 : i32
    %dma_start3A_377 = arith.constant 3 : i32
    %dma_start3A_378 = arith.constant 0 : i32
    %dma_start3A_379 = arith.constant 0 : i32
    %dma_start3A_380 = tpu.memref_slice %arg6[%dma_start3A_377, %dma_start3A_378, %dma_start3A_379] : memref<4x32x768xf32, #tpu.memory_space<vmem>> -> memref<1x32x768xf32, #tpu.memory_space<vmem>>
    %dma_start3A_381 = tpu.memref_squeeze %dma_start3A_380 : memref<1x32x768xf32, #tpu.memory_space<vmem>> -> memref<32x768xf32, #tpu.memory_space<vmem>>
    %dma_start3A_382 = arith.constant 0 : i32
    %dma_start3A_383 = tpu.memref_slice %arg4[%add3A_376, %dma_start3A_382] : memref<16384x768xf32, #tpu.memory_space<hbm>> -> memref<32x768xf32, #tpu.memory_space<hbm>>
    %dma_start3A_384 = arith.constant 0 : i32
    %dma_start3A_385 = tpu.memref_slice %arg4[%add3A_376, %dma_start3A_384] : memref<16384x768xf32, #tpu.memory_space<hbm>> -> memref<32x768xf32, #tpu.memory_space<hbm>>
    %dma_start3A_386 = arith.constant 0 : i32
    %dma_start3A_387 = arith.constant 0 : i32
    %dma_start3A_388 = tpu.memref_slice %arg6[%dma_start3A_377, %dma_start3A_386, %dma_start3A_387] : memref<4x32x768xf32, #tpu.memory_space<vmem>> -> memref<1x32x768xf32, #tpu.memory_space<vmem>>
    %dma_start3A_389 = tpu.memref_squeeze %dma_start3A_388 : memref<1x32x768xf32, #tpu.memory_space<vmem>> -> memref<32x768xf32, #tpu.memory_space<vmem>>
    tpu.enqueue_dma source(%dma_start3A_389 : memref<32x768xf32, #tpu.memory_space<vmem>>) target(%dma_start3A_385 : memref<32x768xf32, #tpu.memory_space<hbm>>) target_semaphore(%arg14 : memref<!tpu.dma_semaphore, #tpu.memory_space<semaphore_mem>>)
    %dma_wait3A_390 = arith.constant 1 : i32
    %dma_wait3A_391 = arith.constant 0 : i32
    %dma_wait3A_392 = arith.constant 0 : i32
    %dma_wait3A_393 = tpu.memref_slice %arg6[%dma_wait3A_390, %dma_wait3A_391, %dma_wait3A_392] : memref<4x32x768xf32, #tpu.memory_space<vmem>> -> memref<1x32x768xf32, #tpu.memory_space<vmem>>
    %dma_wait3A_394 = tpu.memref_squeeze %dma_wait3A_393 : memref<1x32x768xf32, #tpu.memory_space<vmem>> -> memref<32x768xf32, #tpu.memory_space<vmem>>
    %dma_wait3A_395 = arith.constant 0 : i32
    %dma_wait3A_396 = tpu.memref_slice %arg4[%add3A_272, %dma_wait3A_395] : memref<16384x768xf32, #tpu.memory_space<hbm>> -> memref<32x768xf32, #tpu.memory_space<hbm>>
    %dma_wait3A_397 = arith.constant 0 : i32
    %dma_wait3A_398 = tpu.memref_slice %arg4[%add3A_272, %dma_wait3A_397] : memref<16384x768xf32, #tpu.memory_space<hbm>> -> memref<32x768xf32, #tpu.memory_space<hbm>>
    %dma_wait3A_399 = arith.constant 0 : i32
    %dma_wait3A_400 = arith.constant 0 : i32
    %dma_wait3A_401 = tpu.memref_slice %arg6[%dma_wait3A_390, %dma_wait3A_399, %dma_wait3A_400] : memref<4x32x768xf32, #tpu.memory_space<vmem>> -> memref<1x32x768xf32, #tpu.memory_space<vmem>>
    %dma_wait3A_402 = tpu.memref_squeeze %dma_wait3A_401 : memref<1x32x768xf32, #tpu.memory_space<vmem>> -> memref<32x768xf32, #tpu.memory_space<vmem>>
    tpu.wait_dma2 semaphore(%arg12 : memref<!tpu.dma_semaphore, #tpu.memory_space<semaphore_mem>>) src(%dma_wait3A_402 : memref<32x768xf32, #tpu.memory_space<vmem>>) dst(%dma_wait3A_398 : memref<32x768xf32, #tpu.memory_space<hbm>>)
    %dma_start3A_403 = arith.constant 9 : i32
    %dma_start3A_404 = arith.constant 1 : i32
    %dma_start3A_405 = arith.constant 0 : i32
    %dma_start3A_406 = arith.constant 0 : i32
    %dma_start3A_407 = tpu.memref_slice %arg6[%dma_start3A_404, %dma_start3A_405, %dma_start3A_406] : memref<4x32x768xf32, #tpu.memory_space<vmem>> -> memref<1x32x768xf32, #tpu.memory_space<vmem>>
    %dma_start3A_408 = tpu.memref_squeeze %dma_start3A_407 : memref<1x32x768xf32, #tpu.memory_space<vmem>> -> memref<32x768xf32, #tpu.memory_space<vmem>>
    %dma_start3A_409 = arith.constant 0 : i32
    %dma_start3A_410 = tpu.memref_slice %arg5[%dma_start3A_403, %dma_start3A_409] : memref<16x32xi32, #tpu.memory_space<vmem>> -> memref<1x32xi32, #tpu.memory_space<vmem>>
    %dma_start3A_411 = tpu.memref_squeeze %dma_start3A_410 : memref<1x32xi32, #tpu.memory_space<vmem>> -> memref<32xi32, #tpu.memory_space<vmem>>
    %dma_start3A_412 = arith.constant 0 : i32
    %dma_start3A_413 = arith.constant 0 : i32
    %dma_start3A_414 = tpu.memref_slice %arg3[%dma_start3A_412, %dma_start3A_413] : memref<30522x768xf32, #tpu.memory_space<hbm>> -> memref<30522x768xf32, #tpu.memory_space<hbm>>
    tpu.enqueue_indirect_dma source(%dma_start3A_414 : memref<30522x768xf32, #tpu.memory_space<hbm>>) target(%dma_start3A_408 : memref<32x768xf32, #tpu.memory_space<vmem>>) offsets(%dma_start3A_411 : memref<32xi32, #tpu.memory_space<vmem>>) semaphore(%arg8 : memref<!tpu.dma_semaphore, #tpu.memory_space<semaphore_mem>>)
    %dma_wait3A_415 = arith.constant 8 : i32
    %dma_wait3A_416 = arith.constant 0 : i32
    %dma_wait3A_417 = arith.constant 0 : i32
    %dma_wait3A_418 = arith.constant 0 : i32
    %dma_wait3A_419 = tpu.memref_slice %arg6[%dma_wait3A_416, %dma_wait3A_417, %dma_wait3A_418] : memref<4x32x768xf32, #tpu.memory_space<vmem>> -> memref<1x32x768xf32, #tpu.memory_space<vmem>>
    %dma_wait3A_420 = tpu.memref_squeeze %dma_wait3A_419 : memref<1x32x768xf32, #tpu.memory_space<vmem>> -> memref<32x768xf32, #tpu.memory_space<vmem>>
    %dma_wait3A_421 = arith.constant 0 : i32
    %dma_wait3A_422 = tpu.memref_slice %arg5[%dma_wait3A_415, %dma_wait3A_421] : memref<16x32xi32, #tpu.memory_space<vmem>> -> memref<1x32xi32, #tpu.memory_space<vmem>>
    %dma_wait3A_423 = tpu.memref_squeeze %dma_wait3A_422 : memref<1x32xi32, #tpu.memory_space<vmem>> -> memref<32xi32, #tpu.memory_space<vmem>>
    %dma_wait3A_424 = arith.constant 0 : i32
    %dma_wait3A_425 = arith.constant 0 : i32
    %dma_wait3A_426 = tpu.memref_slice %arg3[%dma_wait3A_424, %dma_wait3A_425] : memref<30522x768xf32, #tpu.memory_space<hbm>> -> memref<30522x768xf32, #tpu.memory_space<hbm>>
    tpu.wait_indirect_dma semaphore(%arg7 : memref<!tpu.dma_semaphore, #tpu.memory_space<semaphore_mem>>) src(%dma_wait3A_426 : memref<30522x768xf32, #tpu.memory_space<hbm>>) dst(%dma_wait3A_420 : memref<32x768xf32, #tpu.memory_space<vmem>>)
    %add3A_427 = arith.constant 256 : i32
    %add3A_428 = arith.addi %mul3A_2, %add3A_427 : i32
    %dma_start3A_429 = arith.constant 0 : i32
    %dma_start3A_430 = arith.constant 0 : i32
    %dma_start3A_431 = arith.constant 0 : i32
    %dma_start3A_432 = tpu.memref_slice %arg6[%dma_start3A_429, %dma_start3A_430, %dma_start3A_431] : memref<4x32x768xf32, #tpu.memory_space<vmem>> -> memref<1x32x768xf32, #tpu.memory_space<vmem>>
    %dma_start3A_433 = tpu.memref_squeeze %dma_start3A_432 : memref<1x32x768xf32, #tpu.memory_space<vmem>> -> memref<32x768xf32, #tpu.memory_space<vmem>>
    %dma_start3A_434 = arith.constant 0 : i32
    %dma_start3A_435 = tpu.memref_slice %arg4[%add3A_428, %dma_start3A_434] : memref<16384x768xf32, #tpu.memory_space<hbm>> -> memref<32x768xf32, #tpu.memory_space<hbm>>
    %dma_start3A_436 = arith.constant 0 : i32
    %dma_start3A_437 = tpu.memref_slice %arg4[%add3A_428, %dma_start3A_436] : memref<16384x768xf32, #tpu.memory_space<hbm>> -> memref<32x768xf32, #tpu.memory_space<hbm>>
    %dma_start3A_438 = arith.constant 0 : i32
    %dma_start3A_439 = arith.constant 0 : i32
    %dma_start3A_440 = tpu.memref_slice %arg6[%dma_start3A_429, %dma_start3A_438, %dma_start3A_439] : memref<4x32x768xf32, #tpu.memory_space<vmem>> -> memref<1x32x768xf32, #tpu.memory_space<vmem>>
    %dma_start3A_441 = tpu.memref_squeeze %dma_start3A_440 : memref<1x32x768xf32, #tpu.memory_space<vmem>> -> memref<32x768xf32, #tpu.memory_space<vmem>>
    tpu.enqueue_dma source(%dma_start3A_441 : memref<32x768xf32, #tpu.memory_space<vmem>>) target(%dma_start3A_437 : memref<32x768xf32, #tpu.memory_space<hbm>>) target_semaphore(%arg11 : memref<!tpu.dma_semaphore, #tpu.memory_space<semaphore_mem>>)
    %dma_wait3A_442 = arith.constant 2 : i32
    %dma_wait3A_443 = arith.constant 0 : i32
    %dma_wait3A_444 = arith.constant 0 : i32
    %dma_wait3A_445 = tpu.memref_slice %arg6[%dma_wait3A_442, %dma_wait3A_443, %dma_wait3A_444] : memref<4x32x768xf32, #tpu.memory_space<vmem>> -> memref<1x32x768xf32, #tpu.memory_space<vmem>>
    %dma_wait3A_446 = tpu.memref_squeeze %dma_wait3A_445 : memref<1x32x768xf32, #tpu.memory_space<vmem>> -> memref<32x768xf32, #tpu.memory_space<vmem>>
    %dma_wait3A_447 = arith.constant 0 : i32
    %dma_wait3A_448 = tpu.memref_slice %arg4[%add3A_324, %dma_wait3A_447] : memref<16384x768xf32, #tpu.memory_space<hbm>> -> memref<32x768xf32, #tpu.memory_space<hbm>>
    %dma_wait3A_449 = arith.constant 0 : i32
    %dma_wait3A_450 = tpu.memref_slice %arg4[%add3A_324, %dma_wait3A_449] : memref<16384x768xf32, #tpu.memory_space<hbm>> -> memref<32x768xf32, #tpu.memory_space<hbm>>
    %dma_wait3A_451 = arith.constant 0 : i32
    %dma_wait3A_452 = arith.constant 0 : i32
    %dma_wait3A_453 = tpu.memref_slice %arg6[%dma_wait3A_442, %dma_wait3A_451, %dma_wait3A_452] : memref<4x32x768xf32, #tpu.memory_space<vmem>> -> memref<1x32x768xf32, #tpu.memory_space<vmem>>
    %dma_wait3A_454 = tpu.memref_squeeze %dma_wait3A_453 : memref<1x32x768xf32, #tpu.memory_space<vmem>> -> memref<32x768xf32, #tpu.memory_space<vmem>>
    tpu.wait_dma2 semaphore(%arg13 : memref<!tpu.dma_semaphore, #tpu.memory_space<semaphore_mem>>) src(%dma_wait3A_454 : memref<32x768xf32, #tpu.memory_space<vmem>>) dst(%dma_wait3A_450 : memref<32x768xf32, #tpu.memory_space<hbm>>)
    %dma_start3A_455 = arith.constant 10 : i32
    %dma_start3A_456 = arith.constant 2 : i32
    %dma_start3A_457 = arith.constant 0 : i32
    %dma_start3A_458 = arith.constant 0 : i32
    %dma_start3A_459 = tpu.memref_slice %arg6[%dma_start3A_456, %dma_start3A_457, %dma_start3A_458] : memref<4x32x768xf32, #tpu.memory_space<vmem>> -> memref<1x32x768xf32, #tpu.memory_space<vmem>>
    %dma_start3A_460 = tpu.memref_squeeze %dma_start3A_459 : memref<1x32x768xf32, #tpu.memory_space<vmem>> -> memref<32x768xf32, #tpu.memory_space<vmem>>
    %dma_start3A_461 = arith.constant 0 : i32
    %dma_start3A_462 = tpu.memref_slice %arg5[%dma_start3A_455, %dma_start3A_461] : memref<16x32xi32, #tpu.memory_space<vmem>> -> memref<1x32xi32, #tpu.memory_space<vmem>>
    %dma_start3A_463 = tpu.memref_squeeze %dma_start3A_462 : memref<1x32xi32, #tpu.memory_space<vmem>> -> memref<32xi32, #tpu.memory_space<vmem>>
    %dma_start3A_464 = arith.constant 0 : i32
    %dma_start3A_465 = arith.constant 0 : i32
    %dma_start3A_466 = tpu.memref_slice %arg3[%dma_start3A_464, %dma_start3A_465] : memref<30522x768xf32, #tpu.memory_space<hbm>> -> memref<30522x768xf32, #tpu.memory_space<hbm>>
    tpu.enqueue_indirect_dma source(%dma_start3A_466 : memref<30522x768xf32, #tpu.memory_space<hbm>>) target(%dma_start3A_460 : memref<32x768xf32, #tpu.memory_space<vmem>>) offsets(%dma_start3A_463 : memref<32xi32, #tpu.memory_space<vmem>>) semaphore(%arg9 : memref<!tpu.dma_semaphore, #tpu.memory_space<semaphore_mem>>)
    %dma_wait3A_467 = arith.constant 9 : i32
    %dma_wait3A_468 = arith.constant 1 : i32
    %dma_wait3A_469 = arith.constant 0 : i32
    %dma_wait3A_470 = arith.constant 0 : i32
    %dma_wait3A_471 = tpu.memref_slice %arg6[%dma_wait3A_468, %dma_wait3A_469, %dma_wait3A_470] : memref<4x32x768xf32, #tpu.memory_space<vmem>> -> memref<1x32x768xf32, #tpu.memory_space<vmem>>
    %dma_wait3A_472 = tpu.memref_squeeze %dma_wait3A_471 : memref<1x32x768xf32, #tpu.memory_space<vmem>> -> memref<32x768xf32, #tpu.memory_space<vmem>>
    %dma_wait3A_473 = arith.constant 0 : i32
    %dma_wait3A_474 = tpu.memref_slice %arg5[%dma_wait3A_467, %dma_wait3A_473] : memref<16x32xi32, #tpu.memory_space<vmem>> -> memref<1x32xi32, #tpu.memory_space<vmem>>
    %dma_wait3A_475 = tpu.memref_squeeze %dma_wait3A_474 : memref<1x32xi32, #tpu.memory_space<vmem>> -> memref<32xi32, #tpu.memory_space<vmem>>
    %dma_wait3A_476 = arith.constant 0 : i32
    %dma_wait3A_477 = arith.constant 0 : i32
    %dma_wait3A_478 = tpu.memref_slice %arg3[%dma_wait3A_476, %dma_wait3A_477] : memref<30522x768xf32, #tpu.memory_space<hbm>> -> memref<30522x768xf32, #tpu.memory_space<hbm>>
    tpu.wait_indirect_dma semaphore(%arg8 : memref<!tpu.dma_semaphore, #tpu.memory_space<semaphore_mem>>) src(%dma_wait3A_478 : memref<30522x768xf32, #tpu.memory_space<hbm>>) dst(%dma_wait3A_472 : memref<32x768xf32, #tpu.memory_space<vmem>>)
    %add3A_479 = arith.constant 288 : i32
    %add3A_480 = arith.addi %mul3A_2, %add3A_479 : i32
    %dma_start3A_481 = arith.constant 1 : i32
    %dma_start3A_482 = arith.constant 0 : i32
    %dma_start3A_483 = arith.constant 0 : i32
    %dma_start3A_484 = tpu.memref_slice %arg6[%dma_start3A_481, %dma_start3A_482, %dma_start3A_483] : memref<4x32x768xf32, #tpu.memory_space<vmem>> -> memref<1x32x768xf32, #tpu.memory_space<vmem>>
    %dma_start3A_485 = tpu.memref_squeeze %dma_start3A_484 : memref<1x32x768xf32, #tpu.memory_space<vmem>> -> memref<32x768xf32, #tpu.memory_space<vmem>>
    %dma_start3A_486 = arith.constant 0 : i32
    %dma_start3A_487 = tpu.memref_slice %arg4[%add3A_480, %dma_start3A_486] : memref<16384x768xf32, #tpu.memory_space<hbm>> -> memref<32x768xf32, #tpu.memory_space<hbm>>
    %dma_start3A_488 = arith.constant 0 : i32
    %dma_start3A_489 = tpu.memref_slice %arg4[%add3A_480, %dma_start3A_488] : memref<16384x768xf32, #tpu.memory_space<hbm>> -> memref<32x768xf32, #tpu.memory_space<hbm>>
    %dma_start3A_490 = arith.constant 0 : i32
    %dma_start3A_491 = arith.constant 0 : i32
    %dma_start3A_492 = tpu.memref_slice %arg6[%dma_start3A_481, %dma_start3A_490, %dma_start3A_491] : memref<4x32x768xf32, #tpu.memory_space<vmem>> -> memref<1x32x768xf32, #tpu.memory_space<vmem>>
    %dma_start3A_493 = tpu.memref_squeeze %dma_start3A_492 : memref<1x32x768xf32, #tpu.memory_space<vmem>> -> memref<32x768xf32, #tpu.memory_space<vmem>>
    tpu.enqueue_dma source(%dma_start3A_493 : memref<32x768xf32, #tpu.memory_space<vmem>>) target(%dma_start3A_489 : memref<32x768xf32, #tpu.memory_space<hbm>>) target_semaphore(%arg12 : memref<!tpu.dma_semaphore, #tpu.memory_space<semaphore_mem>>)
    %dma_wait3A_494 = arith.constant 3 : i32
    %dma_wait3A_495 = arith.constant 0 : i32
    %dma_wait3A_496 = arith.constant 0 : i32
    %dma_wait3A_497 = tpu.memref_slice %arg6[%dma_wait3A_494, %dma_wait3A_495, %dma_wait3A_496] : memref<4x32x768xf32, #tpu.memory_space<vmem>> -> memref<1x32x768xf32, #tpu.memory_space<vmem>>
    %dma_wait3A_498 = tpu.memref_squeeze %dma_wait3A_497 : memref<1x32x768xf32, #tpu.memory_space<vmem>> -> memref<32x768xf32, #tpu.memory_space<vmem>>
    %dma_wait3A_499 = arith.constant 0 : i32
    %dma_wait3A_500 = tpu.memref_slice %arg4[%add3A_376, %dma_wait3A_499] : memref<16384x768xf32, #tpu.memory_space<hbm>> -> memref<32x768xf32, #tpu.memory_space<hbm>>
    %dma_wait3A_501 = arith.constant 0 : i32
    %dma_wait3A_502 = tpu.memref_slice %arg4[%add3A_376, %dma_wait3A_501] : memref<16384x768xf32, #tpu.memory_space<hbm>> -> memref<32x768xf32, #tpu.memory_space<hbm>>
    %dma_wait3A_503 = arith.constant 0 : i32
    %dma_wait3A_504 = arith.constant 0 : i32
    %dma_wait3A_505 = tpu.memref_slice %arg6[%dma_wait3A_494, %dma_wait3A_503, %dma_wait3A_504] : memref<4x32x768xf32, #tpu.memory_space<vmem>> -> memref<1x32x768xf32, #tpu.memory_space<vmem>>
    %dma_wait3A_506 = tpu.memref_squeeze %dma_wait3A_505 : memref<1x32x768xf32, #tpu.memory_space<vmem>> -> memref<32x768xf32, #tpu.memory_space<vmem>>
    tpu.wait_dma2 semaphore(%arg14 : memref<!tpu.dma_semaphore, #tpu.memory_space<semaphore_mem>>) src(%dma_wait3A_506 : memref<32x768xf32, #tpu.memory_space<vmem>>) dst(%dma_wait3A_502 : memref<32x768xf32, #tpu.memory_space<hbm>>)
    %dma_start3A_507 = arith.constant 11 : i32
    %dma_start3A_508 = arith.constant 3 : i32
    %dma_start3A_509 = arith.constant 0 : i32
    %dma_start3A_510 = arith.constant 0 : i32
    %dma_start3A_511 = tpu.memref_slice %arg6[%dma_start3A_508, %dma_start3A_509, %dma_start3A_510] : memref<4x32x768xf32, #tpu.memory_space<vmem>> -> memref<1x32x768xf32, #tpu.memory_space<vmem>>
    %dma_start3A_512 = tpu.memref_squeeze %dma_start3A_511 : memref<1x32x768xf32, #tpu.memory_space<vmem>> -> memref<32x768xf32, #tpu.memory_space<vmem>>
    %dma_start3A_513 = arith.constant 0 : i32
    %dma_start3A_514 = tpu.memref_slice %arg5[%dma_start3A_507, %dma_start3A_513] : memref<16x32xi32, #tpu.memory_space<vmem>> -> memref<1x32xi32, #tpu.memory_space<vmem>>
    %dma_start3A_515 = tpu.memref_squeeze %dma_start3A_514 : memref<1x32xi32, #tpu.memory_space<vmem>> -> memref<32xi32, #tpu.memory_space<vmem>>
    %dma_start3A_516 = arith.constant 0 : i32
    %dma_start3A_517 = arith.constant 0 : i32
    %dma_start3A_518 = tpu.memref_slice %arg3[%dma_start3A_516, %dma_start3A_517] : memref<30522x768xf32, #tpu.memory_space<hbm>> -> memref<30522x768xf32, #tpu.memory_space<hbm>>
    tpu.enqueue_indirect_dma source(%dma_start3A_518 : memref<30522x768xf32, #tpu.memory_space<hbm>>) target(%dma_start3A_512 : memref<32x768xf32, #tpu.memory_space<vmem>>) offsets(%dma_start3A_515 : memref<32xi32, #tpu.memory_space<vmem>>) semaphore(%arg10 : memref<!tpu.dma_semaphore, #tpu.memory_space<semaphore_mem>>)
    %dma_wait3A_519 = arith.constant 10 : i32
    %dma_wait3A_520 = arith.constant 2 : i32
    %dma_wait3A_521 = arith.constant 0 : i32
    %dma_wait3A_522 = arith.constant 0 : i32
    %dma_wait3A_523 = tpu.memref_slice %arg6[%dma_wait3A_520, %dma_wait3A_521, %dma_wait3A_522] : memref<4x32x768xf32, #tpu.memory_space<vmem>> -> memref<1x32x768xf32, #tpu.memory_space<vmem>>
    %dma_wait3A_524 = tpu.memref_squeeze %dma_wait3A_523 : memref<1x32x768xf32, #tpu.memory_space<vmem>> -> memref<32x768xf32, #tpu.memory_space<vmem>>
    %dma_wait3A_525 = arith.constant 0 : i32
    %dma_wait3A_526 = tpu.memref_slice %arg5[%dma_wait3A_519, %dma_wait3A_525] : memref<16x32xi32, #tpu.memory_space<vmem>> -> memref<1x32xi32, #tpu.memory_space<vmem>>
    %dma_wait3A_527 = tpu.memref_squeeze %dma_wait3A_526 : memref<1x32xi32, #tpu.memory_space<vmem>> -> memref<32xi32, #tpu.memory_space<vmem>>
    %dma_wait3A_528 = arith.constant 0 : i32
    %dma_wait3A_529 = arith.constant 0 : i32
    %dma_wait3A_530 = tpu.memref_slice %arg3[%dma_wait3A_528, %dma_wait3A_529] : memref<30522x768xf32, #tpu.memory_space<hbm>> -> memref<30522x768xf32, #tpu.memory_space<hbm>>
    tpu.wait_indirect_dma semaphore(%arg9 : memref<!tpu.dma_semaphore, #tpu.memory_space<semaphore_mem>>) src(%dma_wait3A_530 : memref<30522x768xf32, #tpu.memory_space<hbm>>) dst(%dma_wait3A_524 : memref<32x768xf32, #tpu.memory_space<vmem>>)
    %add3A_531 = arith.constant 320 : i32
    %add3A_532 = arith.addi %mul3A_2, %add3A_531 : i32
    %dma_start3A_533 = arith.constant 2 : i32
    %dma_start3A_534 = arith.constant 0 : i32
    %dma_start3A_535 = arith.constant 0 : i32
    %dma_start3A_536 = tpu.memref_slice %arg6[%dma_start3A_533, %dma_start3A_534, %dma_start3A_535] : memref<4x32x768xf32, #tpu.memory_space<vmem>> -> memref<1x32x768xf32, #tpu.memory_space<vmem>>
    %dma_start3A_537 = tpu.memref_squeeze %dma_start3A_536 : memref<1x32x768xf32, #tpu.memory_space<vmem>> -> memref<32x768xf32, #tpu.memory_space<vmem>>
    %dma_start3A_538 = arith.constant 0 : i32
    %dma_start3A_539 = tpu.memref_slice %arg4[%add3A_532, %dma_start3A_538] : memref<16384x768xf32, #tpu.memory_space<hbm>> -> memref<32x768xf32, #tpu.memory_space<hbm>>
    %dma_start3A_540 = arith.constant 0 : i32
    %dma_start3A_541 = tpu.memref_slice %arg4[%add3A_532, %dma_start3A_540] : memref<16384x768xf32, #tpu.memory_space<hbm>> -> memref<32x768xf32, #tpu.memory_space<hbm>>
    %dma_start3A_542 = arith.constant 0 : i32
    %dma_start3A_543 = arith.constant 0 : i32
    %dma_start3A_544 = tpu.memref_slice %arg6[%dma_start3A_533, %dma_start3A_542, %dma_start3A_543] : memref<4x32x768xf32, #tpu.memory_space<vmem>> -> memref<1x32x768xf32, #tpu.memory_space<vmem>>
    %dma_start3A_545 = tpu.memref_squeeze %dma_start3A_544 : memref<1x32x768xf32, #tpu.memory_space<vmem>> -> memref<32x768xf32, #tpu.memory_space<vmem>>
    tpu.enqueue_dma source(%dma_start3A_545 : memref<32x768xf32, #tpu.memory_space<vmem>>) target(%dma_start3A_541 : memref<32x768xf32, #tpu.memory_space<hbm>>) target_semaphore(%arg13 : memref<!tpu.dma_semaphore, #tpu.memory_space<semaphore_mem>>)
    %dma_wait3A_546 = arith.constant 0 : i32
    %dma_wait3A_547 = arith.constant 0 : i32
    %dma_wait3A_548 = arith.constant 0 : i32
    %dma_wait3A_549 = tpu.memref_slice %arg6[%dma_wait3A_546, %dma_wait3A_547, %dma_wait3A_548] : memref<4x32x768xf32, #tpu.memory_space<vmem>> -> memref<1x32x768xf32, #tpu.memory_space<vmem>>
    %dma_wait3A_550 = tpu.memref_squeeze %dma_wait3A_549 : memref<1x32x768xf32, #tpu.memory_space<vmem>> -> memref<32x768xf32, #tpu.memory_space<vmem>>
    %dma_wait3A_551 = arith.constant 0 : i32
    %dma_wait3A_552 = tpu.memref_slice %arg4[%add3A_428, %dma_wait3A_551] : memref<16384x768xf32, #tpu.memory_space<hbm>> -> memref<32x768xf32, #tpu.memory_space<hbm>>
    %dma_wait3A_553 = arith.constant 0 : i32
    %dma_wait3A_554 = tpu.memref_slice %arg4[%add3A_428, %dma_wait3A_553] : memref<16384x768xf32, #tpu.memory_space<hbm>> -> memref<32x768xf32, #tpu.memory_space<hbm>>
    %dma_wait3A_555 = arith.constant 0 : i32
    %dma_wait3A_556 = arith.constant 0 : i32
    %dma_wait3A_557 = tpu.memref_slice %arg6[%dma_wait3A_546, %dma_wait3A_555, %dma_wait3A_556] : memref<4x32x768xf32, #tpu.memory_space<vmem>> -> memref<1x32x768xf32, #tpu.memory_space<vmem>>
    %dma_wait3A_558 = tpu.memref_squeeze %dma_wait3A_557 : memref<1x32x768xf32, #tpu.memory_space<vmem>> -> memref<32x768xf32, #tpu.memory_space<vmem>>
    tpu.wait_dma2 semaphore(%arg11 : memref<!tpu.dma_semaphore, #tpu.memory_space<semaphore_mem>>) src(%dma_wait3A_558 : memref<32x768xf32, #tpu.memory_space<vmem>>) dst(%dma_wait3A_554 : memref<32x768xf32, #tpu.memory_space<hbm>>)
    %dma_start3A_559 = arith.constant 12 : i32
    %dma_start3A_560 = arith.constant 0 : i32
    %dma_start3A_561 = arith.constant 0 : i32
    %dma_start3A_562 = arith.constant 0 : i32
    %dma_start3A_563 = tpu.memref_slice %arg6[%dma_start3A_560, %dma_start3A_561, %dma_start3A_562] : memref<4x32x768xf32, #tpu.memory_space<vmem>> -> memref<1x32x768xf32, #tpu.memory_space<vmem>>
    %dma_start3A_564 = tpu.memref_squeeze %dma_start3A_563 : memref<1x32x768xf32, #tpu.memory_space<vmem>> -> memref<32x768xf32, #tpu.memory_space<vmem>>
    %dma_start3A_565 = arith.constant 0 : i32
    %dma_start3A_566 = tpu.memref_slice %arg5[%dma_start3A_559, %dma_start3A_565] : memref<16x32xi32, #tpu.memory_space<vmem>> -> memref<1x32xi32, #tpu.memory_space<vmem>>
    %dma_start3A_567 = tpu.memref_squeeze %dma_start3A_566 : memref<1x32xi32, #tpu.memory_space<vmem>> -> memref<32xi32, #tpu.memory_space<vmem>>
    %dma_start3A_568 = arith.constant 0 : i32
    %dma_start3A_569 = arith.constant 0 : i32
    %dma_start3A_570 = tpu.memref_slice %arg3[%dma_start3A_568, %dma_start3A_569] : memref<30522x768xf32, #tpu.memory_space<hbm>> -> memref<30522x768xf32, #tpu.memory_space<hbm>>
    tpu.enqueue_indirect_dma source(%dma_start3A_570 : memref<30522x768xf32, #tpu.memory_space<hbm>>) target(%dma_start3A_564 : memref<32x768xf32, #tpu.memory_space<vmem>>) offsets(%dma_start3A_567 : memref<32xi32, #tpu.memory_space<vmem>>) semaphore(%arg7 : memref<!tpu.dma_semaphore, #tpu.memory_space<semaphore_mem>>)
    %dma_wait3A_571 = arith.constant 11 : i32
    %dma_wait3A_572 = arith.constant 3 : i32
    %dma_wait3A_573 = arith.constant 0 : i32
    %dma_wait3A_574 = arith.constant 0 : i32
    %dma_wait3A_575 = tpu.memref_slice %arg6[%dma_wait3A_572, %dma_wait3A_573, %dma_wait3A_574] : memref<4x32x768xf32, #tpu.memory_space<vmem>> -> memref<1x32x768xf32, #tpu.memory_space<vmem>>
    %dma_wait3A_576 = tpu.memref_squeeze %dma_wait3A_575 : memref<1x32x768xf32, #tpu.memory_space<vmem>> -> memref<32x768xf32, #tpu.memory_space<vmem>>
    %dma_wait3A_577 = arith.constant 0 : i32
    %dma_wait3A_578 = tpu.memref_slice %arg5[%dma_wait3A_571, %dma_wait3A_577] : memref<16x32xi32, #tpu.memory_space<vmem>> -> memref<1x32xi32, #tpu.memory_space<vmem>>
    %dma_wait3A_579 = tpu.memref_squeeze %dma_wait3A_578 : memref<1x32xi32, #tpu.memory_space<vmem>> -> memref<32xi32, #tpu.memory_space<vmem>>
    %dma_wait3A_580 = arith.constant 0 : i32
    %dma_wait3A_581 = arith.constant 0 : i32
    %dma_wait3A_582 = tpu.memref_slice %arg3[%dma_wait3A_580, %dma_wait3A_581] : memref<30522x768xf32, #tpu.memory_space<hbm>> -> memref<30522x768xf32, #tpu.memory_space<hbm>>
    tpu.wait_indirect_dma semaphore(%arg10 : memref<!tpu.dma_semaphore, #tpu.memory_space<semaphore_mem>>) src(%dma_wait3A_582 : memref<30522x768xf32, #tpu.memory_space<hbm>>) dst(%dma_wait3A_576 : memref<32x768xf32, #tpu.memory_space<vmem>>)
    %add3A_583 = arith.constant 352 : i32
    %add3A_584 = arith.addi %mul3A_2, %add3A_583 : i32
    %dma_start3A_585 = arith.constant 3 : i32
    %dma_start3A_586 = arith.constant 0 : i32
    %dma_start3A_587 = arith.constant 0 : i32
    %dma_start3A_588 = tpu.memref_slice %arg6[%dma_start3A_585, %dma_start3A_586, %dma_start3A_587] : memref<4x32x768xf32, #tpu.memory_space<vmem>> -> memref<1x32x768xf32, #tpu.memory_space<vmem>>
    %dma_start3A_589 = tpu.memref_squeeze %dma_start3A_588 : memref<1x32x768xf32, #tpu.memory_space<vmem>> -> memref<32x768xf32, #tpu.memory_space<vmem>>
    %dma_start3A_590 = arith.constant 0 : i32
    %dma_start3A_591 = tpu.memref_slice %arg4[%add3A_584, %dma_start3A_590] : memref<16384x768xf32, #tpu.memory_space<hbm>> -> memref<32x768xf32, #tpu.memory_space<hbm>>
    %dma_start3A_592 = arith.constant 0 : i32
    %dma_start3A_593 = tpu.memref_slice %arg4[%add3A_584, %dma_start3A_592] : memref<16384x768xf32, #tpu.memory_space<hbm>> -> memref<32x768xf32, #tpu.memory_space<hbm>>
    %dma_start3A_594 = arith.constant 0 : i32
    %dma_start3A_595 = arith.constant 0 : i32
    %dma_start3A_596 = tpu.memref_slice %arg6[%dma_start3A_585, %dma_start3A_594, %dma_start3A_595] : memref<4x32x768xf32, #tpu.memory_space<vmem>> -> memref<1x32x768xf32, #tpu.memory_space<vmem>>
    %dma_start3A_597 = tpu.memref_squeeze %dma_start3A_596 : memref<1x32x768xf32, #tpu.memory_space<vmem>> -> memref<32x768xf32, #tpu.memory_space<vmem>>
    tpu.enqueue_dma source(%dma_start3A_597 : memref<32x768xf32, #tpu.memory_space<vmem>>) target(%dma_start3A_593 : memref<32x768xf32, #tpu.memory_space<hbm>>) target_semaphore(%arg14 : memref<!tpu.dma_semaphore, #tpu.memory_space<semaphore_mem>>)
    %dma_wait3A_598 = arith.constant 1 : i32
    %dma_wait3A_599 = arith.constant 0 : i32
    %dma_wait3A_600 = arith.constant 0 : i32
    %dma_wait3A_601 = tpu.memref_slice %arg6[%dma_wait3A_598, %dma_wait3A_599, %dma_wait3A_600] : memref<4x32x768xf32, #tpu.memory_space<vmem>> -> memref<1x32x768xf32, #tpu.memory_space<vmem>>
    %dma_wait3A_602 = tpu.memref_squeeze %dma_wait3A_601 : memref<1x32x768xf32, #tpu.memory_space<vmem>> -> memref<32x768xf32, #tpu.memory_space<vmem>>
    %dma_wait3A_603 = arith.constant 0 : i32
    %dma_wait3A_604 = tpu.memref_slice %arg4[%add3A_480, %dma_wait3A_603] : memref<16384x768xf32, #tpu.memory_space<hbm>> -> memref<32x768xf32, #tpu.memory_space<hbm>>
    %dma_wait3A_605 = arith.constant 0 : i32
    %dma_wait3A_606 = tpu.memref_slice %arg4[%add3A_480, %dma_wait3A_605] : memref<16384x768xf32, #tpu.memory_space<hbm>> -> memref<32x768xf32, #tpu.memory_space<hbm>>
    %dma_wait3A_607 = arith.constant 0 : i32
    %dma_wait3A_608 = arith.constant 0 : i32
    %dma_wait3A_609 = tpu.memref_slice %arg6[%dma_wait3A_598, %dma_wait3A_607, %dma_wait3A_608] : memref<4x32x768xf32, #tpu.memory_space<vmem>> -> memref<1x32x768xf32, #tpu.memory_space<vmem>>
    %dma_wait3A_610 = tpu.memref_squeeze %dma_wait3A_609 : memref<1x32x768xf32, #tpu.memory_space<vmem>> -> memref<32x768xf32, #tpu.memory_space<vmem>>
    tpu.wait_dma2 semaphore(%arg12 : memref<!tpu.dma_semaphore, #tpu.memory_space<semaphore_mem>>) src(%dma_wait3A_610 : memref<32x768xf32, #tpu.memory_space<vmem>>) dst(%dma_wait3A_606 : memref<32x768xf32, #tpu.memory_space<hbm>>)
    %dma_start3A_611 = arith.constant 13 : i32
    %dma_start3A_612 = arith.constant 1 : i32
    %dma_start3A_613 = arith.constant 0 : i32
    %dma_start3A_614 = arith.constant 0 : i32
    %dma_start3A_615 = tpu.memref_slice %arg6[%dma_start3A_612, %dma_start3A_613, %dma_start3A_614] : memref<4x32x768xf32, #tpu.memory_space<vmem>> -> memref<1x32x768xf32, #tpu.memory_space<vmem>>
    %dma_start3A_616 = tpu.memref_squeeze %dma_start3A_615 : memref<1x32x768xf32, #tpu.memory_space<vmem>> -> memref<32x768xf32, #tpu.memory_space<vmem>>
    %dma_start3A_617 = arith.constant 0 : i32
    %dma_start3A_618 = tpu.memref_slice %arg5[%dma_start3A_611, %dma_start3A_617] : memref<16x32xi32, #tpu.memory_space<vmem>> -> memref<1x32xi32, #tpu.memory_space<vmem>>
    %dma_start3A_619 = tpu.memref_squeeze %dma_start3A_618 : memref<1x32xi32, #tpu.memory_space<vmem>> -> memref<32xi32, #tpu.memory_space<vmem>>
    %dma_start3A_620 = arith.constant 0 : i32
    %dma_start3A_621 = arith.constant 0 : i32
    %dma_start3A_622 = tpu.memref_slice %arg3[%dma_start3A_620, %dma_start3A_621] : memref<30522x768xf32, #tpu.memory_space<hbm>> -> memref<30522x768xf32, #tpu.memory_space<hbm>>
    tpu.enqueue_indirect_dma source(%dma_start3A_622 : memref<30522x768xf32, #tpu.memory_space<hbm>>) target(%dma_start3A_616 : memref<32x768xf32, #tpu.memory_space<vmem>>) offsets(%dma_start3A_619 : memref<32xi32, #tpu.memory_space<vmem>>) semaphore(%arg8 : memref<!tpu.dma_semaphore, #tpu.memory_space<semaphore_mem>>)
    %dma_wait3A_623 = arith.constant 12 : i32
    %dma_wait3A_624 = arith.constant 0 : i32
    %dma_wait3A_625 = arith.constant 0 : i32
    %dma_wait3A_626 = arith.constant 0 : i32
    %dma_wait3A_627 = tpu.memref_slice %arg6[%dma_wait3A_624, %dma_wait3A_625, %dma_wait3A_626] : memref<4x32x768xf32, #tpu.memory_space<vmem>> -> memref<1x32x768xf32, #tpu.memory_space<vmem>>
    %dma_wait3A_628 = tpu.memref_squeeze %dma_wait3A_627 : memref<1x32x768xf32, #tpu.memory_space<vmem>> -> memref<32x768xf32, #tpu.memory_space<vmem>>
    %dma_wait3A_629 = arith.constant 0 : i32
    %dma_wait3A_630 = tpu.memref_slice %arg5[%dma_wait3A_623, %dma_wait3A_629] : memref<16x32xi32, #tpu.memory_space<vmem>> -> memref<1x32xi32, #tpu.memory_space<vmem>>
    %dma_wait3A_631 = tpu.memref_squeeze %dma_wait3A_630 : memref<1x32xi32, #tpu.memory_space<vmem>> -> memref<32xi32, #tpu.memory_space<vmem>>
    %dma_wait3A_632 = arith.constant 0 : i32
    %dma_wait3A_633 = arith.constant 0 : i32
    %dma_wait3A_634 = tpu.memref_slice %arg3[%dma_wait3A_632, %dma_wait3A_633] : memref<30522x768xf32, #tpu.memory_space<hbm>> -> memref<30522x768xf32, #tpu.memory_space<hbm>>
    tpu.wait_indirect_dma semaphore(%arg7 : memref<!tpu.dma_semaphore, #tpu.memory_space<semaphore_mem>>) src(%dma_wait3A_634 : memref<30522x768xf32, #tpu.memory_space<hbm>>) dst(%dma_wait3A_628 : memref<32x768xf32, #tpu.memory_space<vmem>>)
    %add3A_635 = arith.constant 384 : i32
    %add3A_636 = arith.addi %mul3A_2, %add3A_635 : i32
    %dma_start3A_637 = arith.constant 0 : i32
    %dma_start3A_638 = arith.constant 0 : i32
    %dma_start3A_639 = arith.constant 0 : i32
    %dma_start3A_640 = tpu.memref_slice %arg6[%dma_start3A_637, %dma_start3A_638, %dma_start3A_639] : memref<4x32x768xf32, #tpu.memory_space<vmem>> -> memref<1x32x768xf32, #tpu.memory_space<vmem>>
    %dma_start3A_641 = tpu.memref_squeeze %dma_start3A_640 : memref<1x32x768xf32, #tpu.memory_space<vmem>> -> memref<32x768xf32, #tpu.memory_space<vmem>>
    %dma_start3A_642 = arith.constant 0 : i32
    %dma_start3A_643 = tpu.memref_slice %arg4[%add3A_636, %dma_start3A_642] : memref<16384x768xf32, #tpu.memory_space<hbm>> -> memref<32x768xf32, #tpu.memory_space<hbm>>
    %dma_start3A_644 = arith.constant 0 : i32
    %dma_start3A_645 = tpu.memref_slice %arg4[%add3A_636, %dma_start3A_644] : memref<16384x768xf32, #tpu.memory_space<hbm>> -> memref<32x768xf32, #tpu.memory_space<hbm>>
    %dma_start3A_646 = arith.constant 0 : i32
    %dma_start3A_647 = arith.constant 0 : i32
    %dma_start3A_648 = tpu.memref_slice %arg6[%dma_start3A_637, %dma_start3A_646, %dma_start3A_647] : memref<4x32x768xf32, #tpu.memory_space<vmem>> -> memref<1x32x768xf32, #tpu.memory_space<vmem>>
    %dma_start3A_649 = tpu.memref_squeeze %dma_start3A_648 : memref<1x32x768xf32, #tpu.memory_space<vmem>> -> memref<32x768xf32, #tpu.memory_space<vmem>>
    tpu.enqueue_dma source(%dma_start3A_649 : memref<32x768xf32, #tpu.memory_space<vmem>>) target(%dma_start3A_645 : memref<32x768xf32, #tpu.memory_space<hbm>>) target_semaphore(%arg11 : memref<!tpu.dma_semaphore, #tpu.memory_space<semaphore_mem>>)
    %dma_wait3A_650 = arith.constant 2 : i32
    %dma_wait3A_651 = arith.constant 0 : i32
    %dma_wait3A_652 = arith.constant 0 : i32
    %dma_wait3A_653 = tpu.memref_slice %arg6[%dma_wait3A_650, %dma_wait3A_651, %dma_wait3A_652] : memref<4x32x768xf32, #tpu.memory_space<vmem>> -> memref<1x32x768xf32, #tpu.memory_space<vmem>>
    %dma_wait3A_654 = tpu.memref_squeeze %dma_wait3A_653 : memref<1x32x768xf32, #tpu.memory_space<vmem>> -> memref<32x768xf32, #tpu.memory_space<vmem>>
    %dma_wait3A_655 = arith.constant 0 : i32
    %dma_wait3A_656 = tpu.memref_slice %arg4[%add3A_532, %dma_wait3A_655] : memref<16384x768xf32, #tpu.memory_space<hbm>> -> memref<32x768xf32, #tpu.memory_space<hbm>>
    %dma_wait3A_657 = arith.constant 0 : i32
    %dma_wait3A_658 = tpu.memref_slice %arg4[%add3A_532, %dma_wait3A_657] : memref<16384x768xf32, #tpu.memory_space<hbm>> -> memref<32x768xf32, #tpu.memory_space<hbm>>
    %dma_wait3A_659 = arith.constant 0 : i32
    %dma_wait3A_660 = arith.constant 0 : i32
    %dma_wait3A_661 = tpu.memref_slice %arg6[%dma_wait3A_650, %dma_wait3A_659, %dma_wait3A_660] : memref<4x32x768xf32, #tpu.memory_space<vmem>> -> memref<1x32x768xf32, #tpu.memory_space<vmem>>
    %dma_wait3A_662 = tpu.memref_squeeze %dma_wait3A_661 : memref<1x32x768xf32, #tpu.memory_space<vmem>> -> memref<32x768xf32, #tpu.memory_space<vmem>>
    tpu.wait_dma2 semaphore(%arg13 : memref<!tpu.dma_semaphore, #tpu.memory_space<semaphore_mem>>) src(%dma_wait3A_662 : memref<32x768xf32, #tpu.memory_space<vmem>>) dst(%dma_wait3A_658 : memref<32x768xf32, #tpu.memory_space<hbm>>)
    %dma_start3A_663 = arith.constant 14 : i32
    %dma_start3A_664 = arith.constant 2 : i32
    %dma_start3A_665 = arith.constant 0 : i32
    %dma_start3A_666 = arith.constant 0 : i32
    %dma_start3A_667 = tpu.memref_slice %arg6[%dma_start3A_664, %dma_start3A_665, %dma_start3A_666] : memref<4x32x768xf32, #tpu.memory_space<vmem>> -> memref<1x32x768xf32, #tpu.memory_space<vmem>>
    %dma_start3A_668 = tpu.memref_squeeze %dma_start3A_667 : memref<1x32x768xf32, #tpu.memory_space<vmem>> -> memref<32x768xf32, #tpu.memory_space<vmem>>
    %dma_start3A_669 = arith.constant 0 : i32
    %dma_start3A_670 = tpu.memref_slice %arg5[%dma_start3A_663, %dma_start3A_669] : memref<16x32xi32, #tpu.memory_space<vmem>> -> memref<1x32xi32, #tpu.memory_space<vmem>>
    %dma_start3A_671 = tpu.memref_squeeze %dma_start3A_670 : memref<1x32xi32, #tpu.memory_space<vmem>> -> memref<32xi32, #tpu.memory_space<vmem>>
    %dma_start3A_672 = arith.constant 0 : i32
    %dma_start3A_673 = arith.constant 0 : i32
    %dma_start3A_674 = tpu.memref_slice %arg3[%dma_start3A_672, %dma_start3A_673] : memref<30522x768xf32, #tpu.memory_space<hbm>> -> memref<30522x768xf32, #tpu.memory_space<hbm>>
    tpu.enqueue_indirect_dma source(%dma_start3A_674 : memref<30522x768xf32, #tpu.memory_space<hbm>>) target(%dma_start3A_668 : memref<32x768xf32, #tpu.memory_space<vmem>>) offsets(%dma_start3A_671 : memref<32xi32, #tpu.memory_space<vmem>>) semaphore(%arg9 : memref<!tpu.dma_semaphore, #tpu.memory_space<semaphore_mem>>)
    %dma_wait3A_675 = arith.constant 13 : i32
    %dma_wait3A_676 = arith.constant 1 : i32
    %dma_wait3A_677 = arith.constant 0 : i32
    %dma_wait3A_678 = arith.constant 0 : i32
    %dma_wait3A_679 = tpu.memref_slice %arg6[%dma_wait3A_676, %dma_wait3A_677, %dma_wait3A_678] : memref<4x32x768xf32, #tpu.memory_space<vmem>> -> memref<1x32x768xf32, #tpu.memory_space<vmem>>
    %dma_wait3A_680 = tpu.memref_squeeze %dma_wait3A_679 : memref<1x32x768xf32, #tpu.memory_space<vmem>> -> memref<32x768xf32, #tpu.memory_space<vmem>>
    %dma_wait3A_681 = arith.constant 0 : i32
    %dma_wait3A_682 = tpu.memref_slice %arg5[%dma_wait3A_675, %dma_wait3A_681] : memref<16x32xi32, #tpu.memory_space<vmem>> -> memref<1x32xi32, #tpu.memory_space<vmem>>
    %dma_wait3A_683 = tpu.memref_squeeze %dma_wait3A_682 : memref<1x32xi32, #tpu.memory_space<vmem>> -> memref<32xi32, #tpu.memory_space<vmem>>
    %dma_wait3A_684 = arith.constant 0 : i32
    %dma_wait3A_685 = arith.constant 0 : i32
    %dma_wait3A_686 = tpu.memref_slice %arg3[%dma_wait3A_684, %dma_wait3A_685] : memref<30522x768xf32, #tpu.memory_space<hbm>> -> memref<30522x768xf32, #tpu.memory_space<hbm>>
    tpu.wait_indirect_dma semaphore(%arg8 : memref<!tpu.dma_semaphore, #tpu.memory_space<semaphore_mem>>) src(%dma_wait3A_686 : memref<30522x768xf32, #tpu.memory_space<hbm>>) dst(%dma_wait3A_680 : memref<32x768xf32, #tpu.memory_space<vmem>>)
    %add3A_687 = arith.constant 416 : i32
    %add3A_688 = arith.addi %mul3A_2, %add3A_687 : i32
    %dma_start3A_689 = arith.constant 1 : i32
    %dma_start3A_690 = arith.constant 0 : i32
    %dma_start3A_691 = arith.constant 0 : i32
    %dma_start3A_692 = tpu.memref_slice %arg6[%dma_start3A_689, %dma_start3A_690, %dma_start3A_691] : memref<4x32x768xf32, #tpu.memory_space<vmem>> -> memref<1x32x768xf32, #tpu.memory_space<vmem>>
    %dma_start3A_693 = tpu.memref_squeeze %dma_start3A_692 : memref<1x32x768xf32, #tpu.memory_space<vmem>> -> memref<32x768xf32, #tpu.memory_space<vmem>>
    %dma_start3A_694 = arith.constant 0 : i32
    %dma_start3A_695 = tpu.memref_slice %arg4[%add3A_688, %dma_start3A_694] : memref<16384x768xf32, #tpu.memory_space<hbm>> -> memref<32x768xf32, #tpu.memory_space<hbm>>
    %dma_start3A_696 = arith.constant 0 : i32
    %dma_start3A_697 = tpu.memref_slice %arg4[%add3A_688, %dma_start3A_696] : memref<16384x768xf32, #tpu.memory_space<hbm>> -> memref<32x768xf32, #tpu.memory_space<hbm>>
    %dma_start3A_698 = arith.constant 0 : i32
    %dma_start3A_699 = arith.constant 0 : i32
    %dma_start3A_700 = tpu.memref_slice %arg6[%dma_start3A_689, %dma_start3A_698, %dma_start3A_699] : memref<4x32x768xf32, #tpu.memory_space<vmem>> -> memref<1x32x768xf32, #tpu.memory_space<vmem>>
    %dma_start3A_701 = tpu.memref_squeeze %dma_start3A_700 : memref<1x32x768xf32, #tpu.memory_space<vmem>> -> memref<32x768xf32, #tpu.memory_space<vmem>>
    tpu.enqueue_dma source(%dma_start3A_701 : memref<32x768xf32, #tpu.memory_space<vmem>>) target(%dma_start3A_697 : memref<32x768xf32, #tpu.memory_space<hbm>>) target_semaphore(%arg12 : memref<!tpu.dma_semaphore, #tpu.memory_space<semaphore_mem>>)
    %dma_wait3A_702 = arith.constant 3 : i32
    %dma_wait3A_703 = arith.constant 0 : i32
    %dma_wait3A_704 = arith.constant 0 : i32
    %dma_wait3A_705 = tpu.memref_slice %arg6[%dma_wait3A_702, %dma_wait3A_703, %dma_wait3A_704] : memref<4x32x768xf32, #tpu.memory_space<vmem>> -> memref<1x32x768xf32, #tpu.memory_space<vmem>>
    %dma_wait3A_706 = tpu.memref_squeeze %dma_wait3A_705 : memref<1x32x768xf32, #tpu.memory_space<vmem>> -> memref<32x768xf32, #tpu.memory_space<vmem>>
    %dma_wait3A_707 = arith.constant 0 : i32
    %dma_wait3A_708 = tpu.memref_slice %arg4[%add3A_584, %dma_wait3A_707] : memref<16384x768xf32, #tpu.memory_space<hbm>> -> memref<32x768xf32, #tpu.memory_space<hbm>>
    %dma_wait3A_709 = arith.constant 0 : i32
    %dma_wait3A_710 = tpu.memref_slice %arg4[%add3A_584, %dma_wait3A_709] : memref<16384x768xf32, #tpu.memory_space<hbm>> -> memref<32x768xf32, #tpu.memory_space<hbm>>
    %dma_wait3A_711 = arith.constant 0 : i32
    %dma_wait3A_712 = arith.constant 0 : i32
    %dma_wait3A_713 = tpu.memref_slice %arg6[%dma_wait3A_702, %dma_wait3A_711, %dma_wait3A_712] : memref<4x32x768xf32, #tpu.memory_space<vmem>> -> memref<1x32x768xf32, #tpu.memory_space<vmem>>
    %dma_wait3A_714 = tpu.memref_squeeze %dma_wait3A_713 : memref<1x32x768xf32, #tpu.memory_space<vmem>> -> memref<32x768xf32, #tpu.memory_space<vmem>>
    tpu.wait_dma2 semaphore(%arg14 : memref<!tpu.dma_semaphore, #tpu.memory_space<semaphore_mem>>) src(%dma_wait3A_714 : memref<32x768xf32, #tpu.memory_space<vmem>>) dst(%dma_wait3A_710 : memref<32x768xf32, #tpu.memory_space<hbm>>)
    %dma_start3A_715 = arith.constant 15 : i32
    %dma_start3A_716 = arith.constant 3 : i32
    %dma_start3A_717 = arith.constant 0 : i32
    %dma_start3A_718 = arith.constant 0 : i32
    %dma_start3A_719 = tpu.memref_slice %arg6[%dma_start3A_716, %dma_start3A_717, %dma_start3A_718] : memref<4x32x768xf32, #tpu.memory_space<vmem>> -> memref<1x32x768xf32, #tpu.memory_space<vmem>>
    %dma_start3A_720 = tpu.memref_squeeze %dma_start3A_719 : memref<1x32x768xf32, #tpu.memory_space<vmem>> -> memref<32x768xf32, #tpu.memory_space<vmem>>
    %dma_start3A_721 = arith.constant 0 : i32
    %dma_start3A_722 = tpu.memref_slice %arg5[%dma_start3A_715, %dma_start3A_721] : memref<16x32xi32, #tpu.memory_space<vmem>> -> memref<1x32xi32, #tpu.memory_space<vmem>>
    %dma_start3A_723 = tpu.memref_squeeze %dma_start3A_722 : memref<1x32xi32, #tpu.memory_space<vmem>> -> memref<32xi32, #tpu.memory_space<vmem>>
    %dma_start3A_724 = arith.constant 0 : i32
    %dma_start3A_725 = arith.constant 0 : i32
    %dma_start3A_726 = tpu.memref_slice %arg3[%dma_start3A_724, %dma_start3A_725] : memref<30522x768xf32, #tpu.memory_space<hbm>> -> memref<30522x768xf32, #tpu.memory_space<hbm>>
    tpu.enqueue_indirect_dma source(%dma_start3A_726 : memref<30522x768xf32, #tpu.memory_space<hbm>>) target(%dma_start3A_720 : memref<32x768xf32, #tpu.memory_space<vmem>>) offsets(%dma_start3A_723 : memref<32xi32, #tpu.memory_space<vmem>>) semaphore(%arg10 : memref<!tpu.dma_semaphore, #tpu.memory_space<semaphore_mem>>)
    %dma_wait3A_727 = arith.constant 14 : i32
    %dma_wait3A_728 = arith.constant 2 : i32
    %dma_wait3A_729 = arith.constant 0 : i32
    %dma_wait3A_730 = arith.constant 0 : i32
    %dma_wait3A_731 = tpu.memref_slice %arg6[%dma_wait3A_728, %dma_wait3A_729, %dma_wait3A_730] : memref<4x32x768xf32, #tpu.memory_space<vmem>> -> memref<1x32x768xf32, #tpu.memory_space<vmem>>
    %dma_wait3A_732 = tpu.memref_squeeze %dma_wait3A_731 : memref<1x32x768xf32, #tpu.memory_space<vmem>> -> memref<32x768xf32, #tpu.memory_space<vmem>>
    %dma_wait3A_733 = arith.constant 0 : i32
    %dma_wait3A_734 = tpu.memref_slice %arg5[%dma_wait3A_727, %dma_wait3A_733] : memref<16x32xi32, #tpu.memory_space<vmem>> -> memref<1x32xi32, #tpu.memory_space<vmem>>
    %dma_wait3A_735 = tpu.memref_squeeze %dma_wait3A_734 : memref<1x32xi32, #tpu.memory_space<vmem>> -> memref<32xi32, #tpu.memory_space<vmem>>
    %dma_wait3A_736 = arith.constant 0 : i32
    %dma_wait3A_737 = arith.constant 0 : i32
    %dma_wait3A_738 = tpu.memref_slice %arg3[%dma_wait3A_736, %dma_wait3A_737] : memref<30522x768xf32, #tpu.memory_space<hbm>> -> memref<30522x768xf32, #tpu.memory_space<hbm>>
    tpu.wait_indirect_dma semaphore(%arg9 : memref<!tpu.dma_semaphore, #tpu.memory_space<semaphore_mem>>) src(%dma_wait3A_738 : memref<30522x768xf32, #tpu.memory_space<hbm>>) dst(%dma_wait3A_732 : memref<32x768xf32, #tpu.memory_space<vmem>>)
    %add3A_739 = arith.constant 448 : i32
    %add3A_740 = arith.addi %mul3A_2, %add3A_739 : i32
    %dma_start3A_741 = arith.constant 2 : i32
    %dma_start3A_742 = arith.constant 0 : i32
    %dma_start3A_743 = arith.constant 0 : i32
    %dma_start3A_744 = tpu.memref_slice %arg6[%dma_start3A_741, %dma_start3A_742, %dma_start3A_743] : memref<4x32x768xf32, #tpu.memory_space<vmem>> -> memref<1x32x768xf32, #tpu.memory_space<vmem>>
    %dma_start3A_745 = tpu.memref_squeeze %dma_start3A_744 : memref<1x32x768xf32, #tpu.memory_space<vmem>> -> memref<32x768xf32, #tpu.memory_space<vmem>>
    %dma_start3A_746 = arith.constant 0 : i32
    %dma_start3A_747 = tpu.memref_slice %arg4[%add3A_740, %dma_start3A_746] : memref<16384x768xf32, #tpu.memory_space<hbm>> -> memref<32x768xf32, #tpu.memory_space<hbm>>
    %dma_start3A_748 = arith.constant 0 : i32
    %dma_start3A_749 = tpu.memref_slice %arg4[%add3A_740, %dma_start3A_748] : memref<16384x768xf32, #tpu.memory_space<hbm>> -> memref<32x768xf32, #tpu.memory_space<hbm>>
    %dma_start3A_750 = arith.constant 0 : i32
    %dma_start3A_751 = arith.constant 0 : i32
    %dma_start3A_752 = tpu.memref_slice %arg6[%dma_start3A_741, %dma_start3A_750, %dma_start3A_751] : memref<4x32x768xf32, #tpu.memory_space<vmem>> -> memref<1x32x768xf32, #tpu.memory_space<vmem>>
    %dma_start3A_753 = tpu.memref_squeeze %dma_start3A_752 : memref<1x32x768xf32, #tpu.memory_space<vmem>> -> memref<32x768xf32, #tpu.memory_space<vmem>>
    tpu.enqueue_dma source(%dma_start3A_753 : memref<32x768xf32, #tpu.memory_space<vmem>>) target(%dma_start3A_749 : memref<32x768xf32, #tpu.memory_space<hbm>>) target_semaphore(%arg13 : memref<!tpu.dma_semaphore, #tpu.memory_space<semaphore_mem>>)
    %dma_wait3A_754 = arith.constant 15 : i32
    %dma_wait3A_755 = arith.constant 3 : i32
    %dma_wait3A_756 = arith.constant 0 : i32
    %dma_wait3A_757 = arith.constant 0 : i32
    %dma_wait3A_758 = tpu.memref_slice %arg6[%dma_wait3A_755, %dma_wait3A_756, %dma_wait3A_757] : memref<4x32x768xf32, #tpu.memory_space<vmem>> -> memref<1x32x768xf32, #tpu.memory_space<vmem>>
    %dma_wait3A_759 = tpu.memref_squeeze %dma_wait3A_758 : memref<1x32x768xf32, #tpu.memory_space<vmem>> -> memref<32x768xf32, #tpu.memory_space<vmem>>
    %dma_wait3A_760 = arith.constant 0 : i32
    %dma_wait3A_761 = tpu.memref_slice %arg5[%dma_wait3A_754, %dma_wait3A_760] : memref<16x32xi32, #tpu.memory_space<vmem>> -> memref<1x32xi32, #tpu.memory_space<vmem>>
    %dma_wait3A_762 = tpu.memref_squeeze %dma_wait3A_761 : memref<1x32xi32, #tpu.memory_space<vmem>> -> memref<32xi32, #tpu.memory_space<vmem>>
    %dma_wait3A_763 = arith.constant 0 : i32
    %dma_wait3A_764 = arith.constant 0 : i32
    %dma_wait3A_765 = tpu.memref_slice %arg3[%dma_wait3A_763, %dma_wait3A_764] : memref<30522x768xf32, #tpu.memory_space<hbm>> -> memref<30522x768xf32, #tpu.memory_space<hbm>>
    tpu.wait_indirect_dma semaphore(%arg10 : memref<!tpu.dma_semaphore, #tpu.memory_space<semaphore_mem>>) src(%dma_wait3A_765 : memref<30522x768xf32, #tpu.memory_space<hbm>>) dst(%dma_wait3A_759 : memref<32x768xf32, #tpu.memory_space<vmem>>)
    %add3A_766 = arith.constant 480 : i32
    %add3A_767 = arith.addi %mul3A_2, %add3A_766 : i32
    %dma_start3A_768 = arith.constant 3 : i32
    %dma_start3A_769 = arith.constant 0 : i32
    %dma_start3A_770 = arith.constant 0 : i32
    %dma_start3A_771 = tpu.memref_slice %arg6[%dma_start3A_768, %dma_start3A_769, %dma_start3A_770] : memref<4x32x768xf32, #tpu.memory_space<vmem>> -> memref<1x32x768xf32, #tpu.memory_space<vmem>>
    %dma_start3A_772 = tpu.memref_squeeze %dma_start3A_771 : memref<1x32x768xf32, #tpu.memory_space<vmem>> -> memref<32x768xf32, #tpu.memory_space<vmem>>
    %dma_start3A_773 = arith.constant 0 : i32
    %dma_start3A_774 = tpu.memref_slice %arg4[%add3A_767, %dma_start3A_773] : memref<16384x768xf32, #tpu.memory_space<hbm>> -> memref<32x768xf32, #tpu.memory_space<hbm>>
    %dma_start3A_775 = arith.constant 0 : i32
    %dma_start3A_776 = tpu.memref_slice %arg4[%add3A_767, %dma_start3A_775] : memref<16384x768xf32, #tpu.memory_space<hbm>> -> memref<32x768xf32, #tpu.memory_space<hbm>>
    %dma_start3A_777 = arith.constant 0 : i32
    %dma_start3A_778 = arith.constant 0 : i32
    %dma_start3A_779 = tpu.memref_slice %arg6[%dma_start3A_768, %dma_start3A_777, %dma_start3A_778] : memref<4x32x768xf32, #tpu.memory_space<vmem>> -> memref<1x32x768xf32, #tpu.memory_space<vmem>>
    %dma_start3A_780 = tpu.memref_squeeze %dma_start3A_779 : memref<1x32x768xf32, #tpu.memory_space<vmem>> -> memref<32x768xf32, #tpu.memory_space<vmem>>
    tpu.enqueue_dma source(%dma_start3A_780 : memref<32x768xf32, #tpu.memory_space<vmem>>) target(%dma_start3A_776 : memref<32x768xf32, #tpu.memory_space<hbm>>) target_semaphore(%arg14 : memref<!tpu.dma_semaphore, #tpu.memory_space<semaphore_mem>>)
    %dma_wait3A_781 = arith.constant 0 : i32
    %dma_wait3A_782 = arith.constant 0 : i32
    %dma_wait3A_783 = arith.constant 0 : i32
    %dma_wait3A_784 = tpu.memref_slice %arg6[%dma_wait3A_781, %dma_wait3A_782, %dma_wait3A_783] : memref<4x32x768xf32, #tpu.memory_space<vmem>> -> memref<1x32x768xf32, #tpu.memory_space<vmem>>
    %dma_wait3A_785 = tpu.memref_squeeze %dma_wait3A_784 : memref<1x32x768xf32, #tpu.memory_space<vmem>> -> memref<32x768xf32, #tpu.memory_space<vmem>>
    %dma_wait3A_786 = arith.constant 0 : i32
    %dma_wait3A_787 = tpu.memref_slice %arg4[%add3A_636, %dma_wait3A_786] : memref<16384x768xf32, #tpu.memory_space<hbm>> -> memref<32x768xf32, #tpu.memory_space<hbm>>
    %dma_wait3A_788 = arith.constant 0 : i32
    %dma_wait3A_789 = tpu.memref_slice %arg4[%add3A_636, %dma_wait3A_788] : memref<16384x768xf32, #tpu.memory_space<hbm>> -> memref<32x768xf32, #tpu.memory_space<hbm>>
    %dma_wait3A_790 = arith.constant 0 : i32
    %dma_wait3A_791 = arith.constant 0 : i32
    %dma_wait3A_792 = tpu.memref_slice %arg6[%dma_wait3A_781, %dma_wait3A_790, %dma_wait3A_791] : memref<4x32x768xf32, #tpu.memory_space<vmem>> -> memref<1x32x768xf32, #tpu.memory_space<vmem>>
    %dma_wait3A_793 = tpu.memref_squeeze %dma_wait3A_792 : memref<1x32x768xf32, #tpu.memory_space<vmem>> -> memref<32x768xf32, #tpu.memory_space<vmem>>
    tpu.wait_dma2 semaphore(%arg11 : memref<!tpu.dma_semaphore, #tpu.memory_space<semaphore_mem>>) src(%dma_wait3A_793 : memref<32x768xf32, #tpu.memory_space<vmem>>) dst(%dma_wait3A_789 : memref<32x768xf32, #tpu.memory_space<hbm>>)
    %dma_wait3A_794 = arith.constant 1 : i32
    %dma_wait3A_795 = arith.constant 0 : i32
    %dma_wait3A_796 = arith.constant 0 : i32
    %dma_wait3A_797 = tpu.memref_slice %arg6[%dma_wait3A_794, %dma_wait3A_795, %dma_wait3A_796] : memref<4x32x768xf32, #tpu.memory_space<vmem>> -> memref<1x32x768xf32, #tpu.memory_space<vmem>>
    %dma_wait3A_798 = tpu.memref_squeeze %dma_wait3A_797 : memref<1x32x768xf32, #tpu.memory_space<vmem>> -> memref<32x768xf32, #tpu.memory_space<vmem>>
    %dma_wait3A_799 = arith.constant 0 : i32
    %dma_wait3A_800 = tpu.memref_slice %arg4[%add3A_688, %dma_wait3A_799] : memref<16384x768xf32, #tpu.memory_space<hbm>> -> memref<32x768xf32, #tpu.memory_space<hbm>>
    %dma_wait3A_801 = arith.constant 0 : i32
    %dma_wait3A_802 = tpu.memref_slice %arg4[%add3A_688, %dma_wait3A_801] : memref<16384x768xf32, #tpu.memory_space<hbm>> -> memref<32x768xf32, #tpu.memory_space<hbm>>
    %dma_wait3A_803 = arith.constant 0 : i32
    %dma_wait3A_804 = arith.constant 0 : i32
    %dma_wait3A_805 = tpu.memref_slice %arg6[%dma_wait3A_794, %dma_wait3A_803, %dma_wait3A_804] : memref<4x32x768xf32, #tpu.memory_space<vmem>> -> memref<1x32x768xf32, #tpu.memory_space<vmem>>
    %dma_wait3A_806 = tpu.memref_squeeze %dma_wait3A_805 : memref<1x32x768xf32, #tpu.memory_space<vmem>> -> memref<32x768xf32, #tpu.memory_space<vmem>>
    tpu.wait_dma2 semaphore(%arg12 : memref<!tpu.dma_semaphore, #tpu.memory_space<semaphore_mem>>) src(%dma_wait3A_806 : memref<32x768xf32, #tpu.memory_space<vmem>>) dst(%dma_wait3A_802 : memref<32x768xf32, #tpu.memory_space<hbm>>)
    %dma_wait3A_807 = arith.constant 2 : i32
    %dma_wait3A_808 = arith.constant 0 : i32
    %dma_wait3A_809 = arith.constant 0 : i32
    %dma_wait3A_810 = tpu.memref_slice %arg6[%dma_wait3A_807, %dma_wait3A_808, %dma_wait3A_809] : memref<4x32x768xf32, #tpu.memory_space<vmem>> -> memref<1x32x768xf32, #tpu.memory_space<vmem>>
    %dma_wait3A_811 = tpu.memref_squeeze %dma_wait3A_810 : memref<1x32x768xf32, #tpu.memory_space<vmem>> -> memref<32x768xf32, #tpu.memory_space<vmem>>
    %dma_wait3A_812 = arith.constant 0 : i32
    %dma_wait3A_813 = tpu.memref_slice %arg4[%add3A_740, %dma_wait3A_812] : memref<16384x768xf32, #tpu.memory_space<hbm>> -> memref<32x768xf32, #tpu.memory_space<hbm>>
    %dma_wait3A_814 = arith.constant 0 : i32
    %dma_wait3A_815 = tpu.memref_slice %arg4[%add3A_740, %dma_wait3A_814] : memref<16384x768xf32, #tpu.memory_space<hbm>> -> memref<32x768xf32, #tpu.memory_space<hbm>>
    %dma_wait3A_816 = arith.constant 0 : i32
    %dma_wait3A_817 = arith.constant 0 : i32
    %dma_wait3A_818 = tpu.memref_slice %arg6[%dma_wait3A_807, %dma_wait3A_816, %dma_wait3A_817] : memref<4x32x768xf32, #tpu.memory_space<vmem>> -> memref<1x32x768xf32, #tpu.memory_space<vmem>>
    %dma_wait3A_819 = tpu.memref_squeeze %dma_wait3A_818 : memref<1x32x768xf32, #tpu.memory_space<vmem>> -> memref<32x768xf32, #tpu.memory_space<vmem>>
    tpu.wait_dma2 semaphore(%arg13 : memref<!tpu.dma_semaphore, #tpu.memory_space<semaphore_mem>>) src(%dma_wait3A_819 : memref<32x768xf32, #tpu.memory_space<vmem>>) dst(%dma_wait3A_815 : memref<32x768xf32, #tpu.memory_space<hbm>>)
    %dma_wait3A_820 = arith.constant 3 : i32
    %dma_wait3A_821 = arith.constant 0 : i32
    %dma_wait3A_822 = arith.constant 0 : i32
    %dma_wait3A_823 = tpu.memref_slice %arg6[%dma_wait3A_820, %dma_wait3A_821, %dma_wait3A_822] : memref<4x32x768xf32, #tpu.memory_space<vmem>> -> memref<1x32x768xf32, #tpu.memory_space<vmem>>
    %dma_wait3A_824 = tpu.memref_squeeze %dma_wait3A_823 : memref<1x32x768xf32, #tpu.memory_space<vmem>> -> memref<32x768xf32, #tpu.memory_space<vmem>>
    %dma_wait3A_825 = arith.constant 0 : i32
    %dma_wait3A_826 = tpu.memref_slice %arg4[%add3A_767, %dma_wait3A_825] : memref<16384x768xf32, #tpu.memory_space<hbm>> -> memref<32x768xf32, #tpu.memory_space<hbm>>
    %dma_wait3A_827 = arith.constant 0 : i32
    %dma_wait3A_828 = tpu.memref_slice %arg4[%add3A_767, %dma_wait3A_827] : memref<16384x768xf32, #tpu.memory_space<hbm>> -> memref<32x768xf32, #tpu.memory_space<hbm>>
    %dma_wait3A_829 = arith.constant 0 : i32
    %dma_wait3A_830 = arith.constant 0 : i32
    %dma_wait3A_831 = tpu.memref_slice %arg6[%dma_wait3A_820, %dma_wait3A_829, %dma_wait3A_830] : memref<4x32x768xf32, #tpu.memory_space<vmem>> -> memref<1x32x768xf32, #tpu.memory_space<vmem>>
    %dma_wait3A_832 = tpu.memref_squeeze %dma_wait3A_831 : memref<1x32x768xf32, #tpu.memory_space<vmem>> -> memref<32x768xf32, #tpu.memory_space<vmem>>
    tpu.wait_dma2 semaphore(%arg14 : memref<!tpu.dma_semaphore, #tpu.memory_space<semaphore_mem>>) src(%dma_wait3A_832 : memref<32x768xf32, #tpu.memory_space<vmem>>) dst(%dma_wait3A_828 : memref<32x768xf32, #tpu.memory_space<hbm>>)
    return
  }
}

module attributes {stable_mosaic.version = 14 : i64} {
  func.func @_tc_ln_body(%arg0: i32, %arg1: memref<2048x768xf32, #tpu.memory_space<vmem>>, %arg2: memref<2048x1xf32, #tpu.memory_space<vmem>>, %arg3: memref<2048x768xf32, #tpu.memory_space<vmem>>, %arg4: memref<2x768xf32, #tpu.memory_space<vmem>>, %arg5: memref<1x768xf32, #tpu.memory_space<vmem>>, %arg6: memref<1x768xf32, #tpu.memory_space<vmem>>, %arg7: memref<2048x768xf32, #tpu.memory_space<vmem>>) attributes {dimension_semantics = [#tpu.dimension_semantics<arbitrary>], iteration_bounds = array<i64: 8>, scalar_prefetch = 0 : i64, scratch_operands = 0 : i64, tpu.core_type = #tpu.core_type<tc>, window_params = [{transform_indices = @transform_0, window_bounds = array<i64: 2048, 768>}, {transform_indices = @transform_1, window_bounds = array<i64: 2048, 1>}, {pipeline_mode = #tpu.pipeline_mode<synchronous>, transform_indices = @transform_2, window_bounds = array<i64: 2048, 768>}, {pipeline_mode = #tpu.pipeline_mode<synchronous>, transform_indices = @transform_3, window_bounds = array<i64: 2, 768>}, {pipeline_mode = #tpu.pipeline_mode<synchronous>, transform_indices = @transform_4, window_bounds = array<i64: 1, 768>}, {pipeline_mode = #tpu.pipeline_mode<synchronous>, transform_indices = @transform_5, window_bounds = array<i64: 1, 768>}, {transform_indices = @transform_6, window_bounds = array<i64: 2048, 768>}]} {
    %get3A = arith.constant 0 : index
    %get3A_0 = arith.constant 0 : index
    %get3A_1 = vector.load %arg1[%get3A, %get3A_0] : memref<2048x768xf32, #tpu.memory_space<vmem>>, vector<2048x768xf32>
    %get3A_2 = arith.constant 0 : index
    %get3A_3 = arith.constant 0 : index
    %get3A_4 = vector.load %arg3[%get3A_2, %get3A_3] : memref<2048x768xf32, #tpu.memory_space<vmem>>, vector<2048x768xf32>
    %add3A = arith.addf %get3A_1, %get3A_4 : vector<2048x768xf32>
    %get3A_5 = arith.constant 0 : index
    %get3A_6 = arith.constant 0 : index
    %get3A_7 = vector.load %arg4[%get3A_5, %get3A_6] : memref<2x768xf32, #tpu.memory_space<vmem>>, vector<1x768xf32>
    %get3A_8 = arith.constant 1 : index
    %get3A_9 = arith.constant 0 : index
    %get3A_10 = vector.load %arg4[%get3A_8, %get3A_9] : memref<2x768xf32, #tpu.memory_space<vmem>>, vector<1x768xf32>
    %get3A_11 = arith.constant 0 : index
    %get3A_12 = arith.constant 0 : index
    %get3A_13 = vector.load %arg2[%get3A_11, %get3A_12] : memref<2048x1xf32, #tpu.memory_space<vmem>>, vector<2048x1xf32>
    %add3A_14 = vector.broadcast %get3A_7 : vector<1x768xf32> to vector<2048x768xf32>
    %add3A_15 = arith.addf %add3A, %add3A_14 : vector<2048x768xf32>
    %sub3A = arith.subf %get3A_10, %get3A_7 : vector<1x768xf32>
    %mul3A = vector.broadcast %get3A_13 : vector<2048x1xf32> to vector<2048x768xf32>
    %mul3A_16 = vector.broadcast %sub3A : vector<1x768xf32> to vector<2048x768xf32>
    %mul3A_17 = arith.mulf %mul3A, %mul3A_16 : vector<2048x768xf32>
    %add3A_18 = arith.addf %add3A_15, %mul3A_17 : vector<2048x768xf32>
    %reduce_sum3A = arith.constant dense<0.000000e+00> : vector<2048xf32>
    %reduce_sum3A_19 = vector.multi_reduction <add>, %add3A_18, %reduce_sum3A [1] : vector<2048x768xf32> to vector<2048xf32>
    %broadcast_in_dim3A = vector.shape_cast %reduce_sum3A_19 : vector<2048xf32> to vector<2048x1xf32>
    %div3A = arith.constant 7.680000e+02 : f32
    %div3A_20 = vector.broadcast %div3A : f32 to vector<2048x1xf32>
    %div3A_21 = arith.divf %broadcast_in_dim3A, %div3A_20 : vector<2048x1xf32>
    %sub3A_22 = vector.broadcast %div3A_21 : vector<2048x1xf32> to vector<2048x768xf32>
    %sub3A_23 = arith.subf %add3A_18, %sub3A_22 : vector<2048x768xf32>
    %mul3A_24 = arith.mulf %sub3A_23, %sub3A_23 : vector<2048x768xf32>
    %reduce_sum3A_25 = arith.constant dense<0.000000e+00> : vector<2048xf32>
    %reduce_sum3A_26 = vector.multi_reduction <add>, %mul3A_24, %reduce_sum3A_25 [1] : vector<2048x768xf32> to vector<2048xf32>
    %broadcast_in_dim3A_27 = vector.shape_cast %reduce_sum3A_26 : vector<2048xf32> to vector<2048x1xf32>
    %div3A_28 = arith.constant 7.680000e+02 : f32
    %div3A_29 = vector.broadcast %div3A_28 : f32 to vector<2048x1xf32>
    %div3A_30 = arith.divf %broadcast_in_dim3A_27, %div3A_29 : vector<2048x1xf32>
    %add3A_31 = arith.constant 9.99999996E-13 : f32
    %add3A_32 = vector.broadcast %add3A_31 : f32 to vector<2048x1xf32>
    %add3A_33 = arith.addf %div3A_30, %add3A_32 : vector<2048x1xf32>
    %rsqrt3A = math.rsqrt %add3A_33 : vector<2048x1xf32>
    %mul3A_34 = vector.broadcast %rsqrt3A : vector<2048x1xf32> to vector<2048x768xf32>
    %mul3A_35 = arith.mulf %sub3A_23, %mul3A_34 : vector<2048x768xf32>
    %get3A_36 = arith.constant 0 : index
    %get3A_37 = arith.constant 0 : index
    %get3A_38 = vector.load %arg5[%get3A_36, %get3A_37] : memref<1x768xf32, #tpu.memory_space<vmem>>, vector<1x768xf32>
    %mul3A_39 = vector.broadcast %get3A_38 : vector<1x768xf32> to vector<2048x768xf32>
    %mul3A_40 = arith.mulf %mul3A_35, %mul3A_39 : vector<2048x768xf32>
    %get3A_41 = arith.constant 0 : index
    %get3A_42 = arith.constant 0 : index
    %get3A_43 = vector.load %arg6[%get3A_41, %get3A_42] : memref<1x768xf32, #tpu.memory_space<vmem>>, vector<1x768xf32>
    %add3A_44 = vector.broadcast %get3A_43 : vector<1x768xf32> to vector<2048x768xf32>
    %add3A_45 = arith.addf %mul3A_40, %add3A_44 : vector<2048x768xf32>
    %swap3A = arith.constant 0 : index
    %swap3A_46 = arith.constant 0 : index
    %swap3A_47 = vector.load %arg7[%swap3A, %swap3A_46] : memref<2048x768xf32, #tpu.memory_space<vmem>>, vector<2048x768xf32>
    tpu.vector_store %arg7[%swap3A, %swap3A_46], %add3A_45 {strides = array<i32>} : memref<2048x768xf32, #tpu.memory_space<vmem>>, vector<2048x768xf32>,
    return
  }
  func.func @transform_0(%arg0: i32) -> (i32, i32) {
    %c0_i32 = arith.constant 0 : i32
    %c0_i32_0 = arith.constant 0 : i32
    return %arg0, %c0_i32 : i32, i32
  }
  func.func @transform_1(%arg0: i32) -> (i32, i32) {
    %c0_i32 = arith.constant 0 : i32
    %c0_i32_0 = arith.constant 0 : i32
    return %arg0, %c0_i32 : i32, i32
  }
  func.func @transform_2(%arg0: i32) -> (i32, i32) {
    %c0_i32 = arith.constant 0 : i32
    %c0_i32_0 = arith.constant 0 : i32
    %c0_i32_1 = arith.constant 0 : i32
    return %c0_i32, %c0_i32_0 : i32, i32
  }
  func.func @transform_3(%arg0: i32) -> (i32, i32) {
    %c0_i32 = arith.constant 0 : i32
    %c0_i32_0 = arith.constant 0 : i32
    %c0_i32_1 = arith.constant 0 : i32
    return %c0_i32, %c0_i32_0 : i32, i32
  }
  func.func @transform_4(%arg0: i32) -> (i32, i32) {
    %c0_i32 = arith.constant 0 : i32
    %c0_i32_0 = arith.constant 0 : i32
    %c0_i32_1 = arith.constant 0 : i32
    return %c0_i32, %c0_i32_0 : i32, i32
  }
  func.func @transform_5(%arg0: i32) -> (i32, i32) {
    %c0_i32 = arith.constant 0 : i32
    %c0_i32_0 = arith.constant 0 : i32
    %c0_i32_1 = arith.constant 0 : i32
    return %c0_i32, %c0_i32_0 : i32, i32
  }
  func.func @transform_6(%arg0: i32) -> (i32, i32) {
    %add3A = arith.constant 0 : i32
    %add3A_0 = arith.addi %add3A, %arg0 : i32
    %c0_i32 = arith.constant 0 : i32
    %c0_i32_1 = arith.constant 0 : i32
    return %add3A_0, %c0_i32 : i32, i32
  }
}

module attributes {stable_mosaic.version = 14 : i64} {
  func.func @_tc_ln_alias_body(%arg0: i32, %arg1: memref<2048x768xf32, #tpu.memory_space<vmem>>, %arg2: memref<2048x1xf32, #tpu.memory_space<vmem>>, %arg3: memref<2048x768xf32, #tpu.memory_space<vmem>>, %arg4: memref<2x768xf32, #tpu.memory_space<vmem>>, %arg5: memref<1x768xf32, #tpu.memory_space<vmem>>, %arg6: memref<1x768xf32, #tpu.memory_space<vmem>>, %arg7: memref<8x128xf32, #tpu.memory_space<vmem>>, %arg8: memref<2048x768xf32, #tpu.memory_space<vmem>>) attributes {dimension_semantics = [#tpu.dimension_semantics<arbitrary>], iteration_bounds = array<i64: 8>, scalar_prefetch = 0 : i64, scratch_operands = 0 : i64, tpu.core_type = #tpu.core_type<tc>, window_params = [{transform_indices = @transform_0, window_bounds = array<i64: 2048, 768>}, {transform_indices = @transform_1, window_bounds = array<i64: 2048, 1>}, {pipeline_mode = #tpu.pipeline_mode<synchronous>, transform_indices = @transform_2, window_bounds = array<i64: 2048, 768>}, {pipeline_mode = #tpu.pipeline_mode<synchronous>, transform_indices = @transform_3, window_bounds = array<i64: 2, 768>}, {pipeline_mode = #tpu.pipeline_mode<synchronous>, transform_indices = @transform_4, window_bounds = array<i64: 1, 768>}, {pipeline_mode = #tpu.pipeline_mode<synchronous>, transform_indices = @transform_5, window_bounds = array<i64: 1, 768>}, {transform_indices = @transform_6, window_bounds = array<i64: 8, 128>}, {transform_indices = @transform_7, window_bounds = array<i64: 2048, 768>}]} {
    %get3A = arith.constant 0 : index
    %get3A_0 = arith.constant 0 : index
    %get3A_1 = vector.load %arg1[%get3A, %get3A_0] : memref<2048x768xf32, #tpu.memory_space<vmem>>, vector<2048x768xf32>
    %get3A_2 = arith.constant 0 : index
    %get3A_3 = arith.constant 0 : index
    %get3A_4 = vector.load %arg3[%get3A_2, %get3A_3] : memref<2048x768xf32, #tpu.memory_space<vmem>>, vector<2048x768xf32>
    %add3A = arith.addf %get3A_1, %get3A_4 : vector<2048x768xf32>
    %get3A_5 = arith.constant 0 : index
    %get3A_6 = arith.constant 0 : index
    %get3A_7 = vector.load %arg4[%get3A_5, %get3A_6] : memref<2x768xf32, #tpu.memory_space<vmem>>, vector<1x768xf32>
    %get3A_8 = arith.constant 1 : index
    %get3A_9 = arith.constant 0 : index
    %get3A_10 = vector.load %arg4[%get3A_8, %get3A_9] : memref<2x768xf32, #tpu.memory_space<vmem>>, vector<1x768xf32>
    %get3A_11 = arith.constant 0 : index
    %get3A_12 = arith.constant 0 : index
    %get3A_13 = vector.load %arg2[%get3A_11, %get3A_12] : memref<2048x1xf32, #tpu.memory_space<vmem>>, vector<2048x1xf32>
    %add3A_14 = vector.broadcast %get3A_7 : vector<1x768xf32> to vector<2048x768xf32>
    %add3A_15 = arith.addf %add3A, %add3A_14 : vector<2048x768xf32>
    %sub3A = arith.subf %get3A_10, %get3A_7 : vector<1x768xf32>
    %mul3A = vector.broadcast %get3A_13 : vector<2048x1xf32> to vector<2048x768xf32>
    %mul3A_16 = vector.broadcast %sub3A : vector<1x768xf32> to vector<2048x768xf32>
    %mul3A_17 = arith.mulf %mul3A, %mul3A_16 : vector<2048x768xf32>
    %add3A_18 = arith.addf %add3A_15, %mul3A_17 : vector<2048x768xf32>
    %reduce_sum3A = arith.constant dense<0.000000e+00> : vector<2048xf32>
    %reduce_sum3A_19 = vector.multi_reduction <add>, %add3A_18, %reduce_sum3A [1] : vector<2048x768xf32> to vector<2048xf32>
    %broadcast_in_dim3A = vector.shape_cast %reduce_sum3A_19 : vector<2048xf32> to vector<2048x1xf32>
    %div3A = arith.constant 7.680000e+02 : f32
    %div3A_20 = vector.broadcast %div3A : f32 to vector<2048x1xf32>
    %div3A_21 = arith.divf %broadcast_in_dim3A, %div3A_20 : vector<2048x1xf32>
    %sub3A_22 = vector.broadcast %div3A_21 : vector<2048x1xf32> to vector<2048x768xf32>
    %sub3A_23 = arith.subf %add3A_18, %sub3A_22 : vector<2048x768xf32>
    %mul3A_24 = arith.mulf %sub3A_23, %sub3A_23 : vector<2048x768xf32>
    %reduce_sum3A_25 = arith.constant dense<0.000000e+00> : vector<2048xf32>
    %reduce_sum3A_26 = vector.multi_reduction <add>, %mul3A_24, %reduce_sum3A_25 [1] : vector<2048x768xf32> to vector<2048xf32>
    %broadcast_in_dim3A_27 = vector.shape_cast %reduce_sum3A_26 : vector<2048xf32> to vector<2048x1xf32>
    %div3A_28 = arith.constant 7.680000e+02 : f32
    %div3A_29 = vector.broadcast %div3A_28 : f32 to vector<2048x1xf32>
    %div3A_30 = arith.divf %broadcast_in_dim3A_27, %div3A_29 : vector<2048x1xf32>
    %add3A_31 = arith.constant 9.99999996E-13 : f32
    %add3A_32 = vector.broadcast %add3A_31 : f32 to vector<2048x1xf32>
    %add3A_33 = arith.addf %div3A_30, %add3A_32 : vector<2048x1xf32>
    %rsqrt3A = math.rsqrt %add3A_33 : vector<2048x1xf32>
    %mul3A_34 = vector.broadcast %rsqrt3A : vector<2048x1xf32> to vector<2048x768xf32>
    %mul3A_35 = arith.mulf %sub3A_23, %mul3A_34 : vector<2048x768xf32>
    %get3A_36 = arith.constant 0 : index
    %get3A_37 = arith.constant 0 : index
    %get3A_38 = vector.load %arg5[%get3A_36, %get3A_37] : memref<1x768xf32, #tpu.memory_space<vmem>>, vector<1x768xf32>
    %mul3A_39 = vector.broadcast %get3A_38 : vector<1x768xf32> to vector<2048x768xf32>
    %mul3A_40 = arith.mulf %mul3A_35, %mul3A_39 : vector<2048x768xf32>
    %get3A_41 = arith.constant 0 : index
    %get3A_42 = arith.constant 0 : index
    %get3A_43 = vector.load %arg6[%get3A_41, %get3A_42] : memref<1x768xf32, #tpu.memory_space<vmem>>, vector<1x768xf32>
    %add3A_44 = vector.broadcast %get3A_43 : vector<1x768xf32> to vector<2048x768xf32>
    %add3A_45 = arith.addf %mul3A_40, %add3A_44 : vector<2048x768xf32>
    %swap3A = arith.constant 0 : index
    %swap3A_46 = arith.constant 0 : index
    %swap3A_47 = vector.load %arg8[%swap3A, %swap3A_46] : memref<2048x768xf32, #tpu.memory_space<vmem>>, vector<2048x768xf32>
    tpu.vector_store %arg8[%swap3A, %swap3A_46], %add3A_45 {strides = array<i32>} : memref<2048x768xf32, #tpu.memory_space<vmem>>, vector<2048x768xf32>,
    return
  }
  func.func @transform_0(%arg0: i32) -> (i32, i32) {
    %c0_i32 = arith.constant 0 : i32
    %c0_i32_0 = arith.constant 0 : i32
    return %arg0, %c0_i32 : i32, i32
  }
  func.func @transform_1(%arg0: i32) -> (i32, i32) {
    %c0_i32 = arith.constant 0 : i32
    %c0_i32_0 = arith.constant 0 : i32
    return %arg0, %c0_i32 : i32, i32
  }
  func.func @transform_2(%arg0: i32) -> (i32, i32) {
    %c0_i32 = arith.constant 0 : i32
    %c0_i32_0 = arith.constant 0 : i32
    %c0_i32_1 = arith.constant 0 : i32
    return %c0_i32, %c0_i32_0 : i32, i32
  }
  func.func @transform_3(%arg0: i32) -> (i32, i32) {
    %c0_i32 = arith.constant 0 : i32
    %c0_i32_0 = arith.constant 0 : i32
    %c0_i32_1 = arith.constant 0 : i32
    return %c0_i32, %c0_i32_0 : i32, i32
  }
  func.func @transform_4(%arg0: i32) -> (i32, i32) {
    %c0_i32 = arith.constant 0 : i32
    %c0_i32_0 = arith.constant 0 : i32
    %c0_i32_1 = arith.constant 0 : i32
    return %c0_i32, %c0_i32_0 : i32, i32
  }
  func.func @transform_5(%arg0: i32) -> (i32, i32) {
    %c0_i32 = arith.constant 0 : i32
    %c0_i32_0 = arith.constant 0 : i32
    %c0_i32_1 = arith.constant 0 : i32
    return %c0_i32, %c0_i32_0 : i32, i32
  }
  func.func @transform_6(%arg0: i32) -> (i32, i32) {
    %c0_i32 = arith.constant 0 : i32
    %c0_i32_0 = arith.constant 0 : i32
    %c0_i32_1 = arith.constant 0 : i32
    return %c0_i32, %c0_i32_0 : i32, i32
  }
  func.func @transform_7(%arg0: i32) -> (i32, i32) {
    %add3A = arith.constant 8 : i32
    %add3A_0 = arith.addi %add3A, %arg0 : i32
    %c0_i32 = arith.constant 0 : i32
    %c0_i32_1 = arith.constant 0 : i32
    return %add3A_0, %c0_i32 : i32, i32
  }
}

</mosaic_0001>

<sc_bundles>
// kernel: kernel.6.cloned.1.call-start
scs
__scs_entry_jumppad:
0x0: {  	(pc) =	sbr.rel $0x88, $3  }
0x1: {  	(tag) =	ssettag $0x0;
	lr =	simm.s32 $0x1  }
0x2: {  	[smem:$0x3F9A] =	sst lr;
	_ =	strace $0xD0000000  }
0x3: {  	_ = 	snop  }
0x4: {  	_ = 	snop  }
0x5: {  	_ = 	snop  }
0x6: {  	_ = 	snop  }
0x7: {  	_ = 	snop  }
__scs_overlays_trampoline_lowered:
0x8: {  	[smem:$0x3FA9] =	sst s0  }
0x9: {  	[smem:$0x3FAA] =	sst s1  }
0xa: {  	[smem:$0x3FAB] =	sst s2  }
0xb: {  	[smem:$0x3FAC] =	sst s3  }
0xc: {  	[smem:$0x3FAD] =	sst s4  }
0xd: {  	[smem:$0x3FAE] =	sst s5  }
0xe: {  	[smem:$0x3FAF] =	sst s6  }
0xf: {  	[smem:$0x3FB0] =	sst s7  }
0x10: {  	[smem:$0x3FB1] =	sst s8  }
0x11: {  	[smem:$0x3FB2] =	sst s9;
	s0 =	simm.s32 @!p0 $0x0  }
0x12: {  	s1 =	sld [smem:$0x3F98];
	s0 =	simm.s32 @p0 $0x1  }
0x13: {  	[smem:$0x3FB3] =	sst s0;
	s0 =	simm.s32 @!p1 $0x0  }
0x14: {  	s2 =	sld [smem:$0x3F97];
	s0 =	simm.s32 @p1 $0x1  }
0x15: {  	[smem:$0x3FB4] =	sst s0;
	s0 =	simm.s32 @!p2 $0x0  }
0x16: {  	s3 =	sld [smem:$0x3FDB];
	s0 =	simm.s32 @p2 $0x1  }
0x17: {  	s4 =	simm.s32 $0x1BF5;
	[smem:$0x3FB6] =	sst s0  }
0x18: {  	s0 =	sld [smem:$0x3F99];
	_ =	swait.ge [sflag:s4], $0x0  }
0x19: {  	s7 =	sld [smem:$0x3F9A]  }
0x1a: {  	s8 =	sadd.s32 $0xFFFFE003, lr  }
0x1b: {  	s9 =	sadd.s32 $0xFFFFFEF7, lr;
	s5 =	simm.s32 $0xFFFFFFFF;
	p2 =	slt.u32 s8, $0xFFFFF086  }
0x1c: {  	p1 =	slt.u32 s9, $0xF7A;
	s5 =	simm.s32 @!p2 $0x0  }
0x1d: {  	s5 =	simm.s32 @p1 $0x1;
	p0 =	seq.s32 s7, s2  }
0x1e: {  	s7 =	smul.u32 @!p0 $0xF7A, s2;
	p2 =	seq.s32 @!p0 s5, $0x0  }
0x1f: {  	s9 =	smul.u32 $0xF7A, s1;
	s8 =	simm.s32 @!p0 $0x1BF5;
	p2 =	por !p2, p0  }
0x20: {  	[sflag:s8] =	ssyncset.s32 @!p0 $0xFFFFF086;
	s6 =	sadd.s32 @!p0 s3, s7;
	s7 =	simm.s32 @!p0 $0x108  }
0x21: {  	s3 =	sadd.s32 s3, s9;
	s6 =	sadd.s32 @!p0 $0x88, s6;
	s7 =	simm.s32 @p2 $0x1082  }
0x22: {  	[simem:s7], [sflag:s8] =	dma.local @!p0 [hbm:s6], $0xF7A  }
0x23: {  	s9 =	sor.u32 $0xD0000000, s2;
	s6 =	simm.s32 $0x108;
	_ =	swait.ge @!p0 [sflag:s8], $0x0  }
0x24: {  	s3 =	sadd.s32 $0x88, s3;
	s6 =	simm.s32 @!p1 $0x1082;
	[sflag:s4] =	ssyncset.s32 $0xFFFFF086  }
0x25: {  	[simem:s6], [sflag:s4] =	dma.local [hbm:s3], $0xF7A  }
0x26: {  	[smem:$0x3F9A] =	sst s1;
	(tag) =	ssettag s2;
	_ =	strace s9  }
0x27: {  	s1 =	sld [smem:$0x3FAA]  }
0x28: {  	s2 =	sld [smem:$0x3FAB]  }
0x29: {  	s4 =	sld [smem:$0x3FAD]  }
0x2a: {  	p0 =	seq.s32 s5, $0x0;
	s5 =	sld [smem:$0x3FAE]  }
0x2b: {  	s6 =	sld [smem:$0x3FAF]  }
0x2c: {  	s7 =	sld [smem:$0x3FB0]  }
0x2d: {  	s3 =	simm.s32 $0x108;
	s8 =	sld [smem:$0x3FB1]  }
0x2e: {  	s3 =	simm.s32 @!p0 $0x1082;
	s9 =	sld [smem:$0x3FB2]  }
0x2f: {  	lr =	sadd.s32 s0, s3;
	s0 =	sld [smem:$0x3FA9]  }
0x30: {  	s3 =	sld [smem:$0x3FAC]  }
0x31: {  	[smem:$0x3FB5] =	sst s10  }
0x32: {  	s10 =	sld [smem:$0x3FB3];
	_ =	sdelay $0x3  }
0x33: {  	p0 =	seq.s32 s10, $0x1;
	s10 =	sld [smem:$0x3FB5];
	_ =	sdelay $0x3  }
0x34: {  	[smem:$0x3FB5] =	sst s10  }
0x35: {  	s10 =	sld [smem:$0x3FB4];
	_ =	sdelay $0x3  }
0x36: {  	p1 =	seq.s32 s10, $0x1;
	s10 =	sld [smem:$0x3FB5];
	_ =	sdelay $0x3  }
0x37: {  	[smem:$0x3FB5] =	sst s10  }
0x38: {  	s10 =	sld [smem:$0x3FB6]  }
0x39: {  	_ = 	snop;
	(pc) =	sbr.ind lr, $3  }
0x3a: {  	_ = 	snop  }
0x3b: {  	_ = 	snop  }
0x3c: {  	p2 =	seq.s32 s10, $0x1;
	s10 =	sld [smem:$0x3FB5]  }
0x3d: {  	_ =	shalt  }
0x3e: {  	_ =	shalt  }
0x3f: {  	_ =	shalt  }
0x40: {  	_ =	shalt  }
0x41: {  	_ =	shalt  }
0x42: {  	_ =	shalt  }
0x43: {  	_ =	shalt  }
0x44: {  	_ =	shalt  }
0x45: {  	_ =	shalt  }
0x46: {  	_ =	shalt  }
0x47: {  	_ =	shalt  }
0x48: {  	_ =	shalt  }
0x49: {  	_ =	shalt  }
0x4a: {  	_ =	shalt  }
0x4b: {  	_ =	shalt  }
0x4c: {  	_ =	shalt  }
0x4d: {  	_ =	shalt  }
0x4e: {  	_ =	shalt  }
0x4f: {  	_ =	shalt  }
0x50: {  	_ =	shalt  }
0x51: {  	_ =	shalt  }
0x52: {  	_ =	shalt  }
0x53: {  	_ =	shalt  }
0x54: {  	_ =	shalt  }
0x55: {  	_ =	shalt  }
0x56: {  	_ =	shalt  }
0x57: {  	_ =	shalt  }
0x58: {  	_ =	shalt  }
0x59: {  	_ =	shalt  }
0x5a: {  	_ =	shalt  }
0x5b: {  	_ =	shalt  }
0x5c: {  	_ =	shalt  }
0x5d: {  	_ =	shalt  }
0x5e: {  	_ =	shalt  }
0x5f: {  	_ =	shalt  }
0x60: {  	_ =	shalt  }
0x61: {  	_ =	shalt  }
0x62: {  	_ =	shalt  }
0x63: {  	_ =	shalt  }
0x64: {  	_ =	shalt  }
0x65: {  	_ =	shalt  }
0x66: {  	_ =	shalt  }
0x67: {  	_ =	shalt  }
0x68: {  	_ =	shalt  }
0x69: {  	_ =	shalt  }
0x6a: {  	_ =	shalt  }
0x6b: {  	_ =	shalt  }
0x6c: {  	_ =	shalt  }
0x6d: {  	_ =	shalt  }
0x6e: {  	_ =	shalt  }
0x6f: {  	_ =	shalt  }
0x70: {  	_ =	shalt  }
0x71: {  	_ =	shalt  }
0x72: {  	_ =	shalt  }
0x73: {  	_ =	shalt  }
0x74: {  	_ =	shalt  }
0x75: {  	_ =	shalt  }
0x76: {  	_ =	shalt  }
0x77: {  	_ =	shalt  }
0x78: {  	_ =	shalt  }
0x79: {  	_ =	shalt  }
0x7a: {  	_ =	shalt  }
0x7b: {  	_ =	shalt  }
0x7c: {  	_ =	shalt  }
0x7d: {  	_ =	shalt  }
0x7e: {  	_ =	shalt  }
0x7f: {  	_ =	shalt  }
0x80: {  	_ =	shalt  }
0x81: {  	_ =	shalt  }
0x82: {  	_ =	shalt  }
0x83: {  	_ =	shalt  }
0x84: {  	_ =	shalt  }
0x85: {  	_ =	shalt  }
0x86: {  	_ =	shalt  }
0x87: {  	_ =	shalt  }
.Lfunc_end0:
.L_simem_size_0:
called_computation_lowered:
.L_overlay_start_0:
0x88: {  	s2 =	sld [smem:$0x3FD9]  }
0x89: {  	s3 =	sld [smem:$0x3FFE];
	_ =	sdelay $0x1  }
0x8a: {  	s1 =	srdreg.scid  }
0x8b: {  	s0 =	sand.u32 $0x1, s1  }
0x8c: {  	s17 =	sshll.u32 s0, $0xA;
	s2 =	sadd.s32 s3, s2  }
0x8d: {  	s2 =	sadd.s32 s2, s17  }
0x8e: {  	[smem:$0x3FC1] =	sst s2  }
0x8f: {  	_ = 	snop  }
0x90: {  	s2 =	sld [smem:$0x3FC7]  }
0x91: {  	s18 =	sld [smem:$0x3FD0];
	(tm) =	ssettm $0x1  }
0x92: {  	s4 =	sld [smem:$0x3FFB];
	_ =	sdelay $0x3  }
0x93: {  	_ =	strace s4  }
0x94: {  	s4 =	sld [smem:$0x3FFC];
	_ =	sdelay $0x3  }
0x95: {  	_ =	strace s4  }
0x96: {  	s4 =	sld [smem:$0x3FFD];
	_ =	sdelay $0x3  }
0x97: {  	_ =	strace s4  }
0x98: {  	_ =	strace $0x8FFFFFFF  }
0x99: {  	s19 =	sld [smem:$0x3FDB];
	_ =	sdelay $0x1  }
0x9a: {  	s5 =	simm.s32 $_scs_section_size  }
0x9b: {  	s6 =	simm.s32 $_size__tile_overlayer_lowered;
	s7 =	simm.s32 $_tile_overlayer_lowered  }
0x9c: {  	s22 =	simm.s32 $0x1BFF;
	s21 =	sshll.u32 s7, $0x1;
	s4 =	sadd.s32 s5, s19  }
0x9d: {  	s8 =	simm.s32 $0x0;
	s20 =	sshll.u32 s6, $0x1;
	s6 =	sadd.s32 s21, s4  }
0x9e: {  	[timem:s8], [sflag:s22] =	dma.local [hbm:s6], s20  }
0x9f: {  	_ =	swait.ge [sflag:s22], s20  }
0xa0: {  	s5 =	ssub.s32 $0x0, s20;
	[sflag:s22] =	ssyncset.done $0x0  }
0xa1: {  	[sflag:s22] =	ssyncadd.s32 s5;
	_ =	sdelay $0x1  }
0xa2: {  	s23 =	simm.s32 $0x1B8B  }
0xa3: {  	_ =	swait.ge [sflag:s23], $0x1  }
0xa4: {  	[sflag:s23] =	ssyncset.done $0x0  }
0xa5: {  	s25 =	simm.s32 $0x1B8E;
	s24 =	sld [smem:$0x3FFE];
	[sflag:s23] =	ssyncadd.s32 $0xFFFFFFFF  }
0xa6: {  	s26 =	simm.s32 $execute0_lowered;
	[smem:$0x3FD2] =	sst s25  }
0xa7: {  	s6 =	sshll.u32 s26, $0x1;
	_ =	strace $0x80000046;
	[dreg:$0x1] =	wrdreg $0xFFFFFFFF  }
0xa8: {  	s28 =	simm.s32 $_size_execute0_lowered;
	s4 =	sadd.s32 s4, s6;
	[dreg:$0x0] =	wrdreg $0x0  }
0xa9: {  	s6 =	sshll.u32 s28, $0x1;
	[dreg:$0x2] =	wrdreg s4  }
0xaa: {  	[dreg:$0x3] =	wrdreg s6  }
0xab: {  	[dreg:$0x4] =	wrdreg $0xC0  }
0xac: {  	_ =	task [dreg:s8], $0x5FFFF  }
0xad: {  	[dreg:$0x1] =	wrdreg $0xFFFFFFFF  }
0xae: {  	[dreg:$0x0] =	wrdreg $0x60  }
0xaf: {  	[dreg:$0x2] =	wrdreg s18  }
0xb0: {  	[dreg:$0x3] =	wrdreg s2  }
0xb1: {  	[dreg:$0x4] =	wrdreg s24  }
0xb2: {  	[dreg:$0x5] =	wrdreg $0x9  }
0xb3: {  	_ =	task.clear_ibuf [dreg:s8], $0x6FFFF;
	_ =	strace $0x90000046  }
0xb4: {  	s29 =	simm.s32 $0x9;
	_ =	strace $0x80000048  }
0xb5: {  	_ =	swait.ge [sflag:s29], $0x1  }
0xb6: {  	[sflag:s29] =	ssyncadd.s32 $0xFFFFFFFF  }
0xb7: {  	_ =	strace $0x90000048  }
0xb8: {  	_ =	sfence  }
0xb9: {  	s30 =	sld [smem:$0x0];
	_ =	sdelay $0x2  }
0xba: {  	s31 =	sshll.u32 s1, $0xD;
	s1 =	sshrl.u32 s1, $0x2  }
0xbb: {  	s3 =	sand.u32 $0x4000, s31;
	s1 =	sadd.s32 s1, s30  }
0xbc: {  	s0 =	sor.u32 s3, s0;
	s1 =	sshll.u32 s1, $0x11  }
0xbd: {  	s0 =	sor.u32 s1, s0  }
0xbe: {  	s0 =	sadd.s32 $0x8F2B, s0  }
0xbf: {  	[sflag:s0] =	ssyncadd.remote.s32 $0x1  }
0xc0: {  	_ =	sfence.sel $0xFFFF  }
0xc1: {  	[dreg:$0x0] =	wrdreg $0xFFFFFFFF;
	(pc) =	sbr.abs _section_cstart, $3  }
0xc2: {  	[dreg:$0x1] =	wrdreg $0xFFFFFFFF  }
0xc3: {  	_ =	task.clear_ibuf [dreg:s8], $0x2FFFF;
	_ =	strace $0x9FFFFFFF  }
0xc4: {  	(tm) =	ssettm $0x7FFFFFFF  }
0xc5: {  	_ =	shalt  }
tec
execute0_lowered:
.L_overlay_start_1:
0x0: {  	(tag) =	ssettag $0x1  }
0x1: {  	s0 =	rddreg [dreg:$0x0];
	s1 =	srdreg.scid  }
0x2: {  	s3 =	stileid.u32;
	s2 =	rddreg [dreg:$0x1]  }
0x3: {  	s4 =	rddreg [dreg:$0x2];
	s1 =	sand.u32 $0x1, s1;
	s3 =	sshll.u32 s3, $0x1  }
0x4: {  	s8 =	simm.s32 $0x1;
	s10 =	simm.s32 $0x2;
	s5 =	sor.u32 s1, s3  }
0x5: {  	s3 =	simm.s32 $0x0;
	s6 =	smul.u32 $0xC000, s5;
	s7 =	sshll.u32 s5, $0x8  }
0x6: {  	s4 =	sadd.s32 $0x1400, s4;
	[smem:$0x7FF] =	sst s3;
	s0 =	sadd.s32 s0, s7  }
0x7: {  	_ =	strace $0x80000047;
	s6 =	sadd.s32 s4, s6;
	[dreg:$0x4] =	wrdreg s0  }
0x8: {  	s11 =	simm.s32 $0x3;
	s15 =	sadd.s32 $0xC00, s6;
	[dreg:$0x14] =	wrdreg s6  }
0x9: {  	s5 =	smul.u32 $0x60000, s5;
	s16 =	sadd.s32 $0x1800, s6;
	[dreg:$0x5] =	wrdreg s15  }
0xa: {  	s12 =	simm.s32 $0x5;
	s17 =	sadd.s32 $0x2400, s6;
	[dreg:$0x6] =	wrdreg s16  }
0xb: {  	s5 =	sshrl.u32 s5, $0x3;
	s18 =	sadd.s32 $0x3000, s6;
	[dreg:$0x7] =	wrdreg s17  }
0xc: {  	s19 =	sadd.s32 $0x3C00, s6;
	s4 =	sadd.s32 s4, s5;
	[dreg:$0x8] =	wrdreg s18  }
0xd: {  	s13 =	simm.s32 $0x4;
	[dreg:$0x9] =	wrdreg s19;
	s20 =	sadd.s32 $0x4800, s4  }
0xe: {  	s14 =	simm.s32 $0x6;
	s21 =	sadd.s32 $0x5400, s4;
	[dreg:$0xa] =	wrdreg s20  }
0xf: {  	s1 =	ssub.s32 $0x2, s1;
	s22 =	sadd.s32 $0x6000, s4;
	[dreg:$0xb] =	wrdreg s21  }
0x10: {  	s28 =	sshrl.u32 s1, $0x1;
	s23 =	sadd.s32 $0x6C00, s4;
	[dreg:$0xc] =	wrdreg s22  }
0x11: {  	s1 =	ssub.s32 s1, s28;
	s24 =	sadd.s32 $0x7800, s4;
	[dreg:$0xd] =	wrdreg s23  }
0x12: {  	s7 =	smax.u32 s1, $0x1;
	s25 =	sadd.s32 $0x8400, s4;
	[dreg:$0xe] =	wrdreg s24  }
0x13: {  	s5 =	sadd.s32 $0x100, s2;
	s26 =	sadd.s32 $0x9000, s4;
	[dreg:$0xf] =	wrdreg s25  }
0x14: {  	s6 =	sadd.s32 $0x200, s2;
	s29 =	sadd.s32 $0x9C00, s4;
	[dreg:$0x10] =	wrdreg s26  }
0x15: {  	v2 =	vlaneseq.u32;
	s30 =	sadd.s32 $0xA800, s4;
	s31 =	sadd.s32 $0xB400, s4;
	[dreg:$0x11] =	wrdreg s29  }
0x16: {  	vm0 =	vmmov $0xffff;
	v1 =	vshrl.u32 v2, $0x3;
	s15 =	simm.s32 $0x7;
	s16 =	simm.s32 $0x8;
	[dreg:$0x12] =	wrdreg s30  }
0x17: {  	v0 =	vand.u32 $0x7, v2;
	v2 =	vor.u32 $0x8, v2;
	v1 =	vmul.u32 $0x8, v1;
	s18 =	simm.s32 $0x12800;
	[dreg:$0x13] =	wrdreg s31;
	s21 =	simm.s32 $0x800  }
.LBB2_1:
0x18: {  	s17 =	rddreg [dreg:$0x4];
	s24 =	simm.s32 $0x9  }
0x19: {  	[tilespmem:s3], [sflag:$0x9] =	stream.linear.gather [hbm4b:s17+s3], $0x800, $0x38;
	[tilespmem:$0x18800] =	vst v63  }
0x1a: {  	_ =	swait.ge [sflag:s24], $0x800  }
0x1b: {  	[sflag:s24] =	ssyncset.done $0x0  }
0x1c: {  	[sflag:s24] =	ssyncadd.s32 $0xFFFFF800  }
0x1d: {  	v3 =	vld [tilespmem:$0x0];
	_ =	sdelay $0x4  }
0x1e: {  	v4 =	vshrl.u32 v3, $0x3  }
0x1f: {  	v4 =	vmul.u32 $0x30, v4  }
0x20: {  	v3 =	vand.u32 $0x7, v3  }
0x21: {  	v3 =	vor.u32 v3, v4  }
0x22: {  	v4 =	vperm.xlane v3, v0;
	_ =	sdelay $0x1  }
0x23: {  	v4 =	vadd.s32 v1, v4;
	_ =	sdelay $0x3  }
0x24: {  	v3 =	vperm.xlane v3, v2  }
0x25: {  	[tilespmem:s21], [sflag:$0x1] =	stream.indirect_vreg.gather [hbm4b:s2+s3], $0x80, v4, vm0, $0xb8;
	[tilespmem:$0x18800] =	vst v63  }
0x26: {  	s0 =	simm.s32 $0x1000;
	v3 =	vadd.s32 v1, v3  }
0x27: {  	[tilespmem:s0], [sflag:$0x1] =	stream.indirect_vreg.gather [hbm4b:s5+s3], $0x80, v4, vm0, $0xb8;
	[tilespmem:$0x18800] =	vst v63  }
0x28: {  	s25 =	simm.s32 $0x1800  }
0x29: {  	[tilespmem:s25], [sflag:$0x1] =	stream.indirect_vreg.gather [hbm4b:s6+s3], $0x80, v4, vm0, $0xb8;
	[tilespmem:$0x18800] =	vst v63  }
0x2a: {  	s26 =	simm.s32 $0x2000  }
0x2b: {  	[tilespmem:s26], [sflag:$0x1] =	stream.indirect_vreg.gather [hbm4b:s2+s3], $0x80, v3, vm0, $0xb8;
	[tilespmem:$0x18800] =	vst v63  }
0x2c: {  	s28 =	simm.s32 $0x2800  }
0x2d: {  	[tilespmem:s28], [sflag:$0x1] =	stream.indirect_vreg.gather [hbm4b:s5+s3], $0x80, v3, vm0, $0xb8;
	[tilespmem:$0x18800] =	vst v63  }
0x2e: {  	s29 =	simm.s32 $0x3000  }
0x2f: {  	[tilespmem:s29], [sflag:$0x1] =	stream.indirect_vreg.gather [hbm4b:s6+s3], $0x80, v3, vm0, $0xb8;
	[tilespmem:$0x18800] =	vst v63  }
0x30: {  	v3 =	vld [tilespmem:$0x10];
	_ =	sdelay $0x4  }
0x31: {  	v33 =	vshrl.u32 v3, $0x3  }
0x32: {  	v4 =	vmul.u32 $0x30, v33  }
0x33: {  	v3 =	vand.u32 $0x7, v3  }
0x34: {  	v3 =	vor.u32 v3, v4  }
0x35: {  	v4 =	vperm.xlane v3, v0;
	_ =	sdelay $0x1  }
0x36: {  	v4 =	vadd.s32 v1, v4;
	_ =	sdelay $0x3  }
0x37: {  	s30 =	simm.s32 $0x3800;
	v3 =	vperm.xlane v3, v2  }
0x38: {  	[tilespmem:s30], [sflag:$0x1] =	stream.indirect_vreg.gather [hbm4b:s2+s3], $0x80, v4, vm0, $0xb8;
	[tilespmem:$0x18800] =	vst v63  }
0x39: {  	s4 =	simm.s32 $0x4000;
	v3 =	vadd.s32 v1, v3  }
0x3a: {  	[tilespmem:s4], [sflag:$0x1] =	stream.indirect_vreg.gather [hbm4b:s5+s3], $0x80, v4, vm0, $0xb8;
	[tilespmem:$0x18800] =	vst v63  }
0x3b: {  	s9 =	simm.s32 $0x4800  }
0x3c: {  	[tilespmem:s9], [sflag:$0x1] =	stream.indirect_vreg.gather [hbm4b:s6+s3], $0x80, v4, vm0, $0xb8;
	[tilespmem:$0x18800] =	vst v63  }
0x3d: {  	s17 =	simm.s32 $0x5000  }
0x3e: {  	[tilespmem:s17], [sflag:$0x1] =	stream.indirect_vreg.gather [hbm4b:s2+s3], $0x80, v3, vm0, $0xb8;
	[tilespmem:$0x18800] =	vst v63  }
0x3f: {  	s20 =	simm.s32 $0x5800  }
0x40: {  	[tilespmem:s20], [sflag:$0x1] =	stream.indirect_vreg.gather [hbm4b:s5+s3], $0x80, v3, vm0, $0xb8;
	[tilespmem:$0x18800] =	vst v63  }
0x41: {  	s22 =	simm.s32 $0x6000  }
0x42: {  	[tilespmem:s22], [sflag:$0x1] =	stream.indirect_vreg.gather [hbm4b:s6+s3], $0x80, v3, vm0, $0xb8;
	[tilespmem:$0x18800] =	vst v63  }
0x43: {  	v3 =	vld [tilespmem:$0x80];
	_ =	sdelay $0x4  }
0x44: {  	v34 =	vshrl.u32 v3, $0x3  }
0x45: {  	v4 =	vmul.u32 $0x30, v34  }
0x46: {  	v3 =	vand.u32 $0x7, v3  }
0x47: {  	v3 =	vor.u32 v3, v4  }
0x48: {  	v4 =	vperm.xlane v3, v0;
	_ =	sdelay $0x1  }
0x49: {  	v4 =	vadd.s32 v1, v4;
	_ =	sdelay $0x3  }
0x4a: {  	s23 =	simm.s32 $0x6800;
	v3 =	vperm.xlane v3, v2  }
0x4b: {  	[tilespmem:s23], [sflag:$0x2] =	stream.indirect_vreg.gather [hbm4b:s2+s3], $0x80, v4, vm0, $0xb8;
	[tilespmem:$0x18800] =	vst v63  }
0x4c: {  	s24 =	simm.s32 $0x7000;
	v3 =	vadd.s32 v1, v3  }
0x4d: {  	[tilespmem:s24], [sflag:$0x2] =	stream.indirect_vreg.gather [hbm4b:s5+s3], $0x80, v4, vm0, $0xb8;
	[tilespmem:$0x18800] =	vst v63  }
0x4e: {  	s25 =	simm.s32 $0x7800  }
0x4f: {  	[tilespmem:s25], [sflag:$0x2] =	stream.indirect_vreg.gather [hbm4b:s6+s3], $0x80, v4, vm0, $0xb8;
	[tilespmem:$0x18800] =	vst v63  }
0x50: {  	s26 =	simm.s32 $0x8000  }
0x51: {  	[tilespmem:s26], [sflag:$0x2] =	stream.indirect_vreg.gather [hbm4b:s2+s3], $0x80, v3, vm0, $0xb8;
	[tilespmem:$0x18800] =	vst v63  }
0x52: {  	s28 =	simm.s32 $0x8800  }
0x53: {  	[tilespmem:s28], [sflag:$0x2] =	stream.indirect_vreg.gather [hbm4b:s5+s3], $0x80, v3, vm0, $0xb8;
	[tilespmem:$0x18800] =	vst v63  }
0x54: {  	s29 =	simm.s32 $0x9000  }
0x55: {  	[tilespmem:s29], [sflag:$0x2] =	stream.indirect_vreg.gather [hbm4b:s6+s3], $0x80, v3, vm0, $0xb8;
	[tilespmem:$0x18800] =	vst v63  }
0x56: {  	v3 =	vld [tilespmem:$0x90];
	_ =	sdelay $0x4  }
0x57: {  	v35 =	vshrl.u32 v3, $0x3  }
0x58: {  	v4 =	vmul.u32 $0x30, v35  }
0x59: {  	v3 =	vand.u32 $0x7, v3  }
0x5a: {  	v3 =	vor.u32 v3, v4  }
0x5b: {  	v4 =	vperm.xlane v3, v0;
	_ =	sdelay $0x1  }
0x5c: {  	v4 =	vadd.s32 v1, v4;
	_ =	sdelay $0x3  }
0x5d: {  	s30 =	simm.s32 $0x9800;
	v3 =	vperm.xlane v3, v2  }
0x5e: {  	[tilespmem:s30], [sflag:$0x2] =	stream.indirect_vreg.gather [hbm4b:s2+s3], $0x80, v4, vm0, $0xb8;
	[tilespmem:$0x18800] =	vst v63  }
0x5f: {  	s4 =	simm.s32 $0xA000;
	v3 =	vadd.s32 v1, v3  }
0x60: {  	[tilespmem:s4], [sflag:$0x2] =	stream.indirect_vreg.gather [hbm4b:s5+s3], $0x80, v4, vm0, $0xb8;
	[tilespmem:$0x18800] =	vst v63  }
0x61: {  	s17 =	simm.s32 $0xA800  }
0x62: {  	[tilespmem:s17], [sflag:$0x2] =	stream.indirect_vreg.gather [hbm4b:s6+s3], $0x80, v4, vm0, $0xb8;
	[tilespmem:$0x18800] =	vst v63  }
0x63: {  	s20 =	simm.s32 $0xB000  }
0x64: {  	[tilespmem:s20], [sflag:$0x2] =	stream.indirect_vreg.gather [hbm4b:s2+s3], $0x80, v3, vm0, $0xb8;
	[tilespmem:$0x18800] =	vst v63  }
0x65: {  	s22 =	simm.s32 $0xB800  }
0x66: {  	[tilespmem:s22], [sflag:$0x2] =	stream.indirect_vreg.gather [hbm4b:s5+s3], $0x80, v3, vm0, $0xb8;
	[tilespmem:$0x18800] =	vst v63  }
0x67: {  	s30 =	simm.s32 $0xC000  }
0x68: {  	[tilespmem:s30], [sflag:$0x2] =	stream.indirect_vreg.gather [hbm4b:s6+s3], $0x80, v3, vm0, $0xb8;
	[tilespmem:$0x18800] =	vst v63  }
0x69: {  	v3 =	vld [tilespmem:$0x100];
	_ =	sdelay $0x4  }
0x6a: {  	v36 =	vshrl.u32 v3, $0x3  }
0x6b: {  	v4 =	vmul.u32 $0x30, v36  }
0x6c: {  	v3 =	vand.u32 $0x7, v3  }
0x6d: {  	v3 =	vor.u32 v3, v4  }
0x6e: {  	v4 =	vperm.xlane v3, v0;
	_ =	sdelay $0x1  }
0x6f: {  	v4 =	vadd.s32 v1, v4;
	_ =	sdelay $0x3  }
0x70: {  	s4 =	simm.s32 $0xC800;
	v3 =	vperm.xlane v3, v2  }
0x71: {  	[tilespmem:s4], [sflag:$0x3] =	stream.indirect_vreg.gather [hbm4b:s2+s3], $0x80, v4, vm0, $0xb8;
	[tilespmem:$0x18800] =	vst v63  }
0x72: {  	s17 =	simm.s32 $0xD000;
	v3 =	vadd.s32 v1, v3  }
0x73: {  	[tilespmem:s17], [sflag:$0x3] =	stream.indirect_vreg.gather [hbm4b:s5+s3], $0x80, v4, vm0, $0xb8;
	[tilespmem:$0x18800] =	vst v63  }
0x74: {  	s20 =	simm.s32 $0xD800  }
0x75: {  	[tilespmem:s20], [sflag:$0x3] =	stream.indirect_vreg.gather [hbm4b:s6+s3], $0x80, v4, vm0, $0xb8;
	[tilespmem:$0x18800] =	vst v63  }
0x76: {  	s22 =	simm.s32 $0xE000  }
0x77: {  	[tilespmem:s22], [sflag:$0x3] =	stream.indirect_vreg.gather [hbm4b:s2+s3], $0x80, v3, vm0, $0xb8;
	[tilespmem:$0x18800] =	vst v63  }
0x78: {  	s30 =	simm.s32 $0xE800  }
0x79: {  	[tilespmem:s30], [sflag:$0x3] =	stream.indirect_vreg.gather [hbm4b:s5+s3], $0x80, v3, vm0, $0xb8;
	[tilespmem:$0x18800] =	vst v63  }
0x7a: {  	s17 =	simm.s32 $0xF000  }
0x7b: {  	[tilespmem:s17], [sflag:$0x3] =	stream.indirect_vreg.gather [hbm4b:s6+s3], $0x80, v3, vm0, $0xb8;
	[tilespmem:$0x18800] =	vst v63  }
0x7c: {  	v3 =	vld [tilespmem:$0x110];
	_ =	sdelay $0x4  }
0x7d: {  	v37 =	vshrl.u32 v3, $0x3  }
0x7e: {  	v4 =	vmul.u32 $0x30, v37  }
0x7f: {  	v3 =	vand.u32 $0x7, v3  }
0x80: {  	v3 =	vor.u32 v3, v4  }
0x81: {  	v4 =	vperm.xlane v3, v0;
	_ =	sdelay $0x1  }
0x82: {  	v4 =	vadd.s32 v1, v4;
	_ =	sdelay $0x3  }
0x83: {  	s20 =	simm.s32 $0xF800;
	v3 =	vperm.xlane v3, v2  }
0x84: {  	[tilespmem:s20], [sflag:$0x3] =	stream.indirect_vreg.gather [hbm4b:s2+s3], $0x80, v4, vm0, $0xb8;
	[tilespmem:$0x18800] =	vst v63  }
0x85: {  	s22 =	simm.s32 $0x10000;
	v3 =	vadd.s32 v1, v3  }
0x86: {  	[tilespmem:s22], [sflag:$0x3] =	stream.indirect_vreg.gather [hbm4b:s5+s3], $0x80, v4, vm0, $0xb8;
	[tilespmem:$0x18800] =	vst v63  }
0x87: {  	s30 =	simm.s32 $0x10800  }
0x88: {  	[tilespmem:s30], [sflag:$0x3] =	stream.indirect_vreg.gather [hbm4b:s6+s3], $0x80, v4, vm0, $0xb8;
	[tilespmem:$0x18800] =	vst v63  }
0x89: {  	s17 =	simm.s32 $0x11000  }
0x8a: {  	[tilespmem:s17], [sflag:$0x3] =	stream.indirect_vreg.gather [hbm4b:s2+s3], $0x80, v3, vm0, $0xb8;
	[tilespmem:$0x18800] =	vst v63  }
0x8b: {  	s20 =	simm.s32 $0x11800  }
0x8c: {  	[tilespmem:s20], [sflag:$0x3] =	stream.indirect_vreg.gather [hbm4b:s5+s3], $0x80, v3, vm0, $0xb8;
	[tilespmem:$0x18800] =	vst v63  }
0x8d: {  	s22 =	simm.s32 $0x12000  }
0x8e: {  	[tilespmem:s22], [sflag:$0x3] =	stream.indirect_vreg.gather [hbm4b:s6+s3], $0x80, v3, vm0, $0xb8;
	[tilespmem:$0x18800] =	vst v63  }
0x8f: {  	v3 =	vld [tilespmem:$0x180];
	_ =	sdelay $0x4  }
0x90: {  	v38 =	vshrl.u32 v3, $0x3  }
0x91: {  	v4 =	vmul.u32 $0x30, v38  }
0x92: {  	v3 =	vand.u32 $0x7, v3  }
0x93: {  	v3 =	vor.u32 v3, v4  }
0x94: {  	v4 =	vperm.xlane v3, v0;
	_ =	sdelay $0x1  }
0x95: {  	v4 =	vadd.s32 v1, v4;
	_ =	sdelay $0x3  }
0x96: {  	v3 =	vperm.xlane v3, v2  }
0x97: {  	[tilespmem:s18], [sflag:$0x4] =	stream.indirect_vreg.gather [hbm4b:s2+s3], $0x80, v4, vm0, $0xb8;
	[tilespmem:$0x18800] =	vst v63  }
0x98: {  	s30 =	simm.s32 $0x13000;
	v3 =	vadd.s32 v1, v3  }
0x99: {  	[tilespmem:s30], [sflag:$0x4] =	stream.indirect_vreg.gather [hbm4b:s5+s3], $0x80, v4, vm0, $0xb8;
	[tilespmem:$0x18800] =	vst v63  }
0x9a: {  	s0 =	simm.s32 $0x13800  }
0x9b: {  	[tilespmem:s0], [sflag:$0x4] =	stream.indirect_vreg.gather [hbm4b:s6+s3], $0x80, v4, vm0, $0xb8;
	[tilespmem:$0x18800] =	vst v63  }
0x9c: {  	s20 =	simm.s32 $0x14000  }
0x9d: {  	[tilespmem:s20], [sflag:$0x4] =	stream.indirect_vreg.gather [hbm4b:s2+s3], $0x80, v3, vm0, $0xb8;
	[tilespmem:$0x18800] =	vst v63  }
0x9e: {  	s22 =	simm.s32 $0x14800  }
0x9f: {  	[tilespmem:s22], [sflag:$0x4] =	stream.indirect_vreg.gather [hbm4b:s5+s3], $0x80, v3, vm0, $0xb8;
	[tilespmem:$0x18800] =	vst v63  }
0xa0: {  	s30 =	simm.s32 $0x15000  }
0xa1: {  	[tilespmem:s30], [sflag:$0x4] =	stream.indirect_vreg.gather [hbm4b:s6+s3], $0x80, v3, vm0, $0xb8;
	[tilespmem:$0x18800] =	vst v63  }
0xa2: {  	v3 =	vld [tilespmem:$0x190];
	_ =	sdelay $0x4  }
0xa3: {  	v39 =	vshrl.u32 v3, $0x3  }
0xa4: {  	v4 =	vmul.u32 $0x30, v39  }
0xa5: {  	v3 =	vand.u32 $0x7, v3  }
0xa6: {  	v3 =	vor.u32 v3, v4  }
0xa7: {  	v4 =	vperm.xlane v3, v0;
	_ =	sdelay $0x1  }
0xa8: {  	v4 =	vadd.s32 v1, v4;
	_ =	sdelay $0x3  }
0xa9: {  	s0 =	simm.s32 $0x15800;
	v3 =	vperm.xlane v3, v2  }
0xaa: {  	[tilespmem:s0], [sflag:$0x4] =	stream.indirect_vreg.gather [hbm4b:s2+s3], $0x80, v4, vm0, $0xb8;
	[tilespmem:$0x18800] =	vst v63  }
0xab: {  	s20 =	simm.s32 $0x16000;
	v3 =	vadd.s32 v1, v3  }
0xac: {  	[tilespmem:s20], [sflag:$0x4] =	stream.indirect_vreg.gather [hbm4b:s5+s3], $0x80, v4, vm0, $0xb8;
	[tilespmem:$0x18800] =	vst v63  }
0xad: {  	s22 =	simm.s32 $0x16800  }
0xae: {  	[tilespmem:s22], [sflag:$0x4] =	stream.indirect_vreg.gather [hbm4b:s6+s3], $0x80, v4, vm0, $0xb8;
	[tilespmem:$0x18800] =	vst v63  }
0xaf: {  	s30 =	simm.s32 $0x17000  }
0xb0: {  	[tilespmem:s30], [sflag:$0x4] =	stream.indirect_vreg.gather [hbm4b:s2+s3], $0x80, v3, vm0, $0xb8;
	[tilespmem:$0x18800] =	vst v63  }
0xb1: {  	s0 =	simm.s32 $0x17800  }
0xb2: {  	[tilespmem:s0], [sflag:$0x4] =	stream.indirect_vreg.gather [hbm4b:s5+s3], $0x80, v3, vm0, $0xb8;
	[tilespmem:$0x18800] =	vst v63  }
0xb3: {  	s20 =	simm.s32 $0x18000  }
0xb4: {  	[tilespmem:s20], [sflag:$0x4] =	stream.indirect_vreg.gather [hbm4b:s6+s3], $0x80, v3, vm0, $0xb8;
	[tilespmem:$0x18800] =	vst v63  }
0xb5: {  	_ =	swait.ge [sflag:s8], $0x6000  }
0xb6: {  	[sflag:s8] =	ssyncset.done $0x0  }
0xb7: {  	s22 =	rddreg [dreg:$0x14];
	[sflag:s8] =	ssyncadd.s32 $0xFFFFA000  }
0xb8: {  	[hbm4b:s22+s3] =	stream.linear.scatter [tilespmem:s21], [sflag:$0x5], $0x6000, $0x38;
	[tilespmem:$0x18800] =	vst v63  }
0xb9: {  	_ =	swait.ge [sflag:s10], $0x6000  }
0xba: {  	[sflag:s10] =	ssyncset.done $0x0  }
0xbb: {  	s22 =	simm.s32 $0x6800;
	s30 =	rddreg [dreg:$0x5];
	[sflag:s10] =	ssyncadd.s32 $0xFFFFA000  }
0xbc: {  	[hbm4b:s30+s3] =	stream.linear.scatter [tilespmem:s22], [sflag:$0x6], $0x6000, $0x38;
	[tilespmem:$0x18800] =	vst v63  }
0xbd: {  	_ =	swait.ge [sflag:s11], $0x6000  }
0xbe: {  	[sflag:s11] =	ssyncset.done $0x0  }
0xbf: {  	s4 =	simm.s32 $0xC800;
	s0 =	rddreg [dreg:$0x6];
	[sflag:s11] =	ssyncadd.s32 $0xFFFFA000  }
0xc0: {  	[hbm4b:s0+s3] =	stream.linear.scatter [tilespmem:s4], [sflag:$0x7], $0x6000, $0x38;
	[tilespmem:$0x18800] =	vst v63  }
0xc1: {  	_ =	swait.ge [sflag:s12], $0x6000  }
0xc2: {  	[sflag:s12] =	ssyncset.done $0x0  }
0xc3: {  	[sflag:s12] =	ssyncadd.s32 $0xFFFFA000  }
0xc4: {  	v3 =	vld [tilespmem:$0x200];
	_ =	sdelay $0x4  }
0xc5: {  	v40 =	vshrl.u32 v3, $0x3  }
0xc6: {  	v4 =	vmul.u32 $0x30, v40  }
0xc7: {  	v3 =	vand.u32 $0x7, v3  }
0xc8: {  	v3 =	vor.u32 v3, v4  }
0xc9: {  	v4 =	vperm.xlane v3, v0;
	_ =	sdelay $0x1  }
0xca: {  	v4 =	vadd.s32 v1, v4;
	_ =	sdelay $0x3  }
0xcb: {  	v3 =	vperm.xlane v3, v2  }
0xcc: {  	[tilespmem:s21], [sflag:$0x1] =	stream.indirect_vreg.gather [hbm4b:s2+s3], $0x80, v4, vm0, $0xb8;
	[tilespmem:$0x18800] =	vst v63  }
0xcd: {  	s1 =	simm.s32 $0x1000;
	v3 =	vadd.s32 v1, v3  }
0xce: {  	[tilespmem:s1], [sflag:$0x1] =	stream.indirect_vreg.gather [hbm4b:s5+s3], $0x80, v4, vm0, $0xb8;
	[tilespmem:$0x18800] =	vst v63  }
0xcf: {  	s31 =	simm.s32 $0x1800  }
0xd0: {  	[tilespmem:s31], [sflag:$0x1] =	stream.indirect_vreg.gather [hbm4b:s6+s3], $0x80, v4, vm0, $0xb8;
	[tilespmem:$0x18800] =	vst v63  }
0xd1: {  	s20 =	simm.s32 $0x2000  }
0xd2: {  	[tilespmem:s20], [sflag:$0x1] =	stream.indirect_vreg.gather [hbm4b:s2+s3], $0x80, v3, vm0, $0xb8;
	[tilespmem:$0x18800] =	vst v63  }
0xd3: {  	s30 =	simm.s32 $0x2800  }
0xd4: {  	[tilespmem:s30], [sflag:$0x1] =	stream.indirect_vreg.gather [hbm4b:s5+s3], $0x80, v3, vm0, $0xb8;
	[tilespmem:$0x18800] =	vst v63  }
0xd5: {  	s19 =	simm.s32 $0x3000  }
0xd6: {  	[tilespmem:s19], [sflag:$0x1] =	stream.indirect_vreg.gather [hbm4b:s6+s3], $0x80, v3, vm0, $0xb8;
	[tilespmem:$0x18800] =	vst v63  }
0xd7: {  	v3 =	vld [tilespmem:$0x210];
	_ =	sdelay $0x4  }
0xd8: {  	v41 =	vshrl.u32 v3, $0x3  }
0xd9: {  	v4 =	vmul.u32 $0x30, v41  }
0xda: {  	v3 =	vand.u32 $0x7, v3  }
0xdb: {  	v3 =	vor.u32 v3, v4  }
0xdc: {  	v4 =	vperm.xlane v3, v0;
	_ =	sdelay $0x1  }
0xdd: {  	v4 =	vadd.s32 v1, v4;
	_ =	sdelay $0x3  }
0xde: {  	s1 =	simm.s32 $0x3800;
	v3 =	vperm.xlane v3, v2  }
0xdf: {  	[tilespmem:s1], [sflag:$0x1] =	stream.indirect_vreg.gather [hbm4b:s2+s3], $0x80, v4, vm0, $0xb8;
	[tilespmem:$0x18800] =	vst v63  }
0xe0: {  	s17 =	simm.s32 $0x4000;
	v3 =	vadd.s32 v1, v3  }
0xe1: {  	[tilespmem:s17], [sflag:$0x1] =	stream.indirect_vreg.gather [hbm4b:s5+s3], $0x80, v4, vm0, $0xb8;
	[tilespmem:$0x18800] =	vst v63  }
0xe2: {  	s19 =	simm.s32 $0x4800  }
0xe3: {  	[tilespmem:s19], [sflag:$0x1] =	stream.indirect_vreg.gather [hbm4b:s6+s3], $0x80, v4, vm0, $0xb8;
	[tilespmem:$0x18800] =	vst v63  }
0xe4: {  	s31 =	simm.s32 $0x5000  }
0xe5: {  	[tilespmem:s31], [sflag:$0x1] =	stream.indirect_vreg.gather [hbm4b:s2+s3], $0x80, v3, vm0, $0xb8;
	[tilespmem:$0x18800] =	vst v63  }
0xe6: {  	s0 =	simm.s32 $0x5800  }
0xe7: {  	[tilespmem:s0], [sflag:$0x1] =	stream.indirect_vreg.gather [hbm4b:s5+s3], $0x80, v3, vm0, $0xb8;
	[tilespmem:$0x18800] =	vst v63  }
0xe8: {  	s1 =	simm.s32 $0x6000  }
0xe9: {  	[tilespmem:s1], [sflag:$0x1] =	stream.indirect_vreg.gather [hbm4b:s6+s3], $0x80, v3, vm0, $0xb8;
	[tilespmem:$0x18800] =	vst v63  }
0xea: {  	_ =	swait.ge [sflag:s13], $0x6000  }
0xeb: {  	[sflag:s13] =	ssyncset.done $0x0  }
0xec: {  	s19 =	rddreg [dreg:$0x7];
	[sflag:s13] =	ssyncadd.s32 $0xFFFFA000  }
0xed: {  	[hbm4b:s19+s3] =	stream.linear.scatter [tilespmem:s18], [sflag:$0x8], $0x6000, $0x38;
	[tilespmem:$0x18800] =	vst v63  }
0xee: {  	_ =	swait.ge [sflag:s14], $0x6000  }
0xef: {  	[sflag:s14] =	ssyncset.done $0x0  }
0xf0: {  	[sflag:s14] =	ssyncadd.s32 $0xFFFFA000  }
0xf1: {  	v3 =	vld [tilespmem:$0x280];
	_ =	sdelay $0x4  }
0xf2: {  	v42 =	vshrl.u32 v3, $0x3  }
0xf3: {  	v4 =	vmul.u32 $0x30, v42  }
0xf4: {  	v3 =	vand.u32 $0x7, v3  }
0xf5: {  	v3 =	vor.u32 v3, v4  }
0xf6: {  	v4 =	vperm.xlane v3, v0;
	_ =	sdelay $0x1  }
0xf7: {  	v4 =	vadd.s32 v1, v4;
	_ =	sdelay $0x3  }
0xf8: {  	v3 =	vperm.xlane v3, v2  }
0xf9: {  	[tilespmem:s22], [sflag:$0x2] =	stream.indirect_vreg.gather [hbm4b:s2+s3], $0x80, v4, vm0, $0xb8;
	[tilespmem:$0x18800] =	vst v63  }
0xfa: {  	s24 =	simm.s32 $0x7000;
	v3 =	vadd.s32 v1, v3  }
0xfb: {  	[tilespmem:s24], [sflag:$0x2] =	stream.indirect_vreg.gather [hbm4b:s5+s3], $0x80, v4, vm0, $0xb8;
	[tilespmem:$0x18800] =	vst v63  }
0xfc: {  	s25 =	simm.s32 $0x7800  }
0xfd: {  	[tilespmem:s25], [sflag:$0x2] =	stream.indirect_vreg.gather [hbm4b:s6+s3], $0x80, v4, vm0, $0xb8;
	[tilespmem:$0x18800] =	vst v63  }
0xfe: {  	s23 =	simm.s32 $0x8000  }
0xff: {  	[tilespmem:s23], [sflag:$0x2] =	stream.indirect_vreg.gather [hbm4b:s2+s3], $0x80, v3, vm0, $0xb8;
	[tilespmem:$0x18800] =	vst v63  }
0x100: {  	s26 =	simm.s32 $0x8800  }
0x101: {  	[tilespmem:s26], [sflag:$0x2] =	stream.indirect_vreg.gather [hbm4b:s5+s3], $0x80, v3, vm0, $0xb8;
	[tilespmem:$0x18800] =	vst v63  }
0x102: {  	s9 =	simm.s32 $0x9000  }
0x103: {  	[tilespmem:s9], [sflag:$0x2] =	stream.indirect_vreg.gather [hbm4b:s6+s3], $0x80, v3, vm0, $0xb8;
	[tilespmem:$0x18800] =	vst v63  }
0x104: {  	v3 =	vld [tilespmem:$0x290];
	_ =	sdelay $0x4  }
0x105: {  	v43 =	vshrl.u32 v3, $0x3  }
0x106: {  	v4 =	vmul.u32 $0x30, v43  }
0x107: {  	v3 =	vand.u32 $0x7, v3  }
0x108: {  	v3 =	vor.u32 v3, v4  }
0x109: {  	v4 =	vperm.xlane v3, v0;
	_ =	sdelay $0x1  }
0x10a: {  	v4 =	vadd.s32 v1, v4;
	_ =	sdelay $0x3  }
0x10b: {  	s29 =	simm.s32 $0x9800;
	v3 =	vperm.xlane v3, v2  }
0x10c: {  	[tilespmem:s29], [sflag:$0x2] =	stream.indirect_vreg.gather [hbm4b:s2+s3], $0x80, v4, vm0, $0xb8;
	[tilespmem:$0x18800] =	vst v63  }
0x10d: {  	s28 =	simm.s32 $0xA000;
	v3 =	vadd.s32 v1, v3  }
0x10e: {  	[tilespmem:s28], [sflag:$0x2] =	stream.indirect_vreg.gather [hbm4b:s5+s3], $0x80, v4, vm0, $0xb8;
	[tilespmem:$0x18800] =	vst v63  }
0x10f: {  	s29 =	simm.s32 $0xA800  }
0x110: {  	[tilespmem:s29], [sflag:$0x2] =	stream.indirect_vreg.gather [hbm4b:s6+s3], $0x80, v4, vm0, $0xb8;
	[tilespmem:$0x18800] =	vst v63  }
0x111: {  	s31 =	simm.s32 $0xB000  }
0x112: {  	[tilespmem:s31], [sflag:$0x2] =	stream.indirect_vreg.gather [hbm4b:s2+s3], $0x80, v3, vm0, $0xb8;
	[tilespmem:$0x18800] =	vst v63  }
0x113: {  	s23 =	simm.s32 $0xB800  }
0x114: {  	[tilespmem:s23], [sflag:$0x2] =	stream.indirect_vreg.gather [hbm4b:s5+s3], $0x80, v3, vm0, $0xb8;
	[tilespmem:$0x18800] =	vst v63  }
0x115: {  	s22 =	simm.s32 $0xC000  }
0x116: {  	[tilespmem:s22], [sflag:$0x2] =	stream.indirect_vreg.gather [hbm4b:s6+s3], $0x80, v3, vm0, $0xb8;
	[tilespmem:$0x18800] =	vst v63  }
0x117: {  	_ =	swait.ge [sflag:s8], $0x6000  }
0x118: {  	[sflag:s8] =	ssyncset.done $0x0  }
0x119: {  	s24 =	rddreg [dreg:$0x8];
	[sflag:s8] =	ssyncadd.s32 $0xFFFFA000  }
0x11a: {  	[hbm4b:s24+s3] =	stream.linear.scatter [tilespmem:s21], [sflag:$0x5], $0x6000, $0x38;
	[tilespmem:$0x18800] =	vst v63  }
0x11b: {  	_ =	swait.ge [sflag:s15], $0x6000  }
0x11c: {  	[sflag:s15] =	ssyncset.done $0x0  }
0x11d: {  	[sflag:s15] =	ssyncadd.s32 $0xFFFFA000  }
0x11e: {  	v3 =	vld [tilespmem:$0x300];
	_ =	sdelay $0x4  }
0x11f: {  	v44 =	vshrl.u32 v3, $0x3  }
0x120: {  	v4 =	vmul.u32 $0x30, v44  }
0x121: {  	v3 =	vand.u32 $0x7, v3  }
0x122: {  	v3 =	vor.u32 v3, v4  }
0x123: {  	v4 =	vperm.xlane v3, v0;
	_ =	sdelay $0x1  }
0x124: {  	v4 =	vadd.s32 v1, v4;
	_ =	sdelay $0x3  }
0x125: {  	s4 =	simm.s32 $0xC800;
	v3 =	vperm.xlane v3, v2  }
0x126: {  	[tilespmem:s4], [sflag:$0x3] =	stream.indirect_vreg.gather [hbm4b:s2+s3], $0x80, v4, vm0, $0xb8;
	[tilespmem:$0x18800] =	vst v63  }
0x127: {  	v3 =	vadd.s32 v1, v3;
	s4 =	simm.s32 $0xD000  }
0x128: {  	[tilespmem:s4], [sflag:$0x3] =	stream.indirect_vreg.gather [hbm4b:s5+s3], $0x80, v4, vm0, $0xb8;
	[tilespmem:$0x18800] =	vst v63  }
0x129: {  	s25 =	simm.s32 $0xD800  }
0x12a: {  	[tilespmem:s25], [sflag:$0x3] =	stream.indirect_vreg.gather [hbm4b:s6+s3], $0x80, v4, vm0, $0xb8;
	[tilespmem:$0x18800] =	vst v63  }
0x12b: {  	s9 =	simm.s32 $0xE000  }
0x12c: {  	[tilespmem:s9], [sflag:$0x3] =	stream.indirect_vreg.gather [hbm4b:s2+s3], $0x80, v3, vm0, $0xb8;
	[tilespmem:$0x18800] =	vst v63  }
0x12d: {  	s23 =	simm.s32 $0xE800  }
0x12e: {  	[tilespmem:s23], [sflag:$0x3] =	stream.indirect_vreg.gather [hbm4b:s5+s3], $0x80, v3, vm0, $0xb8;
	[tilespmem:$0x18800] =	vst v63  }
0x12f: {  	s26 =	simm.s32 $0xF000  }
0x130: {  	[tilespmem:s26], [sflag:$0x3] =	stream.indirect_vreg.gather [hbm4b:s6+s3], $0x80, v3, vm0, $0xb8;
	[tilespmem:$0x18800] =	vst v63  }
0x131: {  	v3 =	vld [tilespmem:$0x310];
	_ =	sdelay $0x4  }
0x132: {  	v45 =	vshrl.u32 v3, $0x3  }
0x133: {  	v4 =	vmul.u32 $0x30, v45  }
0x134: {  	v3 =	vand.u32 $0x7, v3  }
0x135: {  	v3 =	vor.u32 v3, v4  }
0x136: {  	v4 =	vperm.xlane v3, v0;
	_ =	sdelay $0x1  }
0x137: {  	v4 =	vadd.s32 v1, v4;
	_ =	sdelay $0x3  }
0x138: {  	s28 =	simm.s32 $0xF800;
	v3 =	vperm.xlane v3, v2  }
0x139: {  	[tilespmem:s28], [sflag:$0x3] =	stream.indirect_vreg.gather [hbm4b:s2+s3], $0x80, v4, vm0, $0xb8;
	[tilespmem:$0x18800] =	vst v63  }
0x13a: {  	s24 =	simm.s32 $0x10000;
	v3 =	vadd.s32 v1, v3  }
0x13b: {  	[tilespmem:s24], [sflag:$0x3] =	stream.indirect_vreg.gather [hbm4b:s5+s3], $0x80, v4, vm0, $0xb8;
	[tilespmem:$0x18800] =	vst v63  }
0x13c: {  	s25 =	simm.s32 $0x10800  }
0x13d: {  	[tilespmem:s25], [sflag:$0x3] =	stream.indirect_vreg.gather [hbm4b:s6+s3], $0x80, v4, vm0, $0xb8;
	[tilespmem:$0x18800] =	vst v63  }
0x13e: {  	s26 =	simm.s32 $0x11000  }
0x13f: {  	[tilespmem:s26], [sflag:$0x3] =	stream.indirect_vreg.gather [hbm4b:s2+s3], $0x80, v3, vm0, $0xb8;
	[tilespmem:$0x18800] =	vst v63  }
0x140: {  	s28 =	simm.s32 $0x11800  }
0x141: {  	[tilespmem:s28], [sflag:$0x3] =	stream.indirect_vreg.gather [hbm4b:s5+s3], $0x80, v3, vm0, $0xb8;
	[tilespmem:$0x18800] =	vst v63  }
0x142: {  	s17 =	simm.s32 $0x12000  }
0x143: {  	[tilespmem:s17], [sflag:$0x3] =	stream.indirect_vreg.gather [hbm4b:s6+s3], $0x80, v3, vm0, $0xb8;
	[tilespmem:$0x18800] =	vst v63  }
0x144: {  	_ =	swait.ge [sflag:s10], $0x6000  }
0x145: {  	[sflag:s10] =	ssyncset.done $0x0  }
0x146: {  	s19 =	simm.s32 $0x6800;
	s1 =	rddreg [dreg:$0x9];
	[sflag:s10] =	ssyncadd.s32 $0xFFFFA000  }
0x147: {  	[hbm4b:s1+s3] =	stream.linear.scatter [tilespmem:s19], [sflag:$0x6], $0x6000, $0x38;
	[tilespmem:$0x18800] =	vst v63  }
0x148: {  	_ =	swait.ge [sflag:s16], $0x6000  }
0x149: {  	[sflag:s16] =	ssyncset.done $0x0  }
0x14a: {  	[sflag:s16] =	ssyncadd.s32 $0xFFFFA000  }
0x14b: {  	v3 =	vld [tilespmem:$0x380];
	_ =	sdelay $0x4  }
0x14c: {  	v46 =	vshrl.u32 v3, $0x3  }
0x14d: {  	v4 =	vmul.u32 $0x30, v46  }
0x14e: {  	v3 =	vand.u32 $0x7, v3  }
0x14f: {  	v3 =	vor.u32 v3, v4  }
0x150: {  	v4 =	vperm.xlane v3, v0;
	_ =	sdelay $0x1  }
0x151: {  	v4 =	vadd.s32 v1, v4;
	_ =	sdelay $0x3  }
0x152: {  	v3 =	vperm.xlane v3, v2  }
0x153: {  	[tilespmem:s18], [sflag:$0x4] =	stream.indirect_vreg.gather [hbm4b:s2+s3], $0x80, v4, vm0, $0xb8;
	[tilespmem:$0x18800] =	vst v63  }
0x154: {  	s17 =	simm.s32 $0x13000;
	v3 =	vadd.s32 v1, v3  }
0x155: {  	[tilespmem:s17], [sflag:$0x4] =	stream.indirect_vreg.gather [hbm4b:s5+s3], $0x80, v4, vm0, $0xb8;
	[tilespmem:$0x18800] =	vst v63  }
0x156: {  	s17 =	simm.s32 $0x13800  }
0x157: {  	[tilespmem:s17], [sflag:$0x4] =	stream.indirect_vreg.gather [hbm4b:s6+s3], $0x80, v4, vm0, $0xb8;
	[tilespmem:$0x18800] =	vst v63  }
0x158: {  	s17 =	simm.s32 $0x14000  }
0x159: {  	[tilespmem:s17], [sflag:$0x4] =	stream.indirect_vreg.gather [hbm4b:s2+s3], $0x80, v3, vm0, $0xb8;
	[tilespmem:$0x18800] =	vst v63  }
0x15a: {  	s17 =	simm.s32 $0x14800  }
0x15b: {  	[tilespmem:s17], [sflag:$0x4] =	stream.indirect_vreg.gather [hbm4b:s5+s3], $0x80, v3, vm0, $0xb8;
	[tilespmem:$0x18800] =	vst v63  }
0x15c: {  	s17 =	simm.s32 $0x15000  }
0x15d: {  	[tilespmem:s17], [sflag:$0x4] =	stream.indirect_vreg.gather [hbm4b:s6+s3], $0x80, v3, vm0, $0xb8;
	[tilespmem:$0x18800] =	vst v63  }
0x15e: {  	v3 =	vld [tilespmem:$0x390];
	_ =	sdelay $0x4  }
0x15f: {  	v47 =	vshrl.u32 v3, $0x3  }
0x160: {  	v4 =	vmul.u32 $0x30, v47  }
0x161: {  	v3 =	vand.u32 $0x7, v3  }
0x162: {  	v3 =	vor.u32 v3, v4  }
0x163: {  	v4 =	vperm.xlane v3, v0;
	_ =	sdelay $0x1  }
0x164: {  	v4 =	vadd.s32 v1, v4;
	_ =	sdelay $0x3  }
0x165: {  	s17 =	simm.s32 $0x15800;
	v3 =	vperm.xlane v3, v2  }
0x166: {  	[tilespmem:s17], [sflag:$0x4] =	stream.indirect_vreg.gather [hbm4b:s2+s3], $0x80, v4, vm0, $0xb8;
	[tilespmem:$0x18800] =	vst v63  }
0x167: {  	v3 =	vadd.s32 v1, v3;
	s17 =	simm.s32 $0x16000  }
0x168: {  	[tilespmem:s17], [sflag:$0x4] =	stream.indirect_vreg.gather [hbm4b:s5+s3], $0x80, v4, vm0, $0xb8;
	[tilespmem:$0x18800] =	vst v63  }
0x169: {  	s17 =	simm.s32 $0x16800  }
0x16a: {  	[tilespmem:s17], [sflag:$0x4] =	stream.indirect_vreg.gather [hbm4b:s6+s3], $0x80, v4, vm0, $0xb8;
	[tilespmem:$0x18800] =	vst v63  }
0x16b: {  	s17 =	simm.s32 $0x17000  }
0x16c: {  	[tilespmem:s17], [sflag:$0x4] =	stream.indirect_vreg.gather [hbm4b:s2+s3], $0x80, v3, vm0, $0xb8;
	[tilespmem:$0x18800] =	vst v63  }
0x16d: {  	s17 =	simm.s32 $0x17800  }
0x16e: {  	[tilespmem:s17], [sflag:$0x4] =	stream.indirect_vreg.gather [hbm4b:s5+s3], $0x80, v3, vm0, $0xb8;
	[tilespmem:$0x18800] =	vst v63  }
0x16f: {  	s17 =	simm.s32 $0x18000  }
0x170: {  	[tilespmem:s17], [sflag:$0x4] =	stream.indirect_vreg.gather [hbm4b:s6+s3], $0x80, v3, vm0, $0xb8;
	[tilespmem:$0x18800] =	vst v63  }
0x171: {  	_ =	swait.ge [sflag:s11], $0x6000  }
0x172: {  	[sflag:s11] =	ssyncset.done $0x0  }
0x173: {  	s0 =	simm.s32 $0xC800;
	s1 =	rddreg [dreg:$0xa];
	[sflag:s11] =	ssyncadd.s32 $0xFFFFA000  }
0x174: {  	[hbm4b:s1+s3] =	stream.linear.scatter [tilespmem:s0], [sflag:$0x7], $0x6000, $0x38;
	[tilespmem:$0x18800] =	vst v63  }
0x175: {  	_ =	swait.ge [sflag:s12], $0x6000  }
0x176: {  	[sflag:s12] =	ssyncset.done $0x0  }
0x177: {  	[sflag:s12] =	ssyncadd.s32 $0xFFFFA000  }
0x178: {  	v3 =	vld [tilespmem:$0x400];
	_ =	sdelay $0x4  }
0x179: {  	v48 =	vshrl.u32 v3, $0x3  }
0x17a: {  	v4 =	vmul.u32 $0x30, v48  }
0x17b: {  	v3 =	vand.u32 $0x7, v3  }
0x17c: {  	v3 =	vor.u32 v3, v4  }
0x17d: {  	v4 =	vperm.xlane v3, v0;
	_ =	sdelay $0x1  }
0x17e: {  	v4 =	vadd.s32 v1, v4;
	_ =	sdelay $0x3  }
0x17f: {  	v3 =	vperm.xlane v3, v2  }
0x180: {  	[tilespmem:s21], [sflag:$0x1] =	stream.indirect_vreg.gather [hbm4b:s2+s3], $0x80, v4, vm0, $0xb8;
	[tilespmem:$0x18800] =	vst v63  }
0x181: {  	s17 =	simm.s32 $0x1000;
	v3 =	vadd.s32 v1, v3  }
0x182: {  	[tilespmem:s17], [sflag:$0x1] =	stream.indirect_vreg.gather [hbm4b:s5+s3], $0x80, v4, vm0, $0xb8;
	[tilespmem:$0x18800] =	vst v63  }
0x183: {  	s17 =	simm.s32 $0x1800  }
0x184: {  	[tilespmem:s17], [sflag:$0x1] =	stream.indirect_vreg.gather [hbm4b:s6+s3], $0x80, v4, vm0, $0xb8;
	[tilespmem:$0x18800] =	vst v63  }
0x185: {  	_ = 	snop  }
0x186: {  	[tilespmem:s20], [sflag:$0x1] =	stream.indirect_vreg.gather [hbm4b:s2+s3], $0x80, v3, vm0, $0xb8;
	[tilespmem:$0x18800] =	vst v63  }
0x187: {  	_ = 	snop  }
0x188: {  	[tilespmem:s30], [sflag:$0x1] =	stream.indirect_vreg.gather [hbm4b:s5+s3], $0x80, v3, vm0, $0xb8;
	[tilespmem:$0x18800] =	vst v63  }
0x189: {  	s20 =	simm.s32 $0x3000  }
0x18a: {  	[tilespmem:s20], [sflag:$0x1] =	stream.indirect_vreg.gather [hbm4b:s6+s3], $0x80, v3, vm0, $0xb8;
	[tilespmem:$0x18800] =	vst v63  }
0x18b: {  	v3 =	vld [tilespmem:$0x410];
	_ =	sdelay $0x4  }
0x18c: {  	v49 =	vshrl.u32 v3, $0x3  }
0x18d: {  	v4 =	vmul.u32 $0x30, v49  }
0x18e: {  	v3 =	vand.u32 $0x7, v3  }
0x18f: {  	v3 =	vor.u32 v3, v4  }
0x190: {  	v4 =	vperm.xlane v3, v0;
	_ =	sdelay $0x1  }
0x191: {  	v4 =	vadd.s32 v1, v4;
	_ =	sdelay $0x3  }
0x192: {  	s0 =	simm.s32 $0x3800;
	v3 =	vperm.xlane v3, v2  }
0x193: {  	[tilespmem:s0], [sflag:$0x1] =	stream.indirect_vreg.gather [hbm4b:s2+s3], $0x80, v4, vm0, $0xb8;
	[tilespmem:$0x18800] =	vst v63  }
0x194: {  	s20 =	simm.s32 $0x4000;
	v3 =	vadd.s32 v1, v3  }
0x195: {  	[tilespmem:s20], [sflag:$0x1] =	stream.indirect_vreg.gather [hbm4b:s5+s3], $0x80, v4, vm0, $0xb8;
	[tilespmem:$0x18800] =	vst v63  }
0x196: {  	s0 =	simm.s32 $0x4800  }
0x197: {  	[tilespmem:s0], [sflag:$0x1] =	stream.indirect_vreg.gather [hbm4b:s6+s3], $0x80, v4, vm0, $0xb8;
	[tilespmem:$0x18800] =	vst v63  }
0x198: {  	s0 =	simm.s32 $0x5000  }
0x199: {  	[tilespmem:s0], [sflag:$0x1] =	stream.indirect_vreg.gather [hbm4b:s2+s3], $0x80, v3, vm0, $0xb8;
	[tilespmem:$0x18800] =	vst v63  }
0x19a: {  	s0 =	simm.s32 $0x5800  }
0x19b: {  	[tilespmem:s0], [sflag:$0x1] =	stream.indirect_vreg.gather [hbm4b:s5+s3], $0x80, v3, vm0, $0xb8;
	[tilespmem:$0x18800] =	vst v63  }
0x19c: {  	s0 =	simm.s32 $0x6000  }
0x19d: {  	[tilespmem:s0], [sflag:$0x1] =	stream.indirect_vreg.gather [hbm4b:s6+s3], $0x80, v3, vm0, $0xb8;
	[tilespmem:$0x18800] =	vst v63  }
0x19e: {  	_ =	swait.ge [sflag:s13], $0x6000  }
0x19f: {  	[sflag:s13] =	ssyncset.done $0x0  }
0x1a0: {  	s0 =	rddreg [dreg:$0xb];
	[sflag:s13] =	ssyncadd.s32 $0xFFFFA000  }
0x1a1: {  	[hbm4b:s0+s3] =	stream.linear.scatter [tilespmem:s18], [sflag:$0x8], $0x6000, $0x38;
	[tilespmem:$0x18800] =	vst v63  }
0x1a2: {  	_ =	swait.ge [sflag:s14], $0x6000  }
0x1a3: {  	[sflag:s14] =	ssyncset.done $0x0  }
0x1a4: {  	[sflag:s14] =	ssyncadd.s32 $0xFFFFA000  }
0x1a5: {  	v3 =	vld [tilespmem:$0x480];
	_ =	sdelay $0x4  }
0x1a6: {  	v50 =	vshrl.u32 v3, $0x3  }
0x1a7: {  	v4 =	vmul.u32 $0x30, v50  }
0x1a8: {  	v3 =	vand.u32 $0x7, v3  }
0x1a9: {  	v3 =	vor.u32 v3, v4  }
0x1aa: {  	v4 =	vperm.xlane v3, v0;
	_ =	sdelay $0x1  }
0x1ab: {  	v4 =	vadd.s32 v1, v4;
	_ =	sdelay $0x3  }
0x1ac: {  	v3 =	vperm.xlane v3, v2  }
0x1ad: {  	[tilespmem:s19], [sflag:$0x2] =	stream.indirect_vreg.gather [hbm4b:s2+s3], $0x80, v4, vm0, $0xb8;
	[tilespmem:$0x18800] =	vst v63  }
0x1ae: {  	v3 =	vadd.s32 v1, v3;
	s19 =	simm.s32 $0x7000  }
0x1af: {  	[tilespmem:s19], [sflag:$0x2] =	stream.indirect_vreg.gather [hbm4b:s5+s3], $0x80, v4, vm0, $0xb8;
	[tilespmem:$0x18800] =	vst v63  }
0x1b0: {  	s17 =	simm.s32 $0x7800  }
0x1b1: {  	[tilespmem:s17], [sflag:$0x2] =	stream.indirect_vreg.gather [hbm4b:s6+s3], $0x80, v4, vm0, $0xb8;
	[tilespmem:$0x18800] =	vst v63  }
0x1b2: {  	s19 =	simm.s32 $0x8000  }
0x1b3: {  	[tilespmem:s19], [sflag:$0x2] =	stream.indirect_vreg.gather [hbm4b:s2+s3], $0x80, v3, vm0, $0xb8;
	[tilespmem:$0x18800] =	vst v63  }
0x1b4: {  	s17 =	simm.s32 $0x8800  }
0x1b5: {  	[tilespmem:s17], [sflag:$0x2] =	stream.indirect_vreg.gather [hbm4b:s5+s3], $0x80, v3, vm0, $0xb8;
	[tilespmem:$0x18800] =	vst v63  }
0x1b6: {  	s19 =	simm.s32 $0x9000  }
0x1b7: {  	[tilespmem:s19], [sflag:$0x2] =	stream.indirect_vreg.gather [hbm4b:s6+s3], $0x80, v3, vm0, $0xb8;
	[tilespmem:$0x18800] =	vst v63  }
0x1b8: {  	v3 =	vld [tilespmem:$0x490];
	_ =	sdelay $0x4  }
0x1b9: {  	v51 =	vshrl.u32 v3, $0x3  }
0x1ba: {  	v4 =	vmul.u32 $0x30, v51  }
0x1bb: {  	v3 =	vand.u32 $0x7, v3  }
0x1bc: {  	v3 =	vor.u32 v3, v4  }
0x1bd: {  	v4 =	vperm.xlane v3, v0;
	_ =	sdelay $0x1  }
0x1be: {  	v4 =	vadd.s32 v1, v4;
	_ =	sdelay $0x3  }
0x1bf: {  	s17 =	simm.s32 $0x9800;
	v3 =	vperm.xlane v3, v2  }
0x1c0: {  	[tilespmem:s17], [sflag:$0x2] =	stream.indirect_vreg.gather [hbm4b:s2+s3], $0x80, v4, vm0, $0xb8;
	[tilespmem:$0x18800] =	vst v63  }
0x1c1: {  	s19 =	simm.s32 $0xA000;
	v3 =	vadd.s32 v1, v3  }
0x1c2: {  	[tilespmem:s19], [sflag:$0x2] =	stream.indirect_vreg.gather [hbm4b:s5+s3], $0x80, v4, vm0, $0xb8;
	[tilespmem:$0x18800] =	vst v63  }
0x1c3: {  	_ = 	snop  }
0x1c4: {  	[tilespmem:s29], [sflag:$0x2] =	stream.indirect_vreg.gather [hbm4b:s6+s3], $0x80, v4, vm0, $0xb8;
	[tilespmem:$0x18800] =	vst v63  }
0x1c5: {  	_ = 	snop  }
0x1c6: {  	[tilespmem:s31], [sflag:$0x2] =	stream.indirect_vreg.gather [hbm4b:s2+s3], $0x80, v3, vm0, $0xb8;
	[tilespmem:$0x18800] =	vst v63  }
0x1c7: {  	s31 =	simm.s32 $0xB800  }
0x1c8: {  	[tilespmem:s31], [sflag:$0x2] =	stream.indirect_vreg.gather [hbm4b:s5+s3], $0x80, v3, vm0, $0xb8;
	[tilespmem:$0x18800] =	vst v63  }
0x1c9: {  	_ = 	snop  }
0x1ca: {  	[tilespmem:s22], [sflag:$0x2] =	stream.indirect_vreg.gather [hbm4b:s6+s3], $0x80, v3, vm0, $0xb8;
	[tilespmem:$0x18800] =	vst v63  }
0x1cb: {  	_ =	swait.ge [sflag:s8], $0x6000  }
0x1cc: {  	[sflag:s8] =	ssyncset.done $0x0  }
0x1cd: {  	s0 =	rddreg [dreg:$0xc];
	[sflag:s8] =	ssyncadd.s32 $0xFFFFA000  }
0x1ce: {  	[hbm4b:s0+s3] =	stream.linear.scatter [tilespmem:s21], [sflag:$0x5], $0x6000, $0x38;
	[tilespmem:$0x18800] =	vst v63  }
0x1cf: {  	_ =	swait.ge [sflag:s15], $0x6000  }
0x1d0: {  	[sflag:s15] =	ssyncset.done $0x0  }
0x1d1: {  	[sflag:s15] =	ssyncadd.s32 $0xFFFFA000  }
0x1d2: {  	v3 =	vld [tilespmem:$0x500];
	_ =	sdelay $0x4  }
0x1d3: {  	v52 =	vshrl.u32 v3, $0x3  }
0x1d4: {  	v4 =	vmul.u32 $0x30, v52  }
0x1d5: {  	v3 =	vand.u32 $0x7, v3  }
0x1d6: {  	v3 =	vor.u32 v3, v4  }
0x1d7: {  	v4 =	vperm.xlane v3, v0;
	_ =	sdelay $0x1  }
0x1d8: {  	v4 =	vadd.s32 v1, v4;
	_ =	sdelay $0x3  }
0x1d9: {  	s1 =	simm.s32 $0xC800;
	v3 =	vperm.xlane v3, v2  }
0x1da: {  	[tilespmem:s1], [sflag:$0x3] =	stream.indirect_vreg.gather [hbm4b:s2+s3], $0x80, v4, vm0, $0xb8;
	[tilespmem:$0x18800] =	vst v63  }
0x1db: {  	v3 =	vadd.s32 v1, v3  }
0x1dc: {  	[tilespmem:s4], [sflag:$0x3] =	stream.indirect_vreg.gather [hbm4b:s5+s3], $0x80, v4, vm0, $0xb8;
	[tilespmem:$0x18800] =	vst v63  }
0x1dd: {  	s31 =	simm.s32 $0xD800  }
0x1de: {  	[tilespmem:s31], [sflag:$0x3] =	stream.indirect_vreg.gather [hbm4b:s6+s3], $0x80, v4, vm0, $0xb8;
	[tilespmem:$0x18800] =	vst v63  }
0x1df: {  	_ = 	snop  }
0x1e0: {  	[tilespmem:s9], [sflag:$0x3] =	stream.indirect_vreg.gather [hbm4b:s2+s3], $0x80, v3, vm0, $0xb8;
	[tilespmem:$0x18800] =	vst v63  }
0x1e1: {  	_ = 	snop  }
0x1e2: {  	[tilespmem:s23], [sflag:$0x3] =	stream.indirect_vreg.gather [hbm4b:s5+s3], $0x80, v3, vm0, $0xb8;
	[tilespmem:$0x18800] =	vst v63  }
0x1e3: {  	s4 =	simm.s32 $0xF000  }
0x1e4: {  	[tilespmem:s4], [sflag:$0x3] =	stream.indirect_vreg.gather [hbm4b:s6+s3], $0x80, v3, vm0, $0xb8;
	[tilespmem:$0x18800] =	vst v63  }
0x1e5: {  	v3 =	vld [tilespmem:$0x510];
	_ =	sdelay $0x4  }
0x1e6: {  	v53 =	vshrl.u32 v3, $0x3  }
0x1e7: {  	v4 =	vmul.u32 $0x30, v53  }
0x1e8: {  	v3 =	vand.u32 $0x7, v3  }
0x1e9: {  	v3 =	vor.u32 v3, v4  }
0x1ea: {  	v4 =	vperm.xlane v3, v0;
	_ =	sdelay $0x1  }
0x1eb: {  	v4 =	vadd.s32 v1, v4;
	_ =	sdelay $0x3  }
0x1ec: {  	s17 =	simm.s32 $0xF800;
	v3 =	vperm.xlane v3, v2  }
0x1ed: {  	[tilespmem:s17], [sflag:$0x3] =	stream.indirect_vreg.gather [hbm4b:s2+s3], $0x80, v4, vm0, $0xb8;
	[tilespmem:$0x18800] =	vst v63  }
0x1ee: {  	v3 =	vadd.s32 v1, v3  }
0x1ef: {  	[tilespmem:s24], [sflag:$0x3] =	stream.indirect_vreg.gather [hbm4b:s5+s3], $0x80, v4, vm0, $0xb8;
	[tilespmem:$0x18800] =	vst v63  }
0x1f0: {  	_ = 	snop  }
0x1f1: {  	[tilespmem:s25], [sflag:$0x3] =	stream.indirect_vreg.gather [hbm4b:s6+s3], $0x80, v4, vm0, $0xb8;
	[tilespmem:$0x18800] =	vst v63  }
0x1f2: {  	_ = 	snop  }
0x1f3: {  	[tilespmem:s26], [sflag:$0x3] =	stream.indirect_vreg.gather [hbm4b:s2+s3], $0x80, v3, vm0, $0xb8;
	[tilespmem:$0x18800] =	vst v63  }
0x1f4: {  	_ = 	snop  }
0x1f5: {  	[tilespmem:s28], [sflag:$0x3] =	stream.indirect_vreg.gather [hbm4b:s5+s3], $0x80, v3, vm0, $0xb8;
	[tilespmem:$0x18800] =	vst v63  }
0x1f6: {  	s31 =	simm.s32 $0x12000  }
0x1f7: {  	[tilespmem:s31], [sflag:$0x3] =	stream.indirect_vreg.gather [hbm4b:s6+s3], $0x80, v3, vm0, $0xb8;
	[tilespmem:$0x18800] =	vst v63  }
0x1f8: {  	_ =	swait.ge [sflag:s10], $0x6000  }
0x1f9: {  	[sflag:s10] =	ssyncset.done $0x0  }
0x1fa: {  	s31 =	simm.s32 $0x6800;
	s4 =	rddreg [dreg:$0xd];
	[sflag:s10] =	ssyncadd.s32 $0xFFFFA000  }
0x1fb: {  	[hbm4b:s4+s3] =	stream.linear.scatter [tilespmem:s31], [sflag:$0x6], $0x6000, $0x38;
	[tilespmem:$0x18800] =	vst v63  }
0x1fc: {  	_ =	swait.ge [sflag:s16], $0x6000  }
0x1fd: {  	[sflag:s16] =	ssyncset.done $0x0  }
0x1fe: {  	[sflag:s16] =	ssyncadd.s32 $0xFFFFA000  }
0x1ff: {  	v3 =	vld [tilespmem:$0x580];
	_ =	sdelay $0x4  }
0x200: {  	v54 =	vshrl.u32 v3, $0x3  }
0x201: {  	v4 =	vmul.u32 $0x30, v54  }
0x202: {  	v3 =	vand.u32 $0x7, v3  }
0x203: {  	v3 =	vor.u32 v3, v4  }
0x204: {  	v4 =	vperm.xlane v3, v0;
	_ =	sdelay $0x1  }
0x205: {  	v4 =	vadd.s32 v1, v4;
	_ =	sdelay $0x3  }
0x206: {  	v3 =	vperm.xlane v3, v2  }
0x207: {  	[tilespmem:s18], [sflag:$0x4] =	stream.indirect_vreg.gather [hbm4b:s2+s3], $0x80, v4, vm0, $0xb8;
	[tilespmem:$0x18800] =	vst v63  }
0x208: {  	s4 =	simm.s32 $0x13000;
	v3 =	vadd.s32 v1, v3  }
0x209: {  	[tilespmem:s4], [sflag:$0x4] =	stream.indirect_vreg.gather [hbm4b:s5+s3], $0x80, v4, vm0, $0xb8;
	[tilespmem:$0x18800] =	vst v63  }
0x20a: {  	s0 =	simm.s32 $0x13800  }
0x20b: {  	[tilespmem:s0], [sflag:$0x4] =	stream.indirect_vreg.gather [hbm4b:s6+s3], $0x80, v4, vm0, $0xb8;
	[tilespmem:$0x18800] =	vst v63  }
0x20c: {  	s0 =	simm.s32 $0x14000  }
0x20d: {  	[tilespmem:s0], [sflag:$0x4] =	stream.indirect_vreg.gather [hbm4b:s2+s3], $0x80, v3, vm0, $0xb8;
	[tilespmem:$0x18800] =	vst v63  }
0x20e: {  	s0 =	simm.s32 $0x14800  }
0x20f: {  	[tilespmem:s0], [sflag:$0x4] =	stream.indirect_vreg.gather [hbm4b:s5+s3], $0x80, v3, vm0, $0xb8;
	[tilespmem:$0x18800] =	vst v63  }
0x210: {  	s0 =	simm.s32 $0x15000  }
0x211: {  	[tilespmem:s0], [sflag:$0x4] =	stream.indirect_vreg.gather [hbm4b:s6+s3], $0x80, v3, vm0, $0xb8;
	[tilespmem:$0x18800] =	vst v63  }
0x212: {  	v3 =	vld [tilespmem:$0x590];
	_ =	sdelay $0x4  }
0x213: {  	v55 =	vshrl.u32 v3, $0x3  }
0x214: {  	v4 =	vmul.u32 $0x30, v55  }
0x215: {  	v3 =	vand.u32 $0x7, v3  }
0x216: {  	v3 =	vor.u32 v3, v4  }
0x217: {  	v4 =	vperm.xlane v3, v0;
	_ =	sdelay $0x1  }
0x218: {  	v4 =	vadd.s32 v1, v4;
	_ =	sdelay $0x3  }
0x219: {  	s0 =	simm.s32 $0x15800;
	v3 =	vperm.xlane v3, v2  }
0x21a: {  	[tilespmem:s0], [sflag:$0x4] =	stream.indirect_vreg.gather [hbm4b:s2+s3], $0x80, v4, vm0, $0xb8;
	[tilespmem:$0x18800] =	vst v63  }
0x21b: {  	v3 =	vadd.s32 v1, v3;
	s0 =	simm.s32 $0x16000  }
0x21c: {  	[tilespmem:s0], [sflag:$0x4] =	stream.indirect_vreg.gather [hbm4b:s5+s3], $0x80, v4, vm0, $0xb8;
	[tilespmem:$0x18800] =	vst v63  }
0x21d: {  	s0 =	simm.s32 $0x16800  }
0x21e: {  	[tilespmem:s0], [sflag:$0x4] =	stream.indirect_vreg.gather [hbm4b:s6+s3], $0x80, v4, vm0, $0xb8;
	[tilespmem:$0x18800] =	vst v63  }
0x21f: {  	s0 =	simm.s32 $0x17000  }
0x220: {  	[tilespmem:s0], [sflag:$0x4] =	stream.indirect_vreg.gather [hbm4b:s2+s3], $0x80, v3, vm0, $0xb8;
	[tilespmem:$0x18800] =	vst v63  }
0x221: {  	s0 =	simm.s32 $0x17800  }
0x222: {  	[tilespmem:s0], [sflag:$0x4] =	stream.indirect_vreg.gather [hbm4b:s5+s3], $0x80, v3, vm0, $0xb8;
	[tilespmem:$0x18800] =	vst v63  }
0x223: {  	s0 =	simm.s32 $0x18000  }
0x224: {  	[tilespmem:s0], [sflag:$0x4] =	stream.indirect_vreg.gather [hbm4b:s6+s3], $0x80, v3, vm0, $0xb8;
	[tilespmem:$0x18800] =	vst v63  }
0x225: {  	_ =	swait.ge [sflag:s11], $0x6000  }
0x226: {  	[sflag:s11] =	ssyncset.done $0x0  }
0x227: {  	s0 =	simm.s32 $0xC800;
	s17 =	rddreg [dreg:$0xe];
	[sflag:s11] =	ssyncadd.s32 $0xFFFFA000  }
0x228: {  	[hbm4b:s17+s3] =	stream.linear.scatter [tilespmem:s0], [sflag:$0x7], $0x6000, $0x38;
	[tilespmem:$0x18800] =	vst v63  }
0x229: {  	_ =	swait.ge [sflag:s12], $0x6000  }
0x22a: {  	[sflag:s12] =	ssyncset.done $0x0  }
0x22b: {  	[sflag:s12] =	ssyncadd.s32 $0xFFFFA000  }
0x22c: {  	v3 =	vld [tilespmem:$0x600];
	_ =	sdelay $0x4  }
0x22d: {  	v56 =	vshrl.u32 v3, $0x3  }
0x22e: {  	v4 =	vmul.u32 $0x30, v56  }
0x22f: {  	v3 =	vand.u32 $0x7, v3  }
0x230: {  	v3 =	vor.u32 v3, v4  }
0x231: {  	v4 =	vperm.xlane v3, v0;
	_ =	sdelay $0x1  }
0x232: {  	v4 =	vadd.s32 v1, v4;
	_ =	sdelay $0x3  }
0x233: {  	v3 =	vperm.xlane v3, v2  }
0x234: {  	[tilespmem:s21], [sflag:$0x1] =	stream.indirect_vreg.gather [hbm4b:s2+s3], $0x80, v4, vm0, $0xb8;
	[tilespmem:$0x18800] =	vst v63  }
0x235: {  	s17 =	simm.s32 $0x1000;
	v3 =	vadd.s32 v1, v3  }
0x236: {  	[tilespmem:s17], [sflag:$0x1] =	stream.indirect_vreg.gather [hbm4b:s5+s3], $0x80, v4, vm0, $0xb8;
	[tilespmem:$0x18800] =	vst v63  }
0x237: {  	s17 =	simm.s32 $0x1800  }
0x238: {  	[tilespmem:s17], [sflag:$0x1] =	stream.indirect_vreg.gather [hbm4b:s6+s3], $0x80, v4, vm0, $0xb8;
	[tilespmem:$0x18800] =	vst v63  }
0x239: {  	s17 =	simm.s32 $0x2000  }
0x23a: {  	[tilespmem:s17], [sflag:$0x1] =	stream.indirect_vreg.gather [hbm4b:s2+s3], $0x80, v3, vm0, $0xb8;
	[tilespmem:$0x18800] =	vst v63  }
0x23b: {  	s30 =	simm.s32 $0x2800  }
0x23c: {  	[tilespmem:s30], [sflag:$0x1] =	stream.indirect_vreg.gather [hbm4b:s5+s3], $0x80, v3, vm0, $0xb8;
	[tilespmem:$0x18800] =	vst v63  }
0x23d: {  	s30 =	simm.s32 $0x3000  }
0x23e: {  	[tilespmem:s30], [sflag:$0x1] =	stream.indirect_vreg.gather [hbm4b:s6+s3], $0x80, v3, vm0, $0xb8;
	[tilespmem:$0x18800] =	vst v63  }
0x23f: {  	v3 =	vld [tilespmem:$0x610];
	_ =	sdelay $0x4  }
0x240: {  	v57 =	vshrl.u32 v3, $0x3  }
0x241: {  	v4 =	vmul.u32 $0x30, v57  }
0x242: {  	v3 =	vand.u32 $0x7, v3  }
0x243: {  	v3 =	vor.u32 v3, v4  }
0x244: {  	v4 =	vperm.xlane v3, v0;
	_ =	sdelay $0x1  }
0x245: {  	v4 =	vadd.s32 v1, v4;
	_ =	sdelay $0x3  }
0x246: {  	s30 =	simm.s32 $0x3800;
	v3 =	vperm.xlane v3, v2  }
0x247: {  	[tilespmem:s30], [sflag:$0x1] =	stream.indirect_vreg.gather [hbm4b:s2+s3], $0x80, v4, vm0, $0xb8;
	[tilespmem:$0x18800] =	vst v63  }
0x248: {  	s20 =	simm.s32 $0x4000;
	v3 =	vadd.s32 v1, v3  }
0x249: {  	[tilespmem:s20], [sflag:$0x1] =	stream.indirect_vreg.gather [hbm4b:s5+s3], $0x80, v4, vm0, $0xb8;
	[tilespmem:$0x18800] =	vst v63  }
0x24a: {  	s20 =	simm.s32 $0x4800  }
0x24b: {  	[tilespmem:s20], [sflag:$0x1] =	stream.indirect_vreg.gather [hbm4b:s6+s3], $0x80, v4, vm0, $0xb8;
	[tilespmem:$0x18800] =	vst v63  }
0x24c: {  	s30 =	simm.s32 $0x5000  }
0x24d: {  	[tilespmem:s30], [sflag:$0x1] =	stream.indirect_vreg.gather [hbm4b:s2+s3], $0x80, v3, vm0, $0xb8;
	[tilespmem:$0x18800] =	vst v63  }
0x24e: {  	s20 =	simm.s32 $0x5800  }
0x24f: {  	[tilespmem:s20], [sflag:$0x1] =	stream.indirect_vreg.gather [hbm4b:s5+s3], $0x80, v3, vm0, $0xb8;
	[tilespmem:$0x18800] =	vst v63  }
0x250: {  	s30 =	simm.s32 $0x6000  }
0x251: {  	[tilespmem:s30], [sflag:$0x1] =	stream.indirect_vreg.gather [hbm4b:s6+s3], $0x80, v3, vm0, $0xb8;
	[tilespmem:$0x18800] =	vst v63  }
0x252: {  	_ =	swait.ge [sflag:s13], $0x6000  }
0x253: {  	[sflag:s13] =	ssyncset.done $0x0  }
0x254: {  	s20 =	rddreg [dreg:$0xf];
	[sflag:s13] =	ssyncadd.s32 $0xFFFFA000  }
0x255: {  	[hbm4b:s20+s3] =	stream.linear.scatter [tilespmem:s18], [sflag:$0x8], $0x6000, $0x38;
	[tilespmem:$0x18800] =	vst v63  }
0x256: {  	_ =	swait.ge [sflag:s14], $0x6000  }
0x257: {  	[sflag:s14] =	ssyncset.done $0x0  }
0x258: {  	[sflag:s14] =	ssyncadd.s32 $0xFFFFA000  }
0x259: {  	v3 =	vld [tilespmem:$0x680];
	_ =	sdelay $0x4  }
0x25a: {  	v58 =	vshrl.u32 v3, $0x3  }
0x25b: {  	v4 =	vmul.u32 $0x30, v58  }
0x25c: {  	v3 =	vand.u32 $0x7, v3  }
0x25d: {  	v3 =	vor.u32 v3, v4  }
0x25e: {  	v4 =	vperm.xlane v3, v0;
	_ =	sdelay $0x1  }
0x25f: {  	v4 =	vadd.s32 v1, v4;
	_ =	sdelay $0x3  }
0x260: {  	v3 =	vperm.xlane v3, v2  }
0x261: {  	[tilespmem:s31], [sflag:$0x2] =	stream.indirect_vreg.gather [hbm4b:s2+s3], $0x80, v4, vm0, $0xb8;
	[tilespmem:$0x18800] =	vst v63  }
0x262: {  	s30 =	simm.s32 $0x7000;
	v3 =	vadd.s32 v1, v3  }
0x263: {  	[tilespmem:s30], [sflag:$0x2] =	stream.indirect_vreg.gather [hbm4b:s5+s3], $0x80, v4, vm0, $0xb8;
	[tilespmem:$0x18800] =	vst v63  }
0x264: {  	s31 =	simm.s32 $0x7800  }
0x265: {  	[tilespmem:s31], [sflag:$0x2] =	stream.indirect_vreg.gather [hbm4b:s6+s3], $0x80, v4, vm0, $0xb8;
	[tilespmem:$0x18800] =	vst v63  }
0x266: {  	s30 =	simm.s32 $0x8000  }
0x267: {  	[tilespmem:s30], [sflag:$0x2] =	stream.indirect_vreg.gather [hbm4b:s2+s3], $0x80, v3, vm0, $0xb8;
	[tilespmem:$0x18800] =	vst v63  }
0x268: {  	s31 =	simm.s32 $0x8800  }
0x269: {  	[tilespmem:s31], [sflag:$0x2] =	stream.indirect_vreg.gather [hbm4b:s5+s3], $0x80, v3, vm0, $0xb8;
	[tilespmem:$0x18800] =	vst v63  }
0x26a: {  	s30 =	simm.s32 $0x9000  }
0x26b: {  	[tilespmem:s30], [sflag:$0x2] =	stream.indirect_vreg.gather [hbm4b:s6+s3], $0x80, v3, vm0, $0xb8;
	[tilespmem:$0x18800] =	vst v63  }
0x26c: {  	v3 =	vld [tilespmem:$0x690];
	_ =	sdelay $0x4  }
0x26d: {  	v59 =	vshrl.u32 v3, $0x3  }
0x26e: {  	v4 =	vmul.u32 $0x30, v59  }
0x26f: {  	v3 =	vand.u32 $0x7, v3  }
0x270: {  	v3 =	vor.u32 v3, v4  }
0x271: {  	v4 =	vperm.xlane v3, v0;
	_ =	sdelay $0x1  }
0x272: {  	v4 =	vadd.s32 v1, v4;
	_ =	sdelay $0x3  }
0x273: {  	s31 =	simm.s32 $0x9800;
	v3 =	vperm.xlane v3, v2  }
0x274: {  	[tilespmem:s31], [sflag:$0x2] =	stream.indirect_vreg.gather [hbm4b:s2+s3], $0x80, v4, vm0, $0xb8;
	[tilespmem:$0x18800] =	vst v63  }
0x275: {  	s30 =	simm.s32 $0xA000;
	v3 =	vadd.s32 v1, v3  }
0x276: {  	[tilespmem:s30], [sflag:$0x2] =	stream.indirect_vreg.gather [hbm4b:s5+s3], $0x80, v4, vm0, $0xb8;
	[tilespmem:$0x18800] =	vst v63  }
0x277: {  	s29 =	simm.s32 $0xA800  }
0x278: {  	[tilespmem:s29], [sflag:$0x2] =	stream.indirect_vreg.gather [hbm4b:s6+s3], $0x80, v4, vm0, $0xb8;
	[tilespmem:$0x18800] =	vst v63  }
0x279: {  	s31 =	simm.s32 $0xB000  }
0x27a: {  	[tilespmem:s31], [sflag:$0x2] =	stream.indirect_vreg.gather [hbm4b:s2+s3], $0x80, v3, vm0, $0xb8;
	[tilespmem:$0x18800] =	vst v63  }
0x27b: {  	s19 =	simm.s32 $0xB800  }
0x27c: {  	[tilespmem:s19], [sflag:$0x2] =	stream.indirect_vreg.gather [hbm4b:s5+s3], $0x80, v3, vm0, $0xb8;
	[tilespmem:$0x18800] =	vst v63  }
0x27d: {  	s22 =	simm.s32 $0xC000  }
0x27e: {  	[tilespmem:s22], [sflag:$0x2] =	stream.indirect_vreg.gather [hbm4b:s6+s3], $0x80, v3, vm0, $0xb8;
	[tilespmem:$0x18800] =	vst v63  }
0x27f: {  	_ =	swait.ge [sflag:s8], $0x6000  }
0x280: {  	[sflag:s8] =	ssyncset.done $0x0  }
0x281: {  	s19 =	rddreg [dreg:$0x10];
	[sflag:s8] =	ssyncadd.s32 $0xFFFFA000  }
0x282: {  	[hbm4b:s19+s3] =	stream.linear.scatter [tilespmem:s21], [sflag:$0x5], $0x6000, $0x38;
	[tilespmem:$0x18800] =	vst v63  }
0x283: {  	_ =	swait.ge [sflag:s15], $0x6000  }
0x284: {  	[sflag:s15] =	ssyncset.done $0x0  }
0x285: {  	[sflag:s15] =	ssyncadd.s32 $0xFFFFA000  }
0x286: {  	v3 =	vld [tilespmem:$0x700];
	_ =	sdelay $0x4  }
0x287: {  	v60 =	vshrl.u32 v3, $0x3  }
0x288: {  	v4 =	vmul.u32 $0x30, v60  }
0x289: {  	v3 =	vand.u32 $0x7, v3  }
0x28a: {  	v3 =	vor.u32 v3, v4  }
0x28b: {  	v4 =	vperm.xlane v3, v0;
	_ =	sdelay $0x1  }
0x28c: {  	v4 =	vadd.s32 v1, v4;
	_ =	sdelay $0x3  }
0x28d: {  	v3 =	vperm.xlane v3, v2  }
0x28e: {  	[tilespmem:s0], [sflag:$0x3] =	stream.indirect_vreg.gather [hbm4b:s2+s3], $0x80, v4, vm0, $0xb8;
	[tilespmem:$0x18800] =	vst v63  }
0x28f: {  	s1 =	simm.s32 $0xD000;
	v3 =	vadd.s32 v1, v3  }
0x290: {  	[tilespmem:s1], [sflag:$0x3] =	stream.indirect_vreg.gather [hbm4b:s5+s3], $0x80, v4, vm0, $0xb8;
	[tilespmem:$0x18800] =	vst v63  }
0x291: {  	s22 =	simm.s32 $0xD800  }
0x292: {  	[tilespmem:s22], [sflag:$0x3] =	stream.indirect_vreg.gather [hbm4b:s6+s3], $0x80, v4, vm0, $0xb8;
	[tilespmem:$0x18800] =	vst v63  }
0x293: {  	s9 =	simm.s32 $0xE000  }
0x294: {  	[tilespmem:s9], [sflag:$0x3] =	stream.indirect_vreg.gather [hbm4b:s2+s3], $0x80, v3, vm0, $0xb8;
	[tilespmem:$0x18800] =	vst v63  }
0x295: {  	s23 =	simm.s32 $0xE800  }
0x296: {  	[tilespmem:s23], [sflag:$0x3] =	stream.indirect_vreg.gather [hbm4b:s5+s3], $0x80, v3, vm0, $0xb8;
	[tilespmem:$0x18800] =	vst v63  }
0x297: {  	s29 =	simm.s32 $0xF000  }
0x298: {  	[tilespmem:s29], [sflag:$0x3] =	stream.indirect_vreg.gather [hbm4b:s6+s3], $0x80, v3, vm0, $0xb8;
	[tilespmem:$0x18800] =	vst v63  }
0x299: {  	v3 =	vld [tilespmem:$0x710];
	_ =	sdelay $0x4  }
0x29a: {  	v61 =	vshrl.u32 v3, $0x3  }
0x29b: {  	v4 =	vmul.u32 $0x30, v61  }
0x29c: {  	v3 =	vand.u32 $0x7, v3  }
0x29d: {  	v3 =	vor.u32 v3, v4  }
0x29e: {  	v4 =	vperm.xlane v3, v0;
	_ =	sdelay $0x1  }
0x29f: {  	v4 =	vadd.s32 v1, v4;
	_ =	sdelay $0x3  }
0x2a0: {  	s30 =	simm.s32 $0xF800;
	v3 =	vperm.xlane v3, v2  }
0x2a1: {  	[tilespmem:s30], [sflag:$0x3] =	stream.indirect_vreg.gather [hbm4b:s2+s3], $0x80, v4, vm0, $0xb8;
	[tilespmem:$0x18800] =	vst v63  }
0x2a2: {  	s24 =	simm.s32 $0x10000;
	v3 =	vadd.s32 v1, v3  }
0x2a3: {  	[tilespmem:s24], [sflag:$0x3] =	stream.indirect_vreg.gather [hbm4b:s5+s3], $0x80, v4, vm0, $0xb8;
	[tilespmem:$0x18800] =	vst v63  }
0x2a4: {  	s25 =	simm.s32 $0x10800  }
0x2a5: {  	[tilespmem:s25], [sflag:$0x3] =	stream.indirect_vreg.gather [hbm4b:s6+s3], $0x80, v4, vm0, $0xb8;
	[tilespmem:$0x18800] =	vst v63  }
0x2a6: {  	s26 =	simm.s32 $0x11000  }
0x2a7: {  	[tilespmem:s26], [sflag:$0x3] =	stream.indirect_vreg.gather [hbm4b:s2+s3], $0x80, v3, vm0, $0xb8;
	[tilespmem:$0x18800] =	vst v63  }
0x2a8: {  	s28 =	simm.s32 $0x11800  }
0x2a9: {  	[tilespmem:s28], [sflag:$0x3] =	stream.indirect_vreg.gather [hbm4b:s5+s3], $0x80, v3, vm0, $0xb8;
	[tilespmem:$0x18800] =	vst v63  }
0x2aa: {  	s31 =	simm.s32 $0x12000  }
0x2ab: {  	[tilespmem:s31], [sflag:$0x3] =	stream.indirect_vreg.gather [hbm4b:s6+s3], $0x80, v3, vm0, $0xb8;
	[tilespmem:$0x18800] =	vst v63  }
0x2ac: {  	_ =	swait.ge [sflag:s10], $0x6000  }
0x2ad: {  	[sflag:s10] =	ssyncset.done $0x0  }
0x2ae: {  	s20 =	simm.s32 $0x6800;
	s9 =	rddreg [dreg:$0x11];
	[sflag:s10] =	ssyncadd.s32 $0xFFFFA000  }
0x2af: {  	[hbm4b:s9+s3] =	stream.linear.scatter [tilespmem:s20], [sflag:$0x6], $0x6000, $0x38;
	[tilespmem:$0x18800] =	vst v63  }
0x2b0: {  	_ =	swait.ge [sflag:s16], $0x6000  }
0x2b1: {  	[sflag:s16] =	ssyncset.done $0x0  }
0x2b2: {  	[sflag:s16] =	ssyncadd.s32 $0xFFFFA000  }
0x2b3: {  	v3 =	vld [tilespmem:$0x780];
	_ =	sdelay $0x4  }
0x2b4: {  	v62 =	vshrl.u32 v3, $0x3  }
0x2b5: {  	v4 =	vmul.u32 $0x30, v62  }
0x2b6: {  	v3 =	vand.u32 $0x7, v3  }
0x2b7: {  	v3 =	vor.u32 v3, v4  }
0x2b8: {  	v4 =	vperm.xlane v3, v0;
	_ =	sdelay $0x1  }
0x2b9: {  	v4 =	vadd.s32 v1, v4;
	_ =	sdelay $0x3  }
0x2ba: {  	v3 =	vperm.xlane v3, v2  }
0x2bb: {  	[tilespmem:s18], [sflag:$0x4] =	stream.indirect_vreg.gather [hbm4b:s2+s3], $0x80, v4, vm0, $0xb8;
	[tilespmem:$0x18800] =	vst v63  }
0x2bc: {  	v3 =	vadd.s32 v1, v3  }
0x2bd: {  	[tilespmem:s4], [sflag:$0x4] =	stream.indirect_vreg.gather [hbm4b:s5+s3], $0x80, v4, vm0, $0xb8;
	[tilespmem:$0x18800] =	vst v63  }
0x2be: {  	s17 =	simm.s32 $0x13800  }
0x2bf: {  	[tilespmem:s17], [sflag:$0x4] =	stream.indirect_vreg.gather [hbm4b:s6+s3], $0x80, v4, vm0, $0xb8;
	[tilespmem:$0x18800] =	vst v63  }
0x2c0: {  	s19 =	simm.s32 $0x14000  }
0x2c1: {  	[tilespmem:s19], [sflag:$0x4] =	stream.indirect_vreg.gather [hbm4b:s2+s3], $0x80, v3, vm0, $0xb8;
	[tilespmem:$0x18800] =	vst v63  }
0x2c2: {  	s20 =	simm.s32 $0x14800  }
0x2c3: {  	[tilespmem:s20], [sflag:$0x4] =	stream.indirect_vreg.gather [hbm4b:s5+s3], $0x80, v3, vm0, $0xb8;
	[tilespmem:$0x18800] =	vst v63  }
0x2c4: {  	s22 =	simm.s32 $0x15000  }
0x2c5: {  	[tilespmem:s22], [sflag:$0x4] =	stream.indirect_vreg.gather [hbm4b:s6+s3], $0x80, v3, vm0, $0xb8;
	[tilespmem:$0x18800] =	vst v63  }
0x2c6: {  	v3 =	vld [tilespmem:$0x790];
	_ =	sdelay $0x4  }
0x2c7: {  	v63 =	vshrl.u32 v3, $0x3  }
0x2c8: {  	v4 =	vmul.u32 $0x30, v63  }
0x2c9: {  	v3 =	vand.u32 $0x7, v3  }
0x2ca: {  	v3 =	vor.u32 v3, v4  }
0x2cb: {  	v4 =	vperm.xlane v3, v0;
	_ =	sdelay $0x1  }
0x2cc: {  	v4 =	vadd.s32 v1, v4;
	_ =	sdelay $0x3  }
0x2cd: {  	s23 =	simm.s32 $0x15800;
	v3 =	vperm.xlane v3, v2  }
0x2ce: {  	[tilespmem:s23], [sflag:$0x4] =	stream.indirect_vreg.gather [hbm4b:s2+s3], $0x80, v4, vm0, $0xb8;
	[tilespmem:$0x18800] =	vst v63  }
0x2cf: {  	s24 =	simm.s32 $0x16000;
	v3 =	vadd.s32 v1, v3  }
0x2d0: {  	[tilespmem:s24], [sflag:$0x4] =	stream.indirect_vreg.gather [hbm4b:s5+s3], $0x80, v4, vm0, $0xb8;
	[tilespmem:$0x18800] =	vst v63  }
0x2d1: {  	s25 =	simm.s32 $0x16800  }
0x2d2: {  	[tilespmem:s25], [sflag:$0x4] =	stream.indirect_vreg.gather [hbm4b:s6+s3], $0x80, v4, vm0, $0xb8;
	[tilespmem:$0x18800] =	vst v63  }
0x2d3: {  	s26 =	simm.s32 $0x17000  }
0x2d4: {  	[tilespmem:s26], [sflag:$0x4] =	stream.indirect_vreg.gather [hbm4b:s2+s3], $0x80, v3, vm0, $0xb8;
	[tilespmem:$0x18800] =	vst v63  }
0x2d5: {  	s28 =	simm.s32 $0x17800  }
0x2d6: {  	[tilespmem:s28], [sflag:$0x4] =	stream.indirect_vreg.gather [hbm4b:s5+s3], $0x80, v3, vm0, $0xb8;
	[tilespmem:$0x18800] =	vst v63  }
0x2d7: {  	s29 =	simm.s32 $0x18000  }
0x2d8: {  	[tilespmem:s29], [sflag:$0x4] =	stream.indirect_vreg.gather [hbm4b:s6+s3], $0x80, v3, vm0, $0xb8;
	[tilespmem:$0x18800] =	vst v63  }
0x2d9: {  	_ =	swait.ge [sflag:s11], $0x6000  }
0x2da: {  	[sflag:s11] =	ssyncset.done $0x0  }
0x2db: {  	s0 =	simm.s32 $0xC800;
	s30 =	rddreg [dreg:$0x12];
	[sflag:s11] =	ssyncadd.s32 $0xFFFFA000  }
0x2dc: {  	[hbm4b:s30+s3] =	stream.linear.scatter [tilespmem:s0], [sflag:$0x7], $0x6000, $0x38;
	[tilespmem:$0x18800] =	vst v63  }
0x2dd: {  	_ =	swait.ge [sflag:s13], $0x6000  }
0x2de: {  	[sflag:s13] =	ssyncset.done $0x0  }
0x2df: {  	s31 =	rddreg [dreg:$0x13];
	[sflag:s13] =	ssyncadd.s32 $0xFFFFA000  }
0x2e0: {  	[hbm4b:s31+s3] =	stream.linear.scatter [tilespmem:s18], [sflag:$0x8], $0x6000, $0x38;
	[tilespmem:$0x18800] =	vst v63  }
0x2e1: {  	_ =	swait.ge [sflag:s12], $0x6000  }
0x2e2: {  	[sflag:s12] =	ssyncset.done $0x0  }
0x2e3: {  	[sflag:s12] =	ssyncadd.s32 $0xFFFFA000  }
0x2e4: {  	_ =	swait.ge [sflag:s14], $0x6000  }
0x2e5: {  	[sflag:s14] =	ssyncset.done $0x0  }
0x2e6: {  	[sflag:s14] =	ssyncadd.s32 $0xFFFFA000  }
0x2e7: {  	p0 =	sne.s32 s7, $0x1;
	_ =	swait.ge [sflag:s15], $0x6000  }
.Ltmp0:
0x2e8: {  	[sflag:s15] =	ssyncset.done $0x0;
	(pc) =	sbr.rel @p0 .LBB2_1-.Ltmp0, $4  }
0x2e9: {  	[sflag:s15] =	ssyncadd.s32 $0xFFFFA000  }
0x2ea: {  	_ =	swait.ge [sflag:s16], $0x6000  }
0x2eb: {  	[sflag:s16] =	ssyncset.done $0x0  }
0x2ec: {  	s7 =	sadd.s32 $0xFFFFFFFF, s7;
	[sflag:s16] =	ssyncadd.s32 $0xFFFFA000  }
0x2ed: {  	_ =	sfence.sel $0x180000  }
0x2ee: {  	[bflag:$0x0] =	sbarrier.arrive $0xFFFF  }
0x2ef: {  	_ =	strace $0x90000047  }
0x2f0: {  	s0 =	stileid.u32;
	[bflag:$0x2] =	sbarrier.arrive $0xFFFF  }
0x2f1: {  	p0 =	sne.s32 s0, $0x0;
	s0 =	rddreg [dreg:$0x3]  }
0x2f2: {  	s0 =	sadd.s32 @!p0 $0x100000, s0  }
0x2f3: {  	[sflag:s0] =	ssyncadd.tile.s32 @!p0 $0x1;
	_ =	shalt  }
.Lfunc_end2:
_tile_overlayer_lowered:
.L_overlay_start_2:
0x2f4: {  	(tag) =	ssettag $0x2  }
0x2f5: {  	s0 =	rddreg [dreg:$0x0];
	s2 =	stileid.u32  }
0x2f6: {  	s1 =	rddreg [dreg:$0x1];
	p0 =	sne.s32 s2, $0x0  }
0x2f7: {  	s3 =	rddreg [dreg:$0x2];
	[bflag:$0x3] =	sbarrier.arrive $0xFFFF;
	s2 =	simm.s32 @!p0 $0x1C09  }
0x2f8: {  	[timem:s3], [sflag:s2] =	dma.local @!p0 [hbm:s0], s1  }
0x2f9: {  	s0 =	simm.s32 @!p0 $0x9  }
0x2fa: {  	_ =	swait.ge @!p0 [sflag:s0], s1  }
0x2fb: {  	s1 =	ssub.s32 @!p0 $0x0, s1;
	[sflag:s0] =	ssyncset.done @!p0 $0x0  }
0x2fc: {  	[sflag:s0] =	ssyncadd.s32 @!p0 s1  }
0x2fd: {  	[bflag:$0x3] =	sbarrier.arrive $0xFFFF  }
0x2fe: {  	_ =	shalt  }

// kernel: kernel.9.cloned.1.call-start
scs
__scs_entry_jumppad:
0x0: {  	(pc) =	sbr.rel $0x88, $3  }
0x1: {  	(tag) =	ssettag $0x0;
	lr =	simm.s32 $0x1  }
0x2: {  	[smem:$0x3F9A] =	sst lr;
	_ =	strace $0xD0000000  }
0x3: {  	_ = 	snop  }
0x4: {  	_ = 	snop  }
0x5: {  	_ = 	snop  }
0x6: {  	_ = 	snop  }
0x7: {  	_ = 	snop  }
__scs_overlays_trampoline_lowered:
0x8: {  	[smem:$0x3FA9] =	sst s0  }
0x9: {  	[smem:$0x3FAA] =	sst s1  }
0xa: {  	[smem:$0x3FAB] =	sst s2  }
0xb: {  	[smem:$0x3FAC] =	sst s3  }
0xc: {  	[smem:$0x3FAD] =	sst s4  }
0xd: {  	[smem:$0x3FAE] =	sst s5  }
0xe: {  	[smem:$0x3FAF] =	sst s6  }
0xf: {  	[smem:$0x3FB0] =	sst s7  }
0x10: {  	[smem:$0x3FB1] =	sst s8  }
0x11: {  	[smem:$0x3FB2] =	sst s9;
	s0 =	simm.s32 @!p0 $0x0  }
0x12: {  	s1 =	sld [smem:$0x3F98];
	s0 =	simm.s32 @p0 $0x1  }
0x13: {  	[smem:$0x3FB3] =	sst s0;
	s0 =	simm.s32 @!p1 $0x0  }
0x14: {  	s2 =	sld [smem:$0x3F97];
	s0 =	simm.s32 @p1 $0x1  }
0x15: {  	[smem:$0x3FB4] =	sst s0;
	s0 =	simm.s32 @!p2 $0x0  }
0x16: {  	s3 =	sld [smem:$0x3FDB];
	s0 =	simm.s32 @p2 $0x1  }
0x17: {  	s4 =	simm.s32 $0x1BF5;
	[smem:$0x3FB6] =	sst s0  }
0x18: {  	s0 =	sld [smem:$0x3F99];
	_ =	swait.ge [sflag:s4], $0x0  }
0x19: {  	s7 =	sld [smem:$0x3F9A]  }
0x1a: {  	s8 =	sadd.s32 $0xFFFFE003, lr  }
0x1b: {  	s9 =	sadd.s32 $0xFFFFFEF7, lr;
	s5 =	simm.s32 $0xFFFFFFFF;
	p2 =	slt.u32 s8, $0xFFFFF086  }
0x1c: {  	p1 =	slt.u32 s9, $0xF7A;
	s5 =	simm.s32 @!p2 $0x0  }
0x1d: {  	s5 =	simm.s32 @p1 $0x1;
	p0 =	seq.s32 s7, s2  }
0x1e: {  	s7 =	smul.u32 @!p0 $0xF7A, s2;
	p2 =	seq.s32 @!p0 s5, $0x0  }
0x1f: {  	s9 =	smul.u32 $0xF7A, s1;
	s8 =	simm.s32 @!p0 $0x1BF5;
	p2 =	por !p2, p0  }
0x20: {  	[sflag:s8] =	ssyncset.s32 @!p0 $0xFFFFF086;
	s6 =	sadd.s32 @!p0 s3, s7;
	s7 =	simm.s32 @!p0 $0x108  }
0x21: {  	s3 =	sadd.s32 s3, s9;
	s6 =	sadd.s32 @!p0 $0x88, s6;
	s7 =	simm.s32 @p2 $0x1082  }
0x22: {  	[simem:s7], [sflag:s8] =	dma.local @!p0 [hbm:s6], $0xF7A  }
0x23: {  	s9 =	sor.u32 $0xD0000000, s2;
	s6 =	simm.s32 $0x108;
	_ =	swait.ge @!p0 [sflag:s8], $0x0  }
0x24: {  	s3 =	sadd.s32 $0x88, s3;
	s6 =	simm.s32 @!p1 $0x1082;
	[sflag:s4] =	ssyncset.s32 $0xFFFFF086  }
0x25: {  	[simem:s6], [sflag:s4] =	dma.local [hbm:s3], $0xF7A  }
0x26: {  	[smem:$0x3F9A] =	sst s1;
	(tag) =	ssettag s2;
	_ =	strace s9  }
0x27: {  	s1 =	sld [smem:$0x3FAA]  }
0x28: {  	s2 =	sld [smem:$0x3FAB]  }
0x29: {  	s4 =	sld [smem:$0x3FAD]  }
0x2a: {  	p0 =	seq.s32 s5, $0x0;
	s5 =	sld [smem:$0x3FAE]  }
0x2b: {  	s6 =	sld [smem:$0x3FAF]  }
0x2c: {  	s7 =	sld [smem:$0x3FB0]  }
0x2d: {  	s3 =	simm.s32 $0x108;
	s8 =	sld [smem:$0x3FB1]  }
0x2e: {  	s3 =	simm.s32 @!p0 $0x1082;
	s9 =	sld [smem:$0x3FB2]  }
0x2f: {  	lr =	sadd.s32 s0, s3;
	s0 =	sld [smem:$0x3FA9]  }
0x30: {  	s3 =	sld [smem:$0x3FAC]  }
0x31: {  	[smem:$0x3FB5] =	sst s10  }
0x32: {  	s10 =	sld [smem:$0x3FB3];
	_ =	sdelay $0x3  }
0x33: {  	p0 =	seq.s32 s10, $0x1;
	s10 =	sld [smem:$0x3FB5];
	_ =	sdelay $0x3  }
0x34: {  	[smem:$0x3FB5] =	sst s10  }
0x35: {  	s10 =	sld [smem:$0x3FB4];
	_ =	sdelay $0x3  }
0x36: {  	p1 =	seq.s32 s10, $0x1;
	s10 =	sld [smem:$0x3FB5];
	_ =	sdelay $0x3  }
0x37: {  	[smem:$0x3FB5] =	sst s10  }
0x38: {  	s10 =	sld [smem:$0x3FB6]  }
0x39: {  	_ = 	snop;
	(pc) =	sbr.ind lr, $3  }
0x3a: {  	_ = 	snop  }
0x3b: {  	_ = 	snop  }
0x3c: {  	p2 =	seq.s32 s10, $0x1;
	s10 =	sld [smem:$0x3FB5]  }
0x3d: {  	_ =	shalt  }
0x3e: {  	_ =	shalt  }
0x3f: {  	_ =	shalt  }
0x40: {  	_ =	shalt  }
0x41: {  	_ =	shalt  }
0x42: {  	_ =	shalt  }
0x43: {  	_ =	shalt  }
0x44: {  	_ =	shalt  }
0x45: {  	_ =	shalt  }
0x46: {  	_ =	shalt  }
0x47: {  	_ =	shalt  }
0x48: {  	_ =	shalt  }
0x49: {  	_ =	shalt  }
0x4a: {  	_ =	shalt  }
0x4b: {  	_ =	shalt  }
0x4c: {  	_ =	shalt  }
0x4d: {  	_ =	shalt  }
0x4e: {  	_ =	shalt  }
0x4f: {  	_ =	shalt  }
0x50: {  	_ =	shalt  }
0x51: {  	_ =	shalt  }
0x52: {  	_ =	shalt  }
0x53: {  	_ =	shalt  }
0x54: {  	_ =	shalt  }
0x55: {  	_ =	shalt  }
0x56: {  	_ =	shalt  }
0x57: {  	_ =	shalt  }
0x58: {  	_ =	shalt  }
0x59: {  	_ =	shalt  }
0x5a: {  	_ =	shalt  }
0x5b: {  	_ =	shalt  }
0x5c: {  	_ =	shalt  }
0x5d: {  	_ =	shalt  }
0x5e: {  	_ =	shalt  }
0x5f: {  	_ =	shalt  }
0x60: {  	_ =	shalt  }
0x61: {  	_ =	shalt  }
0x62: {  	_ =	shalt  }
0x63: {  	_ =	shalt  }
0x64: {  	_ =	shalt  }
0x65: {  	_ =	shalt  }
0x66: {  	_ =	shalt  }
0x67: {  	_ =	shalt  }
0x68: {  	_ =	shalt  }
0x69: {  	_ =	shalt  }
0x6a: {  	_ =	shalt  }
0x6b: {  	_ =	shalt  }
0x6c: {  	_ =	shalt  }
0x6d: {  	_ =	shalt  }
0x6e: {  	_ =	shalt  }
0x6f: {  	_ =	shalt  }
0x70: {  	_ =	shalt  }
0x71: {  	_ =	shalt  }
0x72: {  	_ =	shalt  }
0x73: {  	_ =	shalt  }
0x74: {  	_ =	shalt  }
0x75: {  	_ =	shalt  }
0x76: {  	_ =	shalt  }
0x77: {  	_ =	shalt  }
0x78: {  	_ =	shalt  }
0x79: {  	_ =	shalt  }
0x7a: {  	_ =	shalt  }
0x7b: {  	_ =	shalt  }
0x7c: {  	_ =	shalt  }
0x7d: {  	_ =	shalt  }
0x7e: {  	_ =	shalt  }
0x7f: {  	_ =	shalt  }
0x80: {  	_ =	shalt  }
0x81: {  	_ =	shalt  }
0x82: {  	_ =	shalt  }
0x83: {  	_ =	shalt  }
0x84: {  	_ =	shalt  }
0x85: {  	_ =	shalt  }
0x86: {  	_ =	shalt  }
0x87: {  	_ =	shalt  }
.Lfunc_end0:
.L_simem_size_0:
called_computation.1_lowered:
.L_overlay_start_0:
0x88: {  	s2 =	sld [smem:$0x3FD9]  }
0x89: {  	s3 =	sld [smem:$0x3FFE];
	_ =	sdelay $0x1  }
0x8a: {  	s1 =	srdreg.scid  }
0x8b: {  	s0 =	sand.u32 $0x1, s1  }
0x8c: {  	s17 =	sshll.u32 s0, $0xA;
	s2 =	sadd.s32 s3, s2  }
0x8d: {  	s2 =	sadd.s32 s2, s17  }
0x8e: {  	[smem:$0x3FC1] =	sst s2  }
0x8f: {  	_ = 	snop  }
0x90: {  	s18 =	sld [smem:$0x3FC7];
	(tm) =	ssettm $0x1  }
0x91: {  	s19 =	sld [smem:$0x3FFB];
	_ =	sdelay $0x3  }
0x92: {  	_ =	strace s19  }
0x93: {  	s2 =	sld [smem:$0x3FFC];
	_ =	sdelay $0x3  }
0x94: {  	_ =	strace s2  }
0x95: {  	s2 =	sld [smem:$0x3FFD];
	_ =	sdelay $0x3  }
0x96: {  	_ =	strace s2  }
0x97: {  	_ =	strace $0x8FFFFFFF  }
0x98: {  	s20 =	sld [smem:$0x3FDB];
	_ =	sdelay $0x1  }
0x99: {  	s4 =	simm.s32 $_scs_section_size  }
0x9a: {  	s5 =	simm.s32 $_size__tile_overlayer_lowered;
	s6 =	simm.s32 $_tile_overlayer_lowered  }
0x9b: {  	s7 =	simm.s32 $0x1BFF;
	s21 =	sshll.u32 s6, $0x1;
	s4 =	sadd.s32 s4, s20  }
0x9c: {  	s22 =	simm.s32 $0x0;
	s5 =	sshll.u32 s5, $0x1;
	s6 =	sadd.s32 s21, s4  }
0x9d: {  	[timem:s22], [sflag:s7] =	dma.local [hbm:s6], s5  }
0x9e: {  	_ =	swait.ge [sflag:s7], s5  }
0x9f: {  	s5 =	ssub.s32 $0x0, s5;
	[sflag:s7] =	ssyncset.done $0x0  }
0xa0: {  	[sflag:s7] =	ssyncadd.s32 s5;
	_ =	sdelay $0x1  }
0xa1: {  	s23 =	simm.s32 $0x1B8B  }
0xa2: {  	_ =	swait.ge [sflag:s23], $0x1  }
0xa3: {  	[sflag:s23] =	ssyncset.done $0x0  }
0xa4: {  	[sflag:s23] =	ssyncadd.s32 $0xFFFFFFFF  }
0xa5: {  	s5 =	sld [smem:$0x0]  }
0xa6: {  	s6 =	sand.u32 $0xFFFFFFFE, s1  }
0xa7: {  	p0 =	sne.s32 s1, s6  }
0xa8: {  	s6 =	sshll.u32 @p0 s6, $0xE  }
0xa9: {  	s6 =	sadd.s32 @p0 $0x11B8D, s6;
	s7 =	sshll.u32 @p0 s5, $0x11  }
0xaa: {  	s6 =	sor.u32 @p0 s7, s6  }
0xab: {  	[sflag:s6] =	ssyncadd.remote.s32 @p0 $0x1;
	_ =	sdelay $0x1  }
0xac: {  	s6 =	simm.s32 @p0 $0x1B8D  }
0xad: {  	_ =	swait.eq @p0 [sflag:s6], $0x1  }
0xae: {  	[sflag:s6] =	ssyncadd.s32 @p0 $0xFFFFFFFF  }
0xaf: {  	s7 =	sshll.u32 @!p0 s1, $0xE  }
0xb0: {  	s7 =	sor.u32 @!p0 $0x4000, s7;
	s6 =	simm.s32 @!p0 $0x1B8D  }
0xb1: {  	s5 =	sshll.u32 @!p0 s5, $0x11;
	s7 =	sadd.s32 @!p0 $0x11B8D, s7;
	_ =	swait.eq @!p0 [sflag:s6], $0x1  }
0xb2: {  	s5 =	sor.u32 @!p0 s5, s7;
	[sflag:s6] =	ssyncadd.s32 @!p0 $0xFFFFFFFF  }
0xb3: {  	s25 =	simm.s32 $0x1B8E;
	s24 =	sld [smem:$0x3FFE];
	[sflag:s5] =	ssyncadd.remote.s32 @!p0 $0x1  }
0xb4: {  	s26 =	simm.s32 $execute0_lowered;
	[smem:$0x3FD2] =	sst s25  }
0xb5: {  	s6 =	sshll.u32 s26, $0x1;
	_ =	strace $0x80000049;
	[dreg:$0x1] =	wrdreg $0xFFFFFFFF  }
0xb6: {  	s28 =	simm.s32 $_size_execute0_lowered;
	s4 =	sadd.s32 s4, s6;
	[dreg:$0x0] =	wrdreg $0x0  }
0xb7: {  	s6 =	sshll.u32 s28, $0x1;
	[dreg:$0x2] =	wrdreg s4  }
0xb8: {  	[dreg:$0x3] =	wrdreg s6  }
0xb9: {  	[dreg:$0x4] =	wrdreg $0xC0  }
0xba: {  	_ =	task [dreg:s22], $0x5FFFF  }
0xbb: {  	[dreg:$0x1] =	wrdreg $0xFFFFFFFF  }
0xbc: {  	[dreg:$0x0] =	wrdreg $0x60  }
0xbd: {  	[dreg:$0x2] =	wrdreg s24  }
0xbe: {  	[dreg:$0x3] =	wrdreg s18  }
0xbf: {  	[dreg:$0x4] =	wrdreg $0xA  }
0xc0: {  	_ =	task.clear_ibuf [dreg:s22], $0x5FFFF;
	_ =	strace $0x90000049  }
0xc1: {  	s29 =	simm.s32 $0xA;
	_ =	strace $0x8000004B  }
0xc2: {  	_ =	swait.ge [sflag:s29], $0x1  }
0xc3: {  	[sflag:s29] =	ssyncadd.s32 $0xFFFFFFFF  }
0xc4: {  	_ =	strace $0x9000004B  }
0xc5: {  	_ =	sfence  }
0xc6: {  	s30 =	sld [smem:$0x0];
	_ =	sdelay $0x2  }
0xc7: {  	s31 =	sshll.u32 s1, $0xD;
	s1 =	sshrl.u32 s1, $0x2  }
0xc8: {  	s4 =	sand.u32 $0x4000, s31;
	s1 =	sadd.s32 s1, s30  }
0xc9: {  	s0 =	sor.u32 s4, s0;
	s1 =	sshll.u32 s1, $0x11  }
0xca: {  	s0 =	sor.u32 s1, s0  }
0xcb: {  	s0 =	sadd.s32 $0x8F2B, s0  }
0xcc: {  	[sflag:s0] =	ssyncadd.remote.s32 $0x1  }
0xcd: {  	_ =	sfence.sel $0xFFFF  }
0xce: {  	[dreg:$0x0] =	wrdreg $0xFFFFFFFF;
	(pc) =	sbr.abs _section_cstart, $3  }
0xcf: {  	[dreg:$0x1] =	wrdreg $0xFFFFFFFF  }
0xd0: {  	_ =	task.clear_ibuf [dreg:s22], $0x2FFFF;
	_ =	strace $0x9FFFFFFF  }
0xd1: {  	(tm) =	ssettm $0x7FFFFFFF  }
tec
execute0_lowered:
.L_overlay_start_1:
0x0: {  	(tag) =	ssettag $0x1  }
0x1: {  	s1 =	srdreg.scid;
	s3 =	stileid.u32  }
0x2: {  	s0 =	rddreg [dreg:$0x0];
	s1 =	sand.u32 $0x1, s1;
	s3 =	sshll.u32 s3, $0x1  }
0x3: {  	s2 =	rddreg [dreg:$0x1];
	s4 =	sor.u32 s1, s3  }
0x4: {  	s8 =	simm.s32 $0x1;
	s3 =	simm.s32 $0x0;
	s5 =	sshll.u32 s4, $0x8  }
0x5: {  	s6 =	smul.u32 $0xC000, s4;
	[smem:$0x7FF] =	sst s3;
	s5 =	sadd.s32 s5, s0  }
0x6: {  	s10 =	simm.s32 $0x2;
	s0 =	sadd.s32 $0x183400, s0;
	s5 =	sadd.s32 $0x181400, s5  }
0x7: {  	_ =	strace $0x8000004A;
	s6 =	sadd.s32 s0, s6;
	[dreg:$0x3] =	wrdreg s5  }
0x8: {  	s11 =	simm.s32 $0x3;
	s17 =	sadd.s32 $0xC00, s6;
	[dreg:$0x13] =	wrdreg s6  }
0x9: {  	s4 =	smul.u32 $0x60000, s4;
	s18 =	sadd.s32 $0x1800, s6;
	[dreg:$0x4] =	wrdreg s17  }
0xa: {  	s12 =	simm.s32 $0x5;
	s19 =	sadd.s32 $0x2400, s6;
	[dreg:$0x5] =	wrdreg s18  }
0xb: {  	s4 =	sshrl.u32 s4, $0x3;
	s20 =	sadd.s32 $0x3000, s6;
	[dreg:$0x6] =	wrdreg s19  }
0xc: {  	s21 =	sadd.s32 $0x3C00, s6;
	s0 =	sadd.s32 s0, s4;
	[dreg:$0x7] =	wrdreg s20  }
0xd: {  	s13 =	simm.s32 $0x4;
	[dreg:$0x8] =	wrdreg s21;
	s4 =	sadd.s32 $0x4800, s0  }
0xe: {  	s14 =	simm.s32 $0x6;
	s22 =	sadd.s32 $0x5400, s0;
	[dreg:$0x9] =	wrdreg s4  }
0xf: {  	s15 =	simm.s32 $0x7;
	s23 =	sadd.s32 $0x6000, s0;
	[dreg:$0xa] =	wrdreg s22  }
0x10: {  	s16 =	simm.s32 $0x8;
	s24 =	sadd.s32 $0x6C00, s0;
	[dreg:$0xb] =	wrdreg s23  }
0x11: {  	s1 =	ssub.s32 $0x2, s1;
	s25 =	sadd.s32 $0x7800, s0;
	[dreg:$0xc] =	wrdreg s24  }
0x12: {  	s29 =	sshrl.u32 s1, $0x1;
	s26 =	sadd.s32 $0x8400, s0;
	[dreg:$0xd] =	wrdreg s25  }
0x13: {  	s1 =	ssub.s32 s1, s29;
	s28 =	sadd.s32 $0x9000, s0;
	[dreg:$0xe] =	wrdreg s26  }
0x14: {  	s7 =	smax.u32 s1, $0x1;
	s30 =	sadd.s32 $0x9C00, s0;
	[dreg:$0xf] =	wrdreg s28  }
0x15: {  	v2 =	vlaneseq.u32;
	s5 =	sadd.s32 $0x100, s2;
	s31 =	sadd.s32 $0xA800, s0;
	[dreg:$0x10] =	wrdreg s30  }
0x16: {  	vm0 =	vmmov $0xffff;
	v1 =	vshrl.u32 v2, $0x3;
	s6 =	sadd.s32 $0x200, s2;
	s0 =	sadd.s32 $0xB400, s0;
	[dreg:$0x11] =	wrdreg s31  }
0x17: {  	v0 =	vand.u32 $0x7, v2;
	v2 =	vor.u32 $0x8, v2;
	v1 =	vmul.u32 $0x8, v1;
	s21 =	simm.s32 $0x800;
	s18 =	simm.s32 $0x12800;
	[dreg:$0x12] =	wrdreg s0  }
.LBB2_1:
0x18: {  	s17 =	rddreg [dreg:$0x3];
	s24 =	simm.s32 $0x9  }
0x19: {  	[tilespmem:s3], [sflag:$0x9] =	stream.linear.gather [hbm4b:s17+s3], $0x800, $0x38;
	[tilespmem:$0x18800] =	vst v63  }
0x1a: {  	_ =	swait.ge [sflag:s24], $0x800  }
0x1b: {  	[sflag:s24] =	ssyncset.done $0x0  }
0x1c: {  	[sflag:s24] =	ssyncadd.s32 $0xFFFFF800  }
0x1d: {  	v3 =	vld [tilespmem:$0x0];
	_ =	sdelay $0x4  }
0x1e: {  	v4 =	vshrl.u32 v3, $0x3  }
0x1f: {  	v4 =	vmul.u32 $0x30, v4  }
0x20: {  	v3 =	vand.u32 $0x7, v3  }
0x21: {  	v3 =	vor.u32 v3, v4  }
0x22: {  	v4 =	vperm.xlane v3, v0;
	_ =	sdelay $0x1  }
0x23: {  	v4 =	vadd.s32 v1, v4;
	_ =	sdelay $0x3  }
0x24: {  	v3 =	vperm.xlane v3, v2  }
0x25: {  	[tilespmem:s21], [sflag:$0x1] =	stream.indirect_vreg.gather [hbm4b:s2+s3], $0x80, v4, vm0, $0xb8;
	[tilespmem:$0x18800] =	vst v63  }
0x26: {  	s0 =	simm.s32 $0x1000;
	v3 =	vadd.s32 v1, v3  }
0x27: {  	[tilespmem:s0], [sflag:$0x1] =	stream.indirect_vreg.gather [hbm4b:s5+s3], $0x80, v4, vm0, $0xb8;
	[tilespmem:$0x18800] =	vst v63  }
0x28: {  	s25 =	simm.s32 $0x1800  }
0x29: {  	[tilespmem:s25], [sflag:$0x1] =	stream.indirect_vreg.gather [hbm4b:s6+s3], $0x80, v4, vm0, $0xb8;
	[tilespmem:$0x18800] =	vst v63  }
0x2a: {  	s26 =	simm.s32 $0x2000  }
0x2b: {  	[tilespmem:s26], [sflag:$0x1] =	stream.indirect_vreg.gather [hbm4b:s2+s3], $0x80, v3, vm0, $0xb8;
	[tilespmem:$0x18800] =	vst v63  }
0x2c: {  	s28 =	simm.s32 $0x2800  }
0x2d: {  	[tilespmem:s28], [sflag:$0x1] =	stream.indirect_vreg.gather [hbm4b:s5+s3], $0x80, v3, vm0, $0xb8;
	[tilespmem:$0x18800] =	vst v63  }
0x2e: {  	s29 =	simm.s32 $0x3000  }
0x2f: {  	[tilespmem:s29], [sflag:$0x1] =	stream.indirect_vreg.gather [hbm4b:s6+s3], $0x80, v3, vm0, $0xb8;
	[tilespmem:$0x18800] =	vst v63  }
0x30: {  	v3 =	vld [tilespmem:$0x10];
	_ =	sdelay $0x4  }
0x31: {  	v33 =	vshrl.u32 v3, $0x3  }
0x32: {  	v4 =	vmul.u32 $0x30, v33  }
0x33: {  	v3 =	vand.u32 $0x7, v3  }
0x34: {  	v3 =	vor.u32 v3, v4  }
0x35: {  	v4 =	vperm.xlane v3, v0;
	_ =	sdelay $0x1  }
0x36: {  	v4 =	vadd.s32 v1, v4;
	_ =	sdelay $0x3  }
0x37: {  	s30 =	simm.s32 $0x3800;
	v3 =	vperm.xlane v3, v2  }
0x38: {  	[tilespmem:s30], [sflag:$0x1] =	stream.indirect_vreg.gather [hbm4b:s2+s3], $0x80, v4, vm0, $0xb8;
	[tilespmem:$0x18800] =	vst v63  }
0x39: {  	s4 =	simm.s32 $0x4000;
	v3 =	vadd.s32 v1, v3  }
0x3a: {  	[tilespmem:s4], [sflag:$0x1] =	stream.indirect_vreg.gather [hbm4b:s5+s3], $0x80, v4, vm0, $0xb8;
	[tilespmem:$0x18800] =	vst v63  }
0x3b: {  	s9 =	simm.s32 $0x4800  }
0x3c: {  	[tilespmem:s9], [sflag:$0x1] =	stream.indirect_vreg.gather [hbm4b:s6+s3], $0x80, v4, vm0, $0xb8;
	[tilespmem:$0x18800] =	vst v63  }
0x3d: {  	s17 =	simm.s32 $0x5000  }
0x3e: {  	[tilespmem:s17], [sflag:$0x1] =	stream.indirect_vreg.gather [hbm4b:s2+s3], $0x80, v3, vm0, $0xb8;
	[tilespmem:$0x18800] =	vst v63  }
0x3f: {  	s20 =	simm.s32 $0x5800  }
0x40: {  	[tilespmem:s20], [sflag:$0x1] =	stream.indirect_vreg.gather [hbm4b:s5+s3], $0x80, v3, vm0, $0xb8;
	[tilespmem:$0x18800] =	vst v63  }
0x41: {  	s22 =	simm.s32 $0x6000  }
0x42: {  	[tilespmem:s22], [sflag:$0x1] =	stream.indirect_vreg.gather [hbm4b:s6+s3], $0x80, v3, vm0, $0xb8;
	[tilespmem:$0x18800] =	vst v63  }
0x43: {  	v3 =	vld [tilespmem:$0x80];
	_ =	sdelay $0x4  }
0x44: {  	v34 =	vshrl.u32 v3, $0x3  }
0x45: {  	v4 =	vmul.u32 $0x30, v34  }
0x46: {  	v3 =	vand.u32 $0x7, v3  }
0x47: {  	v3 =	vor.u32 v3, v4  }
0x48: {  	v4 =	vperm.xlane v3, v0;
	_ =	sdelay $0x1  }
0x49: {  	v4 =	vadd.s32 v1, v4;
	_ =	sdelay $0x3  }
0x4a: {  	s23 =	simm.s32 $0x6800;
	v3 =	vperm.xlane v3, v2  }
0x4b: {  	[tilespmem:s23], [sflag:$0x2] =	stream.indirect_vreg.gather [hbm4b:s2+s3], $0x80, v4, vm0, $0xb8;
	[tilespmem:$0x18800] =	vst v63  }
0x4c: {  	s24 =	simm.s32 $0x7000;
	v3 =	vadd.s32 v1, v3  }
0x4d: {  	[tilespmem:s24], [sflag:$0x2] =	stream.indirect_vreg.gather [hbm4b:s5+s3], $0x80, v4, vm0, $0xb8;
	[tilespmem:$0x18800] =	vst v63  }
0x4e: {  	s25 =	simm.s32 $0x7800  }
0x4f: {  	[tilespmem:s25], [sflag:$0x2] =	stream.indirect_vreg.gather [hbm4b:s6+s3], $0x80, v4, vm0, $0xb8;
	[tilespmem:$0x18800] =	vst v63  }
0x50: {  	s26 =	simm.s32 $0x8000  }
0x51: {  	[tilespmem:s26], [sflag:$0x2] =	stream.indirect_vreg.gather [hbm4b:s2+s3], $0x80, v3, vm0, $0xb8;
	[tilespmem:$0x18800] =	vst v63  }
0x52: {  	s28 =	simm.s32 $0x8800  }
0x53: {  	[tilespmem:s28], [sflag:$0x2] =	stream.indirect_vreg.gather [hbm4b:s5+s3], $0x80, v3, vm0, $0xb8;
	[tilespmem:$0x18800] =	vst v63  }
0x54: {  	s29 =	simm.s32 $0x9000  }
0x55: {  	[tilespmem:s29], [sflag:$0x2] =	stream.indirect_vreg.gather [hbm4b:s6+s3], $0x80, v3, vm0, $0xb8;
	[tilespmem:$0x18800] =	vst v63  }
0x56: {  	v3 =	vld [tilespmem:$0x90];
	_ =	sdelay $0x4  }
0x57: {  	v35 =	vshrl.u32 v3, $0x3  }
0x58: {  	v4 =	vmul.u32 $0x30, v35  }
0x59: {  	v3 =	vand.u32 $0x7, v3  }
0x5a: {  	v3 =	vor.u32 v3, v4  }
0x5b: {  	v4 =	vperm.xlane v3, v0;
	_ =	sdelay $0x1  }
0x5c: {  	v4 =	vadd.s32 v1, v4;
	_ =	sdelay $0x3  }
0x5d: {  	s30 =	simm.s32 $0x9800;
	v3 =	vperm.xlane v3, v2  }
0x5e: {  	[tilespmem:s30], [sflag:$0x2] =	stream.indirect_vreg.gather [hbm4b:s2+s3], $0x80, v4, vm0, $0xb8;
	[tilespmem:$0x18800] =	vst v63  }
0x5f: {  	s4 =	simm.s32 $0xA000;
	v3 =	vadd.s32 v1, v3  }
0x60: {  	[tilespmem:s4], [sflag:$0x2] =	stream.indirect_vreg.gather [hbm4b:s5+s3], $0x80, v4, vm0, $0xb8;
	[tilespmem:$0x18800] =	vst v63  }
0x61: {  	s17 =	simm.s32 $0xA800  }
0x62: {  	[tilespmem:s17], [sflag:$0x2] =	stream.indirect_vreg.gather [hbm4b:s6+s3], $0x80, v4, vm0, $0xb8;
	[tilespmem:$0x18800] =	vst v63  }
0x63: {  	s20 =	simm.s32 $0xB000  }
0x64: {  	[tilespmem:s20], [sflag:$0x2] =	stream.indirect_vreg.gather [hbm4b:s2+s3], $0x80, v3, vm0, $0xb8;
	[tilespmem:$0x18800] =	vst v63  }
0x65: {  	s22 =	simm.s32 $0xB800  }
0x66: {  	[tilespmem:s22], [sflag:$0x2] =	stream.indirect_vreg.gather [hbm4b:s5+s3], $0x80, v3, vm0, $0xb8;
	[tilespmem:$0x18800] =	vst v63  }
0x67: {  	s30 =	simm.s32 $0xC000  }
0x68: {  	[tilespmem:s30], [sflag:$0x2] =	stream.indirect_vreg.gather [hbm4b:s6+s3], $0x80, v3, vm0, $0xb8;
	[tilespmem:$0x18800] =	vst v63  }
0x69: {  	v3 =	vld [tilespmem:$0x100];
	_ =	sdelay $0x4  }
0x6a: {  	v36 =	vshrl.u32 v3, $0x3  }
0x6b: {  	v4 =	vmul.u32 $0x30, v36  }
0x6c: {  	v3 =	vand.u32 $0x7, v3  }
0x6d: {  	v3 =	vor.u32 v3, v4  }
0x6e: {  	v4 =	vperm.xlane v3, v0;
	_ =	sdelay $0x1  }
0x6f: {  	v4 =	vadd.s32 v1, v4;
	_ =	sdelay $0x3  }
0x70: {  	s4 =	simm.s32 $0xC800;
	v3 =	vperm.xlane v3, v2  }
0x71: {  	[tilespmem:s4], [sflag:$0x3] =	stream.indirect_vreg.gather [hbm4b:s2+s3], $0x80, v4, vm0, $0xb8;
	[tilespmem:$0x18800] =	vst v63  }
0x72: {  	s17 =	simm.s32 $0xD000;
	v3 =	vadd.s32 v1, v3  }
0x73: {  	[tilespmem:s17], [sflag:$0x3] =	stream.indirect_vreg.gather [hbm4b:s5+s3], $0x80, v4, vm0, $0xb8;
	[tilespmem:$0x18800] =	vst v63  }
0x74: {  	s20 =	simm.s32 $0xD800  }
0x75: {  	[tilespmem:s20], [sflag:$0x3] =	stream.indirect_vreg.gather [hbm4b:s6+s3], $0x80, v4, vm0, $0xb8;
	[tilespmem:$0x18800] =	vst v63  }
0x76: {  	s22 =	simm.s32 $0xE000  }
0x77: {  	[tilespmem:s22], [sflag:$0x3] =	stream.indirect_vreg.gather [hbm4b:s2+s3], $0x80, v3, vm0, $0xb8;
	[tilespmem:$0x18800] =	vst v63  }
0x78: {  	s30 =	simm.s32 $0xE800  }
0x79: {  	[tilespmem:s30], [sflag:$0x3] =	stream.indirect_vreg.gather [hbm4b:s5+s3], $0x80, v3, vm0, $0xb8;
	[tilespmem:$0x18800] =	vst v63  }
0x7a: {  	s17 =	simm.s32 $0xF000  }
0x7b: {  	[tilespmem:s17], [sflag:$0x3] =	stream.indirect_vreg.gather [hbm4b:s6+s3], $0x80, v3, vm0, $0xb8;
	[tilespmem:$0x18800] =	vst v63  }
0x7c: {  	v3 =	vld [tilespmem:$0x110];
	_ =	sdelay $0x4  }
0x7d: {  	v37 =	vshrl.u32 v3, $0x3  }
0x7e: {  	v4 =	vmul.u32 $0x30, v37  }
0x7f: {  	v3 =	vand.u32 $0x7, v3  }
0x80: {  	v3 =	vor.u32 v3, v4  }
0x81: {  	v4 =	vperm.xlane v3, v0;
	_ =	sdelay $0x1  }
0x82: {  	v4 =	vadd.s32 v1, v4;
	_ =	sdelay $0x3  }
0x83: {  	s20 =	simm.s32 $0xF800;
	v3 =	vperm.xlane v3, v2  }
0x84: {  	[tilespmem:s20], [sflag:$0x3] =	stream.indirect_vreg.gather [hbm4b:s2+s3], $0x80, v4, vm0, $0xb8;
	[tilespmem:$0x18800] =	vst v63  }
0x85: {  	s22 =	simm.s32 $0x10000;
	v3 =	vadd.s32 v1, v3  }
0x86: {  	[tilespmem:s22], [sflag:$0x3] =	stream.indirect_vreg.gather [hbm4b:s5+s3], $0x80, v4, vm0, $0xb8;
	[tilespmem:$0x18800] =	vst v63  }
0x87: {  	s30 =	simm.s32 $0x10800  }
0x88: {  	[tilespmem:s30], [sflag:$0x3] =	stream.indirect_vreg.gather [hbm4b:s6+s3], $0x80, v4, vm0, $0xb8;
	[tilespmem:$0x18800] =	vst v63  }
0x89: {  	s17 =	simm.s32 $0x11000  }
0x8a: {  	[tilespmem:s17], [sflag:$0x3] =	stream.indirect_vreg.gather [hbm4b:s2+s3], $0x80, v3, vm0, $0xb8;
	[tilespmem:$0x18800] =	vst v63  }
0x8b: {  	s20 =	simm.s32 $0x11800  }
0x8c: {  	[tilespmem:s20], [sflag:$0x3] =	stream.indirect_vreg.gather [hbm4b:s5+s3], $0x80, v3, vm0, $0xb8;
	[tilespmem:$0x18800] =	vst v63  }
0x8d: {  	s22 =	simm.s32 $0x12000  }
0x8e: {  	[tilespmem:s22], [sflag:$0x3] =	stream.indirect_vreg.gather [hbm4b:s6+s3], $0x80, v3, vm0, $0xb8;
	[tilespmem:$0x18800] =	vst v63  }
0x8f: {  	v3 =	vld [tilespmem:$0x180];
	_ =	sdelay $0x4  }
0x90: {  	v38 =	vshrl.u32 v3, $0x3  }
0x91: {  	v4 =	vmul.u32 $0x30, v38  }
0x92: {  	v3 =	vand.u32 $0x7, v3  }
0x93: {  	v3 =	vor.u32 v3, v4  }
0x94: {  	v4 =	vperm.xlane v3, v0;
	_ =	sdelay $0x1  }
0x95: {  	v4 =	vadd.s32 v1, v4;
	_ =	sdelay $0x3  }
0x96: {  	v3 =	vperm.xlane v3, v2  }
0x97: {  	[tilespmem:s18], [sflag:$0x4] =	stream.indirect_vreg.gather [hbm4b:s2+s3], $0x80, v4, vm0, $0xb8;
	[tilespmem:$0x18800] =	vst v63  }
0x98: {  	s30 =	simm.s32 $0x13000;
	v3 =	vadd.s32 v1, v3  }
0x99: {  	[tilespmem:s30], [sflag:$0x4] =	stream.indirect_vreg.gather [hbm4b:s5+s3], $0x80, v4, vm0, $0xb8;
	[tilespmem:$0x18800] =	vst v63  }
0x9a: {  	s0 =	simm.s32 $0x13800  }
0x9b: {  	[tilespmem:s0], [sflag:$0x4] =	stream.indirect_vreg.gather [hbm4b:s6+s3], $0x80, v4, vm0, $0xb8;
	[tilespmem:$0x18800] =	vst v63  }
0x9c: {  	s20 =	simm.s32 $0x14000  }
0x9d: {  	[tilespmem:s20], [sflag:$0x4] =	stream.indirect_vreg.gather [hbm4b:s2+s3], $0x80, v3, vm0, $0xb8;
	[tilespmem:$0x18800] =	vst v63  }
0x9e: {  	s22 =	simm.s32 $0x14800  }
0x9f: {  	[tilespmem:s22], [sflag:$0x4] =	stream.indirect_vreg.gather [hbm4b:s5+s3], $0x80, v3, vm0, $0xb8;
	[tilespmem:$0x18800] =	vst v63  }
0xa0: {  	s30 =	simm.s32 $0x15000  }
0xa1: {  	[tilespmem:s30], [sflag:$0x4] =	stream.indirect_vreg.gather [hbm4b:s6+s3], $0x80, v3, vm0, $0xb8;
	[tilespmem:$0x18800] =	vst v63  }
0xa2: {  	v3 =	vld [tilespmem:$0x190];
	_ =	sdelay $0x4  }
0xa3: {  	v39 =	vshrl.u32 v3, $0x3  }
0xa4: {  	v4 =	vmul.u32 $0x30, v39  }
0xa5: {  	v3 =	vand.u32 $0x7, v3  }
0xa6: {  	v3 =	vor.u32 v3, v4  }
0xa7: {  	v4 =	vperm.xlane v3, v0;
	_ =	sdelay $0x1  }
0xa8: {  	v4 =	vadd.s32 v1, v4;
	_ =	sdelay $0x3  }
0xa9: {  	s0 =	simm.s32 $0x15800;
	v3 =	vperm.xlane v3, v2  }
0xaa: {  	[tilespmem:s0], [sflag:$0x4] =	stream.indirect_vreg.gather [hbm4b:s2+s3], $0x80, v4, vm0, $0xb8;
	[tilespmem:$0x18800] =	vst v63  }
0xab: {  	s20 =	simm.s32 $0x16000;
	v3 =	vadd.s32 v1, v3  }
0xac: {  	[tilespmem:s20], [sflag:$0x4] =	stream.indirect_vreg.gather [hbm4b:s5+s3], $0x80, v4, vm0, $0xb8;
	[tilespmem:$0x18800] =	vst v63  }
0xad: {  	s22 =	simm.s32 $0x16800  }
0xae: {  	[tilespmem:s22], [sflag:$0x4] =	stream.indirect_vreg.gather [hbm4b:s6+s3], $0x80, v4, vm0, $0xb8;
	[tilespmem:$0x18800] =	vst v63  }
0xaf: {  	s30 =	simm.s32 $0x17000  }
0xb0: {  	[tilespmem:s30], [sflag:$0x4] =	stream.indirect_vreg.gather [hbm4b:s2+s3], $0x80, v3, vm0, $0xb8;
	[tilespmem:$0x18800] =	vst v63  }
0xb1: {  	s0 =	simm.s32 $0x17800  }
0xb2: {  	[tilespmem:s0], [sflag:$0x4] =	stream.indirect_vreg.gather [hbm4b:s5+s3], $0x80, v3, vm0, $0xb8;
	[tilespmem:$0x18800] =	vst v63  }
0xb3: {  	s20 =	simm.s32 $0x18000  }
0xb4: {  	[tilespmem:s20], [sflag:$0x4] =	stream.indirect_vreg.gather [hbm4b:s6+s3], $0x80, v3, vm0, $0xb8;
	[tilespmem:$0x18800] =	vst v63  }
0xb5: {  	_ =	swait.ge [sflag:s8], $0x6000  }
0xb6: {  	[sflag:s8] =	ssyncset.done $0x0  }
0xb7: {  	s22 =	rddreg [dreg:$0x13];
	[sflag:s8] =	ssyncadd.s32 $0xFFFFA000  }
0xb8: {  	[hbm4b:s22+s3] =	stream.linear.scatter [tilespmem:s21], [sflag:$0x5], $0x6000, $0x38;
	[tilespmem:$0x18800] =	vst v63  }
0xb9: {  	_ =	swait.ge [sflag:s10], $0x6000  }
0xba: {  	[sflag:s10] =	ssyncset.done $0x0  }
0xbb: {  	s22 =	simm.s32 $0x6800;
	s30 =	rddreg [dreg:$0x4];
	[sflag:s10] =	ssyncadd.s32 $0xFFFFA000  }
0xbc: {  	[hbm4b:s30+s3] =	stream.linear.scatter [tilespmem:s22], [sflag:$0x6], $0x6000, $0x38;
	[tilespmem:$0x18800] =	vst v63  }
0xbd: {  	_ =	swait.ge [sflag:s11], $0x6000  }
0xbe: {  	[sflag:s11] =	ssyncset.done $0x0  }
0xbf: {  	s4 =	simm.s32 $0xC800;
	s0 =	rddreg [dreg:$0x5];
	[sflag:s11] =	ssyncadd.s32 $0xFFFFA000  }
0xc0: {  	[hbm4b:s0+s3] =	stream.linear.scatter [tilespmem:s4], [sflag:$0x7], $0x6000, $0x38;
	[tilespmem:$0x18800] =	vst v63  }
0xc1: {  	_ =	swait.ge [sflag:s12], $0x6000  }
0xc2: {  	[sflag:s12] =	ssyncset.done $0x0  }
0xc3: {  	[sflag:s12] =	ssyncadd.s32 $0xFFFFA000  }
0xc4: {  	v3 =	vld [tilespmem:$0x200];
	_ =	sdelay $0x4  }
0xc5: {  	v40 =	vshrl.u32 v3, $0x3  }
0xc6: {  	v4 =	vmul.u32 $0x30, v40  }
0xc7: {  	v3 =	vand.u32 $0x7, v3  }
0xc8: {  	v3 =	vor.u32 v3, v4  }
0xc9: {  	v4 =	vperm.xlane v3, v0;
	_ =	sdelay $0x1  }
0xca: {  	v4 =	vadd.s32 v1, v4;
	_ =	sdelay $0x3  }
0xcb: {  	v3 =	vperm.xlane v3, v2  }
0xcc: {  	[tilespmem:s21], [sflag:$0x1] =	stream.indirect_vreg.gather [hbm4b:s2+s3], $0x80, v4, vm0, $0xb8;
	[tilespmem:$0x18800] =	vst v63  }
0xcd: {  	s1 =	simm.s32 $0x1000;
	v3 =	vadd.s32 v1, v3  }
0xce: {  	[tilespmem:s1], [sflag:$0x1] =	stream.indirect_vreg.gather [hbm4b:s5+s3], $0x80, v4, vm0, $0xb8;
	[tilespmem:$0x18800] =	vst v63  }
0xcf: {  	s31 =	simm.s32 $0x1800  }
0xd0: {  	[tilespmem:s31], [sflag:$0x1] =	stream.indirect_vreg.gather [hbm4b:s6+s3], $0x80, v4, vm0, $0xb8;
	[tilespmem:$0x18800] =	vst v63  }
0xd1: {  	s20 =	simm.s32 $0x2000  }
0xd2: {  	[tilespmem:s20], [sflag:$0x1] =	stream.indirect_vreg.gather [hbm4b:s2+s3], $0x80, v3, vm0, $0xb8;
	[tilespmem:$0x18800] =	vst v63  }
0xd3: {  	s30 =	simm.s32 $0x2800  }
0xd4: {  	[tilespmem:s30], [sflag:$0x1] =	stream.indirect_vreg.gather [hbm4b:s5+s3], $0x80, v3, vm0, $0xb8;
	[tilespmem:$0x18800] =	vst v63  }
0xd5: {  	s19 =	simm.s32 $0x3000  }
0xd6: {  	[tilespmem:s19], [sflag:$0x1] =	stream.indirect_vreg.gather [hbm4b:s6+s3], $0x80, v3, vm0, $0xb8;
	[tilespmem:$0x18800] =	vst v63  }
0xd7: {  	v3 =	vld [tilespmem:$0x210];
	_ =	sdelay $0x4  }
0xd8: {  	v41 =	vshrl.u32 v3, $0x3  }
0xd9: {  	v4 =	vmul.u32 $0x30, v41  }
0xda: {  	v3 =	vand.u32 $0x7, v3  }
0xdb: {  	v3 =	vor.u32 v3, v4  }
0xdc: {  	v4 =	vperm.xlane v3, v0;
	_ =	sdelay $0x1  }
0xdd: {  	v4 =	vadd.s32 v1, v4;
	_ =	sdelay $0x3  }
0xde: {  	s1 =	simm.s32 $0x3800;
	v3 =	vperm.xlane v3, v2  }
0xdf: {  	[tilespmem:s1], [sflag:$0x1] =	stream.indirect_vreg.gather [hbm4b:s2+s3], $0x80, v4, vm0, $0xb8;
	[tilespmem:$0x18800] =	vst v63  }
0xe0: {  	s17 =	simm.s32 $0x4000;
	v3 =	vadd.s32 v1, v3  }
0xe1: {  	[tilespmem:s17], [sflag:$0x1] =	stream.indirect_vreg.gather [hbm4b:s5+s3], $0x80, v4, vm0, $0xb8;
	[tilespmem:$0x18800] =	vst v63  }
0xe2: {  	s19 =	simm.s32 $0x4800  }
0xe3: {  	[tilespmem:s19], [sflag:$0x1] =	stream.indirect_vreg.gather [hbm4b:s6+s3], $0x80, v4, vm0, $0xb8;
	[tilespmem:$0x18800] =	vst v63  }
0xe4: {  	s31 =	simm.s32 $0x5000  }
0xe5: {  	[tilespmem:s31], [sflag:$0x1] =	stream.indirect_vreg.gather [hbm4b:s2+s3], $0x80, v3, vm0, $0xb8;
	[tilespmem:$0x18800] =	vst v63  }
0xe6: {  	s0 =	simm.s32 $0x5800  }
0xe7: {  	[tilespmem:s0], [sflag:$0x1] =	stream.indirect_vreg.gather [hbm4b:s5+s3], $0x80, v3, vm0, $0xb8;
	[tilespmem:$0x18800] =	vst v63  }
0xe8: {  	s1 =	simm.s32 $0x6000  }
0xe9: {  	[tilespmem:s1], [sflag:$0x1] =	stream.indirect_vreg.gather [hbm4b:s6+s3], $0x80, v3, vm0, $0xb8;
	[tilespmem:$0x18800] =	vst v63  }
0xea: {  	_ =	swait.ge [sflag:s13], $0x6000  }
0xeb: {  	[sflag:s13] =	ssyncset.done $0x0  }
0xec: {  	s19 =	rddreg [dreg:$0x6];
	[sflag:s13] =	ssyncadd.s32 $0xFFFFA000  }
0xed: {  	[hbm4b:s19+s3] =	stream.linear.scatter [tilespmem:s18], [sflag:$0x8], $0x6000, $0x38;
	[tilespmem:$0x18800] =	vst v63  }
0xee: {  	_ =	swait.ge [sflag:s14], $0x6000  }
0xef: {  	[sflag:s14] =	ssyncset.done $0x0  }
0xf0: {  	[sflag:s14] =	ssyncadd.s32 $0xFFFFA000  }
0xf1: {  	v3 =	vld [tilespmem:$0x280];
	_ =	sdelay $0x4  }
0xf2: {  	v42 =	vshrl.u32 v3, $0x3  }
0xf3: {  	v4 =	vmul.u32 $0x30, v42  }
0xf4: {  	v3 =	vand.u32 $0x7, v3  }
0xf5: {  	v3 =	vor.u32 v3, v4  }
0xf6: {  	v4 =	vperm.xlane v3, v0;
	_ =	sdelay $0x1  }
0xf7: {  	v4 =	vadd.s32 v1, v4;
	_ =	sdelay $0x3  }
0xf8: {  	v3 =	vperm.xlane v3, v2  }
0xf9: {  	[tilespmem:s22], [sflag:$0x2] =	stream.indirect_vreg.gather [hbm4b:s2+s3], $0x80, v4, vm0, $0xb8;
	[tilespmem:$0x18800] =	vst v63  }
0xfa: {  	s24 =	simm.s32 $0x7000;
	v3 =	vadd.s32 v1, v3  }
0xfb: {  	[tilespmem:s24], [sflag:$0x2] =	stream.indirect_vreg.gather [hbm4b:s5+s3], $0x80, v4, vm0, $0xb8;
	[tilespmem:$0x18800] =	vst v63  }
0xfc: {  	s25 =	simm.s32 $0x7800  }
0xfd: {  	[tilespmem:s25], [sflag:$0x2] =	stream.indirect_vreg.gather [hbm4b:s6+s3], $0x80, v4, vm0, $0xb8;
	[tilespmem:$0x18800] =	vst v63  }
0xfe: {  	s23 =	simm.s32 $0x8000  }
0xff: {  	[tilespmem:s23], [sflag:$0x2] =	stream.indirect_vreg.gather [hbm4b:s2+s3], $0x80, v3, vm0, $0xb8;
	[tilespmem:$0x18800] =	vst v63  }
0x100: {  	s26 =	simm.s32 $0x8800  }
0x101: {  	[tilespmem:s26], [sflag:$0x2] =	stream.indirect_vreg.gather [hbm4b:s5+s3], $0x80, v3, vm0, $0xb8;
	[tilespmem:$0x18800] =	vst v63  }
0x102: {  	s9 =	simm.s32 $0x9000  }
0x103: {  	[tilespmem:s9], [sflag:$0x2] =	stream.indirect_vreg.gather [hbm4b:s6+s3], $0x80, v3, vm0, $0xb8;
	[tilespmem:$0x18800] =	vst v63  }
0x104: {  	v3 =	vld [tilespmem:$0x290];
	_ =	sdelay $0x4  }
0x105: {  	v43 =	vshrl.u32 v3, $0x3  }
0x106: {  	v4 =	vmul.u32 $0x30, v43  }
0x107: {  	v3 =	vand.u32 $0x7, v3  }
0x108: {  	v3 =	vor.u32 v3, v4  }
0x109: {  	v4 =	vperm.xlane v3, v0;
	_ =	sdelay $0x1  }
0x10a: {  	v4 =	vadd.s32 v1, v4;
	_ =	sdelay $0x3  }
0x10b: {  	s29 =	simm.s32 $0x9800;
	v3 =	vperm.xlane v3, v2  }
0x10c: {  	[tilespmem:s29], [sflag:$0x2] =	stream.indirect_vreg.gather [hbm4b:s2+s3], $0x80, v4, vm0, $0xb8;
	[tilespmem:$0x18800] =	vst v63  }
0x10d: {  	s28 =	simm.s32 $0xA000;
	v3 =	vadd.s32 v1, v3  }
0x10e: {  	[tilespmem:s28], [sflag:$0x2] =	stream.indirect_vreg.gather [hbm4b:s5+s3], $0x80, v4, vm0, $0xb8;
	[tilespmem:$0x18800] =	vst v63  }
0x10f: {  	s29 =	simm.s32 $0xA800  }
0x110: {  	[tilespmem:s29], [sflag:$0x2] =	stream.indirect_vreg.gather [hbm4b:s6+s3], $0x80, v4, vm0, $0xb8;
	[tilespmem:$0x18800] =	vst v63  }
0x111: {  	s31 =	simm.s32 $0xB000  }
0x112: {  	[tilespmem:s31], [sflag:$0x2] =	stream.indirect_vreg.gather [hbm4b:s2+s3], $0x80, v3, vm0, $0xb8;
	[tilespmem:$0x18800] =	vst v63  }
0x113: {  	s23 =	simm.s32 $0xB800  }
0x114: {  	[tilespmem:s23], [sflag:$0x2] =	stream.indirect_vreg.gather [hbm4b:s5+s3], $0x80, v3, vm0, $0xb8;
	[tilespmem:$0x18800] =	vst v63  }
0x115: {  	s22 =	simm.s32 $0xC000  }
0x116: {  	[tilespmem:s22], [sflag:$0x2] =	stream.indirect_vreg.gather [hbm4b:s6+s3], $0x80, v3, vm0, $0xb8;
	[tilespmem:$0x18800] =	vst v63  }
0x117: {  	_ =	swait.ge [sflag:s8], $0x6000  }
0x118: {  	[sflag:s8] =	ssyncset.done $0x0  }
0x119: {  	s24 =	rddreg [dreg:$0x7];
	[sflag:s8] =	ssyncadd.s32 $0xFFFFA000  }
0x11a: {  	[hbm4b:s24+s3] =	stream.linear.scatter [tilespmem:s21], [sflag:$0x5], $0x6000, $0x38;
	[tilespmem:$0x18800] =	vst v63  }
0x11b: {  	_ =	swait.ge [sflag:s15], $0x6000  }
0x11c: {  	[sflag:s15] =	ssyncset.done $0x0  }
0x11d: {  	[sflag:s15] =	ssyncadd.s32 $0xFFFFA000  }
0x11e: {  	v3 =	vld [tilespmem:$0x300];
	_ =	sdelay $0x4  }
0x11f: {  	v44 =	vshrl.u32 v3, $0x3  }
0x120: {  	v4 =	vmul.u32 $0x30, v44  }
0x121: {  	v3 =	vand.u32 $0x7, v3  }
0x122: {  	v3 =	vor.u32 v3, v4  }
0x123: {  	v4 =	vperm.xlane v3, v0;
	_ =	sdelay $0x1  }
0x124: {  	v4 =	vadd.s32 v1, v4;
	_ =	sdelay $0x3  }
0x125: {  	s4 =	simm.s32 $0xC800;
	v3 =	vperm.xlane v3, v2  }
0x126: {  	[tilespmem:s4], [sflag:$0x3] =	stream.indirect_vreg.gather [hbm4b:s2+s3], $0x80, v4, vm0, $0xb8;
	[tilespmem:$0x18800] =	vst v63  }
0x127: {  	v3 =	vadd.s32 v1, v3;
	s4 =	simm.s32 $0xD000  }
0x128: {  	[tilespmem:s4], [sflag:$0x3] =	stream.indirect_vreg.gather [hbm4b:s5+s3], $0x80, v4, vm0, $0xb8;
	[tilespmem:$0x18800] =	vst v63  }
0x129: {  	s25 =	simm.s32 $0xD800  }
0x12a: {  	[tilespmem:s25], [sflag:$0x3] =	stream.indirect_vreg.gather [hbm4b:s6+s3], $0x80, v4, vm0, $0xb8;
	[tilespmem:$0x18800] =	vst v63  }
0x12b: {  	s9 =	simm.s32 $0xE000  }
0x12c: {  	[tilespmem:s9], [sflag:$0x3] =	stream.indirect_vreg.gather [hbm4b:s2+s3], $0x80, v3, vm0, $0xb8;
	[tilespmem:$0x18800] =	vst v63  }
0x12d: {  	s23 =	simm.s32 $0xE800  }
0x12e: {  	[tilespmem:s23], [sflag:$0x3] =	stream.indirect_vreg.gather [hbm4b:s5+s3], $0x80, v3, vm0, $0xb8;
	[tilespmem:$0x18800] =	vst v63  }
0x12f: {  	s26 =	simm.s32 $0xF000  }
0x130: {  	[tilespmem:s26], [sflag:$0x3] =	stream.indirect_vreg.gather [hbm4b:s6+s3], $0x80, v3, vm0, $0xb8;
	[tilespmem:$0x18800] =	vst v63  }
0x131: {  	v3 =	vld [tilespmem:$0x310];
	_ =	sdelay $0x4  }
0x132: {  	v45 =	vshrl.u32 v3, $0x3  }
0x133: {  	v4 =	vmul.u32 $0x30, v45  }
0x134: {  	v3 =	vand.u32 $0x7, v3  }
0x135: {  	v3 =	vor.u32 v3, v4  }
0x136: {  	v4 =	vperm.xlane v3, v0;
	_ =	sdelay $0x1  }
0x137: {  	v4 =	vadd.s32 v1, v4;
	_ =	sdelay $0x3  }
0x138: {  	s28 =	simm.s32 $0xF800;
	v3 =	vperm.xlane v3, v2  }
0x139: {  	[tilespmem:s28], [sflag:$0x3] =	stream.indirect_vreg.gather [hbm4b:s2+s3], $0x80, v4, vm0, $0xb8;
	[tilespmem:$0x18800] =	vst v63  }
0x13a: {  	s24 =	simm.s32 $0x10000;
	v3 =	vadd.s32 v1, v3  }
0x13b: {  	[tilespmem:s24], [sflag:$0x3] =	stream.indirect_vreg.gather [hbm4b:s5+s3], $0x80, v4, vm0, $0xb8;
	[tilespmem:$0x18800] =	vst v63  }
0x13c: {  	s25 =	simm.s32 $0x10800  }
0x13d: {  	[tilespmem:s25], [sflag:$0x3] =	stream.indirect_vreg.gather [hbm4b:s6+s3], $0x80, v4, vm0, $0xb8;
	[tilespmem:$0x18800] =	vst v63  }
0x13e: {  	s26 =	simm.s32 $0x11000  }
0x13f: {  	[tilespmem:s26], [sflag:$0x3] =	stream.indirect_vreg.gather [hbm4b:s2+s3], $0x80, v3, vm0, $0xb8;
	[tilespmem:$0x18800] =	vst v63  }
0x140: {  	s28 =	simm.s32 $0x11800  }
0x141: {  	[tilespmem:s28], [sflag:$0x3] =	stream.indirect_vreg.gather [hbm4b:s5+s3], $0x80, v3, vm0, $0xb8;
	[tilespmem:$0x18800] =	vst v63  }
0x142: {  	s17 =	simm.s32 $0x12000  }
0x143: {  	[tilespmem:s17], [sflag:$0x3] =	stream.indirect_vreg.gather [hbm4b:s6+s3], $0x80, v3, vm0, $0xb8;
	[tilespmem:$0x18800] =	vst v63  }
0x144: {  	_ =	swait.ge [sflag:s10], $0x6000  }
0x145: {  	[sflag:s10] =	ssyncset.done $0x0  }
0x146: {  	s19 =	simm.s32 $0x6800;
	s1 =	rddreg [dreg:$0x8];
	[sflag:s10] =	ssyncadd.s32 $0xFFFFA000  }
0x147: {  	[hbm4b:s1+s3] =	stream.linear.scatter [tilespmem:s19], [sflag:$0x6], $0x6000, $0x38;
	[tilespmem:$0x18800] =	vst v63  }
0x148: {  	_ =	swait.ge [sflag:s16], $0x6000  }
0x149: {  	[sflag:s16] =	ssyncset.done $0x0  }
0x14a: {  	[sflag:s16] =	ssyncadd.s32 $0xFFFFA000  }
0x14b: {  	v3 =	vld [tilespmem:$0x380];
	_ =	sdelay $0x4  }
0x14c: {  	v46 =	vshrl.u32 v3, $0x3  }
0x14d: {  	v4 =	vmul.u32 $0x30, v46  }
0x14e: {  	v3 =	vand.u32 $0x7, v3  }
0x14f: {  	v3 =	vor.u32 v3, v4  }
0x150: {  	v4 =	vperm.xlane v3, v0;
	_ =	sdelay $0x1  }
0x151: {  	v4 =	vadd.s32 v1, v4;
	_ =	sdelay $0x3  }
0x152: {  	v3 =	vperm.xlane v3, v2  }
0x153: {  	[tilespmem:s18], [sflag:$0x4] =	stream.indirect_vreg.gather [hbm4b:s2+s3], $0x80, v4, vm0, $0xb8;
	[tilespmem:$0x18800] =	vst v63  }
0x154: {  	s17 =	simm.s32 $0x13000;
	v3 =	vadd.s32 v1, v3  }
0x155: {  	[tilespmem:s17], [sflag:$0x4] =	stream.indirect_vreg.gather [hbm4b:s5+s3], $0x80, v4, vm0, $0xb8;
	[tilespmem:$0x18800] =	vst v63  }
0x156: {  	s17 =	simm.s32 $0x13800  }
0x157: {  	[tilespmem:s17], [sflag:$0x4] =	stream.indirect_vreg.gather [hbm4b:s6+s3], $0x80, v4, vm0, $0xb8;
	[tilespmem:$0x18800] =	vst v63  }
0x158: {  	s17 =	simm.s32 $0x14000  }
0x159: {  	[tilespmem:s17], [sflag:$0x4] =	stream.indirect_vreg.gather [hbm4b:s2+s3], $0x80, v3, vm0, $0xb8;
	[tilespmem:$0x18800] =	vst v63  }
0x15a: {  	s17 =	simm.s32 $0x14800  }
0x15b: {  	[tilespmem:s17], [sflag:$0x4] =	stream.indirect_vreg.gather [hbm4b:s5+s3], $0x80, v3, vm0, $0xb8;
	[tilespmem:$0x18800] =	vst v63  }
0x15c: {  	s17 =	simm.s32 $0x15000  }
0x15d: {  	[tilespmem:s17], [sflag:$0x4] =	stream.indirect_vreg.gather [hbm4b:s6+s3], $0x80, v3, vm0, $0xb8;
	[tilespmem:$0x18800] =	vst v63  }
0x15e: {  	v3 =	vld [tilespmem:$0x390];
	_ =	sdelay $0x4  }
0x15f: {  	v47 =	vshrl.u32 v3, $0x3  }
0x160: {  	v4 =	vmul.u32 $0x30, v47  }
0x161: {  	v3 =	vand.u32 $0x7, v3  }
0x162: {  	v3 =	vor.u32 v3, v4  }
0x163: {  	v4 =	vperm.xlane v3, v0;
	_ =	sdelay $0x1  }
0x164: {  	v4 =	vadd.s32 v1, v4;
	_ =	sdelay $0x3  }
0x165: {  	s17 =	simm.s32 $0x15800;
	v3 =	vperm.xlane v3, v2  }
0x166: {  	[tilespmem:s17], [sflag:$0x4] =	stream.indirect_vreg.gather [hbm4b:s2+s3], $0x80, v4, vm0, $0xb8;
	[tilespmem:$0x18800] =	vst v63  }
0x167: {  	v3 =	vadd.s32 v1, v3;
	s17 =	simm.s32 $0x16000  }
0x168: {  	[tilespmem:s17], [sflag:$0x4] =	stream.indirect_vreg.gather [hbm4b:s5+s3], $0x80, v4, vm0, $0xb8;
	[tilespmem:$0x18800] =	vst v63  }
0x169: {  	s17 =	simm.s32 $0x16800  }
0x16a: {  	[tilespmem:s17], [sflag:$0x4] =	stream.indirect_vreg.gather [hbm4b:s6+s3], $0x80, v4, vm0, $0xb8;
	[tilespmem:$0x18800] =	vst v63  }
0x16b: {  	s17 =	simm.s32 $0x17000  }
0x16c: {  	[tilespmem:s17], [sflag:$0x4] =	stream.indirect_vreg.gather [hbm4b:s2+s3], $0x80, v3, vm0, $0xb8;
	[tilespmem:$0x18800] =	vst v63  }
0x16d: {  	s17 =	simm.s32 $0x17800  }
0x16e: {  	[tilespmem:s17], [sflag:$0x4] =	stream.indirect_vreg.gather [hbm4b:s5+s3], $0x80, v3, vm0, $0xb8;
	[tilespmem:$0x18800] =	vst v63  }
0x16f: {  	s17 =	simm.s32 $0x18000  }
0x170: {  	[tilespmem:s17], [sflag:$0x4] =	stream.indirect_vreg.gather [hbm4b:s6+s3], $0x80, v3, vm0, $0xb8;
	[tilespmem:$0x18800] =	vst v63  }
0x171: {  	_ =	swait.ge [sflag:s11], $0x6000  }
0x172: {  	[sflag:s11] =	ssyncset.done $0x0  }
0x173: {  	s0 =	simm.s32 $0xC800;
	s1 =	rddreg [dreg:$0x9];
	[sflag:s11] =	ssyncadd.s32 $0xFFFFA000  }
0x174: {  	[hbm4b:s1+s3] =	stream.linear.scatter [tilespmem:s0], [sflag:$0x7], $0x6000, $0x38;
	[tilespmem:$0x18800] =	vst v63  }
0x175: {  	_ =	swait.ge [sflag:s12], $0x6000  }
0x176: {  	[sflag:s12] =	ssyncset.done $0x0  }
0x177: {  	[sflag:s12] =	ssyncadd.s32 $0xFFFFA000  }
0x178: {  	v3 =	vld [tilespmem:$0x400];
	_ =	sdelay $0x4  }
0x179: {  	v48 =	vshrl.u32 v3, $0x3  }
0x17a: {  	v4 =	vmul.u32 $0x30, v48  }
0x17b: {  	v3 =	vand.u32 $0x7, v3  }
0x17c: {  	v3 =	vor.u32 v3, v4  }
0x17d: {  	v4 =	vperm.xlane v3, v0;
	_ =	sdelay $0x1  }
0x17e: {  	v4 =	vadd.s32 v1, v4;
	_ =	sdelay $0x3  }
0x17f: {  	v3 =	vperm.xlane v3, v2  }
0x180: {  	[tilespmem:s21], [sflag:$0x1] =	stream.indirect_vreg.gather [hbm4b:s2+s3], $0x80, v4, vm0, $0xb8;
	[tilespmem:$0x18800] =	vst v63  }
0x181: {  	s17 =	simm.s32 $0x1000;
	v3 =	vadd.s32 v1, v3  }
0x182: {  	[tilespmem:s17], [sflag:$0x1] =	stream.indirect_vreg.gather [hbm4b:s5+s3], $0x80, v4, vm0, $0xb8;
	[tilespmem:$0x18800] =	vst v63  }
0x183: {  	s17 =	simm.s32 $0x1800  }
0x184: {  	[tilespmem:s17], [sflag:$0x1] =	stream.indirect_vreg.gather [hbm4b:s6+s3], $0x80, v4, vm0, $0xb8;
	[tilespmem:$0x18800] =	vst v63  }
0x185: {  	_ = 	snop  }
0x186: {  	[tilespmem:s20], [sflag:$0x1] =	stream.indirect_vreg.gather [hbm4b:s2+s3], $0x80, v3, vm0, $0xb8;
	[tilespmem:$0x18800] =	vst v63  }
0x187: {  	_ = 	snop  }
0x188: {  	[tilespmem:s30], [sflag:$0x1] =	stream.indirect_vreg.gather [hbm4b:s5+s3], $0x80, v3, vm0, $0xb8;
	[tilespmem:$0x18800] =	vst v63  }
0x189: {  	s20 =	simm.s32 $0x3000  }
0x18a: {  	[tilespmem:s20], [sflag:$0x1] =	stream.indirect_vreg.gather [hbm4b:s6+s3], $0x80, v3, vm0, $0xb8;
	[tilespmem:$0x18800] =	vst v63  }
0x18b: {  	v3 =	vld [tilespmem:$0x410];
	_ =	sdelay $0x4  }
0x18c: {  	v49 =	vshrl.u32 v3, $0x3  }
0x18d: {  	v4 =	vmul.u32 $0x30, v49  }
0x18e: {  	v3 =	vand.u32 $0x7, v3  }
0x18f: {  	v3 =	vor.u32 v3, v4  }
0x190: {  	v4 =	vperm.xlane v3, v0;
	_ =	sdelay $0x1  }
0x191: {  	v4 =	vadd.s32 v1, v4;
	_ =	sdelay $0x3  }
0x192: {  	s0 =	simm.s32 $0x3800;
	v3 =	vperm.xlane v3, v2  }
0x193: {  	[tilespmem:s0], [sflag:$0x1] =	stream.indirect_vreg.gather [hbm4b:s2+s3], $0x80, v4, vm0, $0xb8;
	[tilespmem:$0x18800] =	vst v63  }
0x194: {  	s20 =	simm.s32 $0x4000;
	v3 =	vadd.s32 v1, v3  }
0x195: {  	[tilespmem:s20], [sflag:$0x1] =	stream.indirect_vreg.gather [hbm4b:s5+s3], $0x80, v4, vm0, $0xb8;
	[tilespmem:$0x18800] =	vst v63  }
0x196: {  	s0 =	simm.s32 $0x4800  }
0x197: {  	[tilespmem:s0], [sflag:$0x1] =	stream.indirect_vreg.gather [hbm4b:s6+s3], $0x80, v4, vm0, $0xb8;
	[tilespmem:$0x18800] =	vst v63  }
0x198: {  	s0 =	simm.s32 $0x5000  }
0x199: {  	[tilespmem:s0], [sflag:$0x1] =	stream.indirect_vreg.gather [hbm4b:s2+s3], $0x80, v3, vm0, $0xb8;
	[tilespmem:$0x18800] =	vst v63  }
0x19a: {  	s0 =	simm.s32 $0x5800  }
0x19b: {  	[tilespmem:s0], [sflag:$0x1] =	stream.indirect_vreg.gather [hbm4b:s5+s3], $0x80, v3, vm0, $0xb8;
	[tilespmem:$0x18800] =	vst v63  }
0x19c: {  	s0 =	simm.s32 $0x6000  }
0x19d: {  	[tilespmem:s0], [sflag:$0x1] =	stream.indirect_vreg.gather [hbm4b:s6+s3], $0x80, v3, vm0, $0xb8;
	[tilespmem:$0x18800] =	vst v63  }
0x19e: {  	_ =	swait.ge [sflag:s13], $0x6000  }
0x19f: {  	[sflag:s13] =	ssyncset.done $0x0  }
0x1a0: {  	s0 =	rddreg [dreg:$0xa];
	[sflag:s13] =	ssyncadd.s32 $0xFFFFA000  }
0x1a1: {  	[hbm4b:s0+s3] =	stream.linear.scatter [tilespmem:s18], [sflag:$0x8], $0x6000, $0x38;
	[tilespmem:$0x18800] =	vst v63  }
0x1a2: {  	_ =	swait.ge [sflag:s14], $0x6000  }
0x1a3: {  	[sflag:s14] =	ssyncset.done $0x0  }
0x1a4: {  	[sflag:s14] =	ssyncadd.s32 $0xFFFFA000  }
0x1a5: {  	v3 =	vld [tilespmem:$0x480];
	_ =	sdelay $0x4  }
0x1a6: {  	v50 =	vshrl.u32 v3, $0x3  }
0x1a7: {  	v4 =	vmul.u32 $0x30, v50  }
0x1a8: {  	v3 =	vand.u32 $0x7, v3  }
0x1a9: {  	v3 =	vor.u32 v3, v4  }
0x1aa: {  	v4 =	vperm.xlane v3, v0;
	_ =	sdelay $0x1  }
0x1ab: {  	v4 =	vadd.s32 v1, v4;
	_ =	sdelay $0x3  }
0x1ac: {  	v3 =	vperm.xlane v3, v2  }
0x1ad: {  	[tilespmem:s19], [sflag:$0x2] =	stream.indirect_vreg.gather [hbm4b:s2+s3], $0x80, v4, vm0, $0xb8;
	[tilespmem:$0x18800] =	vst v63  }
0x1ae: {  	v3 =	vadd.s32 v1, v3;
	s19 =	simm.s32 $0x7000  }
0x1af: {  	[tilespmem:s19], [sflag:$0x2] =	stream.indirect_vreg.gather [hbm4b:s5+s3], $0x80, v4, vm0, $0xb8;
	[tilespmem:$0x18800] =	vst v63  }
0x1b0: {  	s17 =	simm.s32 $0x7800  }
0x1b1: {  	[tilespmem:s17], [sflag:$0x2] =	stream.indirect_vreg.gather [hbm4b:s6+s3], $0x80, v4, vm0, $0xb8;
	[tilespmem:$0x18800] =	vst v63  }
0x1b2: {  	s19 =	simm.s32 $0x8000  }
0x1b3: {  	[tilespmem:s19], [sflag:$0x2] =	stream.indirect_vreg.gather [hbm4b:s2+s3], $0x80, v3, vm0, $0xb8;
	[tilespmem:$0x18800] =	vst v63  }
0x1b4: {  	s17 =	simm.s32 $0x8800  }
0x1b5: {  	[tilespmem:s17], [sflag:$0x2] =	stream.indirect_vreg.gather [hbm4b:s5+s3], $0x80, v3, vm0, $0xb8;
	[tilespmem:$0x18800] =	vst v63  }
0x1b6: {  	s19 =	simm.s32 $0x9000  }
0x1b7: {  	[tilespmem:s19], [sflag:$0x2] =	stream.indirect_vreg.gather [hbm4b:s6+s3], $0x80, v3, vm0, $0xb8;
	[tilespmem:$0x18800] =	vst v63  }
0x1b8: {  	v3 =	vld [tilespmem:$0x490];
	_ =	sdelay $0x4  }
0x1b9: {  	v51 =	vshrl.u32 v3, $0x3  }
0x1ba: {  	v4 =	vmul.u32 $0x30, v51  }
0x1bb: {  	v3 =	vand.u32 $0x7, v3  }
0x1bc: {  	v3 =	vor.u32 v3, v4  }
0x1bd: {  	v4 =	vperm.xlane v3, v0;
	_ =	sdelay $0x1  }
0x1be: {  	v4 =	vadd.s32 v1, v4;
	_ =	sdelay $0x3  }
0x1bf: {  	s17 =	simm.s32 $0x9800;
	v3 =	vperm.xlane v3, v2  }
0x1c0: {  	[tilespmem:s17], [sflag:$0x2] =	stream.indirect_vreg.gather [hbm4b:s2+s3], $0x80, v4, vm0, $0xb8;
	[tilespmem:$0x18800] =	vst v63  }
0x1c1: {  	s19 =	simm.s32 $0xA000;
	v3 =	vadd.s32 v1, v3  }
0x1c2: {  	[tilespmem:s19], [sflag:$0x2] =	stream.indirect_vreg.gather [hbm4b:s5+s3], $0x80, v4, vm0, $0xb8;
	[tilespmem:$0x18800] =	vst v63  }
0x1c3: {  	_ = 	snop  }
0x1c4: {  	[tilespmem:s29], [sflag:$0x2] =	stream.indirect_vreg.gather [hbm4b:s6+s3], $0x80, v4, vm0, $0xb8;
	[tilespmem:$0x18800] =	vst v63  }
0x1c5: {  	_ = 	snop  }
0x1c6: {  	[tilespmem:s31], [sflag:$0x2] =	stream.indirect_vreg.gather [hbm4b:s2+s3], $0x80, v3, vm0, $0xb8;
	[tilespmem:$0x18800] =	vst v63  }
0x1c7: {  	s31 =	simm.s32 $0xB800  }
0x1c8: {  	[tilespmem:s31], [sflag:$0x2] =	stream.indirect_vreg.gather [hbm4b:s5+s3], $0x80, v3, vm0, $0xb8;
	[tilespmem:$0x18800] =	vst v63  }
0x1c9: {  	_ = 	snop  }
0x1ca: {  	[tilespmem:s22], [sflag:$0x2] =	stream.indirect_vreg.gather [hbm4b:s6+s3], $0x80, v3, vm0, $0xb8;
	[tilespmem:$0x18800] =	vst v63  }
0x1cb: {  	_ =	swait.ge [sflag:s8], $0x6000  }
0x1cc: {  	[sflag:s8] =	ssyncset.done $0x0  }
0x1cd: {  	s0 =	rddreg [dreg:$0xb];
	[sflag:s8] =	ssyncadd.s32 $0xFFFFA000  }
0x1ce: {  	[hbm4b:s0+s3] =	stream.linear.scatter [tilespmem:s21], [sflag:$0x5], $0x6000, $0x38;
	[tilespmem:$0x18800] =	vst v63  }
0x1cf: {  	_ =	swait.ge [sflag:s15], $0x6000  }
0x1d0: {  	[sflag:s15] =	ssyncset.done $0x0  }
0x1d1: {  	[sflag:s15] =	ssyncadd.s32 $0xFFFFA000  }
0x1d2: {  	v3 =	vld [tilespmem:$0x500];
	_ =	sdelay $0x4  }
0x1d3: {  	v52 =	vshrl.u32 v3, $0x3  }
0x1d4: {  	v4 =	vmul.u32 $0x30, v52  }
0x1d5: {  	v3 =	vand.u32 $0x7, v3  }
0x1d6: {  	v3 =	vor.u32 v3, v4  }
0x1d7: {  	v4 =	vperm.xlane v3, v0;
	_ =	sdelay $0x1  }
0x1d8: {  	v4 =	vadd.s32 v1, v4;
	_ =	sdelay $0x3  }
0x1d9: {  	s1 =	simm.s32 $0xC800;
	v3 =	vperm.xlane v3, v2  }
0x1da: {  	[tilespmem:s1], [sflag:$0x3] =	stream.indirect_vreg.gather [hbm4b:s2+s3], $0x80, v4, vm0, $0xb8;
	[tilespmem:$0x18800] =	vst v63  }
0x1db: {  	v3 =	vadd.s32 v1, v3  }
0x1dc: {  	[tilespmem:s4], [sflag:$0x3] =	stream.indirect_vreg.gather [hbm4b:s5+s3], $0x80, v4, vm0, $0xb8;
	[tilespmem:$0x18800] =	vst v63  }
0x1dd: {  	s31 =	simm.s32 $0xD800  }
0x1de: {  	[tilespmem:s31], [sflag:$0x3] =	stream.indirect_vreg.gather [hbm4b:s6+s3], $0x80, v4, vm0, $0xb8;
	[tilespmem:$0x18800] =	vst v63  }
0x1df: {  	_ = 	snop  }
0x1e0: {  	[tilespmem:s9], [sflag:$0x3] =	stream.indirect_vreg.gather [hbm4b:s2+s3], $0x80, v3, vm0, $0xb8;
	[tilespmem:$0x18800] =	vst v63  }
0x1e1: {  	_ = 	snop  }
0x1e2: {  	[tilespmem:s23], [sflag:$0x3] =	stream.indirect_vreg.gather [hbm4b:s5+s3], $0x80, v3, vm0, $0xb8;
	[tilespmem:$0x18800] =	vst v63  }
0x1e3: {  	s4 =	simm.s32 $0xF000  }
0x1e4: {  	[tilespmem:s4], [sflag:$0x3] =	stream.indirect_vreg.gather [hbm4b:s6+s3], $0x80, v3, vm0, $0xb8;
	[tilespmem:$0x18800] =	vst v63  }
0x1e5: {  	v3 =	vld [tilespmem:$0x510];
	_ =	sdelay $0x4  }
0x1e6: {  	v53 =	vshrl.u32 v3, $0x3  }
0x1e7: {  	v4 =	vmul.u32 $0x30, v53  }
0x1e8: {  	v3 =	vand.u32 $0x7, v3  }
0x1e9: {  	v3 =	vor.u32 v3, v4  }
0x1ea: {  	v4 =	vperm.xlane v3, v0;
	_ =	sdelay $0x1  }
0x1eb: {  	v4 =	vadd.s32 v1, v4;
	_ =	sdelay $0x3  }
0x1ec: {  	s17 =	simm.s32 $0xF800;
	v3 =	vperm.xlane v3, v2  }
0x1ed: {  	[tilespmem:s17], [sflag:$0x3] =	stream.indirect_vreg.gather [hbm4b:s2+s3], $0x80, v4, vm0, $0xb8;
	[tilespmem:$0x18800] =	vst v63  }
0x1ee: {  	v3 =	vadd.s32 v1, v3  }
0x1ef: {  	[tilespmem:s24], [sflag:$0x3] =	stream.indirect_vreg.gather [hbm4b:s5+s3], $0x80, v4, vm0, $0xb8;
	[tilespmem:$0x18800] =	vst v63  }
0x1f0: {  	_ = 	snop  }
0x1f1: {  	[tilespmem:s25], [sflag:$0x3] =	stream.indirect_vreg.gather [hbm4b:s6+s3], $0x80, v4, vm0, $0xb8;
	[tilespmem:$0x18800] =	vst v63  }
0x1f2: {  	_ = 	snop  }
0x1f3: {  	[tilespmem:s26], [sflag:$0x3] =	stream.indirect_vreg.gather [hbm4b:s2+s3], $0x80, v3, vm0, $0xb8;
	[tilespmem:$0x18800] =	vst v63  }
0x1f4: {  	_ = 	snop  }
0x1f5: {  	[tilespmem:s28], [sflag:$0x3] =	stream.indirect_vreg.gather [hbm4b:s5+s3], $0x80, v3, vm0, $0xb8;
	[tilespmem:$0x18800] =	vst v63  }
0x1f6: {  	s31 =	simm.s32 $0x12000  }
0x1f7: {  	[tilespmem:s31], [sflag:$0x3] =	stream.indirect_vreg.gather [hbm4b:s6+s3], $0x80, v3, vm0, $0xb8;
	[tilespmem:$0x18800] =	vst v63  }
0x1f8: {  	_ =	swait.ge [sflag:s10], $0x6000  }
0x1f9: {  	[sflag:s10] =	ssyncset.done $0x0  }
0x1fa: {  	s31 =	simm.s32 $0x6800;
	s4 =	rddreg [dreg:$0xc];
	[sflag:s10] =	ssyncadd.s32 $0xFFFFA000  }
0x1fb: {  	[hbm4b:s4+s3] =	stream.linear.scatter [tilespmem:s31], [sflag:$0x6], $0x6000, $0x38;
	[tilespmem:$0x18800] =	vst v63  }
0x1fc: {  	_ =	swait.ge [sflag:s16], $0x6000  }
0x1fd: {  	[sflag:s16] =	ssyncset.done $0x0  }
0x1fe: {  	[sflag:s16] =	ssyncadd.s32 $0xFFFFA000  }
0x1ff: {  	v3 =	vld [tilespmem:$0x580];
	_ =	sdelay $0x4  }
0x200: {  	v54 =	vshrl.u32 v3, $0x3  }
0x201: {  	v4 =	vmul.u32 $0x30, v54  }
0x202: {  	v3 =	vand.u32 $0x7, v3  }
0x203: {  	v3 =	vor.u32 v3, v4  }
0x204: {  	v4 =	vperm.xlane v3, v0;
	_ =	sdelay $0x1  }
0x205: {  	v4 =	vadd.s32 v1, v4;
	_ =	sdelay $0x3  }
0x206: {  	v3 =	vperm.xlane v3, v2  }
0x207: {  	[tilespmem:s18], [sflag:$0x4] =	stream.indirect_vreg.gather [hbm4b:s2+s3], $0x80, v4, vm0, $0xb8;
	[tilespmem:$0x18800] =	vst v63  }
0x208: {  	s4 =	simm.s32 $0x13000;
	v3 =	vadd.s32 v1, v3  }
0x209: {  	[tilespmem:s4], [sflag:$0x4] =	stream.indirect_vreg.gather [hbm4b:s5+s3], $0x80, v4, vm0, $0xb8;
	[tilespmem:$0x18800] =	vst v63  }
0x20a: {  	s0 =	simm.s32 $0x13800  }
0x20b: {  	[tilespmem:s0], [sflag:$0x4] =	stream.indirect_vreg.gather [hbm4b:s6+s3], $0x80, v4, vm0, $0xb8;
	[tilespmem:$0x18800] =	vst v63  }
0x20c: {  	s0 =	simm.s32 $0x14000  }
0x20d: {  	[tilespmem:s0], [sflag:$0x4] =	stream.indirect_vreg.gather [hbm4b:s2+s3], $0x80, v3, vm0, $0xb8;
	[tilespmem:$0x18800] =	vst v63  }
0x20e: {  	s0 =	simm.s32 $0x14800  }
0x20f: {  	[tilespmem:s0], [sflag:$0x4] =	stream.indirect_vreg.gather [hbm4b:s5+s3], $0x80, v3, vm0, $0xb8;
	[tilespmem:$0x18800] =	vst v63  }
0x210: {  	s0 =	simm.s32 $0x15000  }
0x211: {  	[tilespmem:s0], [sflag:$0x4] =	stream.indirect_vreg.gather [hbm4b:s6+s3], $0x80, v3, vm0, $0xb8;
	[tilespmem:$0x18800] =	vst v63  }
0x212: {  	v3 =	vld [tilespmem:$0x590];
	_ =	sdelay $0x4  }
0x213: {  	v55 =	vshrl.u32 v3, $0x3  }
0x214: {  	v4 =	vmul.u32 $0x30, v55  }
0x215: {  	v3 =	vand.u32 $0x7, v3  }
0x216: {  	v3 =	vor.u32 v3, v4  }
0x217: {  	v4 =	vperm.xlane v3, v0;
	_ =	sdelay $0x1  }
0x218: {  	v4 =	vadd.s32 v1, v4;
	_ =	sdelay $0x3  }
0x219: {  	s0 =	simm.s32 $0x15800;
	v3 =	vperm.xlane v3, v2  }
0x21a: {  	[tilespmem:s0], [sflag:$0x4] =	stream.indirect_vreg.gather [hbm4b:s2+s3], $0x80, v4, vm0, $0xb8;
	[tilespmem:$0x18800] =	vst v63  }
0x21b: {  	v3 =	vadd.s32 v1, v3;
	s0 =	simm.s32 $0x16000  }
0x21c: {  	[tilespmem:s0], [sflag:$0x4] =	stream.indirect_vreg.gather [hbm4b:s5+s3], $0x80, v4, vm0, $0xb8;
	[tilespmem:$0x18800] =	vst v63  }
0x21d: {  	s0 =	simm.s32 $0x16800  }
0x21e: {  	[tilespmem:s0], [sflag:$0x4] =	stream.indirect_vreg.gather [hbm4b:s6+s3], $0x80, v4, vm0, $0xb8;
	[tilespmem:$0x18800] =	vst v63  }
0x21f: {  	s0 =	simm.s32 $0x17000  }
0x220: {  	[tilespmem:s0], [sflag:$0x4] =	stream.indirect_vreg.gather [hbm4b:s2+s3], $0x80, v3, vm0, $0xb8;
	[tilespmem:$0x18800] =	vst v63  }
0x221: {  	s0 =	simm.s32 $0x17800  }
0x222: {  	[tilespmem:s0], [sflag:$0x4] =	stream.indirect_vreg.gather [hbm4b:s5+s3], $0x80, v3, vm0, $0xb8;
	[tilespmem:$0x18800] =	vst v63  }
0x223: {  	s0 =	simm.s32 $0x18000  }
0x224: {  	[tilespmem:s0], [sflag:$0x4] =	stream.indirect_vreg.gather [hbm4b:s6+s3], $0x80, v3, vm0, $0xb8;
	[tilespmem:$0x18800] =	vst v63  }
0x225: {  	_ =	swait.ge [sflag:s11], $0x6000  }
0x226: {  	[sflag:s11] =	ssyncset.done $0x0  }
0x227: {  	s0 =	simm.s32 $0xC800;
	s17 =	rddreg [dreg:$0xd];
	[sflag:s11] =	ssyncadd.s32 $0xFFFFA000  }
0x228: {  	[hbm4b:s17+s3] =	stream.linear.scatter [tilespmem:s0], [sflag:$0x7], $0x6000, $0x38;
	[tilespmem:$0x18800] =	vst v63  }
0x229: {  	_ =	swait.ge [sflag:s12], $0x6000  }
0x22a: {  	[sflag:s12] =	ssyncset.done $0x0  }
0x22b: {  	[sflag:s12] =	ssyncadd.s32 $0xFFFFA000  }
0x22c: {  	v3 =	vld [tilespmem:$0x600];
	_ =	sdelay $0x4  }
0x22d: {  	v56 =	vshrl.u32 v3, $0x3  }
0x22e: {  	v4 =	vmul.u32 $0x30, v56  }
0x22f: {  	v3 =	vand.u32 $0x7, v3  }
0x230: {  	v3 =	vor.u32 v3, v4  }
0x231: {  	v4 =	vperm.xlane v3, v0;
	_ =	sdelay $0x1  }
0x232: {  	v4 =	vadd.s32 v1, v4;
	_ =	sdelay $0x3  }
0x233: {  	v3 =	vperm.xlane v3, v2  }
0x234: {  	[tilespmem:s21], [sflag:$0x1] =	stream.indirect_vreg.gather [hbm4b:s2+s3], $0x80, v4, vm0, $0xb8;
	[tilespmem:$0x18800] =	vst v63  }
0x235: {  	s17 =	simm.s32 $0x1000;
	v3 =	vadd.s32 v1, v3  }
0x236: {  	[tilespmem:s17], [sflag:$0x1] =	stream.indirect_vreg.gather [hbm4b:s5+s3], $0x80, v4, vm0, $0xb8;
	[tilespmem:$0x18800] =	vst v63  }
0x237: {  	s17 =	simm.s32 $0x1800  }
0x238: {  	[tilespmem:s17], [sflag:$0x1] =	stream.indirect_vreg.gather [hbm4b:s6+s3], $0x80, v4, vm0, $0xb8;
	[tilespmem:$0x18800] =	vst v63  }
0x239: {  	s17 =	simm.s32 $0x2000  }
0x23a: {  	[tilespmem:s17], [sflag:$0x1] =	stream.indirect_vreg.gather [hbm4b:s2+s3], $0x80, v3, vm0, $0xb8;
	[tilespmem:$0x18800] =	vst v63  }
0x23b: {  	s30 =	simm.s32 $0x2800  }
0x23c: {  	[tilespmem:s30], [sflag:$0x1] =	stream.indirect_vreg.gather [hbm4b:s5+s3], $0x80, v3, vm0, $0xb8;
	[tilespmem:$0x18800] =	vst v63  }
0x23d: {  	s30 =	simm.s32 $0x3000  }
0x23e: {  	[tilespmem:s30], [sflag:$0x1] =	stream.indirect_vreg.gather [hbm4b:s6+s3], $0x80, v3, vm0, $0xb8;
	[tilespmem:$0x18800] =	vst v63  }
0x23f: {  	v3 =	vld [tilespmem:$0x610];
	_ =	sdelay $0x4  }
0x240: {  	v57 =	vshrl.u32 v3, $0x3  }
0x241: {  	v4 =	vmul.u32 $0x30, v57  }
0x242: {  	v3 =	vand.u32 $0x7, v3  }
0x243: {  	v3 =	vor.u32 v3, v4  }
0x244: {  	v4 =	vperm.xlane v3, v0;
	_ =	sdelay $0x1  }
0x245: {  	v4 =	vadd.s32 v1, v4;
	_ =	sdelay $0x3  }
0x246: {  	s30 =	simm.s32 $0x3800;
	v3 =	vperm.xlane v3, v2  }
0x247: {  	[tilespmem:s30], [sflag:$0x1] =	stream.indirect_vreg.gather [hbm4b:s2+s3], $0x80, v4, vm0, $0xb8;
	[tilespmem:$0x18800] =	vst v63  }
0x248: {  	s20 =	simm.s32 $0x4000;
	v3 =	vadd.s32 v1, v3  }
0x249: {  	[tilespmem:s20], [sflag:$0x1] =	stream.indirect_vreg.gather [hbm4b:s5+s3], $0x80, v4, vm0, $0xb8;
	[tilespmem:$0x18800] =	vst v63  }
0x24a: {  	s20 =	simm.s32 $0x4800  }
0x24b: {  	[tilespmem:s20], [sflag:$0x1] =	stream.indirect_vreg.gather [hbm4b:s6+s3], $0x80, v4, vm0, $0xb8;
	[tilespmem:$0x18800] =	vst v63  }
0x24c: {  	s30 =	simm.s32 $0x5000  }
0x24d: {  	[tilespmem:s30], [sflag:$0x1] =	stream.indirect_vreg.gather [hbm4b:s2+s3], $0x80, v3, vm0, $0xb8;
	[tilespmem:$0x18800] =	vst v63  }
0x24e: {  	s20 =	simm.s32 $0x5800  }
0x24f: {  	[tilespmem:s20], [sflag:$0x1] =	stream.indirect_vreg.gather [hbm4b:s5+s3], $0x80, v3, vm0, $0xb8;
	[tilespmem:$0x18800] =	vst v63  }
0x250: {  	s30 =	simm.s32 $0x6000  }
0x251: {  	[tilespmem:s30], [sflag:$0x1] =	stream.indirect_vreg.gather [hbm4b:s6+s3], $0x80, v3, vm0, $0xb8;
	[tilespmem:$0x18800] =	vst v63  }
0x252: {  	_ =	swait.ge [sflag:s13], $0x6000  }
0x253: {  	[sflag:s13] =	ssyncset.done $0x0  }
0x254: {  	s20 =	rddreg [dreg:$0xe];
	[sflag:s13] =	ssyncadd.s32 $0xFFFFA000  }
0x255: {  	[hbm4b:s20+s3] =	stream.linear.scatter [tilespmem:s18], [sflag:$0x8], $0x6000, $0x38;
	[tilespmem:$0x18800] =	vst v63  }
0x256: {  	_ =	swait.ge [sflag:s14], $0x6000  }
0x257: {  	[sflag:s14] =	ssyncset.done $0x0  }
0x258: {  	[sflag:s14] =	ssyncadd.s32 $0xFFFFA000  }
0x259: {  	v3 =	vld [tilespmem:$0x680];
	_ =	sdelay $0x4  }
0x25a: {  	v58 =	vshrl.u32 v3, $0x3  }
0x25b: {  	v4 =	vmul.u32 $0x30, v58  }
0x25c: {  	v3 =	vand.u32 $0x7, v3  }
0x25d: {  	v3 =	vor.u32 v3, v4  }
0x25e: {  	v4 =	vperm.xlane v3, v0;
	_ =	sdelay $0x1  }
0x25f: {  	v4 =	vadd.s32 v1, v4;
	_ =	sdelay $0x3  }
0x260: {  	v3 =	vperm.xlane v3, v2  }
0x261: {  	[tilespmem:s31], [sflag:$0x2] =	stream.indirect_vreg.gather [hbm4b:s2+s3], $0x80, v4, vm0, $0xb8;
	[tilespmem:$0x18800] =	vst v63  }
0x262: {  	s30 =	simm.s32 $0x7000;
	v3 =	vadd.s32 v1, v3  }
0x263: {  	[tilespmem:s30], [sflag:$0x2] =	stream.indirect_vreg.gather [hbm4b:s5+s3], $0x80, v4, vm0, $0xb8;
	[tilespmem:$0x18800] =	vst v63  }
0x264: {  	s31 =	simm.s32 $0x7800  }
0x265: {  	[tilespmem:s31], [sflag:$0x2] =	stream.indirect_vreg.gather [hbm4b:s6+s3], $0x80, v4, vm0, $0xb8;
	[tilespmem:$0x18800] =	vst v63  }
0x266: {  	s30 =	simm.s32 $0x8000  }
0x267: {  	[tilespmem:s30], [sflag:$0x2] =	stream.indirect_vreg.gather [hbm4b:s2+s3], $0x80, v3, vm0, $0xb8;
	[tilespmem:$0x18800] =	vst v63  }
0x268: {  	s31 =	simm.s32 $0x8800  }
0x269: {  	[tilespmem:s31], [sflag:$0x2] =	stream.indirect_vreg.gather [hbm4b:s5+s3], $0x80, v3, vm0, $0xb8;
	[tilespmem:$0x18800] =	vst v63  }
0x26a: {  	s30 =	simm.s32 $0x9000  }
0x26b: {  	[tilespmem:s30], [sflag:$0x2] =	stream.indirect_vreg.gather [hbm4b:s6+s3], $0x80, v3, vm0, $0xb8;
	[tilespmem:$0x18800] =	vst v63  }
0x26c: {  	v3 =	vld [tilespmem:$0x690];
	_ =	sdelay $0x4  }
0x26d: {  	v59 =	vshrl.u32 v3, $0x3  }
0x26e: {  	v4 =	vmul.u32 $0x30, v59  }
0x26f: {  	v3 =	vand.u32 $0x7, v3  }
0x270: {  	v3 =	vor.u32 v3, v4  }
0x271: {  	v4 =	vperm.xlane v3, v0;
	_ =	sdelay $0x1  }
0x272: {  	v4 =	vadd.s32 v1, v4;
	_ =	sdelay $0x3  }
0x273: {  	s31 =	simm.s32 $0x9800;
	v3 =	vperm.xlane v3, v2  }
0x274: {  	[tilespmem:s31], [sflag:$0x2] =	stream.indirect_vreg.gather [hbm4b:s2+s3], $0x80, v4, vm0, $0xb8;
	[tilespmem:$0x18800] =	vst v63  }
0x275: {  	s30 =	simm.s32 $0xA000;
	v3 =	vadd.s32 v1, v3  }
0x276: {  	[tilespmem:s30], [sflag:$0x2] =	stream.indirect_vreg.gather [hbm4b:s5+s3], $0x80, v4, vm0, $0xb8;
	[tilespmem:$0x18800] =	vst v63  }
0x277: {  	s29 =	simm.s32 $0xA800  }
0x278: {  	[tilespmem:s29], [sflag:$0x2] =	stream.indirect_vreg.gather [hbm4b:s6+s3], $0x80, v4, vm0, $0xb8;
	[tilespmem:$0x18800] =	vst v63  }
0x279: {  	s31 =	simm.s32 $0xB000  }
0x27a: {  	[tilespmem:s31], [sflag:$0x2] =	stream.indirect_vreg.gather [hbm4b:s2+s3], $0x80, v3, vm0, $0xb8;
	[tilespmem:$0x18800] =	vst v63  }
0x27b: {  	s19 =	simm.s32 $0xB800  }
0x27c: {  	[tilespmem:s19], [sflag:$0x2] =	stream.indirect_vreg.gather [hbm4b:s5+s3], $0x80, v3, vm0, $0xb8;
	[tilespmem:$0x18800] =	vst v63  }
0x27d: {  	s22 =	simm.s32 $0xC000  }
0x27e: {  	[tilespmem:s22], [sflag:$0x2] =	stream.indirect_vreg.gather [hbm4b:s6+s3], $0x80, v3, vm0, $0xb8;
	[tilespmem:$0x18800] =	vst v63  }
0x27f: {  	_ =	swait.ge [sflag:s8], $0x6000  }
0x280: {  	[sflag:s8] =	ssyncset.done $0x0  }
0x281: {  	s19 =	rddreg [dreg:$0xf];
	[sflag:s8] =	ssyncadd.s32 $0xFFFFA000  }
0x282: {  	[hbm4b:s19+s3] =	stream.linear.scatter [tilespmem:s21], [sflag:$0x5], $0x6000, $0x38;
	[tilespmem:$0x18800] =	vst v63  }
0x283: {  	_ =	swait.ge [sflag:s15], $0x6000  }
0x284: {  	[sflag:s15] =	ssyncset.done $0x0  }
0x285: {  	[sflag:s15] =	ssyncadd.s32 $0xFFFFA000  }
0x286: {  	v3 =	vld [tilespmem:$0x700];
	_ =	sdelay $0x4  }
0x287: {  	v60 =	vshrl.u32 v3, $0x3  }
0x288: {  	v4 =	vmul.u32 $0x30, v60  }
0x289: {  	v3 =	vand.u32 $0x7, v3  }
0x28a: {  	v3 =	vor.u32 v3, v4  }
0x28b: {  	v4 =	vperm.xlane v3, v0;
	_ =	sdelay $0x1  }
0x28c: {  	v4 =	vadd.s32 v1, v4;
	_ =	sdelay $0x3  }
0x28d: {  	v3 =	vperm.xlane v3, v2  }
0x28e: {  	[tilespmem:s0], [sflag:$0x3] =	stream.indirect_vreg.gather [hbm4b:s2+s3], $0x80, v4, vm0, $0xb8;
	[tilespmem:$0x18800] =	vst v63  }
0x28f: {  	s1 =	simm.s32 $0xD000;
	v3 =	vadd.s32 v1, v3  }
0x290: {  	[tilespmem:s1], [sflag:$0x3] =	stream.indirect_vreg.gather [hbm4b:s5+s3], $0x80, v4, vm0, $0xb8;
	[tilespmem:$0x18800] =	vst v63  }
0x291: {  	s22 =	simm.s32 $0xD800  }
0x292: {  	[tilespmem:s22], [sflag:$0x3] =	stream.indirect_vreg.gather [hbm4b:s6+s3], $0x80, v4, vm0, $0xb8;
	[tilespmem:$0x18800] =	vst v63  }
0x293: {  	s9 =	simm.s32 $0xE000  }
0x294: {  	[tilespmem:s9], [sflag:$0x3] =	stream.indirect_vreg.gather [hbm4b:s2+s3], $0x80, v3, vm0, $0xb8;
	[tilespmem:$0x18800] =	vst v63  }
0x295: {  	s23 =	simm.s32 $0xE800  }
0x296: {  	[tilespmem:s23], [sflag:$0x3] =	stream.indirect_vreg.gather [hbm4b:s5+s3], $0x80, v3, vm0, $0xb8;
	[tilespmem:$0x18800] =	vst v63  }
0x297: {  	s29 =	simm.s32 $0xF000  }
0x298: {  	[tilespmem:s29], [sflag:$0x3] =	stream.indirect_vreg.gather [hbm4b:s6+s3], $0x80, v3, vm0, $0xb8;
	[tilespmem:$0x18800] =	vst v63  }
0x299: {  	v3 =	vld [tilespmem:$0x710];
	_ =	sdelay $0x4  }
0x29a: {  	v61 =	vshrl.u32 v3, $0x3  }
0x29b: {  	v4 =	vmul.u32 $0x30, v61  }
0x29c: {  	v3 =	vand.u32 $0x7, v3  }
0x29d: {  	v3 =	vor.u32 v3, v4  }
0x29e: {  	v4 =	vperm.xlane v3, v0;
	_ =	sdelay $0x1  }
0x29f: {  	v4 =	vadd.s32 v1, v4;
	_ =	sdelay $0x3  }
0x2a0: {  	s30 =	simm.s32 $0xF800;
	v3 =	vperm.xlane v3, v2  }
0x2a1: {  	[tilespmem:s30], [sflag:$0x3] =	stream.indirect_vreg.gather [hbm4b:s2+s3], $0x80, v4, vm0, $0xb8;
	[tilespmem:$0x18800] =	vst v63  }
0x2a2: {  	s24 =	simm.s32 $0x10000;
	v3 =	vadd.s32 v1, v3  }
0x2a3: {  	[tilespmem:s24], [sflag:$0x3] =	stream.indirect_vreg.gather [hbm4b:s5+s3], $0x80, v4, vm0, $0xb8;
	[tilespmem:$0x18800] =	vst v63  }
0x2a4: {  	s25 =	simm.s32 $0x10800  }
0x2a5: {  	[tilespmem:s25], [sflag:$0x3] =	stream.indirect_vreg.gather [hbm4b:s6+s3], $0x80, v4, vm0, $0xb8;
	[tilespmem:$0x18800] =	vst v63  }
0x2a6: {  	s26 =	simm.s32 $0x11000  }
0x2a7: {  	[tilespmem:s26], [sflag:$0x3] =	stream.indirect_vreg.gather [hbm4b:s2+s3], $0x80, v3, vm0, $0xb8;
	[tilespmem:$0x18800] =	vst v63  }
0x2a8: {  	s28 =	simm.s32 $0x11800  }
0x2a9: {  	[tilespmem:s28], [sflag:$0x3] =	stream.indirect_vreg.gather [hbm4b:s5+s3], $0x80, v3, vm0, $0xb8;
	[tilespmem:$0x18800] =	vst v63  }
0x2aa: {  	s31 =	simm.s32 $0x12000  }
0x2ab: {  	[tilespmem:s31], [sflag:$0x3] =	stream.indirect_vreg.gather [hbm4b:s6+s3], $0x80, v3, vm0, $0xb8;
	[tilespmem:$0x18800] =	vst v63  }
0x2ac: {  	_ =	swait.ge [sflag:s10], $0x6000  }
0x2ad: {  	[sflag:s10] =	ssyncset.done $0x0  }
0x2ae: {  	s20 =	simm.s32 $0x6800;
	s9 =	rddreg [dreg:$0x10];
	[sflag:s10] =	ssyncadd.s32 $0xFFFFA000  }
0x2af: {  	[hbm4b:s9+s3] =	stream.linear.scatter [tilespmem:s20], [sflag:$0x6], $0x6000, $0x38;
	[tilespmem:$0x18800] =	vst v63  }
0x2b0: {  	_ =	swait.ge [sflag:s16], $0x6000  }
0x2b1: {  	[sflag:s16] =	ssyncset.done $0x0  }
0x2b2: {  	[sflag:s16] =	ssyncadd.s32 $0xFFFFA000  }
0x2b3: {  	v3 =	vld [tilespmem:$0x780];
	_ =	sdelay $0x4  }
0x2b4: {  	v62 =	vshrl.u32 v3, $0x3  }
0x2b5: {  	v4 =	vmul.u32 $0x30, v62  }
0x2b6: {  	v3 =	vand.u32 $0x7, v3  }
0x2b7: {  	v3 =	vor.u32 v3, v4  }
0x2b8: {  	v4 =	vperm.xlane v3, v0;
	_ =	sdelay $0x1  }
0x2b9: {  	v4 =	vadd.s32 v1, v4;
	_ =	sdelay $0x3  }
0x2ba: {  	v3 =	vperm.xlane v3, v2  }
0x2bb: {  	[tilespmem:s18], [sflag:$0x4] =	stream.indirect_vreg.gather [hbm4b:s2+s3], $0x80, v4, vm0, $0xb8;
	[tilespmem:$0x18800] =	vst v63  }
0x2bc: {  	v3 =	vadd.s32 v1, v3  }
0x2bd: {  	[tilespmem:s4], [sflag:$0x4] =	stream.indirect_vreg.gather [hbm4b:s5+s3], $0x80, v4, vm0, $0xb8;
	[tilespmem:$0x18800] =	vst v63  }
0x2be: {  	s17 =	simm.s32 $0x13800  }
0x2bf: {  	[tilespmem:s17], [sflag:$0x4] =	stream.indirect_vreg.gather [hbm4b:s6+s3], $0x80, v4, vm0, $0xb8;
	[tilespmem:$0x18800] =	vst v63  }
0x2c0: {  	s19 =	simm.s32 $0x14000  }
0x2c1: {  	[tilespmem:s19], [sflag:$0x4] =	stream.indirect_vreg.gather [hbm4b:s2+s3], $0x80, v3, vm0, $0xb8;
	[tilespmem:$0x18800] =	vst v63  }
0x2c2: {  	s20 =	simm.s32 $0x14800  }
0x2c3: {  	[tilespmem:s20], [sflag:$0x4] =	stream.indirect_vreg.gather [hbm4b:s5+s3], $0x80, v3, vm0, $0xb8;
	[tilespmem:$0x18800] =	vst v63  }
0x2c4: {  	s22 =	simm.s32 $0x15000  }
0x2c5: {  	[tilespmem:s22], [sflag:$0x4] =	stream.indirect_vreg.gather [hbm4b:s6+s3], $0x80, v3, vm0, $0xb8;
	[tilespmem:$0x18800] =	vst v63  }
0x2c6: {  	v3 =	vld [tilespmem:$0x790];
	_ =	sdelay $0x4  }
0x2c7: {  	v63 =	vshrl.u32 v3, $0x3  }
0x2c8: {  	v4 =	vmul.u32 $0x30, v63  }
0x2c9: {  	v3 =	vand.u32 $0x7, v3  }
0x2ca: {  	v3 =	vor.u32 v3, v4  }
0x2cb: {  	v4 =	vperm.xlane v3, v0;
	_ =	sdelay $0x1  }
0x2cc: {  	v4 =	vadd.s32 v1, v4;
	_ =	sdelay $0x3  }
0x2cd: {  	s23 =	simm.s32 $0x15800;
	v3 =	vperm.xlane v3, v2  }
0x2ce: {  	[tilespmem:s23], [sflag:$0x4] =	stream.indirect_vreg.gather [hbm4b:s2+s3], $0x80, v4, vm0, $0xb8;
	[tilespmem:$0x18800] =	vst v63  }
0x2cf: {  	s24 =	simm.s32 $0x16000;
	v3 =	vadd.s32 v1, v3  }
0x2d0: {  	[tilespmem:s24], [sflag:$0x4] =	stream.indirect_vreg.gather [hbm4b:s5+s3], $0x80, v4, vm0, $0xb8;
	[tilespmem:$0x18800] =	vst v63  }
0x2d1: {  	s25 =	simm.s32 $0x16800  }
0x2d2: {  	[tilespmem:s25], [sflag:$0x4] =	stream.indirect_vreg.gather [hbm4b:s6+s3], $0x80, v4, vm0, $0xb8;
	[tilespmem:$0x18800] =	vst v63  }
0x2d3: {  	s26 =	simm.s32 $0x17000  }
0x2d4: {  	[tilespmem:s26], [sflag:$0x4] =	stream.indirect_vreg.gather [hbm4b:s2+s3], $0x80, v3, vm0, $0xb8;
	[tilespmem:$0x18800] =	vst v63  }
0x2d5: {  	s28 =	simm.s32 $0x17800  }
0x2d6: {  	[tilespmem:s28], [sflag:$0x4] =	stream.indirect_vreg.gather [hbm4b:s5+s3], $0x80, v3, vm0, $0xb8;
	[tilespmem:$0x18800] =	vst v63  }
0x2d7: {  	s29 =	simm.s32 $0x18000  }
0x2d8: {  	[tilespmem:s29], [sflag:$0x4] =	stream.indirect_vreg.gather [hbm4b:s6+s3], $0x80, v3, vm0, $0xb8;
	[tilespmem:$0x18800] =	vst v63  }
0x2d9: {  	_ =	swait.ge [sflag:s11], $0x6000  }
0x2da: {  	[sflag:s11] =	ssyncset.done $0x0  }
0x2db: {  	s0 =	simm.s32 $0xC800;
	s30 =	rddreg [dreg:$0x11];
	[sflag:s11] =	ssyncadd.s32 $0xFFFFA000  }
0x2dc: {  	[hbm4b:s30+s3] =	stream.linear.scatter [tilespmem:s0], [sflag:$0x7], $0x6000, $0x38;
	[tilespmem:$0x18800] =	vst v63  }
0x2dd: {  	_ =	swait.ge [sflag:s13], $0x6000  }
0x2de: {  	[sflag:s13] =	ssyncset.done $0x0  }
0x2df: {  	s31 =	rddreg [dreg:$0x12];
	[sflag:s13] =	ssyncadd.s32 $0xFFFFA000  }
0x2e0: {  	[hbm4b:s31+s3] =	stream.linear.scatter [tilespmem:s18], [sflag:$0x8], $0x6000, $0x38;
	[tilespmem:$0x18800] =	vst v63  }
0x2e1: {  	_ =	swait.ge [sflag:s12], $0x6000  }
0x2e2: {  	[sflag:s12] =	ssyncset.done $0x0  }
0x2e3: {  	[sflag:s12] =	ssyncadd.s32 $0xFFFFA000  }
0x2e4: {  	_ =	swait.ge [sflag:s14], $0x6000  }
0x2e5: {  	[sflag:s14] =	ssyncset.done $0x0  }
0x2e6: {  	[sflag:s14] =	ssyncadd.s32 $0xFFFFA000  }
0x2e7: {  	p0 =	sne.s32 s7, $0x1;
	_ =	swait.ge [sflag:s15], $0x6000  }
.Ltmp0:
0x2e8: {  	[sflag:s15] =	ssyncset.done $0x0;
	(pc) =	sbr.rel @p0 .LBB2_1-.Ltmp0, $4  }
0x2e9: {  	[sflag:s15] =	ssyncadd.s32 $0xFFFFA000  }
0x2ea: {  	_ =	swait.ge [sflag:s16], $0x6000  }
0x2eb: {  	[sflag:s16] =	ssyncset.done $0x0  }
0x2ec: {  	s7 =	sadd.s32 $0xFFFFFFFF, s7;
	[sflag:s16] =	ssyncadd.s32 $0xFFFFA000  }
0x2ed: {  	_ =	sfence.sel $0x180000  }
0x2ee: {  	[bflag:$0x0] =	sbarrier.arrive $0xFFFF  }
0x2ef: {  	_ =	strace $0x9000004A  }
0x2f0: {  	s0 =	stileid.u32;
	[bflag:$0x2] =	sbarrier.arrive $0xFFFF  }
0x2f1: {  	p0 =	sne.s32 s0, $0x0;
	s0 =	rddreg [dreg:$0x2]  }
0x2f2: {  	s0 =	sadd.s32 @!p0 $0x100000, s0  }
0x2f3: {  	[sflag:s0] =	ssyncadd.tile.s32 @!p0 $0x1;
	_ =	shalt  }
.Lfunc_end2:
_tile_overlayer_lowered:
.L_overlay_start_2:
0x2f4: {  	(tag) =	ssettag $0x2  }
0x2f5: {  	s0 =	rddreg [dreg:$0x0];
	s2 =	stileid.u32  }
0x2f6: {  	s1 =	rddreg [dreg:$0x1];
	p0 =	sne.s32 s2, $0x0  }
0x2f7: {  	s3 =	rddreg [dreg:$0x2];
	[bflag:$0x3] =	sbarrier.arrive $0xFFFF;
	s2 =	simm.s32 @!p0 $0x1C09  }
0x2f8: {  	[timem:s3], [sflag:s2] =	dma.local @!p0 [hbm:s0], s1  }
0x2f9: {  	s0 =	simm.s32 @!p0 $0x9  }
0x2fa: {  	_ =	swait.ge @!p0 [sflag:s0], s1  }
0x2fb: {  	s1 =	ssub.s32 @!p0 $0x0, s1;
	[sflag:s0] =	ssyncset.done @!p0 $0x0  }
0x2fc: {  	[sflag:s0] =	ssyncadd.s32 @!p0 s1  }
0x2fd: {  	[bflag:$0x3] =	sbarrier.arrive $0xFFFF  }
0x2fe: {  	_ =	shalt  }

</sc_bundles>
